<compile_context>
chip_gen: v7x
topology: tpu7x:2x2x1
jax: 0.10.2.dev20260603
libtpu: 0.0.44.dev20260713+nightly
codegen_flags: <defaults>
</compile_context>

<pallas_src>
import jax
import jax.numpy as jnp
from jax import lax
from jax.experimental import pallas as pl
from jax.experimental.pallas import tpu as pltpu
from jax.experimental.pallas import tpu_sc as plsc

_NC, _NS, _L = 2, 16, 16
_NW = _NC * _NS

_KP_LEVELS = (
    (12800, 8, 80, 0),
    (3200, 16, 40, 12800),
    (800, 32, 20, 16000),
)
_A_TOTAL = 16800
_A_BOX = 800
_VMAX = 4096


def _i32(v):
    return jnp.int32(v)


def _chunk(wid, num_anchors):
    ngrp = num_anchors // _L
    base, rem = divmod(ngrp, _NW)
    if rem == 0:
        return wid * base * _L, wid * base * 8, base
    size = base + 1
    start = jnp.minimum(wid * base + jnp.minimum(wid, _i32(rem)),
                        _i32(ngrp - size))
    return start * _L, start * 8, size


_IN_OFF = (0, 4000, 5120, 5440)
_OUT_OFF = (0, 4000, 5120, 5440)


def _sc_body(kp0_hbm, kp1_hbm, kp2_hbm, bb2_hbm, rat_hbm,
             kp_out_hbm, box_out_hbm, in_v, out_v, rat_v,
             sem0, sem1, sem2, sem3, sem_out):
    wid = lax.axis_index("s") * _NC + lax.axis_index("c")
    iota = lax.iota(jnp.int32, _L)
    iota_nc = iota * 10

    pltpu.sync_copy(rat_hbm, rat_v)
    rats = (rat_v[pl.ds(0, _L)], rat_v[pl.ds(_L, _L)])

    sems = (sem0, sem1, sem2, sem3)
    srcs = (kp0_hbm, kp1_hbm, kp2_hbm, bb2_hbm)
    chunks = []
    h_in = []
    for lv, (num_anchors, stride, width, a_off) in enumerate(_KP_LEVELS):
        a0, p0, ngroups = _chunk(wid, num_anchors)
        chunks.append((a0, ngroups))
        np_ = ngroups * _L // 2
        hw = num_anchors // 2
        hs = [pltpu.async_copy(
            srcs[lv].at[pl.ds(t * hw + p0, np_)],
            in_v.at[pl.ds(_IN_OFF[lv] + t * np_, np_)], sems[lv])
            for t in range(20)]
        h_in.append(hs)
    b0, bp0, bgroups = _chunk(wid, _A_BOX)
    chunks.append((b0, bgroups))
    bnp = bgroups * _L // 2
    h_in.append([pltpu.async_copy(
        bb2_hbm.at[pl.ds(t * 400 + bp0, bnp)],
        in_v.at[pl.ds(_IN_OFF[3] + t * bnp, bnp)], sem3)
        for t in range(8)])

    h_out = []
    for lv, (num_anchors, stride, width, a_off) in enumerate(_KP_LEVELS):
        a0, ngroups = chunks[lv]
        na = ngroups * _L
        ibase = _IN_OFF[lv]
        obase = _OUT_OFF[lv]
        np_ = na // 2
        for h in h_in[lv]:
            h.wait()
        sf = jnp.float32(stride)
        lane_base = (iota & 1) * (10 * np_) + lax.shift_right_logical(iota, 1)

        def body(g, _, a0=a0, ibase=ibase, obase=obase, na=na, np_=np_,
                 width=width, stride=stride, sf=sf, lane_base=lane_base):
            a = iota + (a0 + g * _L)
            p = lax.shift_right_logical(a, 1)
            r = lax.div(p, _i32(width))
            cx = ((p - r * width) * stride).astype(jnp.float32)
            cy = (r * stride).astype(jnp.float32)
            gbase = ibase + g * 8
            gout = obase + g * _L
            for c in range(10):
                x = plsc.load_gather(in_v, [lane_base + (gbase + c * np_)])
                cen = cx if c % 2 == 0 else cy
                out_v[pl.ds(c * na + gout, _L)] = (x * sf + cen) * rats[c & 1]
            return _

        lax.fori_loop(0, ngroups, body, None)
        for c in range(10):
            h_out.append(pltpu.async_copy(
                out_v.at[pl.ds(obase + c * na, na)],
                kp_out_hbm.at[pl.ds(c * _A_TOTAL + a_off + a0, na)],
                sem_out))

    a0, ngroups = chunks[3]
    na = ngroups * _L
    bnp = na // 2
    for h in h_in[3]:
        h.wait()
    blane_base = (iota & 1) * (4 * bnp) + lax.shift_right_logical(iota, 1)

    def bbody(g, _):
        a = iota + (a0 + g * _L)
        p = lax.shift_right_logical(a, 1)
        r = lax.div(p, _i32(20))
        cx = ((p - r * 20) * 32).astype(jnp.float32)
        cy = (r * 32).astype(jnp.float32)
        gbase = _IN_OFF[3] + g * 8
        gout = _OUT_OFF[3] + g * _L
        for c in range(4):
            x = plsc.load_gather(in_v, [blane_base + (gbase + c * bnp)])
            cen = cx if c % 2 == 0 else cy
            sgn = jnp.float32(-32.0 if c < 2 else 32.0)
            out_v[pl.ds(c * na + gout, _L)] = (cen + x * sgn) * rats[c & 1]
        return _

    lax.fori_loop(0, ngroups, bbody, None)
    for c in range(4):
        h_out.append(pltpu.async_copy(
            out_v.at[pl.ds(_OUT_OFF[3] + c * na, na)],
            box_out_hbm.at[pl.ds(c * _A_BOX + a0, na)], sem_out))
    for h in h_out:
        h.wait()


@jax.jit
def _sc_call(kp0f, kp1f, kp2f, bb2f, rat32):
    mesh = plsc.VectorSubcoreMesh(core_axis_name="c", subcore_axis_name="s")
    return pl.kernel(
        _sc_body,
        out_type=[
            jax.ShapeDtypeStruct((10 * _A_TOTAL,), jnp.float32),
            jax.ShapeDtypeStruct((4 * _A_BOX,), jnp.float32),
        ],
        mesh=mesh,
        compiler_params=pltpu.CompilerParams(needs_layout_passes=False),
        scratch_types=[
            pltpu.VMEM((5568,), jnp.float32),
            pltpu.VMEM((5568,), jnp.float32),
            pltpu.VMEM((2 * _L,), jnp.float32),
            pltpu.SemaphoreType.DMA,
            pltpu.SemaphoreType.DMA,
            pltpu.SemaphoreType.DMA,
            pltpu.SemaphoreType.DMA,
            pltpu.SemaphoreType.DMA,
        ],
    )(kp0f, kp1f, kp2f, bb2f, rat32)


def kernel(cls0, bbox0, kp0, cls1, bbox1, kp1, cls2, bbox2, kp2, origin_shapes):
    del cls0, cls1, cls2, bbox0, bbox1
    ratio_rev = (origin_shapes[0, ::-1] / jnp.float32(640.0)).astype(jnp.float32)
    rat32 = jnp.repeat(ratio_rev, _L)
    kp_t, box_t = _sc_call(
        jnp.transpose(kp0, (0, 3, 1, 2)).reshape(-1),
        jnp.transpose(kp1, (0, 3, 1, 2)).reshape(-1),
        jnp.transpose(kp2, (0, 3, 1, 2)).reshape(-1),
        jnp.transpose(bbox2, (0, 3, 1, 2)).reshape(-1), rat32)
    kp4d = jnp.transpose(kp_t.reshape(1, 5, 2, _A_TOTAL), (0, 3, 1, 2))
    box4d = jnp.transpose(box_t.reshape(1, 2, 2, _A_BOX), (0, 3, 1, 2))
    return (box4d, kp4d)

# --- scband reference (transcript-rebuilt; emitter-appended) ---
"""Pipeline reference for scband-scrfdpost-model-16956530885001 (READ-ONLY COPY).

The authoritative reference and input builder live on the scoring server;
editing this copy changes nothing except your own understanding.
"""

import jax, jax.numpy as jnp
import numpy as np

RESIZE = (640.0, 640.0)
STRIDES = [8, 16, 32]
FEAT_HW = [(80, 80), (40, 40), (20, 20)]
NUM_ANCHORS = 2


def setup_inputs(seed: int = 0) -> dict:
    key = jax.random.key(seed)
    ks = jax.random.split(key, 10)
    d = {}
    i = 0
    for lv, (h, w) in enumerate(FEAT_HW):
        d[f"cls{lv}"] = jax.random.uniform(ks[i], (1, h, w, NUM_ANCHORS * 1), dtype=jnp.float32); i += 1
        d[f"bbox{lv}"] = jax.random.normal(ks[i], (1, h, w, NUM_ANCHORS * 4), dtype=jnp.float32); i += 1
        d[f"kp{lv}"] = jax.random.normal(ks[i], (1, h, w, NUM_ANCHORS * 10), dtype=jnp.float32); i += 1
    d["origin_shapes"] = jax.random.uniform(ks[9], (1, 2), dtype=jnp.float32)
    return d


def _anchor_centers(stride):
    h = int(RESIZE[0] // stride)
    w = int(RESIZE[1] // stride)
    X, Y = jnp.meshgrid(jnp.arange(w), jnp.arange(h))
    ac = jnp.stack([X, Y], axis=-1)
    ac = jnp.reshape(ac * stride, (-1, 2))
    if NUM_ANCHORS > 1:
        ac = jnp.reshape(jnp.stack([ac] * NUM_ANCHORS, axis=1), (-1, 2))
    return ac.astype(jnp.float32)


def _distance2bbox(points, distance):
    x1 = points[..., 0] - distance[..., 0]
    y1 = points[..., 1] - distance[..., 1]
    x2 = points[..., 0] + distance[..., 2]
    y2 = points[..., 1] + distance[..., 3]
    return jnp.stack([x1, y1, x2, y2], axis=-1)


def _distance2kps(points, distance):
    preds = []
    for i in range(0, 10, 2):
        px = points[:, i % 2] + distance[:, i]
        py = points[:, i % 2 + 1] + distance[:, i + 1]
        preds.append(px)
        preds.append(py)
    return jnp.stack(preds, axis=-1)


def _forward(cls_list, bbox_list, kp_in_list, pos_idx_list, origin_shapes):
    batch = 1
    resize_ratio = origin_shapes / jnp.asarray(RESIZE, dtype=jnp.float32)
    kp_list = []
    last_level_boxes = None
    for lv, stride in enumerate(STRIDES):
        b_bbox_preds = jnp.reshape(bbox_list[lv], (-1, 4))
        b_cls_preds = jax.nn.sigmoid(jnp.reshape(cls_list[lv], (-1, 1)))  # faithful, drives mask
        b_bbox_preds = b_bbox_preds * stride
        b_kp_preds = jnp.reshape(kp_in_list[lv], (-1, 5 * 2)) * stride
        anchor_centers = _anchor_centers(stride)
        b_bbox_preds = jnp.reshape(b_bbox_preds, (batch, -1, 4))
        b_bboxes = _distance2bbox(anchor_centers, b_bbox_preds)  # [1, A, 4]
        idx = pos_idx_list[lv]  # precomputed positive-anchor indices (mask == True)
        last_level_boxes = jnp.reshape(b_bboxes, (-1, 4))[idx]
        kpss = _distance2kps(anchor_centers, b_kp_preds)  # [A, 10]
        kpss = jnp.reshape(kpss, (batch, -1, 5, 2))
        pos_kpss = jnp.reshape(kpss, (-1, 5, 2))[idx]
        kp_list.append(pos_kpss)
    ratio_rev = resize_ratio[:, ::-1]
    # NOTE: original code concatenates only the LAST level's masked boxes (uses b_bboxes, not boxes_list)
    box_results = jnp.reshape(last_level_boxes, (batch, -1, 2, 2)) * ratio_rev[:, None, None, :]
    kp_results = jnp.reshape(jnp.concatenate(kp_list, axis=0), (batch, -1, 5, 2)) * ratio_rev[:, None, None, :]
    return box_results, kp_results


def reference(cls0, bbox0, kp0, cls1, bbox1, kp1, cls2, bbox2, kp2, origin_shapes):
    cls_list = [cls0, cls1, cls2]
    pos_idx_list = []
    for c in cls_list:
        p = jax.nn.sigmoid(jnp.reshape(c, (-1,)))
        pos_idx_list.append(jnp.nonzero(p > 0.05, size=p.shape[0])[0].astype(jnp.int32))
    return _forward(cls_list, [bbox0, bbox1, bbox2], [kp0, kp1, kp2], pos_idx_list, origin_shapes)

if __name__ == "__main__":
    import jax
    _d = setup_inputs()
    print(jax.jit(kernel)(*tuple(_d.values())))

</pallas_src>

<mosaic_0001>
#map = affine_map<(d0, d1) -> (0)>
module attributes {stable_mosaic.version = 14 : i64} {
  func.func @_sc_body(%arg0: i32, %arg1: i32, %arg2: memref<128000xf32, #tpu.memory_space<hbm>>, %arg3: memref<32000xf32, #tpu.memory_space<hbm>>, %arg4: memref<8000xf32, #tpu.memory_space<hbm>>, %arg5: memref<3200xf32, #tpu.memory_space<hbm>>, %arg6: memref<32xf32, #tpu.memory_space<hbm>>, %arg7: memref<168000xf32, #tpu.memory_space<hbm>>, %arg8: memref<3200xf32, #tpu.memory_space<hbm>>, %arg9: memref<5568xf32, #tpu.memory_space<vmem>>, %arg10: memref<5568xf32, #tpu.memory_space<vmem>>, %arg11: memref<32xf32, #tpu.memory_space<vmem>>, %arg12: memref<!tpu.dma_semaphore, #tpu.memory_space<semaphore_mem>>, %arg13: memref<!tpu.dma_semaphore, #tpu.memory_space<semaphore_mem>>, %arg14: memref<!tpu.dma_semaphore, #tpu.memory_space<semaphore_mem>>, %arg15: memref<!tpu.dma_semaphore, #tpu.memory_space<semaphore_mem>>, %arg16: memref<!tpu.dma_semaphore, #tpu.memory_space<semaphore_mem>>) attributes {dimension_semantics = [#tpu.dimension_semantics<core_parallel>, #tpu.dimension_semantics<subcore_parallel>], iteration_bounds = array<i64: 2, 16>, scalar_prefetch = 0 : i64, scratch_operands = 8 : i64, tpu.core_type = #tpu.core_type<sc_vector_subcore>, window_params = [{transform_indices = #map}, {transform_indices = #map}, {transform_indices = #map}, {transform_indices = #map}, {transform_indices = #map}, {transform_indices = #map}, {transform_indices = #map}]} {
    %mul3A = arith.constant 2 : i32
    %mul3A_0 = arith.muli %arg1, %mul3A : i32
    %add3A = arith.addi %mul3A_0, %arg0 : i32
    %iota3A = tpu.iota {dimensions = array<i32: 0>} : vector<16xi32>
    %mul3A_1 = arith.constant 10 : i32
    %mul3A_2 = vector.broadcast %mul3A_1 : i32 to vector<16xi32>
    %mul3A_3 = arith.muli %iota3A, %mul3A_2 : vector<16xi32>
    "tpu.region"() ({
      %run_scoped3A = tpu.sem_alloc : memref<!tpu.dma_semaphore, #tpu.memory_space<semaphore_mem>>
      tpu.enqueue_dma source(%arg6 : memref<32xf32, #tpu.memory_space<hbm>>) target(%arg11 : memref<32xf32, #tpu.memory_space<vmem>>) target_semaphore(%run_scoped3A : memref<!tpu.dma_semaphore, #tpu.memory_space<semaphore_mem>>)
      tpu.wait_dma2 semaphore(%run_scoped3A : memref<!tpu.dma_semaphore, #tpu.memory_space<semaphore_mem>>) src(%arg6 : memref<32xf32, #tpu.memory_space<hbm>>) dst(%arg11 : memref<32xf32, #tpu.memory_space<vmem>>)
      tpu.yield
    }) : () -> ()
    %get3A = arith.constant 0 : index
    %get3A_4 = tpu.vector_load %arg11[%get3A] {strides = array<i32>} : memref<32xf32, #tpu.memory_space<vmem>>, vector<16xf32>,
    %get3A_5 = arith.constant 16 : index
    %get3A_6 = tpu.vector_load %arg11[%get3A_5] {strides = array<i32>} : memref<32xf32, #tpu.memory_space<vmem>>, vector<16xf32>,
    %mul3A_7 = arith.constant 25 : i32
    %mul3A_8 = arith.muli %add3A, %mul3A_7 : i32
    %mul3A_9 = arith.constant 16 : i32
    %mul3A_10 = arith.muli %mul3A_8, %mul3A_9 : i32
    %mul3A_11 = arith.constant 25 : i32
    %mul3A_12 = arith.muli %add3A, %mul3A_11 : i32
    %mul3A_13 = arith.constant 8 : i32
    %mul3A_14 = arith.muli %mul3A_12, %mul3A_13 : i32
    %add3A_15 = arith.constant 0 : i32
    %add3A_16 = arith.addi %add3A_15, %mul3A_14 : i32
    %dma_start3A = arith.constant 0 : i32
    %dma_start3A_17 = tpu.memref_slice %arg9[%dma_start3A] : memref<5568xf32, #tpu.memory_space<vmem>> -> memref<200xf32, #tpu.memory_space<vmem>>
    %dma_start3A_18 = tpu.memref_slice %arg2[%add3A_16] : memref<128000xf32, #tpu.memory_space<hbm>> -> memref<200xf32, #tpu.memory_space<hbm>>
    %dma_start3A_19 = arith.constant 0 : i32
    %dma_start3A_20 = tpu.memref_slice %arg9[%dma_start3A_19] : memref<5568xf32, #tpu.memory_space<vmem>> -> memref<200xf32, #tpu.memory_space<vmem>>
    %dma_start3A_21 = tpu.memref_slice %arg2[%add3A_16] : memref<128000xf32, #tpu.memory_space<hbm>> -> memref<200xf32, #tpu.memory_space<hbm>>
    tpu.enqueue_dma source(%dma_start3A_21 : memref<200xf32, #tpu.memory_space<hbm>>) target(%dma_start3A_20 : memref<200xf32, #tpu.memory_space<vmem>>) target_semaphore(%arg12 : memref<!tpu.dma_semaphore, #tpu.memory_space<semaphore_mem>>)
    %add3A_22 = arith.constant 6400 : i32
    %add3A_23 = arith.addi %add3A_22, %mul3A_14 : i32
    %dma_start3A_24 = arith.constant 200 : i32
    %dma_start3A_25 = tpu.memref_slice %arg9[%dma_start3A_24] : memref<5568xf32, #tpu.memory_space<vmem>> -> memref<200xf32, #tpu.memory_space<vmem>>
    %dma_start3A_26 = tpu.memref_slice %arg2[%add3A_23] : memref<128000xf32, #tpu.memory_space<hbm>> -> memref<200xf32, #tpu.memory_space<hbm>>
    %dma_start3A_27 = arith.constant 200 : i32
    %dma_start3A_28 = tpu.memref_slice %arg9[%dma_start3A_27] : memref<5568xf32, #tpu.memory_space<vmem>> -> memref<200xf32, #tpu.memory_space<vmem>>
    %dma_start3A_29 = tpu.memref_slice %arg2[%add3A_23] : memref<128000xf32, #tpu.memory_space<hbm>> -> memref<200xf32, #tpu.memory_space<hbm>>
    tpu.enqueue_dma source(%dma_start3A_29 : memref<200xf32, #tpu.memory_space<hbm>>) target(%dma_start3A_28 : memref<200xf32, #tpu.memory_space<vmem>>) target_semaphore(%arg12 : memref<!tpu.dma_semaphore, #tpu.memory_space<semaphore_mem>>)
    %add3A_30 = arith.constant 12800 : i32
    %add3A_31 = arith.addi %add3A_30, %mul3A_14 : i32
    %dma_start3A_32 = arith.constant 400 : i32
    %dma_start3A_33 = tpu.memref_slice %arg9[%dma_start3A_32] : memref<5568xf32, #tpu.memory_space<vmem>> -> memref<200xf32, #tpu.memory_space<vmem>>
    %dma_start3A_34 = tpu.memref_slice %arg2[%add3A_31] : memref<128000xf32, #tpu.memory_space<hbm>> -> memref<200xf32, #tpu.memory_space<hbm>>
    %dma_start3A_35 = arith.constant 400 : i32
    %dma_start3A_36 = tpu.memref_slice %arg9[%dma_start3A_35] : memref<5568xf32, #tpu.memory_space<vmem>> -> memref<200xf32, #tpu.memory_space<vmem>>
    %dma_start3A_37 = tpu.memref_slice %arg2[%add3A_31] : memref<128000xf32, #tpu.memory_space<hbm>> -> memref<200xf32, #tpu.memory_space<hbm>>
    tpu.enqueue_dma source(%dma_start3A_37 : memref<200xf32, #tpu.memory_space<hbm>>) target(%dma_start3A_36 : memref<200xf32, #tpu.memory_space<vmem>>) target_semaphore(%arg12 : memref<!tpu.dma_semaphore, #tpu.memory_space<semaphore_mem>>)
    %add3A_38 = arith.constant 19200 : i32
    %add3A_39 = arith.addi %add3A_38, %mul3A_14 : i32
    %dma_start3A_40 = arith.constant 600 : i32
    %dma_start3A_41 = tpu.memref_slice %arg9[%dma_start3A_40] : memref<5568xf32, #tpu.memory_space<vmem>> -> memref<200xf32, #tpu.memory_space<vmem>>
    %dma_start3A_42 = tpu.memref_slice %arg2[%add3A_39] : memref<128000xf32, #tpu.memory_space<hbm>> -> memref<200xf32, #tpu.memory_space<hbm>>
    %dma_start3A_43 = arith.constant 600 : i32
    %dma_start3A_44 = tpu.memref_slice %arg9[%dma_start3A_43] : memref<5568xf32, #tpu.memory_space<vmem>> -> memref<200xf32, #tpu.memory_space<vmem>>
    %dma_start3A_45 = tpu.memref_slice %arg2[%add3A_39] : memref<128000xf32, #tpu.memory_space<hbm>> -> memref<200xf32, #tpu.memory_space<hbm>>
    tpu.enqueue_dma source(%dma_start3A_45 : memref<200xf32, #tpu.memory_space<hbm>>) target(%dma_start3A_44 : memref<200xf32, #tpu.memory_space<vmem>>) target_semaphore(%arg12 : memref<!tpu.dma_semaphore, #tpu.memory_space<semaphore_mem>>)
    %add3A_46 = arith.constant 25600 : i32
    %add3A_47 = arith.addi %add3A_46, %mul3A_14 : i32
    %dma_start3A_48 = arith.constant 800 : i32
    %dma_start3A_49 = tpu.memref_slice %arg9[%dma_start3A_48] : memref<5568xf32, #tpu.memory_space<vmem>> -> memref<200xf32, #tpu.memory_space<vmem>>
    %dma_start3A_50 = tpu.memref_slice %arg2[%add3A_47] : memref<128000xf32, #tpu.memory_space<hbm>> -> memref<200xf32, #tpu.memory_space<hbm>>
    %dma_start3A_51 = arith.constant 800 : i32
    %dma_start3A_52 = tpu.memref_slice %arg9[%dma_start3A_51] : memref<5568xf32, #tpu.memory_space<vmem>> -> memref<200xf32, #tpu.memory_space<vmem>>
    %dma_start3A_53 = tpu.memref_slice %arg2[%add3A_47] : memref<128000xf32, #tpu.memory_space<hbm>> -> memref<200xf32, #tpu.memory_space<hbm>>
    tpu.enqueue_dma source(%dma_start3A_53 : memref<200xf32, #tpu.memory_space<hbm>>) target(%dma_start3A_52 : memref<200xf32, #tpu.memory_space<vmem>>) target_semaphore(%arg12 : memref<!tpu.dma_semaphore, #tpu.memory_space<semaphore_mem>>)
    %add3A_54 = arith.constant 32000 : i32
    %add3A_55 = arith.addi %add3A_54, %mul3A_14 : i32
    %dma_start3A_56 = arith.constant 1000 : i32
    %dma_start3A_57 = tpu.memref_slice %arg9[%dma_start3A_56] : memref<5568xf32, #tpu.memory_space<vmem>> -> memref<200xf32, #tpu.memory_space<vmem>>
    %dma_start3A_58 = tpu.memref_slice %arg2[%add3A_55] : memref<128000xf32, #tpu.memory_space<hbm>> -> memref<200xf32, #tpu.memory_space<hbm>>
    %dma_start3A_59 = arith.constant 1000 : i32
    %dma_start3A_60 = tpu.memref_slice %arg9[%dma_start3A_59] : memref<5568xf32, #tpu.memory_space<vmem>> -> memref<200xf32, #tpu.memory_space<vmem>>
    %dma_start3A_61 = tpu.memref_slice %arg2[%add3A_55] : memref<128000xf32, #tpu.memory_space<hbm>> -> memref<200xf32, #tpu.memory_space<hbm>>
    tpu.enqueue_dma source(%dma_start3A_61 : memref<200xf32, #tpu.memory_space<hbm>>) target(%dma_start3A_60 : memref<200xf32, #tpu.memory_space<vmem>>) target_semaphore(%arg12 : memref<!tpu.dma_semaphore, #tpu.memory_space<semaphore_mem>>)
    %add3A_62 = arith.constant 38400 : i32
    %add3A_63 = arith.addi %add3A_62, %mul3A_14 : i32
    %dma_start3A_64 = arith.constant 1200 : i32
    %dma_start3A_65 = tpu.memref_slice %arg9[%dma_start3A_64] : memref<5568xf32, #tpu.memory_space<vmem>> -> memref<200xf32, #tpu.memory_space<vmem>>
    %dma_start3A_66 = tpu.memref_slice %arg2[%add3A_63] : memref<128000xf32, #tpu.memory_space<hbm>> -> memref<200xf32, #tpu.memory_space<hbm>>
    %dma_start3A_67 = arith.constant 1200 : i32
    %dma_start3A_68 = tpu.memref_slice %arg9[%dma_start3A_67] : memref<5568xf32, #tpu.memory_space<vmem>> -> memref<200xf32, #tpu.memory_space<vmem>>
    %dma_start3A_69 = tpu.memref_slice %arg2[%add3A_63] : memref<128000xf32, #tpu.memory_space<hbm>> -> memref<200xf32, #tpu.memory_space<hbm>>
    tpu.enqueue_dma source(%dma_start3A_69 : memref<200xf32, #tpu.memory_space<hbm>>) target(%dma_start3A_68 : memref<200xf32, #tpu.memory_space<vmem>>) target_semaphore(%arg12 : memref<!tpu.dma_semaphore, #tpu.memory_space<semaphore_mem>>)
    %add3A_70 = arith.constant 44800 : i32
    %add3A_71 = arith.addi %add3A_70, %mul3A_14 : i32
    %dma_start3A_72 = arith.constant 1400 : i32
    %dma_start3A_73 = tpu.memref_slice %arg9[%dma_start3A_72] : memref<5568xf32, #tpu.memory_space<vmem>> -> memref<200xf32, #tpu.memory_space<vmem>>
    %dma_start3A_74 = tpu.memref_slice %arg2[%add3A_71] : memref<128000xf32, #tpu.memory_space<hbm>> -> memref<200xf32, #tpu.memory_space<hbm>>
    %dma_start3A_75 = arith.constant 1400 : i32
    %dma_start3A_76 = tpu.memref_slice %arg9[%dma_start3A_75] : memref<5568xf32, #tpu.memory_space<vmem>> -> memref<200xf32, #tpu.memory_space<vmem>>
    %dma_start3A_77 = tpu.memref_slice %arg2[%add3A_71] : memref<128000xf32, #tpu.memory_space<hbm>> -> memref<200xf32, #tpu.memory_space<hbm>>
    tpu.enqueue_dma source(%dma_start3A_77 : memref<200xf32, #tpu.memory_space<hbm>>) target(%dma_start3A_76 : memref<200xf32, #tpu.memory_space<vmem>>) target_semaphore(%arg12 : memref<!tpu.dma_semaphore, #tpu.memory_space<semaphore_mem>>)
    %add3A_78 = arith.constant 51200 : i32
    %add3A_79 = arith.addi %add3A_78, %mul3A_14 : i32
    %dma_start3A_80 = arith.constant 1600 : i32
    %dma_start3A_81 = tpu.memref_slice %arg9[%dma_start3A_80] : memref<5568xf32, #tpu.memory_space<vmem>> -> memref<200xf32, #tpu.memory_space<vmem>>
    %dma_start3A_82 = tpu.memref_slice %arg2[%add3A_79] : memref<128000xf32, #tpu.memory_space<hbm>> -> memref<200xf32, #tpu.memory_space<hbm>>
    %dma_start3A_83 = arith.constant 1600 : i32
    %dma_start3A_84 = tpu.memref_slice %arg9[%dma_start3A_83] : memref<5568xf32, #tpu.memory_space<vmem>> -> memref<200xf32, #tpu.memory_space<vmem>>
    %dma_start3A_85 = tpu.memref_slice %arg2[%add3A_79] : memref<128000xf32, #tpu.memory_space<hbm>> -> memref<200xf32, #tpu.memory_space<hbm>>
    tpu.enqueue_dma source(%dma_start3A_85 : memref<200xf32, #tpu.memory_space<hbm>>) target(%dma_start3A_84 : memref<200xf32, #tpu.memory_space<vmem>>) target_semaphore(%arg12 : memref<!tpu.dma_semaphore, #tpu.memory_space<semaphore_mem>>)
    %add3A_86 = arith.constant 57600 : i32
    %add3A_87 = arith.addi %add3A_86, %mul3A_14 : i32
    %dma_start3A_88 = arith.constant 1800 : i32
    %dma_start3A_89 = tpu.memref_slice %arg9[%dma_start3A_88] : memref<5568xf32, #tpu.memory_space<vmem>> -> memref<200xf32, #tpu.memory_space<vmem>>
    %dma_start3A_90 = tpu.memref_slice %arg2[%add3A_87] : memref<128000xf32, #tpu.memory_space<hbm>> -> memref<200xf32, #tpu.memory_space<hbm>>
    %dma_start3A_91 = arith.constant 1800 : i32
    %dma_start3A_92 = tpu.memref_slice %arg9[%dma_start3A_91] : memref<5568xf32, #tpu.memory_space<vmem>> -> memref<200xf32, #tpu.memory_space<vmem>>
    %dma_start3A_93 = tpu.memref_slice %arg2[%add3A_87] : memref<128000xf32, #tpu.memory_space<hbm>> -> memref<200xf32, #tpu.memory_space<hbm>>
    tpu.enqueue_dma source(%dma_start3A_93 : memref<200xf32, #tpu.memory_space<hbm>>) target(%dma_start3A_92 : memref<200xf32, #tpu.memory_space<vmem>>) target_semaphore(%arg12 : memref<!tpu.dma_semaphore, #tpu.memory_space<semaphore_mem>>)
    %add3A_94 = arith.constant 64000 : i32
    %add3A_95 = arith.addi %add3A_94, %mul3A_14 : i32
    %dma_start3A_96 = arith.constant 2000 : i32
    %dma_start3A_97 = tpu.memref_slice %arg9[%dma_start3A_96] : memref<5568xf32, #tpu.memory_space<vmem>> -> memref<200xf32, #tpu.memory_space<vmem>>
    %dma_start3A_98 = tpu.memref_slice %arg2[%add3A_95] : memref<128000xf32, #tpu.memory_space<hbm>> -> memref<200xf32, #tpu.memory_space<hbm>>
    %dma_start3A_99 = arith.constant 2000 : i32
    %dma_start3A_100 = tpu.memref_slice %arg9[%dma_start3A_99] : memref<5568xf32, #tpu.memory_space<vmem>> -> memref<200xf32, #tpu.memory_space<vmem>>
    %dma_start3A_101 = tpu.memref_slice %arg2[%add3A_95] : memref<128000xf32, #tpu.memory_space<hbm>> -> memref<200xf32, #tpu.memory_space<hbm>>
    tpu.enqueue_dma source(%dma_start3A_101 : memref<200xf32, #tpu.memory_space<hbm>>) target(%dma_start3A_100 : memref<200xf32, #tpu.memory_space<vmem>>) target_semaphore(%arg12 : memref<!tpu.dma_semaphore, #tpu.memory_space<semaphore_mem>>)
    %add3A_102 = arith.constant 70400 : i32
    %add3A_103 = arith.addi %add3A_102, %mul3A_14 : i32
    %dma_start3A_104 = arith.constant 2200 : i32
    %dma_start3A_105 = tpu.memref_slice %arg9[%dma_start3A_104] : memref<5568xf32, #tpu.memory_space<vmem>> -> memref<200xf32, #tpu.memory_space<vmem>>
    %dma_start3A_106 = tpu.memref_slice %arg2[%add3A_103] : memref<128000xf32, #tpu.memory_space<hbm>> -> memref<200xf32, #tpu.memory_space<hbm>>
    %dma_start3A_107 = arith.constant 2200 : i32
    %dma_start3A_108 = tpu.memref_slice %arg9[%dma_start3A_107] : memref<5568xf32, #tpu.memory_space<vmem>> -> memref<200xf32, #tpu.memory_space<vmem>>
    %dma_start3A_109 = tpu.memref_slice %arg2[%add3A_103] : memref<128000xf32, #tpu.memory_space<hbm>> -> memref<200xf32, #tpu.memory_space<hbm>>
    tpu.enqueue_dma source(%dma_start3A_109 : memref<200xf32, #tpu.memory_space<hbm>>) target(%dma_start3A_108 : memref<200xf32, #tpu.memory_space<vmem>>) target_semaphore(%arg12 : memref<!tpu.dma_semaphore, #tpu.memory_space<semaphore_mem>>)
    %add3A_110 = arith.constant 76800 : i32
    %add3A_111 = arith.addi %add3A_110, %mul3A_14 : i32
    %dma_start3A_112 = arith.constant 2400 : i32
    %dma_start3A_113 = tpu.memref_slice %arg9[%dma_start3A_112] : memref<5568xf32, #tpu.memory_space<vmem>> -> memref<200xf32, #tpu.memory_space<vmem>>
    %dma_start3A_114 = tpu.memref_slice %arg2[%add3A_111] : memref<128000xf32, #tpu.memory_space<hbm>> -> memref<200xf32, #tpu.memory_space<hbm>>
    %dma_start3A_115 = arith.constant 2400 : i32
    %dma_start3A_116 = tpu.memref_slice %arg9[%dma_start3A_115] : memref<5568xf32, #tpu.memory_space<vmem>> -> memref<200xf32, #tpu.memory_space<vmem>>
    %dma_start3A_117 = tpu.memref_slice %arg2[%add3A_111] : memref<128000xf32, #tpu.memory_space<hbm>> -> memref<200xf32, #tpu.memory_space<hbm>>
    tpu.enqueue_dma source(%dma_start3A_117 : memref<200xf32, #tpu.memory_space<hbm>>) target(%dma_start3A_116 : memref<200xf32, #tpu.memory_space<vmem>>) target_semaphore(%arg12 : memref<!tpu.dma_semaphore, #tpu.memory_space<semaphore_mem>>)
    %add3A_118 = arith.constant 83200 : i32
    %add3A_119 = arith.addi %add3A_118, %mul3A_14 : i32
    %dma_start3A_120 = arith.constant 2600 : i32
    %dma_start3A_121 = tpu.memref_slice %arg9[%dma_start3A_120] : memref<5568xf32, #tpu.memory_space<vmem>> -> memref<200xf32, #tpu.memory_space<vmem>>
    %dma_start3A_122 = tpu.memref_slice %arg2[%add3A_119] : memref<128000xf32, #tpu.memory_space<hbm>> -> memref<200xf32, #tpu.memory_space<hbm>>
    %dma_start3A_123 = arith.constant 2600 : i32
    %dma_start3A_124 = tpu.memref_slice %arg9[%dma_start3A_123] : memref<5568xf32, #tpu.memory_space<vmem>> -> memref<200xf32, #tpu.memory_space<vmem>>
    %dma_start3A_125 = tpu.memref_slice %arg2[%add3A_119] : memref<128000xf32, #tpu.memory_space<hbm>> -> memref<200xf32, #tpu.memory_space<hbm>>
    tpu.enqueue_dma source(%dma_start3A_125 : memref<200xf32, #tpu.memory_space<hbm>>) target(%dma_start3A_124 : memref<200xf32, #tpu.memory_space<vmem>>) target_semaphore(%arg12 : memref<!tpu.dma_semaphore, #tpu.memory_space<semaphore_mem>>)
    %add3A_126 = arith.constant 89600 : i32
    %add3A_127 = arith.addi %add3A_126, %mul3A_14 : i32
    %dma_start3A_128 = arith.constant 2800 : i32
    %dma_start3A_129 = tpu.memref_slice %arg9[%dma_start3A_128] : memref<5568xf32, #tpu.memory_space<vmem>> -> memref<200xf32, #tpu.memory_space<vmem>>
    %dma_start3A_130 = tpu.memref_slice %arg2[%add3A_127] : memref<128000xf32, #tpu.memory_space<hbm>> -> memref<200xf32, #tpu.memory_space<hbm>>
    %dma_start3A_131 = arith.constant 2800 : i32
    %dma_start3A_132 = tpu.memref_slice %arg9[%dma_start3A_131] : memref<5568xf32, #tpu.memory_space<vmem>> -> memref<200xf32, #tpu.memory_space<vmem>>
    %dma_start3A_133 = tpu.memref_slice %arg2[%add3A_127] : memref<128000xf32, #tpu.memory_space<hbm>> -> memref<200xf32, #tpu.memory_space<hbm>>
    tpu.enqueue_dma source(%dma_start3A_133 : memref<200xf32, #tpu.memory_space<hbm>>) target(%dma_start3A_132 : memref<200xf32, #tpu.memory_space<vmem>>) target_semaphore(%arg12 : memref<!tpu.dma_semaphore, #tpu.memory_space<semaphore_mem>>)
    %add3A_134 = arith.constant 96000 : i32
    %add3A_135 = arith.addi %add3A_134, %mul3A_14 : i32
    %dma_start3A_136 = arith.constant 3000 : i32
    %dma_start3A_137 = tpu.memref_slice %arg9[%dma_start3A_136] : memref<5568xf32, #tpu.memory_space<vmem>> -> memref<200xf32, #tpu.memory_space<vmem>>
    %dma_start3A_138 = tpu.memref_slice %arg2[%add3A_135] : memref<128000xf32, #tpu.memory_space<hbm>> -> memref<200xf32, #tpu.memory_space<hbm>>
    %dma_start3A_139 = arith.constant 3000 : i32
    %dma_start3A_140 = tpu.memref_slice %arg9[%dma_start3A_139] : memref<5568xf32, #tpu.memory_space<vmem>> -> memref<200xf32, #tpu.memory_space<vmem>>
    %dma_start3A_141 = tpu.memref_slice %arg2[%add3A_135] : memref<128000xf32, #tpu.memory_space<hbm>> -> memref<200xf32, #tpu.memory_space<hbm>>
    tpu.enqueue_dma source(%dma_start3A_141 : memref<200xf32, #tpu.memory_space<hbm>>) target(%dma_start3A_140 : memref<200xf32, #tpu.memory_space<vmem>>) target_semaphore(%arg12 : memref<!tpu.dma_semaphore, #tpu.memory_space<semaphore_mem>>)
    %add3A_142 = arith.constant 102400 : i32
    %add3A_143 = arith.addi %add3A_142, %mul3A_14 : i32
    %dma_start3A_144 = arith.constant 3200 : i32
    %dma_start3A_145 = tpu.memref_slice %arg9[%dma_start3A_144] : memref<5568xf32, #tpu.memory_space<vmem>> -> memref<200xf32, #tpu.memory_space<vmem>>
    %dma_start3A_146 = tpu.memref_slice %arg2[%add3A_143] : memref<128000xf32, #tpu.memory_space<hbm>> -> memref<200xf32, #tpu.memory_space<hbm>>
    %dma_start3A_147 = arith.constant 3200 : i32
    %dma_start3A_148 = tpu.memref_slice %arg9[%dma_start3A_147] : memref<5568xf32, #tpu.memory_space<vmem>> -> memref<200xf32, #tpu.memory_space<vmem>>
    %dma_start3A_149 = tpu.memref_slice %arg2[%add3A_143] : memref<128000xf32, #tpu.memory_space<hbm>> -> memref<200xf32, #tpu.memory_space<hbm>>
    tpu.enqueue_dma source(%dma_start3A_149 : memref<200xf32, #tpu.memory_space<hbm>>) target(%dma_start3A_148 : memref<200xf32, #tpu.memory_space<vmem>>) target_semaphore(%arg12 : memref<!tpu.dma_semaphore, #tpu.memory_space<semaphore_mem>>)
    %add3A_150 = arith.constant 108800 : i32
    %add3A_151 = arith.addi %add3A_150, %mul3A_14 : i32
    %dma_start3A_152 = arith.constant 3400 : i32
    %dma_start3A_153 = tpu.memref_slice %arg9[%dma_start3A_152] : memref<5568xf32, #tpu.memory_space<vmem>> -> memref<200xf32, #tpu.memory_space<vmem>>
    %dma_start3A_154 = tpu.memref_slice %arg2[%add3A_151] : memref<128000xf32, #tpu.memory_space<hbm>> -> memref<200xf32, #tpu.memory_space<hbm>>
    %dma_start3A_155 = arith.constant 3400 : i32
    %dma_start3A_156 = tpu.memref_slice %arg9[%dma_start3A_155] : memref<5568xf32, #tpu.memory_space<vmem>> -> memref<200xf32, #tpu.memory_space<vmem>>
    %dma_start3A_157 = tpu.memref_slice %arg2[%add3A_151] : memref<128000xf32, #tpu.memory_space<hbm>> -> memref<200xf32, #tpu.memory_space<hbm>>
    tpu.enqueue_dma source(%dma_start3A_157 : memref<200xf32, #tpu.memory_space<hbm>>) target(%dma_start3A_156 : memref<200xf32, #tpu.memory_space<vmem>>) target_semaphore(%arg12 : memref<!tpu.dma_semaphore, #tpu.memory_space<semaphore_mem>>)
    %add3A_158 = arith.constant 115200 : i32
    %add3A_159 = arith.addi %add3A_158, %mul3A_14 : i32
    %dma_start3A_160 = arith.constant 3600 : i32
    %dma_start3A_161 = tpu.memref_slice %arg9[%dma_start3A_160] : memref<5568xf32, #tpu.memory_space<vmem>> -> memref<200xf32, #tpu.memory_space<vmem>>
    %dma_start3A_162 = tpu.memref_slice %arg2[%add3A_159] : memref<128000xf32, #tpu.memory_space<hbm>> -> memref<200xf32, #tpu.memory_space<hbm>>
    %dma_start3A_163 = arith.constant 3600 : i32
    %dma_start3A_164 = tpu.memref_slice %arg9[%dma_start3A_163] : memref<5568xf32, #tpu.memory_space<vmem>> -> memref<200xf32, #tpu.memory_space<vmem>>
    %dma_start3A_165 = tpu.memref_slice %arg2[%add3A_159] : memref<128000xf32, #tpu.memory_space<hbm>> -> memref<200xf32, #tpu.memory_space<hbm>>
    tpu.enqueue_dma source(%dma_start3A_165 : memref<200xf32, #tpu.memory_space<hbm>>) target(%dma_start3A_164 : memref<200xf32, #tpu.memory_space<vmem>>) target_semaphore(%arg12 : memref<!tpu.dma_semaphore, #tpu.memory_space<semaphore_mem>>)
    %add3A_166 = arith.constant 121600 : i32
    %add3A_167 = arith.addi %add3A_166, %mul3A_14 : i32
    %dma_start3A_168 = arith.constant 3800 : i32
    %dma_start3A_169 = tpu.memref_slice %arg9[%dma_start3A_168] : memref<5568xf32, #tpu.memory_space<vmem>> -> memref<200xf32, #tpu.memory_space<vmem>>
    %dma_start3A_170 = tpu.memref_slice %arg2[%add3A_167] : memref<128000xf32, #tpu.memory_space<hbm>> -> memref<200xf32, #tpu.memory_space<hbm>>
    %dma_start3A_171 = arith.constant 3800 : i32
    %dma_start3A_172 = tpu.memref_slice %arg9[%dma_start3A_171] : memref<5568xf32, #tpu.memory_space<vmem>> -> memref<200xf32, #tpu.memory_space<vmem>>
    %dma_start3A_173 = tpu.memref_slice %arg2[%add3A_167] : memref<128000xf32, #tpu.memory_space<hbm>> -> memref<200xf32, #tpu.memory_space<hbm>>
    tpu.enqueue_dma source(%dma_start3A_173 : memref<200xf32, #tpu.memory_space<hbm>>) target(%dma_start3A_172 : memref<200xf32, #tpu.memory_space<vmem>>) target_semaphore(%arg12 : memref<!tpu.dma_semaphore, #tpu.memory_space<semaphore_mem>>)
    %mul3A_174 = arith.constant 6 : i32
    %mul3A_175 = arith.muli %add3A, %mul3A_174 : i32
    %min3A = arith.constant 8 : i32
    %min3A_176 = arith.minsi %add3A, %min3A : i32
    %add3A_177 = arith.addi %mul3A_175, %min3A_176 : i32
    %min3A_178 = arith.constant 193 : i32
    %min3A_179 = arith.minsi %add3A_177, %min3A_178 : i32
    %mul3A_180 = arith.constant 16 : i32
    %mul3A_181 = arith.muli %min3A_179, %mul3A_180 : i32
    %mul3A_182 = arith.constant 8 : i32
    %mul3A_183 = arith.muli %min3A_179, %mul3A_182 : i32
    %add3A_184 = arith.constant 0 : i32
    %add3A_185 = arith.addi %add3A_184, %mul3A_183 : i32
    %dma_start3A_186 = arith.constant 4000 : i32
    %dma_start3A_187 = tpu.memref_slice %arg9[%dma_start3A_186] : memref<5568xf32, #tpu.memory_space<vmem>> -> memref<56xf32, #tpu.memory_space<vmem>>
    %dma_start3A_188 = tpu.memref_slice %arg3[%add3A_185] : memref<32000xf32, #tpu.memory_space<hbm>> -> memref<56xf32, #tpu.memory_space<hbm>>
    %dma_start3A_189 = arith.constant 4000 : i32
    %dma_start3A_190 = tpu.memref_slice %arg9[%dma_start3A_189] : memref<5568xf32, #tpu.memory_space<vmem>> -> memref<56xf32, #tpu.memory_space<vmem>>
    %dma_start3A_191 = tpu.memref_slice %arg3[%add3A_185] : memref<32000xf32, #tpu.memory_space<hbm>> -> memref<56xf32, #tpu.memory_space<hbm>>
    tpu.enqueue_dma source(%dma_start3A_191 : memref<56xf32, #tpu.memory_space<hbm>>) target(%dma_start3A_190 : memref<56xf32, #tpu.memory_space<vmem>>) target_semaphore(%arg13 : memref<!tpu.dma_semaphore, #tpu.memory_space<semaphore_mem>>)
    %add3A_192 = arith.constant 1600 : i32
    %add3A_193 = arith.addi %add3A_192, %mul3A_183 : i32
    %dma_start3A_194 = arith.constant 4056 : i32
    %dma_start3A_195 = tpu.memref_slice %arg9[%dma_start3A_194] : memref<5568xf32, #tpu.memory_space<vmem>> -> memref<56xf32, #tpu.memory_space<vmem>>
    %dma_start3A_196 = tpu.memref_slice %arg3[%add3A_193] : memref<32000xf32, #tpu.memory_space<hbm>> -> memref<56xf32, #tpu.memory_space<hbm>>
    %dma_start3A_197 = arith.constant 4056 : i32
    %dma_start3A_198 = tpu.memref_slice %arg9[%dma_start3A_197] : memref<5568xf32, #tpu.memory_space<vmem>> -> memref<56xf32, #tpu.memory_space<vmem>>
    %dma_start3A_199 = tpu.memref_slice %arg3[%add3A_193] : memref<32000xf32, #tpu.memory_space<hbm>> -> memref<56xf32, #tpu.memory_space<hbm>>
    tpu.enqueue_dma source(%dma_start3A_199 : memref<56xf32, #tpu.memory_space<hbm>>) target(%dma_start3A_198 : memref<56xf32, #tpu.memory_space<vmem>>) target_semaphore(%arg13 : memref<!tpu.dma_semaphore, #tpu.memory_space<semaphore_mem>>)
    %add3A_200 = arith.constant 3200 : i32
    %add3A_201 = arith.addi %add3A_200, %mul3A_183 : i32
    %dma_start3A_202 = arith.constant 4112 : i32
    %dma_start3A_203 = tpu.memref_slice %arg9[%dma_start3A_202] : memref<5568xf32, #tpu.memory_space<vmem>> -> memref<56xf32, #tpu.memory_space<vmem>>
    %dma_start3A_204 = tpu.memref_slice %arg3[%add3A_201] : memref<32000xf32, #tpu.memory_space<hbm>> -> memref<56xf32, #tpu.memory_space<hbm>>
    %dma_start3A_205 = arith.constant 4112 : i32
    %dma_start3A_206 = tpu.memref_slice %arg9[%dma_start3A_205] : memref<5568xf32, #tpu.memory_space<vmem>> -> memref<56xf32, #tpu.memory_space<vmem>>
    %dma_start3A_207 = tpu.memref_slice %arg3[%add3A_201] : memref<32000xf32, #tpu.memory_space<hbm>> -> memref<56xf32, #tpu.memory_space<hbm>>
    tpu.enqueue_dma source(%dma_start3A_207 : memref<56xf32, #tpu.memory_space<hbm>>) target(%dma_start3A_206 : memref<56xf32, #tpu.memory_space<vmem>>) target_semaphore(%arg13 : memref<!tpu.dma_semaphore, #tpu.memory_space<semaphore_mem>>)
    %add3A_208 = arith.constant 4800 : i32
    %add3A_209 = arith.addi %add3A_208, %mul3A_183 : i32
    %dma_start3A_210 = arith.constant 4168 : i32
    %dma_start3A_211 = tpu.memref_slice %arg9[%dma_start3A_210] : memref<5568xf32, #tpu.memory_space<vmem>> -> memref<56xf32, #tpu.memory_space<vmem>>
    %dma_start3A_212 = tpu.memref_slice %arg3[%add3A_209] : memref<32000xf32, #tpu.memory_space<hbm>> -> memref<56xf32, #tpu.memory_space<hbm>>
    %dma_start3A_213 = arith.constant 4168 : i32
    %dma_start3A_214 = tpu.memref_slice %arg9[%dma_start3A_213] : memref<5568xf32, #tpu.memory_space<vmem>> -> memref<56xf32, #tpu.memory_space<vmem>>
    %dma_start3A_215 = tpu.memref_slice %arg3[%add3A_209] : memref<32000xf32, #tpu.memory_space<hbm>> -> memref<56xf32, #tpu.memory_space<hbm>>
    tpu.enqueue_dma source(%dma_start3A_215 : memref<56xf32, #tpu.memory_space<hbm>>) target(%dma_start3A_214 : memref<56xf32, #tpu.memory_space<vmem>>) target_semaphore(%arg13 : memref<!tpu.dma_semaphore, #tpu.memory_space<semaphore_mem>>)
    %add3A_216 = arith.constant 6400 : i32
    %add3A_217 = arith.addi %add3A_216, %mul3A_183 : i32
    %dma_start3A_218 = arith.constant 4224 : i32
    %dma_start3A_219 = tpu.memref_slice %arg9[%dma_start3A_218] : memref<5568xf32, #tpu.memory_space<vmem>> -> memref<56xf32, #tpu.memory_space<vmem>>
    %dma_start3A_220 = tpu.memref_slice %arg3[%add3A_217] : memref<32000xf32, #tpu.memory_space<hbm>> -> memref<56xf32, #tpu.memory_space<hbm>>
    %dma_start3A_221 = arith.constant 4224 : i32
    %dma_start3A_222 = tpu.memref_slice %arg9[%dma_start3A_221] : memref<5568xf32, #tpu.memory_space<vmem>> -> memref<56xf32, #tpu.memory_space<vmem>>
    %dma_start3A_223 = tpu.memref_slice %arg3[%add3A_217] : memref<32000xf32, #tpu.memory_space<hbm>> -> memref<56xf32, #tpu.memory_space<hbm>>
    tpu.enqueue_dma source(%dma_start3A_223 : memref<56xf32, #tpu.memory_space<hbm>>) target(%dma_start3A_222 : memref<56xf32, #tpu.memory_space<vmem>>) target_semaphore(%arg13 : memref<!tpu.dma_semaphore, #tpu.memory_space<semaphore_mem>>)
    %add3A_224 = arith.constant 8000 : i32
    %add3A_225 = arith.addi %add3A_224, %mul3A_183 : i32
    %dma_start3A_226 = arith.constant 4280 : i32
    %dma_start3A_227 = tpu.memref_slice %arg9[%dma_start3A_226] : memref<5568xf32, #tpu.memory_space<vmem>> -> memref<56xf32, #tpu.memory_space<vmem>>
    %dma_start3A_228 = tpu.memref_slice %arg3[%add3A_225] : memref<32000xf32, #tpu.memory_space<hbm>> -> memref<56xf32, #tpu.memory_space<hbm>>
    %dma_start3A_229 = arith.constant 4280 : i32
    %dma_start3A_230 = tpu.memref_slice %arg9[%dma_start3A_229] : memref<5568xf32, #tpu.memory_space<vmem>> -> memref<56xf32, #tpu.memory_space<vmem>>
    %dma_start3A_231 = tpu.memref_slice %arg3[%add3A_225] : memref<32000xf32, #tpu.memory_space<hbm>> -> memref<56xf32, #tpu.memory_space<hbm>>
    tpu.enqueue_dma source(%dma_start3A_231 : memref<56xf32, #tpu.memory_space<hbm>>) target(%dma_start3A_230 : memref<56xf32, #tpu.memory_space<vmem>>) target_semaphore(%arg13 : memref<!tpu.dma_semaphore, #tpu.memory_space<semaphore_mem>>)
    %add3A_232 = arith.constant 9600 : i32
    %add3A_233 = arith.addi %add3A_232, %mul3A_183 : i32
    %dma_start3A_234 = arith.constant 4336 : i32
    %dma_start3A_235 = tpu.memref_slice %arg9[%dma_start3A_234] : memref<5568xf32, #tpu.memory_space<vmem>> -> memref<56xf32, #tpu.memory_space<vmem>>
    %dma_start3A_236 = tpu.memref_slice %arg3[%add3A_233] : memref<32000xf32, #tpu.memory_space<hbm>> -> memref<56xf32, #tpu.memory_space<hbm>>
    %dma_start3A_237 = arith.constant 4336 : i32
    %dma_start3A_238 = tpu.memref_slice %arg9[%dma_start3A_237] : memref<5568xf32, #tpu.memory_space<vmem>> -> memref<56xf32, #tpu.memory_space<vmem>>
    %dma_start3A_239 = tpu.memref_slice %arg3[%add3A_233] : memref<32000xf32, #tpu.memory_space<hbm>> -> memref<56xf32, #tpu.memory_space<hbm>>
    tpu.enqueue_dma source(%dma_start3A_239 : memref<56xf32, #tpu.memory_space<hbm>>) target(%dma_start3A_238 : memref<56xf32, #tpu.memory_space<vmem>>) target_semaphore(%arg13 : memref<!tpu.dma_semaphore, #tpu.memory_space<semaphore_mem>>)
    %add3A_240 = arith.constant 11200 : i32
    %add3A_241 = arith.addi %add3A_240, %mul3A_183 : i32
    %dma_start3A_242 = arith.constant 4392 : i32
    %dma_start3A_243 = tpu.memref_slice %arg9[%dma_start3A_242] : memref<5568xf32, #tpu.memory_space<vmem>> -> memref<56xf32, #tpu.memory_space<vmem>>
    %dma_start3A_244 = tpu.memref_slice %arg3[%add3A_241] : memref<32000xf32, #tpu.memory_space<hbm>> -> memref<56xf32, #tpu.memory_space<hbm>>
    %dma_start3A_245 = arith.constant 4392 : i32
    %dma_start3A_246 = tpu.memref_slice %arg9[%dma_start3A_245] : memref<5568xf32, #tpu.memory_space<vmem>> -> memref<56xf32, #tpu.memory_space<vmem>>
    %dma_start3A_247 = tpu.memref_slice %arg3[%add3A_241] : memref<32000xf32, #tpu.memory_space<hbm>> -> memref<56xf32, #tpu.memory_space<hbm>>
    tpu.enqueue_dma source(%dma_start3A_247 : memref<56xf32, #tpu.memory_space<hbm>>) target(%dma_start3A_246 : memref<56xf32, #tpu.memory_space<vmem>>) target_semaphore(%arg13 : memref<!tpu.dma_semaphore, #tpu.memory_space<semaphore_mem>>)
    %add3A_248 = arith.constant 12800 : i32
    %add3A_249 = arith.addi %add3A_248, %mul3A_183 : i32
    %dma_start3A_250 = arith.constant 4448 : i32
    %dma_start3A_251 = tpu.memref_slice %arg9[%dma_start3A_250] : memref<5568xf32, #tpu.memory_space<vmem>> -> memref<56xf32, #tpu.memory_space<vmem>>
    %dma_start3A_252 = tpu.memref_slice %arg3[%add3A_249] : memref<32000xf32, #tpu.memory_space<hbm>> -> memref<56xf32, #tpu.memory_space<hbm>>
    %dma_start3A_253 = arith.constant 4448 : i32
    %dma_start3A_254 = tpu.memref_slice %arg9[%dma_start3A_253] : memref<5568xf32, #tpu.memory_space<vmem>> -> memref<56xf32, #tpu.memory_space<vmem>>
    %dma_start3A_255 = tpu.memref_slice %arg3[%add3A_249] : memref<32000xf32, #tpu.memory_space<hbm>> -> memref<56xf32, #tpu.memory_space<hbm>>
    tpu.enqueue_dma source(%dma_start3A_255 : memref<56xf32, #tpu.memory_space<hbm>>) target(%dma_start3A_254 : memref<56xf32, #tpu.memory_space<vmem>>) target_semaphore(%arg13 : memref<!tpu.dma_semaphore, #tpu.memory_space<semaphore_mem>>)
    %add3A_256 = arith.constant 14400 : i32
    %add3A_257 = arith.addi %add3A_256, %mul3A_183 : i32
    %dma_start3A_258 = arith.constant 4504 : i32
    %dma_start3A_259 = tpu.memref_slice %arg9[%dma_start3A_258] : memref<5568xf32, #tpu.memory_space<vmem>> -> memref<56xf32, #tpu.memory_space<vmem>>
    %dma_start3A_260 = tpu.memref_slice %arg3[%add3A_257] : memref<32000xf32, #tpu.memory_space<hbm>> -> memref<56xf32, #tpu.memory_space<hbm>>
    %dma_start3A_261 = arith.constant 4504 : i32
    %dma_start3A_262 = tpu.memref_slice %arg9[%dma_start3A_261] : memref<5568xf32, #tpu.memory_space<vmem>> -> memref<56xf32, #tpu.memory_space<vmem>>
    %dma_start3A_263 = tpu.memref_slice %arg3[%add3A_257] : memref<32000xf32, #tpu.memory_space<hbm>> -> memref<56xf32, #tpu.memory_space<hbm>>
    tpu.enqueue_dma source(%dma_start3A_263 : memref<56xf32, #tpu.memory_space<hbm>>) target(%dma_start3A_262 : memref<56xf32, #tpu.memory_space<vmem>>) target_semaphore(%arg13 : memref<!tpu.dma_semaphore, #tpu.memory_space<semaphore_mem>>)
    %add3A_264 = arith.constant 16000 : i32
    %add3A_265 = arith.addi %add3A_264, %mul3A_183 : i32
    %dma_start3A_266 = arith.constant 4560 : i32
    %dma_start3A_267 = tpu.memref_slice %arg9[%dma_start3A_266] : memref<5568xf32, #tpu.memory_space<vmem>> -> memref<56xf32, #tpu.memory_space<vmem>>
    %dma_start3A_268 = tpu.memref_slice %arg3[%add3A_265] : memref<32000xf32, #tpu.memory_space<hbm>> -> memref<56xf32, #tpu.memory_space<hbm>>
    %dma_start3A_269 = arith.constant 4560 : i32
    %dma_start3A_270 = tpu.memref_slice %arg9[%dma_start3A_269] : memref<5568xf32, #tpu.memory_space<vmem>> -> memref<56xf32, #tpu.memory_space<vmem>>
    %dma_start3A_271 = tpu.memref_slice %arg3[%add3A_265] : memref<32000xf32, #tpu.memory_space<hbm>> -> memref<56xf32, #tpu.memory_space<hbm>>
    tpu.enqueue_dma source(%dma_start3A_271 : memref<56xf32, #tpu.memory_space<hbm>>) target(%dma_start3A_270 : memref<56xf32, #tpu.memory_space<vmem>>) target_semaphore(%arg13 : memref<!tpu.dma_semaphore, #tpu.memory_space<semaphore_mem>>)
    %add3A_272 = arith.constant 17600 : i32
    %add3A_273 = arith.addi %add3A_272, %mul3A_183 : i32
    %dma_start3A_274 = arith.constant 4616 : i32
    %dma_start3A_275 = tpu.memref_slice %arg9[%dma_start3A_274] : memref<5568xf32, #tpu.memory_space<vmem>> -> memref<56xf32, #tpu.memory_space<vmem>>
    %dma_start3A_276 = tpu.memref_slice %arg3[%add3A_273] : memref<32000xf32, #tpu.memory_space<hbm>> -> memref<56xf32, #tpu.memory_space<hbm>>
    %dma_start3A_277 = arith.constant 4616 : i32
    %dma_start3A_278 = tpu.memref_slice %arg9[%dma_start3A_277] : memref<5568xf32, #tpu.memory_space<vmem>> -> memref<56xf32, #tpu.memory_space<vmem>>
    %dma_start3A_279 = tpu.memref_slice %arg3[%add3A_273] : memref<32000xf32, #tpu.memory_space<hbm>> -> memref<56xf32, #tpu.memory_space<hbm>>
    tpu.enqueue_dma source(%dma_start3A_279 : memref<56xf32, #tpu.memory_space<hbm>>) target(%dma_start3A_278 : memref<56xf32, #tpu.memory_space<vmem>>) target_semaphore(%arg13 : memref<!tpu.dma_semaphore, #tpu.memory_space<semaphore_mem>>)
    %add3A_280 = arith.constant 19200 : i32
    %add3A_281 = arith.addi %add3A_280, %mul3A_183 : i32
    %dma_start3A_282 = arith.constant 4672 : i32
    %dma_start3A_283 = tpu.memref_slice %arg9[%dma_start3A_282] : memref<5568xf32, #tpu.memory_space<vmem>> -> memref<56xf32, #tpu.memory_space<vmem>>
    %dma_start3A_284 = tpu.memref_slice %arg3[%add3A_281] : memref<32000xf32, #tpu.memory_space<hbm>> -> memref<56xf32, #tpu.memory_space<hbm>>
    %dma_start3A_285 = arith.constant 4672 : i32
    %dma_start3A_286 = tpu.memref_slice %arg9[%dma_start3A_285] : memref<5568xf32, #tpu.memory_space<vmem>> -> memref<56xf32, #tpu.memory_space<vmem>>
    %dma_start3A_287 = tpu.memref_slice %arg3[%add3A_281] : memref<32000xf32, #tpu.memory_space<hbm>> -> memref<56xf32, #tpu.memory_space<hbm>>
    tpu.enqueue_dma source(%dma_start3A_287 : memref<56xf32, #tpu.memory_space<hbm>>) target(%dma_start3A_286 : memref<56xf32, #tpu.memory_space<vmem>>) target_semaphore(%arg13 : memref<!tpu.dma_semaphore, #tpu.memory_space<semaphore_mem>>)
    %add3A_288 = arith.constant 20800 : i32
    %add3A_289 = arith.addi %add3A_288, %mul3A_183 : i32
    %dma_start3A_290 = arith.constant 4728 : i32
    %dma_start3A_291 = tpu.memref_slice %arg9[%dma_start3A_290] : memref<5568xf32, #tpu.memory_space<vmem>> -> memref<56xf32, #tpu.memory_space<vmem>>
    %dma_start3A_292 = tpu.memref_slice %arg3[%add3A_289] : memref<32000xf32, #tpu.memory_space<hbm>> -> memref<56xf32, #tpu.memory_space<hbm>>
    %dma_start3A_293 = arith.constant 4728 : i32
    %dma_start3A_294 = tpu.memref_slice %arg9[%dma_start3A_293] : memref<5568xf32, #tpu.memory_space<vmem>> -> memref<56xf32, #tpu.memory_space<vmem>>
    %dma_start3A_295 = tpu.memref_slice %arg3[%add3A_289] : memref<32000xf32, #tpu.memory_space<hbm>> -> memref<56xf32, #tpu.memory_space<hbm>>
    tpu.enqueue_dma source(%dma_start3A_295 : memref<56xf32, #tpu.memory_space<hbm>>) target(%dma_start3A_294 : memref<56xf32, #tpu.memory_space<vmem>>) target_semaphore(%arg13 : memref<!tpu.dma_semaphore, #tpu.memory_space<semaphore_mem>>)
    %add3A_296 = arith.constant 22400 : i32
    %add3A_297 = arith.addi %add3A_296, %mul3A_183 : i32
    %dma_start3A_298 = arith.constant 4784 : i32
    %dma_start3A_299 = tpu.memref_slice %arg9[%dma_start3A_298] : memref<5568xf32, #tpu.memory_space<vmem>> -> memref<56xf32, #tpu.memory_space<vmem>>
    %dma_start3A_300 = tpu.memref_slice %arg3[%add3A_297] : memref<32000xf32, #tpu.memory_space<hbm>> -> memref<56xf32, #tpu.memory_space<hbm>>
    %dma_start3A_301 = arith.constant 4784 : i32
    %dma_start3A_302 = tpu.memref_slice %arg9[%dma_start3A_301] : memref<5568xf32, #tpu.memory_space<vmem>> -> memref<56xf32, #tpu.memory_space<vmem>>
    %dma_start3A_303 = tpu.memref_slice %arg3[%add3A_297] : memref<32000xf32, #tpu.memory_space<hbm>> -> memref<56xf32, #tpu.memory_space<hbm>>
    tpu.enqueue_dma source(%dma_start3A_303 : memref<56xf32, #tpu.memory_space<hbm>>) target(%dma_start3A_302 : memref<56xf32, #tpu.memory_space<vmem>>) target_semaphore(%arg13 : memref<!tpu.dma_semaphore, #tpu.memory_space<semaphore_mem>>)
    %add3A_304 = arith.constant 24000 : i32
    %add3A_305 = arith.addi %add3A_304, %mul3A_183 : i32
    %dma_start3A_306 = arith.constant 4840 : i32
    %dma_start3A_307 = tpu.memref_slice %arg9[%dma_start3A_306] : memref<5568xf32, #tpu.memory_space<vmem>> -> memref<56xf32, #tpu.memory_space<vmem>>
    %dma_start3A_308 = tpu.memref_slice %arg3[%add3A_305] : memref<32000xf32, #tpu.memory_space<hbm>> -> memref<56xf32, #tpu.memory_space<hbm>>
    %dma_start3A_309 = arith.constant 4840 : i32
    %dma_start3A_310 = tpu.memref_slice %arg9[%dma_start3A_309] : memref<5568xf32, #tpu.memory_space<vmem>> -> memref<56xf32, #tpu.memory_space<vmem>>
    %dma_start3A_311 = tpu.memref_slice %arg3[%add3A_305] : memref<32000xf32, #tpu.memory_space<hbm>> -> memref<56xf32, #tpu.memory_space<hbm>>
    tpu.enqueue_dma source(%dma_start3A_311 : memref<56xf32, #tpu.memory_space<hbm>>) target(%dma_start3A_310 : memref<56xf32, #tpu.memory_space<vmem>>) target_semaphore(%arg13 : memref<!tpu.dma_semaphore, #tpu.memory_space<semaphore_mem>>)
    %add3A_312 = arith.constant 25600 : i32
    %add3A_313 = arith.addi %add3A_312, %mul3A_183 : i32
    %dma_start3A_314 = arith.constant 4896 : i32
    %dma_start3A_315 = tpu.memref_slice %arg9[%dma_start3A_314] : memref<5568xf32, #tpu.memory_space<vmem>> -> memref<56xf32, #tpu.memory_space<vmem>>
    %dma_start3A_316 = tpu.memref_slice %arg3[%add3A_313] : memref<32000xf32, #tpu.memory_space<hbm>> -> memref<56xf32, #tpu.memory_space<hbm>>
    %dma_start3A_317 = arith.constant 4896 : i32
    %dma_start3A_318 = tpu.memref_slice %arg9[%dma_start3A_317] : memref<5568xf32, #tpu.memory_space<vmem>> -> memref<56xf32, #tpu.memory_space<vmem>>
    %dma_start3A_319 = tpu.memref_slice %arg3[%add3A_313] : memref<32000xf32, #tpu.memory_space<hbm>> -> memref<56xf32, #tpu.memory_space<hbm>>
    tpu.enqueue_dma source(%dma_start3A_319 : memref<56xf32, #tpu.memory_space<hbm>>) target(%dma_start3A_318 : memref<56xf32, #tpu.memory_space<vmem>>) target_semaphore(%arg13 : memref<!tpu.dma_semaphore, #tpu.memory_space<semaphore_mem>>)
    %add3A_320 = arith.constant 27200 : i32
    %add3A_321 = arith.addi %add3A_320, %mul3A_183 : i32
    %dma_start3A_322 = arith.constant 4952 : i32
    %dma_start3A_323 = tpu.memref_slice %arg9[%dma_start3A_322] : memref<5568xf32, #tpu.memory_space<vmem>> -> memref<56xf32, #tpu.memory_space<vmem>>
    %dma_start3A_324 = tpu.memref_slice %arg3[%add3A_321] : memref<32000xf32, #tpu.memory_space<hbm>> -> memref<56xf32, #tpu.memory_space<hbm>>
    %dma_start3A_325 = arith.constant 4952 : i32
    %dma_start3A_326 = tpu.memref_slice %arg9[%dma_start3A_325] : memref<5568xf32, #tpu.memory_space<vmem>> -> memref<56xf32, #tpu.memory_space<vmem>>
    %dma_start3A_327 = tpu.memref_slice %arg3[%add3A_321] : memref<32000xf32, #tpu.memory_space<hbm>> -> memref<56xf32, #tpu.memory_space<hbm>>
    tpu.enqueue_dma source(%dma_start3A_327 : memref<56xf32, #tpu.memory_space<hbm>>) target(%dma_start3A_326 : memref<56xf32, #tpu.memory_space<vmem>>) target_semaphore(%arg13 : memref<!tpu.dma_semaphore, #tpu.memory_space<semaphore_mem>>)
    %add3A_328 = arith.constant 28800 : i32
    %add3A_329 = arith.addi %add3A_328, %mul3A_183 : i32
    %dma_start3A_330 = arith.constant 5008 : i32
    %dma_start3A_331 = tpu.memref_slice %arg9[%dma_start3A_330] : memref<5568xf32, #tpu.memory_space<vmem>> -> memref<56xf32, #tpu.memory_space<vmem>>
    %dma_start3A_332 = tpu.memref_slice %arg3[%add3A_329] : memref<32000xf32, #tpu.memory_space<hbm>> -> memref<56xf32, #tpu.memory_space<hbm>>
    %dma_start3A_333 = arith.constant 5008 : i32
    %dma_start3A_334 = tpu.memref_slice %arg9[%dma_start3A_333] : memref<5568xf32, #tpu.memory_space<vmem>> -> memref<56xf32, #tpu.memory_space<vmem>>
    %dma_start3A_335 = tpu.memref_slice %arg3[%add3A_329] : memref<32000xf32, #tpu.memory_space<hbm>> -> memref<56xf32, #tpu.memory_space<hbm>>
    tpu.enqueue_dma source(%dma_start3A_335 : memref<56xf32, #tpu.memory_space<hbm>>) target(%dma_start3A_334 : memref<56xf32, #tpu.memory_space<vmem>>) target_semaphore(%arg13 : memref<!tpu.dma_semaphore, #tpu.memory_space<semaphore_mem>>)
    %add3A_336 = arith.constant 30400 : i32
    %add3A_337 = arith.addi %add3A_336, %mul3A_183 : i32
    %dma_start3A_338 = arith.constant 5064 : i32
    %dma_start3A_339 = tpu.memref_slice %arg9[%dma_start3A_338] : memref<5568xf32, #tpu.memory_space<vmem>> -> memref<56xf32, #tpu.memory_space<vmem>>
    %dma_start3A_340 = tpu.memref_slice %arg3[%add3A_337] : memref<32000xf32, #tpu.memory_space<hbm>> -> memref<56xf32, #tpu.memory_space<hbm>>
    %dma_start3A_341 = arith.constant 5064 : i32
    %dma_start3A_342 = tpu.memref_slice %arg9[%dma_start3A_341] : memref<5568xf32, #tpu.memory_space<vmem>> -> memref<56xf32, #tpu.memory_space<vmem>>
    %dma_start3A_343 = tpu.memref_slice %arg3[%add3A_337] : memref<32000xf32, #tpu.memory_space<hbm>> -> memref<56xf32, #tpu.memory_space<hbm>>
    tpu.enqueue_dma source(%dma_start3A_343 : memref<56xf32, #tpu.memory_space<hbm>>) target(%dma_start3A_342 : memref<56xf32, #tpu.memory_space<vmem>>) target_semaphore(%arg13 : memref<!tpu.dma_semaphore, #tpu.memory_space<semaphore_mem>>)
    %mul3A_344 = arith.constant 1 : i32
    %mul3A_345 = arith.muli %add3A, %mul3A_344 : i32
    %min3A_346 = arith.constant 18 : i32
    %min3A_347 = arith.minsi %add3A, %min3A_346 : i32
    %add3A_348 = arith.addi %mul3A_345, %min3A_347 : i32
    %min3A_349 = arith.constant 48 : i32
    %min3A_350 = arith.minsi %add3A_348, %min3A_349 : i32
    %mul3A_351 = arith.constant 16 : i32
    %mul3A_352 = arith.muli %min3A_350, %mul3A_351 : i32
    %mul3A_353 = arith.constant 8 : i32
    %mul3A_354 = arith.muli %min3A_350, %mul3A_353 : i32
    %add3A_355 = arith.constant 0 : i32
    %add3A_356 = arith.addi %add3A_355, %mul3A_354 : i32
    %dma_start3A_357 = arith.constant 5120 : i32
    %dma_start3A_358 = tpu.memref_slice %arg9[%dma_start3A_357] : memref<5568xf32, #tpu.memory_space<vmem>> -> memref<16xf32, #tpu.memory_space<vmem>>
    %dma_start3A_359 = tpu.memref_slice %arg4[%add3A_356] : memref<8000xf32, #tpu.memory_space<hbm>> -> memref<16xf32, #tpu.memory_space<hbm>>
    %dma_start3A_360 = arith.constant 5120 : i32
    %dma_start3A_361 = tpu.memref_slice %arg9[%dma_start3A_360] : memref<5568xf32, #tpu.memory_space<vmem>> -> memref<16xf32, #tpu.memory_space<vmem>>
    %dma_start3A_362 = tpu.memref_slice %arg4[%add3A_356] : memref<8000xf32, #tpu.memory_space<hbm>> -> memref<16xf32, #tpu.memory_space<hbm>>
    tpu.enqueue_dma source(%dma_start3A_362 : memref<16xf32, #tpu.memory_space<hbm>>) target(%dma_start3A_361 : memref<16xf32, #tpu.memory_space<vmem>>) target_semaphore(%arg14 : memref<!tpu.dma_semaphore, #tpu.memory_space<semaphore_mem>>)
    %add3A_363 = arith.constant 400 : i32
    %add3A_364 = arith.addi %add3A_363, %mul3A_354 : i32
    %dma_start3A_365 = arith.constant 5136 : i32
    %dma_start3A_366 = tpu.memref_slice %arg9[%dma_start3A_365] : memref<5568xf32, #tpu.memory_space<vmem>> -> memref<16xf32, #tpu.memory_space<vmem>>
    %dma_start3A_367 = tpu.memref_slice %arg4[%add3A_364] : memref<8000xf32, #tpu.memory_space<hbm>> -> memref<16xf32, #tpu.memory_space<hbm>>
    %dma_start3A_368 = arith.constant 5136 : i32
    %dma_start3A_369 = tpu.memref_slice %arg9[%dma_start3A_368] : memref<5568xf32, #tpu.memory_space<vmem>> -> memref<16xf32, #tpu.memory_space<vmem>>
    %dma_start3A_370 = tpu.memref_slice %arg4[%add3A_364] : memref<8000xf32, #tpu.memory_space<hbm>> -> memref<16xf32, #tpu.memory_space<hbm>>
    tpu.enqueue_dma source(%dma_start3A_370 : memref<16xf32, #tpu.memory_space<hbm>>) target(%dma_start3A_369 : memref<16xf32, #tpu.memory_space<vmem>>) target_semaphore(%arg14 : memref<!tpu.dma_semaphore, #tpu.memory_space<semaphore_mem>>)
    %add3A_371 = arith.constant 800 : i32
    %add3A_372 = arith.addi %add3A_371, %mul3A_354 : i32
    %dma_start3A_373 = arith.constant 5152 : i32
    %dma_start3A_374 = tpu.memref_slice %arg9[%dma_start3A_373] : memref<5568xf32, #tpu.memory_space<vmem>> -> memref<16xf32, #tpu.memory_space<vmem>>
    %dma_start3A_375 = tpu.memref_slice %arg4[%add3A_372] : memref<8000xf32, #tpu.memory_space<hbm>> -> memref<16xf32, #tpu.memory_space<hbm>>
    %dma_start3A_376 = arith.constant 5152 : i32
    %dma_start3A_377 = tpu.memref_slice %arg9[%dma_start3A_376] : memref<5568xf32, #tpu.memory_space<vmem>> -> memref<16xf32, #tpu.memory_space<vmem>>
    %dma_start3A_378 = tpu.memref_slice %arg4[%add3A_372] : memref<8000xf32, #tpu.memory_space<hbm>> -> memref<16xf32, #tpu.memory_space<hbm>>
    tpu.enqueue_dma source(%dma_start3A_378 : memref<16xf32, #tpu.memory_space<hbm>>) target(%dma_start3A_377 : memref<16xf32, #tpu.memory_space<vmem>>) target_semaphore(%arg14 : memref<!tpu.dma_semaphore, #tpu.memory_space<semaphore_mem>>)
    %add3A_379 = arith.constant 1200 : i32
    %add3A_380 = arith.addi %add3A_379, %mul3A_354 : i32
    %dma_start3A_381 = arith.constant 5168 : i32
    %dma_start3A_382 = tpu.memref_slice %arg9[%dma_start3A_381] : memref<5568xf32, #tpu.memory_space<vmem>> -> memref<16xf32, #tpu.memory_space<vmem>>
    %dma_start3A_383 = tpu.memref_slice %arg4[%add3A_380] : memref<8000xf32, #tpu.memory_space<hbm>> -> memref<16xf32, #tpu.memory_space<hbm>>
    %dma_start3A_384 = arith.constant 5168 : i32
    %dma_start3A_385 = tpu.memref_slice %arg9[%dma_start3A_384] : memref<5568xf32, #tpu.memory_space<vmem>> -> memref<16xf32, #tpu.memory_space<vmem>>
    %dma_start3A_386 = tpu.memref_slice %arg4[%add3A_380] : memref<8000xf32, #tpu.memory_space<hbm>> -> memref<16xf32, #tpu.memory_space<hbm>>
    tpu.enqueue_dma source(%dma_start3A_386 : memref<16xf32, #tpu.memory_space<hbm>>) target(%dma_start3A_385 : memref<16xf32, #tpu.memory_space<vmem>>) target_semaphore(%arg14 : memref<!tpu.dma_semaphore, #tpu.memory_space<semaphore_mem>>)
    %add3A_387 = arith.constant 1600 : i32
    %add3A_388 = arith.addi %add3A_387, %mul3A_354 : i32
    %dma_start3A_389 = arith.constant 5184 : i32
    %dma_start3A_390 = tpu.memref_slice %arg9[%dma_start3A_389] : memref<5568xf32, #tpu.memory_space<vmem>> -> memref<16xf32, #tpu.memory_space<vmem>>
    %dma_start3A_391 = tpu.memref_slice %arg4[%add3A_388] : memref<8000xf32, #tpu.memory_space<hbm>> -> memref<16xf32, #tpu.memory_space<hbm>>
    %dma_start3A_392 = arith.constant 5184 : i32
    %dma_start3A_393 = tpu.memref_slice %arg9[%dma_start3A_392] : memref<5568xf32, #tpu.memory_space<vmem>> -> memref<16xf32, #tpu.memory_space<vmem>>
    %dma_start3A_394 = tpu.memref_slice %arg4[%add3A_388] : memref<8000xf32, #tpu.memory_space<hbm>> -> memref<16xf32, #tpu.memory_space<hbm>>
    tpu.enqueue_dma source(%dma_start3A_394 : memref<16xf32, #tpu.memory_space<hbm>>) target(%dma_start3A_393 : memref<16xf32, #tpu.memory_space<vmem>>) target_semaphore(%arg14 : memref<!tpu.dma_semaphore, #tpu.memory_space<semaphore_mem>>)
    %add3A_395 = arith.constant 2000 : i32
    %add3A_396 = arith.addi %add3A_395, %mul3A_354 : i32
    %dma_start3A_397 = arith.constant 5200 : i32
    %dma_start3A_398 = tpu.memref_slice %arg9[%dma_start3A_397] : memref<5568xf32, #tpu.memory_space<vmem>> -> memref<16xf32, #tpu.memory_space<vmem>>
    %dma_start3A_399 = tpu.memref_slice %arg4[%add3A_396] : memref<8000xf32, #tpu.memory_space<hbm>> -> memref<16xf32, #tpu.memory_space<hbm>>
    %dma_start3A_400 = arith.constant 5200 : i32
    %dma_start3A_401 = tpu.memref_slice %arg9[%dma_start3A_400] : memref<5568xf32, #tpu.memory_space<vmem>> -> memref<16xf32, #tpu.memory_space<vmem>>
    %dma_start3A_402 = tpu.memref_slice %arg4[%add3A_396] : memref<8000xf32, #tpu.memory_space<hbm>> -> memref<16xf32, #tpu.memory_space<hbm>>
    tpu.enqueue_dma source(%dma_start3A_402 : memref<16xf32, #tpu.memory_space<hbm>>) target(%dma_start3A_401 : memref<16xf32, #tpu.memory_space<vmem>>) target_semaphore(%arg14 : memref<!tpu.dma_semaphore, #tpu.memory_space<semaphore_mem>>)
    %add3A_403 = arith.constant 2400 : i32
    %add3A_404 = arith.addi %add3A_403, %mul3A_354 : i32
    %dma_start3A_405 = arith.constant 5216 : i32
    %dma_start3A_406 = tpu.memref_slice %arg9[%dma_start3A_405] : memref<5568xf32, #tpu.memory_space<vmem>> -> memref<16xf32, #tpu.memory_space<vmem>>
    %dma_start3A_407 = tpu.memref_slice %arg4[%add3A_404] : memref<8000xf32, #tpu.memory_space<hbm>> -> memref<16xf32, #tpu.memory_space<hbm>>
    %dma_start3A_408 = arith.constant 5216 : i32
    %dma_start3A_409 = tpu.memref_slice %arg9[%dma_start3A_408] : memref<5568xf32, #tpu.memory_space<vmem>> -> memref<16xf32, #tpu.memory_space<vmem>>
    %dma_start3A_410 = tpu.memref_slice %arg4[%add3A_404] : memref<8000xf32, #tpu.memory_space<hbm>> -> memref<16xf32, #tpu.memory_space<hbm>>
    tpu.enqueue_dma source(%dma_start3A_410 : memref<16xf32, #tpu.memory_space<hbm>>) target(%dma_start3A_409 : memref<16xf32, #tpu.memory_space<vmem>>) target_semaphore(%arg14 : memref<!tpu.dma_semaphore, #tpu.memory_space<semaphore_mem>>)
    %add3A_411 = arith.constant 2800 : i32
    %add3A_412 = arith.addi %add3A_411, %mul3A_354 : i32
    %dma_start3A_413 = arith.constant 5232 : i32
    %dma_start3A_414 = tpu.memref_slice %arg9[%dma_start3A_413] : memref<5568xf32, #tpu.memory_space<vmem>> -> memref<16xf32, #tpu.memory_space<vmem>>
    %dma_start3A_415 = tpu.memref_slice %arg4[%add3A_412] : memref<8000xf32, #tpu.memory_space<hbm>> -> memref<16xf32, #tpu.memory_space<hbm>>
    %dma_start3A_416 = arith.constant 5232 : i32
    %dma_start3A_417 = tpu.memref_slice %arg9[%dma_start3A_416] : memref<5568xf32, #tpu.memory_space<vmem>> -> memref<16xf32, #tpu.memory_space<vmem>>
    %dma_start3A_418 = tpu.memref_slice %arg4[%add3A_412] : memref<8000xf32, #tpu.memory_space<hbm>> -> memref<16xf32, #tpu.memory_space<hbm>>
    tpu.enqueue_dma source(%dma_start3A_418 : memref<16xf32, #tpu.memory_space<hbm>>) target(%dma_start3A_417 : memref<16xf32, #tpu.memory_space<vmem>>) target_semaphore(%arg14 : memref<!tpu.dma_semaphore, #tpu.memory_space<semaphore_mem>>)
    %add3A_419 = arith.constant 3200 : i32
    %add3A_420 = arith.addi %add3A_419, %mul3A_354 : i32
    %dma_start3A_421 = arith.constant 5248 : i32
    %dma_start3A_422 = tpu.memref_slice %arg9[%dma_start3A_421] : memref<5568xf32, #tpu.memory_space<vmem>> -> memref<16xf32, #tpu.memory_space<vmem>>
    %dma_start3A_423 = tpu.memref_slice %arg4[%add3A_420] : memref<8000xf32, #tpu.memory_space<hbm>> -> memref<16xf32, #tpu.memory_space<hbm>>
    %dma_start3A_424 = arith.constant 5248 : i32
    %dma_start3A_425 = tpu.memref_slice %arg9[%dma_start3A_424] : memref<5568xf32, #tpu.memory_space<vmem>> -> memref<16xf32, #tpu.memory_space<vmem>>
    %dma_start3A_426 = tpu.memref_slice %arg4[%add3A_420] : memref<8000xf32, #tpu.memory_space<hbm>> -> memref<16xf32, #tpu.memory_space<hbm>>
    tpu.enqueue_dma source(%dma_start3A_426 : memref<16xf32, #tpu.memory_space<hbm>>) target(%dma_start3A_425 : memref<16xf32, #tpu.memory_space<vmem>>) target_semaphore(%arg14 : memref<!tpu.dma_semaphore, #tpu.memory_space<semaphore_mem>>)
    %add3A_427 = arith.constant 3600 : i32
    %add3A_428 = arith.addi %add3A_427, %mul3A_354 : i32
    %dma_start3A_429 = arith.constant 5264 : i32
    %dma_start3A_430 = tpu.memref_slice %arg9[%dma_start3A_429] : memref<5568xf32, #tpu.memory_space<vmem>> -> memref<16xf32, #tpu.memory_space<vmem>>
    %dma_start3A_431 = tpu.memref_slice %arg4[%add3A_428] : memref<8000xf32, #tpu.memory_space<hbm>> -> memref<16xf32, #tpu.memory_space<hbm>>
    %dma_start3A_432 = arith.constant 5264 : i32
    %dma_start3A_433 = tpu.memref_slice %arg9[%dma_start3A_432] : memref<5568xf32, #tpu.memory_space<vmem>> -> memref<16xf32, #tpu.memory_space<vmem>>
    %dma_start3A_434 = tpu.memref_slice %arg4[%add3A_428] : memref<8000xf32, #tpu.memory_space<hbm>> -> memref<16xf32, #tpu.memory_space<hbm>>
    tpu.enqueue_dma source(%dma_start3A_434 : memref<16xf32, #tpu.memory_space<hbm>>) target(%dma_start3A_433 : memref<16xf32, #tpu.memory_space<vmem>>) target_semaphore(%arg14 : memref<!tpu.dma_semaphore, #tpu.memory_space<semaphore_mem>>)
    %add3A_435 = arith.constant 4000 : i32
    %add3A_436 = arith.addi %add3A_435, %mul3A_354 : i32
    %dma_start3A_437 = arith.constant 5280 : i32
    %dma_start3A_438 = tpu.memref_slice %arg9[%dma_start3A_437] : memref<5568xf32, #tpu.memory_space<vmem>> -> memref<16xf32, #tpu.memory_space<vmem>>
    %dma_start3A_439 = tpu.memref_slice %arg4[%add3A_436] : memref<8000xf32, #tpu.memory_space<hbm>> -> memref<16xf32, #tpu.memory_space<hbm>>
    %dma_start3A_440 = arith.constant 5280 : i32
    %dma_start3A_441 = tpu.memref_slice %arg9[%dma_start3A_440] : memref<5568xf32, #tpu.memory_space<vmem>> -> memref<16xf32, #tpu.memory_space<vmem>>
    %dma_start3A_442 = tpu.memref_slice %arg4[%add3A_436] : memref<8000xf32, #tpu.memory_space<hbm>> -> memref<16xf32, #tpu.memory_space<hbm>>
    tpu.enqueue_dma source(%dma_start3A_442 : memref<16xf32, #tpu.memory_space<hbm>>) target(%dma_start3A_441 : memref<16xf32, #tpu.memory_space<vmem>>) target_semaphore(%arg14 : memref<!tpu.dma_semaphore, #tpu.memory_space<semaphore_mem>>)
    %add3A_443 = arith.constant 4400 : i32
    %add3A_444 = arith.addi %add3A_443, %mul3A_354 : i32
    %dma_start3A_445 = arith.constant 5296 : i32
    %dma_start3A_446 = tpu.memref_slice %arg9[%dma_start3A_445] : memref<5568xf32, #tpu.memory_space<vmem>> -> memref<16xf32, #tpu.memory_space<vmem>>
    %dma_start3A_447 = tpu.memref_slice %arg4[%add3A_444] : memref<8000xf32, #tpu.memory_space<hbm>> -> memref<16xf32, #tpu.memory_space<hbm>>
    %dma_start3A_448 = arith.constant 5296 : i32
    %dma_start3A_449 = tpu.memref_slice %arg9[%dma_start3A_448] : memref<5568xf32, #tpu.memory_space<vmem>> -> memref<16xf32, #tpu.memory_space<vmem>>
    %dma_start3A_450 = tpu.memref_slice %arg4[%add3A_444] : memref<8000xf32, #tpu.memory_space<hbm>> -> memref<16xf32, #tpu.memory_space<hbm>>
    tpu.enqueue_dma source(%dma_start3A_450 : memref<16xf32, #tpu.memory_space<hbm>>) target(%dma_start3A_449 : memref<16xf32, #tpu.memory_space<vmem>>) target_semaphore(%arg14 : memref<!tpu.dma_semaphore, #tpu.memory_space<semaphore_mem>>)
    %add3A_451 = arith.constant 4800 : i32
    %add3A_452 = arith.addi %add3A_451, %mul3A_354 : i32
    %dma_start3A_453 = arith.constant 5312 : i32
    %dma_start3A_454 = tpu.memref_slice %arg9[%dma_start3A_453] : memref<5568xf32, #tpu.memory_space<vmem>> -> memref<16xf32, #tpu.memory_space<vmem>>
    %dma_start3A_455 = tpu.memref_slice %arg4[%add3A_452] : memref<8000xf32, #tpu.memory_space<hbm>> -> memref<16xf32, #tpu.memory_space<hbm>>
    %dma_start3A_456 = arith.constant 5312 : i32
    %dma_start3A_457 = tpu.memref_slice %arg9[%dma_start3A_456] : memref<5568xf32, #tpu.memory_space<vmem>> -> memref<16xf32, #tpu.memory_space<vmem>>
    %dma_start3A_458 = tpu.memref_slice %arg4[%add3A_452] : memref<8000xf32, #tpu.memory_space<hbm>> -> memref<16xf32, #tpu.memory_space<hbm>>
    tpu.enqueue_dma source(%dma_start3A_458 : memref<16xf32, #tpu.memory_space<hbm>>) target(%dma_start3A_457 : memref<16xf32, #tpu.memory_space<vmem>>) target_semaphore(%arg14 : memref<!tpu.dma_semaphore, #tpu.memory_space<semaphore_mem>>)
    %add3A_459 = arith.constant 5200 : i32
    %add3A_460 = arith.addi %add3A_459, %mul3A_354 : i32
    %dma_start3A_461 = arith.constant 5328 : i32
    %dma_start3A_462 = tpu.memref_slice %arg9[%dma_start3A_461] : memref<5568xf32, #tpu.memory_space<vmem>> -> memref<16xf32, #tpu.memory_space<vmem>>
    %dma_start3A_463 = tpu.memref_slice %arg4[%add3A_460] : memref<8000xf32, #tpu.memory_space<hbm>> -> memref<16xf32, #tpu.memory_space<hbm>>
    %dma_start3A_464 = arith.constant 5328 : i32
    %dma_start3A_465 = tpu.memref_slice %arg9[%dma_start3A_464] : memref<5568xf32, #tpu.memory_space<vmem>> -> memref<16xf32, #tpu.memory_space<vmem>>
    %dma_start3A_466 = tpu.memref_slice %arg4[%add3A_460] : memref<8000xf32, #tpu.memory_space<hbm>> -> memref<16xf32, #tpu.memory_space<hbm>>
    tpu.enqueue_dma source(%dma_start3A_466 : memref<16xf32, #tpu.memory_space<hbm>>) target(%dma_start3A_465 : memref<16xf32, #tpu.memory_space<vmem>>) target_semaphore(%arg14 : memref<!tpu.dma_semaphore, #tpu.memory_space<semaphore_mem>>)
    %add3A_467 = arith.constant 5600 : i32
    %add3A_468 = arith.addi %add3A_467, %mul3A_354 : i32
    %dma_start3A_469 = arith.constant 5344 : i32
    %dma_start3A_470 = tpu.memref_slice %arg9[%dma_start3A_469] : memref<5568xf32, #tpu.memory_space<vmem>> -> memref<16xf32, #tpu.memory_space<vmem>>
    %dma_start3A_471 = tpu.memref_slice %arg4[%add3A_468] : memref<8000xf32, #tpu.memory_space<hbm>> -> memref<16xf32, #tpu.memory_space<hbm>>
    %dma_start3A_472 = arith.constant 5344 : i32
    %dma_start3A_473 = tpu.memref_slice %arg9[%dma_start3A_472] : memref<5568xf32, #tpu.memory_space<vmem>> -> memref<16xf32, #tpu.memory_space<vmem>>
    %dma_start3A_474 = tpu.memref_slice %arg4[%add3A_468] : memref<8000xf32, #tpu.memory_space<hbm>> -> memref<16xf32, #tpu.memory_space<hbm>>
    tpu.enqueue_dma source(%dma_start3A_474 : memref<16xf32, #tpu.memory_space<hbm>>) target(%dma_start3A_473 : memref<16xf32, #tpu.memory_space<vmem>>) target_semaphore(%arg14 : memref<!tpu.dma_semaphore, #tpu.memory_space<semaphore_mem>>)
    %add3A_475 = arith.constant 6000 : i32
    %add3A_476 = arith.addi %add3A_475, %mul3A_354 : i32
    %dma_start3A_477 = arith.constant 5360 : i32
    %dma_start3A_478 = tpu.memref_slice %arg9[%dma_start3A_477] : memref<5568xf32, #tpu.memory_space<vmem>> -> memref<16xf32, #tpu.memory_space<vmem>>
    %dma_start3A_479 = tpu.memref_slice %arg4[%add3A_476] : memref<8000xf32, #tpu.memory_space<hbm>> -> memref<16xf32, #tpu.memory_space<hbm>>
    %dma_start3A_480 = arith.constant 5360 : i32
    %dma_start3A_481 = tpu.memref_slice %arg9[%dma_start3A_480] : memref<5568xf32, #tpu.memory_space<vmem>> -> memref<16xf32, #tpu.memory_space<vmem>>
    %dma_start3A_482 = tpu.memref_slice %arg4[%add3A_476] : memref<8000xf32, #tpu.memory_space<hbm>> -> memref<16xf32, #tpu.memory_space<hbm>>
    tpu.enqueue_dma source(%dma_start3A_482 : memref<16xf32, #tpu.memory_space<hbm>>) target(%dma_start3A_481 : memref<16xf32, #tpu.memory_space<vmem>>) target_semaphore(%arg14 : memref<!tpu.dma_semaphore, #tpu.memory_space<semaphore_mem>>)
    %add3A_483 = arith.constant 6400 : i32
    %add3A_484 = arith.addi %add3A_483, %mul3A_354 : i32
    %dma_start3A_485 = arith.constant 5376 : i32
    %dma_start3A_486 = tpu.memref_slice %arg9[%dma_start3A_485] : memref<5568xf32, #tpu.memory_space<vmem>> -> memref<16xf32, #tpu.memory_space<vmem>>
    %dma_start3A_487 = tpu.memref_slice %arg4[%add3A_484] : memref<8000xf32, #tpu.memory_space<hbm>> -> memref<16xf32, #tpu.memory_space<hbm>>
    %dma_start3A_488 = arith.constant 5376 : i32
    %dma_start3A_489 = tpu.memref_slice %arg9[%dma_start3A_488] : memref<5568xf32, #tpu.memory_space<vmem>> -> memref<16xf32, #tpu.memory_space<vmem>>
    %dma_start3A_490 = tpu.memref_slice %arg4[%add3A_484] : memref<8000xf32, #tpu.memory_space<hbm>> -> memref<16xf32, #tpu.memory_space<hbm>>
    tpu.enqueue_dma source(%dma_start3A_490 : memref<16xf32, #tpu.memory_space<hbm>>) target(%dma_start3A_489 : memref<16xf32, #tpu.memory_space<vmem>>) target_semaphore(%arg14 : memref<!tpu.dma_semaphore, #tpu.memory_space<semaphore_mem>>)
    %add3A_491 = arith.constant 6800 : i32
    %add3A_492 = arith.addi %add3A_491, %mul3A_354 : i32
    %dma_start3A_493 = arith.constant 5392 : i32
    %dma_start3A_494 = tpu.memref_slice %arg9[%dma_start3A_493] : memref<5568xf32, #tpu.memory_space<vmem>> -> memref<16xf32, #tpu.memory_space<vmem>>
    %dma_start3A_495 = tpu.memref_slice %arg4[%add3A_492] : memref<8000xf32, #tpu.memory_space<hbm>> -> memref<16xf32, #tpu.memory_space<hbm>>
    %dma_start3A_496 = arith.constant 5392 : i32
    %dma_start3A_497 = tpu.memref_slice %arg9[%dma_start3A_496] : memref<5568xf32, #tpu.memory_space<vmem>> -> memref<16xf32, #tpu.memory_space<vmem>>
    %dma_start3A_498 = tpu.memref_slice %arg4[%add3A_492] : memref<8000xf32, #tpu.memory_space<hbm>> -> memref<16xf32, #tpu.memory_space<hbm>>
    tpu.enqueue_dma source(%dma_start3A_498 : memref<16xf32, #tpu.memory_space<hbm>>) target(%dma_start3A_497 : memref<16xf32, #tpu.memory_space<vmem>>) target_semaphore(%arg14 : memref<!tpu.dma_semaphore, #tpu.memory_space<semaphore_mem>>)
    %add3A_499 = arith.constant 7200 : i32
    %add3A_500 = arith.addi %add3A_499, %mul3A_354 : i32
    %dma_start3A_501 = arith.constant 5408 : i32
    %dma_start3A_502 = tpu.memref_slice %arg9[%dma_start3A_501] : memref<5568xf32, #tpu.memory_space<vmem>> -> memref<16xf32, #tpu.memory_space<vmem>>
    %dma_start3A_503 = tpu.memref_slice %arg4[%add3A_500] : memref<8000xf32, #tpu.memory_space<hbm>> -> memref<16xf32, #tpu.memory_space<hbm>>
    %dma_start3A_504 = arith.constant 5408 : i32
    %dma_start3A_505 = tpu.memref_slice %arg9[%dma_start3A_504] : memref<5568xf32, #tpu.memory_space<vmem>> -> memref<16xf32, #tpu.memory_space<vmem>>
    %dma_start3A_506 = tpu.memref_slice %arg4[%add3A_500] : memref<8000xf32, #tpu.memory_space<hbm>> -> memref<16xf32, #tpu.memory_space<hbm>>
    tpu.enqueue_dma source(%dma_start3A_506 : memref<16xf32, #tpu.memory_space<hbm>>) target(%dma_start3A_505 : memref<16xf32, #tpu.memory_space<vmem>>) target_semaphore(%arg14 : memref<!tpu.dma_semaphore, #tpu.memory_space<semaphore_mem>>)
    %add3A_507 = arith.constant 7600 : i32
    %add3A_508 = arith.addi %add3A_507, %mul3A_354 : i32
    %dma_start3A_509 = arith.constant 5424 : i32
    %dma_start3A_510 = tpu.memref_slice %arg9[%dma_start3A_509] : memref<5568xf32, #tpu.memory_space<vmem>> -> memref<16xf32, #tpu.memory_space<vmem>>
    %dma_start3A_511 = tpu.memref_slice %arg4[%add3A_508] : memref<8000xf32, #tpu.memory_space<hbm>> -> memref<16xf32, #tpu.memory_space<hbm>>
    %dma_start3A_512 = arith.constant 5424 : i32
    %dma_start3A_513 = tpu.memref_slice %arg9[%dma_start3A_512] : memref<5568xf32, #tpu.memory_space<vmem>> -> memref<16xf32, #tpu.memory_space<vmem>>
    %dma_start3A_514 = tpu.memref_slice %arg4[%add3A_508] : memref<8000xf32, #tpu.memory_space<hbm>> -> memref<16xf32, #tpu.memory_space<hbm>>
    tpu.enqueue_dma source(%dma_start3A_514 : memref<16xf32, #tpu.memory_space<hbm>>) target(%dma_start3A_513 : memref<16xf32, #tpu.memory_space<vmem>>) target_semaphore(%arg14 : memref<!tpu.dma_semaphore, #tpu.memory_space<semaphore_mem>>)
    %mul3A_515 = arith.constant 1 : i32
    %mul3A_516 = arith.muli %add3A, %mul3A_515 : i32
    %min3A_517 = arith.constant 18 : i32
    %min3A_518 = arith.minsi %add3A, %min3A_517 : i32
    %add3A_519 = arith.addi %mul3A_516, %min3A_518 : i32
    %min3A_520 = arith.constant 48 : i32
    %min3A_521 = arith.minsi %add3A_519, %min3A_520 : i32
    %mul3A_522 = arith.constant 16 : i32
    %mul3A_523 = arith.muli %min3A_521, %mul3A_522 : i32
    %mul3A_524 = arith.constant 8 : i32
    %mul3A_525 = arith.muli %min3A_521, %mul3A_524 : i32
    %add3A_526 = arith.constant 0 : i32
    %add3A_527 = arith.addi %add3A_526, %mul3A_525 : i32
    %dma_start3A_528 = arith.constant 5440 : i32
    %dma_start3A_529 = tpu.memref_slice %arg9[%dma_start3A_528] : memref<5568xf32, #tpu.memory_space<vmem>> -> memref<16xf32, #tpu.memory_space<vmem>>
    %dma_start3A_530 = tpu.memref_slice %arg5[%add3A_527] : memref<3200xf32, #tpu.memory_space<hbm>> -> memref<16xf32, #tpu.memory_space<hbm>>
    %dma_start3A_531 = arith.constant 5440 : i32
    %dma_start3A_532 = tpu.memref_slice %arg9[%dma_start3A_531] : memref<5568xf32, #tpu.memory_space<vmem>> -> memref<16xf32, #tpu.memory_space<vmem>>
    %dma_start3A_533 = tpu.memref_slice %arg5[%add3A_527] : memref<3200xf32, #tpu.memory_space<hbm>> -> memref<16xf32, #tpu.memory_space<hbm>>
    tpu.enqueue_dma source(%dma_start3A_533 : memref<16xf32, #tpu.memory_space<hbm>>) target(%dma_start3A_532 : memref<16xf32, #tpu.memory_space<vmem>>) target_semaphore(%arg15 : memref<!tpu.dma_semaphore, #tpu.memory_space<semaphore_mem>>)
    %add3A_534 = arith.constant 400 : i32
    %add3A_535 = arith.addi %add3A_534, %mul3A_525 : i32
    %dma_start3A_536 = arith.constant 5456 : i32
    %dma_start3A_537 = tpu.memref_slice %arg9[%dma_start3A_536] : memref<5568xf32, #tpu.memory_space<vmem>> -> memref<16xf32, #tpu.memory_space<vmem>>
    %dma_start3A_538 = tpu.memref_slice %arg5[%add3A_535] : memref<3200xf32, #tpu.memory_space<hbm>> -> memref<16xf32, #tpu.memory_space<hbm>>
    %dma_start3A_539 = arith.constant 5456 : i32
    %dma_start3A_540 = tpu.memref_slice %arg9[%dma_start3A_539] : memref<5568xf32, #tpu.memory_space<vmem>> -> memref<16xf32, #tpu.memory_space<vmem>>
    %dma_start3A_541 = tpu.memref_slice %arg5[%add3A_535] : memref<3200xf32, #tpu.memory_space<hbm>> -> memref<16xf32, #tpu.memory_space<hbm>>
    tpu.enqueue_dma source(%dma_start3A_541 : memref<16xf32, #tpu.memory_space<hbm>>) target(%dma_start3A_540 : memref<16xf32, #tpu.memory_space<vmem>>) target_semaphore(%arg15 : memref<!tpu.dma_semaphore, #tpu.memory_space<semaphore_mem>>)
    %add3A_542 = arith.constant 800 : i32
    %add3A_543 = arith.addi %add3A_542, %mul3A_525 : i32
    %dma_start3A_544 = arith.constant 5472 : i32
    %dma_start3A_545 = tpu.memref_slice %arg9[%dma_start3A_544] : memref<5568xf32, #tpu.memory_space<vmem>> -> memref<16xf32, #tpu.memory_space<vmem>>
    %dma_start3A_546 = tpu.memref_slice %arg5[%add3A_543] : memref<3200xf32, #tpu.memory_space<hbm>> -> memref<16xf32, #tpu.memory_space<hbm>>
    %dma_start3A_547 = arith.constant 5472 : i32
    %dma_start3A_548 = tpu.memref_slice %arg9[%dma_start3A_547] : memref<5568xf32, #tpu.memory_space<vmem>> -> memref<16xf32, #tpu.memory_space<vmem>>
    %dma_start3A_549 = tpu.memref_slice %arg5[%add3A_543] : memref<3200xf32, #tpu.memory_space<hbm>> -> memref<16xf32, #tpu.memory_space<hbm>>
    tpu.enqueue_dma source(%dma_start3A_549 : memref<16xf32, #tpu.memory_space<hbm>>) target(%dma_start3A_548 : memref<16xf32, #tpu.memory_space<vmem>>) target_semaphore(%arg15 : memref<!tpu.dma_semaphore, #tpu.memory_space<semaphore_mem>>)
    %add3A_550 = arith.constant 1200 : i32
    %add3A_551 = arith.addi %add3A_550, %mul3A_525 : i32
    %dma_start3A_552 = arith.constant 5488 : i32
    %dma_start3A_553 = tpu.memref_slice %arg9[%dma_start3A_552] : memref<5568xf32, #tpu.memory_space<vmem>> -> memref<16xf32, #tpu.memory_space<vmem>>
    %dma_start3A_554 = tpu.memref_slice %arg5[%add3A_551] : memref<3200xf32, #tpu.memory_space<hbm>> -> memref<16xf32, #tpu.memory_space<hbm>>
    %dma_start3A_555 = arith.constant 5488 : i32
    %dma_start3A_556 = tpu.memref_slice %arg9[%dma_start3A_555] : memref<5568xf32, #tpu.memory_space<vmem>> -> memref<16xf32, #tpu.memory_space<vmem>>
    %dma_start3A_557 = tpu.memref_slice %arg5[%add3A_551] : memref<3200xf32, #tpu.memory_space<hbm>> -> memref<16xf32, #tpu.memory_space<hbm>>
    tpu.enqueue_dma source(%dma_start3A_557 : memref<16xf32, #tpu.memory_space<hbm>>) target(%dma_start3A_556 : memref<16xf32, #tpu.memory_space<vmem>>) target_semaphore(%arg15 : memref<!tpu.dma_semaphore, #tpu.memory_space<semaphore_mem>>)
    %add3A_558 = arith.constant 1600 : i32
    %add3A_559 = arith.addi %add3A_558, %mul3A_525 : i32
    %dma_start3A_560 = arith.constant 5504 : i32
    %dma_start3A_561 = tpu.memref_slice %arg9[%dma_start3A_560] : memref<5568xf32, #tpu.memory_space<vmem>> -> memref<16xf32, #tpu.memory_space<vmem>>
    %dma_start3A_562 = tpu.memref_slice %arg5[%add3A_559] : memref<3200xf32, #tpu.memory_space<hbm>> -> memref<16xf32, #tpu.memory_space<hbm>>
    %dma_start3A_563 = arith.constant 5504 : i32
    %dma_start3A_564 = tpu.memref_slice %arg9[%dma_start3A_563] : memref<5568xf32, #tpu.memory_space<vmem>> -> memref<16xf32, #tpu.memory_space<vmem>>
    %dma_start3A_565 = tpu.memref_slice %arg5[%add3A_559] : memref<3200xf32, #tpu.memory_space<hbm>> -> memref<16xf32, #tpu.memory_space<hbm>>
    tpu.enqueue_dma source(%dma_start3A_565 : memref<16xf32, #tpu.memory_space<hbm>>) target(%dma_start3A_564 : memref<16xf32, #tpu.memory_space<vmem>>) target_semaphore(%arg15 : memref<!tpu.dma_semaphore, #tpu.memory_space<semaphore_mem>>)
    %add3A_566 = arith.constant 2000 : i32
    %add3A_567 = arith.addi %add3A_566, %mul3A_525 : i32
    %dma_start3A_568 = arith.constant 5520 : i32
    %dma_start3A_569 = tpu.memref_slice %arg9[%dma_start3A_568] : memref<5568xf32, #tpu.memory_space<vmem>> -> memref<16xf32, #tpu.memory_space<vmem>>
    %dma_start3A_570 = tpu.memref_slice %arg5[%add3A_567] : memref<3200xf32, #tpu.memory_space<hbm>> -> memref<16xf32, #tpu.memory_space<hbm>>
    %dma_start3A_571 = arith.constant 5520 : i32
    %dma_start3A_572 = tpu.memref_slice %arg9[%dma_start3A_571] : memref<5568xf32, #tpu.memory_space<vmem>> -> memref<16xf32, #tpu.memory_space<vmem>>
    %dma_start3A_573 = tpu.memref_slice %arg5[%add3A_567] : memref<3200xf32, #tpu.memory_space<hbm>> -> memref<16xf32, #tpu.memory_space<hbm>>
    tpu.enqueue_dma source(%dma_start3A_573 : memref<16xf32, #tpu.memory_space<hbm>>) target(%dma_start3A_572 : memref<16xf32, #tpu.memory_space<vmem>>) target_semaphore(%arg15 : memref<!tpu.dma_semaphore, #tpu.memory_space<semaphore_mem>>)
    %add3A_574 = arith.constant 2400 : i32
    %add3A_575 = arith.addi %add3A_574, %mul3A_525 : i32
    %dma_start3A_576 = arith.constant 5536 : i32
    %dma_start3A_577 = tpu.memref_slice %arg9[%dma_start3A_576] : memref<5568xf32, #tpu.memory_space<vmem>> -> memref<16xf32, #tpu.memory_space<vmem>>
    %dma_start3A_578 = tpu.memref_slice %arg5[%add3A_575] : memref<3200xf32, #tpu.memory_space<hbm>> -> memref<16xf32, #tpu.memory_space<hbm>>
    %dma_start3A_579 = arith.constant 5536 : i32
    %dma_start3A_580 = tpu.memref_slice %arg9[%dma_start3A_579] : memref<5568xf32, #tpu.memory_space<vmem>> -> memref<16xf32, #tpu.memory_space<vmem>>
    %dma_start3A_581 = tpu.memref_slice %arg5[%add3A_575] : memref<3200xf32, #tpu.memory_space<hbm>> -> memref<16xf32, #tpu.memory_space<hbm>>
    tpu.enqueue_dma source(%dma_start3A_581 : memref<16xf32, #tpu.memory_space<hbm>>) target(%dma_start3A_580 : memref<16xf32, #tpu.memory_space<vmem>>) target_semaphore(%arg15 : memref<!tpu.dma_semaphore, #tpu.memory_space<semaphore_mem>>)
    %add3A_582 = arith.constant 2800 : i32
    %add3A_583 = arith.addi %add3A_582, %mul3A_525 : i32
    %dma_start3A_584 = arith.constant 5552 : i32
    %dma_start3A_585 = tpu.memref_slice %arg9[%dma_start3A_584] : memref<5568xf32, #tpu.memory_space<vmem>> -> memref<16xf32, #tpu.memory_space<vmem>>
    %dma_start3A_586 = tpu.memref_slice %arg5[%add3A_583] : memref<3200xf32, #tpu.memory_space<hbm>> -> memref<16xf32, #tpu.memory_space<hbm>>
    %dma_start3A_587 = arith.constant 5552 : i32
    %dma_start3A_588 = tpu.memref_slice %arg9[%dma_start3A_587] : memref<5568xf32, #tpu.memory_space<vmem>> -> memref<16xf32, #tpu.memory_space<vmem>>
    %dma_start3A_589 = tpu.memref_slice %arg5[%add3A_583] : memref<3200xf32, #tpu.memory_space<hbm>> -> memref<16xf32, #tpu.memory_space<hbm>>
    tpu.enqueue_dma source(%dma_start3A_589 : memref<16xf32, #tpu.memory_space<hbm>>) target(%dma_start3A_588 : memref<16xf32, #tpu.memory_space<vmem>>) target_semaphore(%arg15 : memref<!tpu.dma_semaphore, #tpu.memory_space<semaphore_mem>>)
    %dma_wait3A = arith.constant 0 : i32
    %dma_wait3A_590 = tpu.memref_slice %arg9[%dma_wait3A] : memref<5568xf32, #tpu.memory_space<vmem>> -> memref<200xf32, #tpu.memory_space<vmem>>
    %dma_wait3A_591 = tpu.memref_slice %arg2[%add3A_16] : memref<128000xf32, #tpu.memory_space<hbm>> -> memref<200xf32, #tpu.memory_space<hbm>>
    %dma_wait3A_592 = arith.constant 0 : i32
    %dma_wait3A_593 = tpu.memref_slice %arg9[%dma_wait3A_592] : memref<5568xf32, #tpu.memory_space<vmem>> -> memref<200xf32, #tpu.memory_space<vmem>>
    %dma_wait3A_594 = tpu.memref_slice %arg2[%add3A_16] : memref<128000xf32, #tpu.memory_space<hbm>> -> memref<200xf32, #tpu.memory_space<hbm>>
    tpu.wait_dma2 semaphore(%arg12 : memref<!tpu.dma_semaphore, #tpu.memory_space<semaphore_mem>>) src(%dma_wait3A_594 : memref<200xf32, #tpu.memory_space<hbm>>) dst(%dma_wait3A_593 : memref<200xf32, #tpu.memory_space<vmem>>)
    %dma_wait3A_595 = arith.constant 200 : i32
    %dma_wait3A_596 = tpu.memref_slice %arg9[%dma_wait3A_595] : memref<5568xf32, #tpu.memory_space<vmem>> -> memref<200xf32, #tpu.memory_space<vmem>>
    %dma_wait3A_597 = tpu.memref_slice %arg2[%add3A_23] : memref<128000xf32, #tpu.memory_space<hbm>> -> memref<200xf32, #tpu.memory_space<hbm>>
    %dma_wait3A_598 = arith.constant 200 : i32
    %dma_wait3A_599 = tpu.memref_slice %arg9[%dma_wait3A_598] : memref<5568xf32, #tpu.memory_space<vmem>> -> memref<200xf32, #tpu.memory_space<vmem>>
    %dma_wait3A_600 = tpu.memref_slice %arg2[%add3A_23] : memref<128000xf32, #tpu.memory_space<hbm>> -> memref<200xf32, #tpu.memory_space<hbm>>
    tpu.wait_dma2 semaphore(%arg12 : memref<!tpu.dma_semaphore, #tpu.memory_space<semaphore_mem>>) src(%dma_wait3A_600 : memref<200xf32, #tpu.memory_space<hbm>>) dst(%dma_wait3A_599 : memref<200xf32, #tpu.memory_space<vmem>>)
    %dma_wait3A_601 = arith.constant 400 : i32
    %dma_wait3A_602 = tpu.memref_slice %arg9[%dma_wait3A_601] : memref<5568xf32, #tpu.memory_space<vmem>> -> memref<200xf32, #tpu.memory_space<vmem>>
    %dma_wait3A_603 = tpu.memref_slice %arg2[%add3A_31] : memref<128000xf32, #tpu.memory_space<hbm>> -> memref<200xf32, #tpu.memory_space<hbm>>
    %dma_wait3A_604 = arith.constant 400 : i32
    %dma_wait3A_605 = tpu.memref_slice %arg9[%dma_wait3A_604] : memref<5568xf32, #tpu.memory_space<vmem>> -> memref<200xf32, #tpu.memory_space<vmem>>
    %dma_wait3A_606 = tpu.memref_slice %arg2[%add3A_31] : memref<128000xf32, #tpu.memory_space<hbm>> -> memref<200xf32, #tpu.memory_space<hbm>>
    tpu.wait_dma2 semaphore(%arg12 : memref<!tpu.dma_semaphore, #tpu.memory_space<semaphore_mem>>) src(%dma_wait3A_606 : memref<200xf32, #tpu.memory_space<hbm>>) dst(%dma_wait3A_605 : memref<200xf32, #tpu.memory_space<vmem>>)
    %dma_wait3A_607 = arith.constant 600 : i32
    %dma_wait3A_608 = tpu.memref_slice %arg9[%dma_wait3A_607] : memref<5568xf32, #tpu.memory_space<vmem>> -> memref<200xf32, #tpu.memory_space<vmem>>
    %dma_wait3A_609 = tpu.memref_slice %arg2[%add3A_39] : memref<128000xf32, #tpu.memory_space<hbm>> -> memref<200xf32, #tpu.memory_space<hbm>>
    %dma_wait3A_610 = arith.constant 600 : i32
    %dma_wait3A_611 = tpu.memref_slice %arg9[%dma_wait3A_610] : memref<5568xf32, #tpu.memory_space<vmem>> -> memref<200xf32, #tpu.memory_space<vmem>>
    %dma_wait3A_612 = tpu.memref_slice %arg2[%add3A_39] : memref<128000xf32, #tpu.memory_space<hbm>> -> memref<200xf32, #tpu.memory_space<hbm>>
    tpu.wait_dma2 semaphore(%arg12 : memref<!tpu.dma_semaphore, #tpu.memory_space<semaphore_mem>>) src(%dma_wait3A_612 : memref<200xf32, #tpu.memory_space<hbm>>) dst(%dma_wait3A_611 : memref<200xf32, #tpu.memory_space<vmem>>)
    %dma_wait3A_613 = arith.constant 800 : i32
    %dma_wait3A_614 = tpu.memref_slice %arg9[%dma_wait3A_613] : memref<5568xf32, #tpu.memory_space<vmem>> -> memref<200xf32, #tpu.memory_space<vmem>>
    %dma_wait3A_615 = tpu.memref_slice %arg2[%add3A_47] : memref<128000xf32, #tpu.memory_space<hbm>> -> memref<200xf32, #tpu.memory_space<hbm>>
    %dma_wait3A_616 = arith.constant 800 : i32
    %dma_wait3A_617 = tpu.memref_slice %arg9[%dma_wait3A_616] : memref<5568xf32, #tpu.memory_space<vmem>> -> memref<200xf32, #tpu.memory_space<vmem>>
    %dma_wait3A_618 = tpu.memref_slice %arg2[%add3A_47] : memref<128000xf32, #tpu.memory_space<hbm>> -> memref<200xf32, #tpu.memory_space<hbm>>
    tpu.wait_dma2 semaphore(%arg12 : memref<!tpu.dma_semaphore, #tpu.memory_space<semaphore_mem>>) src(%dma_wait3A_618 : memref<200xf32, #tpu.memory_space<hbm>>) dst(%dma_wait3A_617 : memref<200xf32, #tpu.memory_space<vmem>>)
    %dma_wait3A_619 = arith.constant 1000 : i32
    %dma_wait3A_620 = tpu.memref_slice %arg9[%dma_wait3A_619] : memref<5568xf32, #tpu.memory_space<vmem>> -> memref<200xf32, #tpu.memory_space<vmem>>
    %dma_wait3A_621 = tpu.memref_slice %arg2[%add3A_55] : memref<128000xf32, #tpu.memory_space<hbm>> -> memref<200xf32, #tpu.memory_space<hbm>>
    %dma_wait3A_622 = arith.constant 1000 : i32
    %dma_wait3A_623 = tpu.memref_slice %arg9[%dma_wait3A_622] : memref<5568xf32, #tpu.memory_space<vmem>> -> memref<200xf32, #tpu.memory_space<vmem>>
    %dma_wait3A_624 = tpu.memref_slice %arg2[%add3A_55] : memref<128000xf32, #tpu.memory_space<hbm>> -> memref<200xf32, #tpu.memory_space<hbm>>
    tpu.wait_dma2 semaphore(%arg12 : memref<!tpu.dma_semaphore, #tpu.memory_space<semaphore_mem>>) src(%dma_wait3A_624 : memref<200xf32, #tpu.memory_space<hbm>>) dst(%dma_wait3A_623 : memref<200xf32, #tpu.memory_space<vmem>>)
    %dma_wait3A_625 = arith.constant 1200 : i32
    %dma_wait3A_626 = tpu.memref_slice %arg9[%dma_wait3A_625] : memref<5568xf32, #tpu.memory_space<vmem>> -> memref<200xf32, #tpu.memory_space<vmem>>
    %dma_wait3A_627 = tpu.memref_slice %arg2[%add3A_63] : memref<128000xf32, #tpu.memory_space<hbm>> -> memref<200xf32, #tpu.memory_space<hbm>>
    %dma_wait3A_628 = arith.constant 1200 : i32
    %dma_wait3A_629 = tpu.memref_slice %arg9[%dma_wait3A_628] : memref<5568xf32, #tpu.memory_space<vmem>> -> memref<200xf32, #tpu.memory_space<vmem>>
    %dma_wait3A_630 = tpu.memref_slice %arg2[%add3A_63] : memref<128000xf32, #tpu.memory_space<hbm>> -> memref<200xf32, #tpu.memory_space<hbm>>
    tpu.wait_dma2 semaphore(%arg12 : memref<!tpu.dma_semaphore, #tpu.memory_space<semaphore_mem>>) src(%dma_wait3A_630 : memref<200xf32, #tpu.memory_space<hbm>>) dst(%dma_wait3A_629 : memref<200xf32, #tpu.memory_space<vmem>>)
    %dma_wait3A_631 = arith.constant 1400 : i32
    %dma_wait3A_632 = tpu.memref_slice %arg9[%dma_wait3A_631] : memref<5568xf32, #tpu.memory_space<vmem>> -> memref<200xf32, #tpu.memory_space<vmem>>
    %dma_wait3A_633 = tpu.memref_slice %arg2[%add3A_71] : memref<128000xf32, #tpu.memory_space<hbm>> -> memref<200xf32, #tpu.memory_space<hbm>>
    %dma_wait3A_634 = arith.constant 1400 : i32
    %dma_wait3A_635 = tpu.memref_slice %arg9[%dma_wait3A_634] : memref<5568xf32, #tpu.memory_space<vmem>> -> memref<200xf32, #tpu.memory_space<vmem>>
    %dma_wait3A_636 = tpu.memref_slice %arg2[%add3A_71] : memref<128000xf32, #tpu.memory_space<hbm>> -> memref<200xf32, #tpu.memory_space<hbm>>
    tpu.wait_dma2 semaphore(%arg12 : memref<!tpu.dma_semaphore, #tpu.memory_space<semaphore_mem>>) src(%dma_wait3A_636 : memref<200xf32, #tpu.memory_space<hbm>>) dst(%dma_wait3A_635 : memref<200xf32, #tpu.memory_space<vmem>>)
    %dma_wait3A_637 = arith.constant 1600 : i32
    %dma_wait3A_638 = tpu.memref_slice %arg9[%dma_wait3A_637] : memref<5568xf32, #tpu.memory_space<vmem>> -> memref<200xf32, #tpu.memory_space<vmem>>
    %dma_wait3A_639 = tpu.memref_slice %arg2[%add3A_79] : memref<128000xf32, #tpu.memory_space<hbm>> -> memref<200xf32, #tpu.memory_space<hbm>>
    %dma_wait3A_640 = arith.constant 1600 : i32
    %dma_wait3A_641 = tpu.memref_slice %arg9[%dma_wait3A_640] : memref<5568xf32, #tpu.memory_space<vmem>> -> memref<200xf32, #tpu.memory_space<vmem>>
    %dma_wait3A_642 = tpu.memref_slice %arg2[%add3A_79] : memref<128000xf32, #tpu.memory_space<hbm>> -> memref<200xf32, #tpu.memory_space<hbm>>
    tpu.wait_dma2 semaphore(%arg12 : memref<!tpu.dma_semaphore, #tpu.memory_space<semaphore_mem>>) src(%dma_wait3A_642 : memref<200xf32, #tpu.memory_space<hbm>>) dst(%dma_wait3A_641 : memref<200xf32, #tpu.memory_space<vmem>>)
    %dma_wait3A_643 = arith.constant 1800 : i32
    %dma_wait3A_644 = tpu.memref_slice %arg9[%dma_wait3A_643] : memref<5568xf32, #tpu.memory_space<vmem>> -> memref<200xf32, #tpu.memory_space<vmem>>
    %dma_wait3A_645 = tpu.memref_slice %arg2[%add3A_87] : memref<128000xf32, #tpu.memory_space<hbm>> -> memref<200xf32, #tpu.memory_space<hbm>>
    %dma_wait3A_646 = arith.constant 1800 : i32
    %dma_wait3A_647 = tpu.memref_slice %arg9[%dma_wait3A_646] : memref<5568xf32, #tpu.memory_space<vmem>> -> memref<200xf32, #tpu.memory_space<vmem>>
    %dma_wait3A_648 = tpu.memref_slice %arg2[%add3A_87] : memref<128000xf32, #tpu.memory_space<hbm>> -> memref<200xf32, #tpu.memory_space<hbm>>
    tpu.wait_dma2 semaphore(%arg12 : memref<!tpu.dma_semaphore, #tpu.memory_space<semaphore_mem>>) src(%dma_wait3A_648 : memref<200xf32, #tpu.memory_space<hbm>>) dst(%dma_wait3A_647 : memref<200xf32, #tpu.memory_space<vmem>>)
    %dma_wait3A_649 = arith.constant 2000 : i32
    %dma_wait3A_650 = tpu.memref_slice %arg9[%dma_wait3A_649] : memref<5568xf32, #tpu.memory_space<vmem>> -> memref<200xf32, #tpu.memory_space<vmem>>
    %dma_wait3A_651 = tpu.memref_slice %arg2[%add3A_95] : memref<128000xf32, #tpu.memory_space<hbm>> -> memref<200xf32, #tpu.memory_space<hbm>>
    %dma_wait3A_652 = arith.constant 2000 : i32
    %dma_wait3A_653 = tpu.memref_slice %arg9[%dma_wait3A_652] : memref<5568xf32, #tpu.memory_space<vmem>> -> memref<200xf32, #tpu.memory_space<vmem>>
    %dma_wait3A_654 = tpu.memref_slice %arg2[%add3A_95] : memref<128000xf32, #tpu.memory_space<hbm>> -> memref<200xf32, #tpu.memory_space<hbm>>
    tpu.wait_dma2 semaphore(%arg12 : memref<!tpu.dma_semaphore, #tpu.memory_space<semaphore_mem>>) src(%dma_wait3A_654 : memref<200xf32, #tpu.memory_space<hbm>>) dst(%dma_wait3A_653 : memref<200xf32, #tpu.memory_space<vmem>>)
    %dma_wait3A_655 = arith.constant 2200 : i32
    %dma_wait3A_656 = tpu.memref_slice %arg9[%dma_wait3A_655] : memref<5568xf32, #tpu.memory_space<vmem>> -> memref<200xf32, #tpu.memory_space<vmem>>
    %dma_wait3A_657 = tpu.memref_slice %arg2[%add3A_103] : memref<128000xf32, #tpu.memory_space<hbm>> -> memref<200xf32, #tpu.memory_space<hbm>>
    %dma_wait3A_658 = arith.constant 2200 : i32
    %dma_wait3A_659 = tpu.memref_slice %arg9[%dma_wait3A_658] : memref<5568xf32, #tpu.memory_space<vmem>> -> memref<200xf32, #tpu.memory_space<vmem>>
    %dma_wait3A_660 = tpu.memref_slice %arg2[%add3A_103] : memref<128000xf32, #tpu.memory_space<hbm>> -> memref<200xf32, #tpu.memory_space<hbm>>
    tpu.wait_dma2 semaphore(%arg12 : memref<!tpu.dma_semaphore, #tpu.memory_space<semaphore_mem>>) src(%dma_wait3A_660 : memref<200xf32, #tpu.memory_space<hbm>>) dst(%dma_wait3A_659 : memref<200xf32, #tpu.memory_space<vmem>>)
    %dma_wait3A_661 = arith.constant 2400 : i32
    %dma_wait3A_662 = tpu.memref_slice %arg9[%dma_wait3A_661] : memref<5568xf32, #tpu.memory_space<vmem>> -> memref<200xf32, #tpu.memory_space<vmem>>
    %dma_wait3A_663 = tpu.memref_slice %arg2[%add3A_111] : memref<128000xf32, #tpu.memory_space<hbm>> -> memref<200xf32, #tpu.memory_space<hbm>>
    %dma_wait3A_664 = arith.constant 2400 : i32
    %dma_wait3A_665 = tpu.memref_slice %arg9[%dma_wait3A_664] : memref<5568xf32, #tpu.memory_space<vmem>> -> memref<200xf32, #tpu.memory_space<vmem>>
    %dma_wait3A_666 = tpu.memref_slice %arg2[%add3A_111] : memref<128000xf32, #tpu.memory_space<hbm>> -> memref<200xf32, #tpu.memory_space<hbm>>
    tpu.wait_dma2 semaphore(%arg12 : memref<!tpu.dma_semaphore, #tpu.memory_space<semaphore_mem>>) src(%dma_wait3A_666 : memref<200xf32, #tpu.memory_space<hbm>>) dst(%dma_wait3A_665 : memref<200xf32, #tpu.memory_space<vmem>>)
    %dma_wait3A_667 = arith.constant 2600 : i32
    %dma_wait3A_668 = tpu.memref_slice %arg9[%dma_wait3A_667] : memref<5568xf32, #tpu.memory_space<vmem>> -> memref<200xf32, #tpu.memory_space<vmem>>
    %dma_wait3A_669 = tpu.memref_slice %arg2[%add3A_119] : memref<128000xf32, #tpu.memory_space<hbm>> -> memref<200xf32, #tpu.memory_space<hbm>>
    %dma_wait3A_670 = arith.constant 2600 : i32
    %dma_wait3A_671 = tpu.memref_slice %arg9[%dma_wait3A_670] : memref<5568xf32, #tpu.memory_space<vmem>> -> memref<200xf32, #tpu.memory_space<vmem>>
    %dma_wait3A_672 = tpu.memref_slice %arg2[%add3A_119] : memref<128000xf32, #tpu.memory_space<hbm>> -> memref<200xf32, #tpu.memory_space<hbm>>
    tpu.wait_dma2 semaphore(%arg12 : memref<!tpu.dma_semaphore, #tpu.memory_space<semaphore_mem>>) src(%dma_wait3A_672 : memref<200xf32, #tpu.memory_space<hbm>>) dst(%dma_wait3A_671 : memref<200xf32, #tpu.memory_space<vmem>>)
    %dma_wait3A_673 = arith.constant 2800 : i32
    %dma_wait3A_674 = tpu.memref_slice %arg9[%dma_wait3A_673] : memref<5568xf32, #tpu.memory_space<vmem>> -> memref<200xf32, #tpu.memory_space<vmem>>
    %dma_wait3A_675 = tpu.memref_slice %arg2[%add3A_127] : memref<128000xf32, #tpu.memory_space<hbm>> -> memref<200xf32, #tpu.memory_space<hbm>>
    %dma_wait3A_676 = arith.constant 2800 : i32
    %dma_wait3A_677 = tpu.memref_slice %arg9[%dma_wait3A_676] : memref<5568xf32, #tpu.memory_space<vmem>> -> memref<200xf32, #tpu.memory_space<vmem>>
    %dma_wait3A_678 = tpu.memref_slice %arg2[%add3A_127] : memref<128000xf32, #tpu.memory_space<hbm>> -> memref<200xf32, #tpu.memory_space<hbm>>
    tpu.wait_dma2 semaphore(%arg12 : memref<!tpu.dma_semaphore, #tpu.memory_space<semaphore_mem>>) src(%dma_wait3A_678 : memref<200xf32, #tpu.memory_space<hbm>>) dst(%dma_wait3A_677 : memref<200xf32, #tpu.memory_space<vmem>>)
    %dma_wait3A_679 = arith.constant 3000 : i32
    %dma_wait3A_680 = tpu.memref_slice %arg9[%dma_wait3A_679] : memref<5568xf32, #tpu.memory_space<vmem>> -> memref<200xf32, #tpu.memory_space<vmem>>
    %dma_wait3A_681 = tpu.memref_slice %arg2[%add3A_135] : memref<128000xf32, #tpu.memory_space<hbm>> -> memref<200xf32, #tpu.memory_space<hbm>>
    %dma_wait3A_682 = arith.constant 3000 : i32
    %dma_wait3A_683 = tpu.memref_slice %arg9[%dma_wait3A_682] : memref<5568xf32, #tpu.memory_space<vmem>> -> memref<200xf32, #tpu.memory_space<vmem>>
    %dma_wait3A_684 = tpu.memref_slice %arg2[%add3A_135] : memref<128000xf32, #tpu.memory_space<hbm>> -> memref<200xf32, #tpu.memory_space<hbm>>
    tpu.wait_dma2 semaphore(%arg12 : memref<!tpu.dma_semaphore, #tpu.memory_space<semaphore_mem>>) src(%dma_wait3A_684 : memref<200xf32, #tpu.memory_space<hbm>>) dst(%dma_wait3A_683 : memref<200xf32, #tpu.memory_space<vmem>>)
    %dma_wait3A_685 = arith.constant 3200 : i32
    %dma_wait3A_686 = tpu.memref_slice %arg9[%dma_wait3A_685] : memref<5568xf32, #tpu.memory_space<vmem>> -> memref<200xf32, #tpu.memory_space<vmem>>
    %dma_wait3A_687 = tpu.memref_slice %arg2[%add3A_143] : memref<128000xf32, #tpu.memory_space<hbm>> -> memref<200xf32, #tpu.memory_space<hbm>>
    %dma_wait3A_688 = arith.constant 3200 : i32
    %dma_wait3A_689 = tpu.memref_slice %arg9[%dma_wait3A_688] : memref<5568xf32, #tpu.memory_space<vmem>> -> memref<200xf32, #tpu.memory_space<vmem>>
    %dma_wait3A_690 = tpu.memref_slice %arg2[%add3A_143] : memref<128000xf32, #tpu.memory_space<hbm>> -> memref<200xf32, #tpu.memory_space<hbm>>
    tpu.wait_dma2 semaphore(%arg12 : memref<!tpu.dma_semaphore, #tpu.memory_space<semaphore_mem>>) src(%dma_wait3A_690 : memref<200xf32, #tpu.memory_space<hbm>>) dst(%dma_wait3A_689 : memref<200xf32, #tpu.memory_space<vmem>>)
    %dma_wait3A_691 = arith.constant 3400 : i32
    %dma_wait3A_692 = tpu.memref_slice %arg9[%dma_wait3A_691] : memref<5568xf32, #tpu.memory_space<vmem>> -> memref<200xf32, #tpu.memory_space<vmem>>
    %dma_wait3A_693 = tpu.memref_slice %arg2[%add3A_151] : memref<128000xf32, #tpu.memory_space<hbm>> -> memref<200xf32, #tpu.memory_space<hbm>>
    %dma_wait3A_694 = arith.constant 3400 : i32
    %dma_wait3A_695 = tpu.memref_slice %arg9[%dma_wait3A_694] : memref<5568xf32, #tpu.memory_space<vmem>> -> memref<200xf32, #tpu.memory_space<vmem>>
    %dma_wait3A_696 = tpu.memref_slice %arg2[%add3A_151] : memref<128000xf32, #tpu.memory_space<hbm>> -> memref<200xf32, #tpu.memory_space<hbm>>
    tpu.wait_dma2 semaphore(%arg12 : memref<!tpu.dma_semaphore, #tpu.memory_space<semaphore_mem>>) src(%dma_wait3A_696 : memref<200xf32, #tpu.memory_space<hbm>>) dst(%dma_wait3A_695 : memref<200xf32, #tpu.memory_space<vmem>>)
    %dma_wait3A_697 = arith.constant 3600 : i32
    %dma_wait3A_698 = tpu.memref_slice %arg9[%dma_wait3A_697] : memref<5568xf32, #tpu.memory_space<vmem>> -> memref<200xf32, #tpu.memory_space<vmem>>
    %dma_wait3A_699 = tpu.memref_slice %arg2[%add3A_159] : memref<128000xf32, #tpu.memory_space<hbm>> -> memref<200xf32, #tpu.memory_space<hbm>>
    %dma_wait3A_700 = arith.constant 3600 : i32
    %dma_wait3A_701 = tpu.memref_slice %arg9[%dma_wait3A_700] : memref<5568xf32, #tpu.memory_space<vmem>> -> memref<200xf32, #tpu.memory_space<vmem>>
    %dma_wait3A_702 = tpu.memref_slice %arg2[%add3A_159] : memref<128000xf32, #tpu.memory_space<hbm>> -> memref<200xf32, #tpu.memory_space<hbm>>
    tpu.wait_dma2 semaphore(%arg12 : memref<!tpu.dma_semaphore, #tpu.memory_space<semaphore_mem>>) src(%dma_wait3A_702 : memref<200xf32, #tpu.memory_space<hbm>>) dst(%dma_wait3A_701 : memref<200xf32, #tpu.memory_space<vmem>>)
    %dma_wait3A_703 = arith.constant 3800 : i32
    %dma_wait3A_704 = tpu.memref_slice %arg9[%dma_wait3A_703] : memref<5568xf32, #tpu.memory_space<vmem>> -> memref<200xf32, #tpu.memory_space<vmem>>
    %dma_wait3A_705 = tpu.memref_slice %arg2[%add3A_167] : memref<128000xf32, #tpu.memory_space<hbm>> -> memref<200xf32, #tpu.memory_space<hbm>>
    %dma_wait3A_706 = arith.constant 3800 : i32
    %dma_wait3A_707 = tpu.memref_slice %arg9[%dma_wait3A_706] : memref<5568xf32, #tpu.memory_space<vmem>> -> memref<200xf32, #tpu.memory_space<vmem>>
    %dma_wait3A_708 = tpu.memref_slice %arg2[%add3A_167] : memref<128000xf32, #tpu.memory_space<hbm>> -> memref<200xf32, #tpu.memory_space<hbm>>
    tpu.wait_dma2 semaphore(%arg12 : memref<!tpu.dma_semaphore, #tpu.memory_space<semaphore_mem>>) src(%dma_wait3A_708 : memref<200xf32, #tpu.memory_space<hbm>>) dst(%dma_wait3A_707 : memref<200xf32, #tpu.memory_space<vmem>>)
    %and3A = arith.constant 1 : i32
    %and3A_709 = vector.broadcast %and3A : i32 to vector<16xi32>
    %and3A_710 = arith.andi %iota3A, %and3A_709 : vector<16xi32>
    %mul3A_711 = arith.constant 2000 : i32
    %mul3A_712 = vector.broadcast %mul3A_711 : i32 to vector<16xi32>
    %mul3A_713 = arith.muli %and3A_710, %mul3A_712 : vector<16xi32>
    %shift_right_logical3A = arith.constant 1 : i32
    %shift_right_logical3A_714 = vector.broadcast %shift_right_logical3A : i32 to vector<16xi32>
    %shift_right_logical3A_715 = arith.shrui %iota3A, %shift_right_logical3A_714 : vector<16xi32>
    %add3A_716 = arith.addi %mul3A_713, %shift_right_logical3A_715 : vector<16xi32>
    %scan3A = arith.constant 8.000000e+00 : f32
    %scan3A_717 = arith.constant 0 : i32
    %scan3A_718 = arith.constant 25 : i32
    %scan3A_719 = arith.addi %scan3A_717, %scan3A_718 : i32
    %scan3A_720 = arith.constant 1 : i32
    scf.for %scan3A_1533 = %scan3A_717 to %scan3A_719 step %scan3A_720  : i32 {
      %mul3A_1534 = arith.constant 16 : i32
      %mul3A_1535 = arith.muli %scan3A_1533, %mul3A_1534 : i32
      %add3A_1536 = arith.addi %mul3A_10, %mul3A_1535 : i32
      %add3A_1537 = vector.broadcast %add3A_1536 : i32 to vector<16xi32>
      %add3A_1538 = arith.addi %iota3A, %add3A_1537 : vector<16xi32>
      %shift_right_logical3A_1539 = arith.constant 1 : i32
      %shift_right_logical3A_1540 = vector.broadcast %shift_right_logical3A_1539 : i32 to vector<16xi32>
      %shift_right_logical3A_1541 = arith.shrui %add3A_1538, %shift_right_logical3A_1540 : vector<16xi32>
      %div3A = arith.constant 80 : i32
      %div3A_1542 = vector.broadcast %div3A : i32 to vector<16xi32>
      %div3A_1543 = arith.divsi %shift_right_logical3A_1541, %div3A_1542 : vector<16xi32>
      %mul3A_1544 = arith.constant 80 : i32
      %mul3A_1545 = vector.broadcast %mul3A_1544 : i32 to vector<16xi32>
      %mul3A_1546 = arith.muli %div3A_1543, %mul3A_1545 : vector<16xi32>
      %sub3A = arith.subi %shift_right_logical3A_1541, %mul3A_1546 : vector<16xi32>
      %mul3A_1547 = arith.constant 8 : i32
      %mul3A_1548 = vector.broadcast %mul3A_1547 : i32 to vector<16xi32>
      %mul3A_1549 = arith.muli %sub3A, %mul3A_1548 : vector<16xi32>
      %convert_element_type3A = arith.sitofp %mul3A_1549 : vector<16xi32> to vector<16xf32>
      %mul3A_1550 = arith.constant 8 : i32
      %mul3A_1551 = vector.broadcast %mul3A_1550 : i32 to vector<16xi32>
      %mul3A_1552 = arith.muli %div3A_1543, %mul3A_1551 : vector<16xi32>
      %convert_element_type3A_1553 = arith.sitofp %mul3A_1552 : vector<16xi32> to vector<16xf32>
      %mul3A_1554 = arith.constant 8 : i32
      %mul3A_1555 = arith.muli %scan3A_1533, %mul3A_1554 : i32
      %add3A_1556 = arith.constant 0 : i32
      %add3A_1557 = arith.addi %add3A_1556, %mul3A_1555 : i32
      %mul3A_1558 = arith.constant 16 : i32
      %mul3A_1559 = arith.muli %scan3A_1533, %mul3A_1558 : i32
      %add3A_1560 = arith.constant 0 : i32
      %add3A_1561 = arith.addi %add3A_1560, %mul3A_1559 : i32
      %add3A_1562 = arith.constant 0 : i32
      %add3A_1563 = arith.addi %add3A_1557, %add3A_1562 : i32
      %add3A_1564 = vector.broadcast %add3A_1563 : i32 to vector<16xi32>
      %add3A_1565 = arith.addi %add3A_716, %add3A_1564 : vector<16xi32>
      %gather3A = tpu.vector_load_idx %arg9[%add3A_1565] : memref<5568xf32, #tpu.memory_space<vmem>>[vector<16xi32>], vector<16xf32>,
      %mul3A_1566 = vector.broadcast %scan3A : f32 to vector<16xf32>
      %mul3A_1567 = arith.mulf %gather3A, %mul3A_1566 : vector<16xf32>
      %add3A_1568 = arith.addf %mul3A_1567, %convert_element_type3A : vector<16xf32>
      %mul3A_1569 = arith.mulf %add3A_1568, %get3A_4 : vector<16xf32>
      %add3A_1570 = arith.constant 0 : i32
      %add3A_1571 = arith.addi %add3A_1570, %add3A_1561 : i32
      %swap3A = arith.index_cast %add3A_1571 : i32 to index
      %swap3A_1572 = tpu.vector_load %arg10[%swap3A] {strides = array<i32>} : memref<5568xf32, #tpu.memory_space<vmem>>, vector<16xf32>,
      tpu.vector_store %arg10[%swap3A], %mul3A_1569 {strides = array<i32>} : memref<5568xf32, #tpu.memory_space<vmem>>, vector<16xf32>,
      %add3A_1573 = arith.constant 200 : i32
      %add3A_1574 = arith.addi %add3A_1557, %add3A_1573 : i32
      %add3A_1575 = vector.broadcast %add3A_1574 : i32 to vector<16xi32>
      %add3A_1576 = arith.addi %add3A_716, %add3A_1575 : vector<16xi32>
      %gather3A_1577 = tpu.vector_load_idx %arg9[%add3A_1576] : memref<5568xf32, #tpu.memory_space<vmem>>[vector<16xi32>], vector<16xf32>,
      %mul3A_1578 = vector.broadcast %scan3A : f32 to vector<16xf32>
      %mul3A_1579 = arith.mulf %gather3A_1577, %mul3A_1578 : vector<16xf32>
      %add3A_1580 = arith.addf %mul3A_1579, %convert_element_type3A_1553 : vector<16xf32>
      %mul3A_1581 = arith.mulf %add3A_1580, %get3A_6 : vector<16xf32>
      %add3A_1582 = arith.constant 400 : i32
      %add3A_1583 = arith.addi %add3A_1582, %add3A_1561 : i32
      %swap3A_1584 = arith.index_cast %add3A_1583 : i32 to index
      %swap3A_1585 = tpu.vector_load %arg10[%swap3A_1584] {strides = array<i32>} : memref<5568xf32, #tpu.memory_space<vmem>>, vector<16xf32>,
      tpu.vector_store %arg10[%swap3A_1584], %mul3A_1581 {strides = array<i32>} : memref<5568xf32, #tpu.memory_space<vmem>>, vector<16xf32>,
      %add3A_1586 = arith.constant 400 : i32
      %add3A_1587 = arith.addi %add3A_1557, %add3A_1586 : i32
      %add3A_1588 = vector.broadcast %add3A_1587 : i32 to vector<16xi32>
      %add3A_1589 = arith.addi %add3A_716, %add3A_1588 : vector<16xi32>
      %gather3A_1590 = tpu.vector_load_idx %arg9[%add3A_1589] : memref<5568xf32, #tpu.memory_space<vmem>>[vector<16xi32>], vector<16xf32>,
      %mul3A_1591 = vector.broadcast %scan3A : f32 to vector<16xf32>
      %mul3A_1592 = arith.mulf %gather3A_1590, %mul3A_1591 : vector<16xf32>
      %add3A_1593 = arith.addf %mul3A_1592, %convert_element_type3A : vector<16xf32>
      %mul3A_1594 = arith.mulf %add3A_1593, %get3A_4 : vector<16xf32>
      %add3A_1595 = arith.constant 800 : i32
      %add3A_1596 = arith.addi %add3A_1595, %add3A_1561 : i32
      %swap3A_1597 = arith.index_cast %add3A_1596 : i32 to index
      %swap3A_1598 = tpu.vector_load %arg10[%swap3A_1597] {strides = array<i32>} : memref<5568xf32, #tpu.memory_space<vmem>>, vector<16xf32>,
      tpu.vector_store %arg10[%swap3A_1597], %mul3A_1594 {strides = array<i32>} : memref<5568xf32, #tpu.memory_space<vmem>>, vector<16xf32>,
      %add3A_1599 = arith.constant 600 : i32
      %add3A_1600 = arith.addi %add3A_1557, %add3A_1599 : i32
      %add3A_1601 = vector.broadcast %add3A_1600 : i32 to vector<16xi32>
      %add3A_1602 = arith.addi %add3A_716, %add3A_1601 : vector<16xi32>
      %gather3A_1603 = tpu.vector_load_idx %arg9[%add3A_1602] : memref<5568xf32, #tpu.memory_space<vmem>>[vector<16xi32>], vector<16xf32>,
      %mul3A_1604 = vector.broadcast %scan3A : f32 to vector<16xf32>
      %mul3A_1605 = arith.mulf %gather3A_1603, %mul3A_1604 : vector<16xf32>
      %add3A_1606 = arith.addf %mul3A_1605, %convert_element_type3A_1553 : vector<16xf32>
      %mul3A_1607 = arith.mulf %add3A_1606, %get3A_6 : vector<16xf32>
      %add3A_1608 = arith.constant 1200 : i32
      %add3A_1609 = arith.addi %add3A_1608, %add3A_1561 : i32
      %swap3A_1610 = arith.index_cast %add3A_1609 : i32 to index
      %swap3A_1611 = tpu.vector_load %arg10[%swap3A_1610] {strides = array<i32>} : memref<5568xf32, #tpu.memory_space<vmem>>, vector<16xf32>,
      tpu.vector_store %arg10[%swap3A_1610], %mul3A_1607 {strides = array<i32>} : memref<5568xf32, #tpu.memory_space<vmem>>, vector<16xf32>,
      %add3A_1612 = arith.constant 800 : i32
      %add3A_1613 = arith.addi %add3A_1557, %add3A_1612 : i32
      %add3A_1614 = vector.broadcast %add3A_1613 : i32 to vector<16xi32>
      %add3A_1615 = arith.addi %add3A_716, %add3A_1614 : vector<16xi32>
      %gather3A_1616 = tpu.vector_load_idx %arg9[%add3A_1615] : memref<5568xf32, #tpu.memory_space<vmem>>[vector<16xi32>], vector<16xf32>,
      %mul3A_1617 = vector.broadcast %scan3A : f32 to vector<16xf32>
      %mul3A_1618 = arith.mulf %gather3A_1616, %mul3A_1617 : vector<16xf32>
      %add3A_1619 = arith.addf %mul3A_1618, %convert_element_type3A : vector<16xf32>
      %mul3A_1620 = arith.mulf %add3A_1619, %get3A_4 : vector<16xf32>
      %add3A_1621 = arith.constant 1600 : i32
      %add3A_1622 = arith.addi %add3A_1621, %add3A_1561 : i32
      %swap3A_1623 = arith.index_cast %add3A_1622 : i32 to index
      %swap3A_1624 = tpu.vector_load %arg10[%swap3A_1623] {strides = array<i32>} : memref<5568xf32, #tpu.memory_space<vmem>>, vector<16xf32>,
      tpu.vector_store %arg10[%swap3A_1623], %mul3A_1620 {strides = array<i32>} : memref<5568xf32, #tpu.memory_space<vmem>>, vector<16xf32>,
      %add3A_1625 = arith.constant 1000 : i32
      %add3A_1626 = arith.addi %add3A_1557, %add3A_1625 : i32
      %add3A_1627 = vector.broadcast %add3A_1626 : i32 to vector<16xi32>
      %add3A_1628 = arith.addi %add3A_716, %add3A_1627 : vector<16xi32>
      %gather3A_1629 = tpu.vector_load_idx %arg9[%add3A_1628] : memref<5568xf32, #tpu.memory_space<vmem>>[vector<16xi32>], vector<16xf32>,
      %mul3A_1630 = vector.broadcast %scan3A : f32 to vector<16xf32>
      %mul3A_1631 = arith.mulf %gather3A_1629, %mul3A_1630 : vector<16xf32>
      %add3A_1632 = arith.addf %mul3A_1631, %convert_element_type3A_1553 : vector<16xf32>
      %mul3A_1633 = arith.mulf %add3A_1632, %get3A_6 : vector<16xf32>
      %add3A_1634 = arith.constant 2000 : i32
      %add3A_1635 = arith.addi %add3A_1634, %add3A_1561 : i32
      %swap3A_1636 = arith.index_cast %add3A_1635 : i32 to index
      %swap3A_1637 = tpu.vector_load %arg10[%swap3A_1636] {strides = array<i32>} : memref<5568xf32, #tpu.memory_space<vmem>>, vector<16xf32>,
      tpu.vector_store %arg10[%swap3A_1636], %mul3A_1633 {strides = array<i32>} : memref<5568xf32, #tpu.memory_space<vmem>>, vector<16xf32>,
      %add3A_1638 = arith.constant 1200 : i32
      %add3A_1639 = arith.addi %add3A_1557, %add3A_1638 : i32
      %add3A_1640 = vector.broadcast %add3A_1639 : i32 to vector<16xi32>
      %add3A_1641 = arith.addi %add3A_716, %add3A_1640 : vector<16xi32>
      %gather3A_1642 = tpu.vector_load_idx %arg9[%add3A_1641] : memref<5568xf32, #tpu.memory_space<vmem>>[vector<16xi32>], vector<16xf32>,
      %mul3A_1643 = vector.broadcast %scan3A : f32 to vector<16xf32>
      %mul3A_1644 = arith.mulf %gather3A_1642, %mul3A_1643 : vector<16xf32>
      %add3A_1645 = arith.addf %mul3A_1644, %convert_element_type3A : vector<16xf32>
      %mul3A_1646 = arith.mulf %add3A_1645, %get3A_4 : vector<16xf32>
      %add3A_1647 = arith.constant 2400 : i32
      %add3A_1648 = arith.addi %add3A_1647, %add3A_1561 : i32
      %swap3A_1649 = arith.index_cast %add3A_1648 : i32 to index
      %swap3A_1650 = tpu.vector_load %arg10[%swap3A_1649] {strides = array<i32>} : memref<5568xf32, #tpu.memory_space<vmem>>, vector<16xf32>,
      tpu.vector_store %arg10[%swap3A_1649], %mul3A_1646 {strides = array<i32>} : memref<5568xf32, #tpu.memory_space<vmem>>, vector<16xf32>,
      %add3A_1651 = arith.constant 1400 : i32
      %add3A_1652 = arith.addi %add3A_1557, %add3A_1651 : i32
      %add3A_1653 = vector.broadcast %add3A_1652 : i32 to vector<16xi32>
      %add3A_1654 = arith.addi %add3A_716, %add3A_1653 : vector<16xi32>
      %gather3A_1655 = tpu.vector_load_idx %arg9[%add3A_1654] : memref<5568xf32, #tpu.memory_space<vmem>>[vector<16xi32>], vector<16xf32>,
      %mul3A_1656 = vector.broadcast %scan3A : f32 to vector<16xf32>
      %mul3A_1657 = arith.mulf %gather3A_1655, %mul3A_1656 : vector<16xf32>
      %add3A_1658 = arith.addf %mul3A_1657, %convert_element_type3A_1553 : vector<16xf32>
      %mul3A_1659 = arith.mulf %add3A_1658, %get3A_6 : vector<16xf32>
      %add3A_1660 = arith.constant 2800 : i32
      %add3A_1661 = arith.addi %add3A_1660, %add3A_1561 : i32
      %swap3A_1662 = arith.index_cast %add3A_1661 : i32 to index
      %swap3A_1663 = tpu.vector_load %arg10[%swap3A_1662] {strides = array<i32>} : memref<5568xf32, #tpu.memory_space<vmem>>, vector<16xf32>,
      tpu.vector_store %arg10[%swap3A_1662], %mul3A_1659 {strides = array<i32>} : memref<5568xf32, #tpu.memory_space<vmem>>, vector<16xf32>,
      %add3A_1664 = arith.constant 1600 : i32
      %add3A_1665 = arith.addi %add3A_1557, %add3A_1664 : i32
      %add3A_1666 = vector.broadcast %add3A_1665 : i32 to vector<16xi32>
      %add3A_1667 = arith.addi %add3A_716, %add3A_1666 : vector<16xi32>
      %gather3A_1668 = tpu.vector_load_idx %arg9[%add3A_1667] : memref<5568xf32, #tpu.memory_space<vmem>>[vector<16xi32>], vector<16xf32>,
      %mul3A_1669 = vector.broadcast %scan3A : f32 to vector<16xf32>
      %mul3A_1670 = arith.mulf %gather3A_1668, %mul3A_1669 : vector<16xf32>
      %add3A_1671 = arith.addf %mul3A_1670, %convert_element_type3A : vector<16xf32>
      %mul3A_1672 = arith.mulf %add3A_1671, %get3A_4 : vector<16xf32>
      %add3A_1673 = arith.constant 3200 : i32
      %add3A_1674 = arith.addi %add3A_1673, %add3A_1561 : i32
      %swap3A_1675 = arith.index_cast %add3A_1674 : i32 to index
      %swap3A_1676 = tpu.vector_load %arg10[%swap3A_1675] {strides = array<i32>} : memref<5568xf32, #tpu.memory_space<vmem>>, vector<16xf32>,
      tpu.vector_store %arg10[%swap3A_1675], %mul3A_1672 {strides = array<i32>} : memref<5568xf32, #tpu.memory_space<vmem>>, vector<16xf32>,
      %add3A_1677 = arith.constant 1800 : i32
      %add3A_1678 = arith.addi %add3A_1557, %add3A_1677 : i32
      %add3A_1679 = vector.broadcast %add3A_1678 : i32 to vector<16xi32>
      %add3A_1680 = arith.addi %add3A_716, %add3A_1679 : vector<16xi32>
      %gather3A_1681 = tpu.vector_load_idx %arg9[%add3A_1680] : memref<5568xf32, #tpu.memory_space<vmem>>[vector<16xi32>], vector<16xf32>,
      %mul3A_1682 = vector.broadcast %scan3A : f32 to vector<16xf32>
      %mul3A_1683 = arith.mulf %gather3A_1681, %mul3A_1682 : vector<16xf32>
      %add3A_1684 = arith.addf %mul3A_1683, %convert_element_type3A_1553 : vector<16xf32>
      %mul3A_1685 = arith.mulf %add3A_1684, %get3A_6 : vector<16xf32>
      %add3A_1686 = arith.constant 3600 : i32
      %add3A_1687 = arith.addi %add3A_1686, %add3A_1561 : i32
      %swap3A_1688 = arith.index_cast %add3A_1687 : i32 to index
      %swap3A_1689 = tpu.vector_load %arg10[%swap3A_1688] {strides = array<i32>} : memref<5568xf32, #tpu.memory_space<vmem>>, vector<16xf32>,
      tpu.vector_store %arg10[%swap3A_1688], %mul3A_1685 {strides = array<i32>} : memref<5568xf32, #tpu.memory_space<vmem>>, vector<16xf32>,
    }
    %scan3A_721 = arith.constant 25 : i32
    %add3A_722 = arith.constant 0 : i32
    %add3A_723 = arith.addi %add3A_722, %mul3A_10 : i32
    %dma_start3A_724 = arith.constant 0 : i32
    %dma_start3A_725 = tpu.memref_slice %arg10[%dma_start3A_724] : memref<5568xf32, #tpu.memory_space<vmem>> -> memref<400xf32, #tpu.memory_space<vmem>>
    %dma_start3A_726 = tpu.memref_slice %arg7[%add3A_723] : memref<168000xf32, #tpu.memory_space<hbm>> -> memref<400xf32, #tpu.memory_space<hbm>>
    %dma_start3A_727 = tpu.memref_slice %arg7[%add3A_723] : memref<168000xf32, #tpu.memory_space<hbm>> -> memref<400xf32, #tpu.memory_space<hbm>>
    %dma_start3A_728 = arith.constant 0 : i32
    %dma_start3A_729 = tpu.memref_slice %arg10[%dma_start3A_728] : memref<5568xf32, #tpu.memory_space<vmem>> -> memref<400xf32, #tpu.memory_space<vmem>>
    tpu.enqueue_dma source(%dma_start3A_729 : memref<400xf32, #tpu.memory_space<vmem>>) target(%dma_start3A_727 : memref<400xf32, #tpu.memory_space<hbm>>) target_semaphore(%arg16 : memref<!tpu.dma_semaphore, #tpu.memory_space<semaphore_mem>>)
    %add3A_730 = arith.constant 16800 : i32
    %add3A_731 = arith.addi %add3A_730, %mul3A_10 : i32
    %dma_start3A_732 = arith.constant 400 : i32
    %dma_start3A_733 = tpu.memref_slice %arg10[%dma_start3A_732] : memref<5568xf32, #tpu.memory_space<vmem>> -> memref<400xf32, #tpu.memory_space<vmem>>
    %dma_start3A_734 = tpu.memref_slice %arg7[%add3A_731] : memref<168000xf32, #tpu.memory_space<hbm>> -> memref<400xf32, #tpu.memory_space<hbm>>
    %dma_start3A_735 = tpu.memref_slice %arg7[%add3A_731] : memref<168000xf32, #tpu.memory_space<hbm>> -> memref<400xf32, #tpu.memory_space<hbm>>
    %dma_start3A_736 = arith.constant 400 : i32
    %dma_start3A_737 = tpu.memref_slice %arg10[%dma_start3A_736] : memref<5568xf32, #tpu.memory_space<vmem>> -> memref<400xf32, #tpu.memory_space<vmem>>
    tpu.enqueue_dma source(%dma_start3A_737 : memref<400xf32, #tpu.memory_space<vmem>>) target(%dma_start3A_735 : memref<400xf32, #tpu.memory_space<hbm>>) target_semaphore(%arg16 : memref<!tpu.dma_semaphore, #tpu.memory_space<semaphore_mem>>)
    %add3A_738 = arith.constant 33600 : i32
    %add3A_739 = arith.addi %add3A_738, %mul3A_10 : i32
    %dma_start3A_740 = arith.constant 800 : i32
    %dma_start3A_741 = tpu.memref_slice %arg10[%dma_start3A_740] : memref<5568xf32, #tpu.memory_space<vmem>> -> memref<400xf32, #tpu.memory_space<vmem>>
    %dma_start3A_742 = tpu.memref_slice %arg7[%add3A_739] : memref<168000xf32, #tpu.memory_space<hbm>> -> memref<400xf32, #tpu.memory_space<hbm>>
    %dma_start3A_743 = tpu.memref_slice %arg7[%add3A_739] : memref<168000xf32, #tpu.memory_space<hbm>> -> memref<400xf32, #tpu.memory_space<hbm>>
    %dma_start3A_744 = arith.constant 800 : i32
    %dma_start3A_745 = tpu.memref_slice %arg10[%dma_start3A_744] : memref<5568xf32, #tpu.memory_space<vmem>> -> memref<400xf32, #tpu.memory_space<vmem>>
    tpu.enqueue_dma source(%dma_start3A_745 : memref<400xf32, #tpu.memory_space<vmem>>) target(%dma_start3A_743 : memref<400xf32, #tpu.memory_space<hbm>>) target_semaphore(%arg16 : memref<!tpu.dma_semaphore, #tpu.memory_space<semaphore_mem>>)
    %add3A_746 = arith.constant 50400 : i32
    %add3A_747 = arith.addi %add3A_746, %mul3A_10 : i32
    %dma_start3A_748 = arith.constant 1200 : i32
    %dma_start3A_749 = tpu.memref_slice %arg10[%dma_start3A_748] : memref<5568xf32, #tpu.memory_space<vmem>> -> memref<400xf32, #tpu.memory_space<vmem>>
    %dma_start3A_750 = tpu.memref_slice %arg7[%add3A_747] : memref<168000xf32, #tpu.memory_space<hbm>> -> memref<400xf32, #tpu.memory_space<hbm>>
    %dma_start3A_751 = tpu.memref_slice %arg7[%add3A_747] : memref<168000xf32, #tpu.memory_space<hbm>> -> memref<400xf32, #tpu.memory_space<hbm>>
    %dma_start3A_752 = arith.constant 1200 : i32
    %dma_start3A_753 = tpu.memref_slice %arg10[%dma_start3A_752] : memref<5568xf32, #tpu.memory_space<vmem>> -> memref<400xf32, #tpu.memory_space<vmem>>
    tpu.enqueue_dma source(%dma_start3A_753 : memref<400xf32, #tpu.memory_space<vmem>>) target(%dma_start3A_751 : memref<400xf32, #tpu.memory_space<hbm>>) target_semaphore(%arg16 : memref<!tpu.dma_semaphore, #tpu.memory_space<semaphore_mem>>)
    %add3A_754 = arith.constant 67200 : i32
    %add3A_755 = arith.addi %add3A_754, %mul3A_10 : i32
    %dma_start3A_756 = arith.constant 1600 : i32
    %dma_start3A_757 = tpu.memref_slice %arg10[%dma_start3A_756] : memref<5568xf32, #tpu.memory_space<vmem>> -> memref<400xf32, #tpu.memory_space<vmem>>
    %dma_start3A_758 = tpu.memref_slice %arg7[%add3A_755] : memref<168000xf32, #tpu.memory_space<hbm>> -> memref<400xf32, #tpu.memory_space<hbm>>
    %dma_start3A_759 = tpu.memref_slice %arg7[%add3A_755] : memref<168000xf32, #tpu.memory_space<hbm>> -> memref<400xf32, #tpu.memory_space<hbm>>
    %dma_start3A_760 = arith.constant 1600 : i32
    %dma_start3A_761 = tpu.memref_slice %arg10[%dma_start3A_760] : memref<5568xf32, #tpu.memory_space<vmem>> -> memref<400xf32, #tpu.memory_space<vmem>>
    tpu.enqueue_dma source(%dma_start3A_761 : memref<400xf32, #tpu.memory_space<vmem>>) target(%dma_start3A_759 : memref<400xf32, #tpu.memory_space<hbm>>) target_semaphore(%arg16 : memref<!tpu.dma_semaphore, #tpu.memory_space<semaphore_mem>>)
    %add3A_762 = arith.constant 84000 : i32
    %add3A_763 = arith.addi %add3A_762, %mul3A_10 : i32
    %dma_start3A_764 = arith.constant 2000 : i32
    %dma_start3A_765 = tpu.memref_slice %arg10[%dma_start3A_764] : memref<5568xf32, #tpu.memory_space<vmem>> -> memref<400xf32, #tpu.memory_space<vmem>>
    %dma_start3A_766 = tpu.memref_slice %arg7[%add3A_763] : memref<168000xf32, #tpu.memory_space<hbm>> -> memref<400xf32, #tpu.memory_space<hbm>>
    %dma_start3A_767 = tpu.memref_slice %arg7[%add3A_763] : memref<168000xf32, #tpu.memory_space<hbm>> -> memref<400xf32, #tpu.memory_space<hbm>>
    %dma_start3A_768 = arith.constant 2000 : i32
    %dma_start3A_769 = tpu.memref_slice %arg10[%dma_start3A_768] : memref<5568xf32, #tpu.memory_space<vmem>> -> memref<400xf32, #tpu.memory_space<vmem>>
    tpu.enqueue_dma source(%dma_start3A_769 : memref<400xf32, #tpu.memory_space<vmem>>) target(%dma_start3A_767 : memref<400xf32, #tpu.memory_space<hbm>>) target_semaphore(%arg16 : memref<!tpu.dma_semaphore, #tpu.memory_space<semaphore_mem>>)
    %add3A_770 = arith.constant 100800 : i32
    %add3A_771 = arith.addi %add3A_770, %mul3A_10 : i32
    %dma_start3A_772 = arith.constant 2400 : i32
    %dma_start3A_773 = tpu.memref_slice %arg10[%dma_start3A_772] : memref<5568xf32, #tpu.memory_space<vmem>> -> memref<400xf32, #tpu.memory_space<vmem>>
    %dma_start3A_774 = tpu.memref_slice %arg7[%add3A_771] : memref<168000xf32, #tpu.memory_space<hbm>> -> memref<400xf32, #tpu.memory_space<hbm>>
    %dma_start3A_775 = tpu.memref_slice %arg7[%add3A_771] : memref<168000xf32, #tpu.memory_space<hbm>> -> memref<400xf32, #tpu.memory_space<hbm>>
    %dma_start3A_776 = arith.constant 2400 : i32
    %dma_start3A_777 = tpu.memref_slice %arg10[%dma_start3A_776] : memref<5568xf32, #tpu.memory_space<vmem>> -> memref<400xf32, #tpu.memory_space<vmem>>
    tpu.enqueue_dma source(%dma_start3A_777 : memref<400xf32, #tpu.memory_space<vmem>>) target(%dma_start3A_775 : memref<400xf32, #tpu.memory_space<hbm>>) target_semaphore(%arg16 : memref<!tpu.dma_semaphore, #tpu.memory_space<semaphore_mem>>)
    %add3A_778 = arith.constant 117600 : i32
    %add3A_779 = arith.addi %add3A_778, %mul3A_10 : i32
    %dma_start3A_780 = arith.constant 2800 : i32
    %dma_start3A_781 = tpu.memref_slice %arg10[%dma_start3A_780] : memref<5568xf32, #tpu.memory_space<vmem>> -> memref<400xf32, #tpu.memory_space<vmem>>
    %dma_start3A_782 = tpu.memref_slice %arg7[%add3A_779] : memref<168000xf32, #tpu.memory_space<hbm>> -> memref<400xf32, #tpu.memory_space<hbm>>
    %dma_start3A_783 = tpu.memref_slice %arg7[%add3A_779] : memref<168000xf32, #tpu.memory_space<hbm>> -> memref<400xf32, #tpu.memory_space<hbm>>
    %dma_start3A_784 = arith.constant 2800 : i32
    %dma_start3A_785 = tpu.memref_slice %arg10[%dma_start3A_784] : memref<5568xf32, #tpu.memory_space<vmem>> -> memref<400xf32, #tpu.memory_space<vmem>>
    tpu.enqueue_dma source(%dma_start3A_785 : memref<400xf32, #tpu.memory_space<vmem>>) target(%dma_start3A_783 : memref<400xf32, #tpu.memory_space<hbm>>) target_semaphore(%arg16 : memref<!tpu.dma_semaphore, #tpu.memory_space<semaphore_mem>>)
    %add3A_786 = arith.constant 134400 : i32
    %add3A_787 = arith.addi %add3A_786, %mul3A_10 : i32
    %dma_start3A_788 = arith.constant 3200 : i32
    %dma_start3A_789 = tpu.memref_slice %arg10[%dma_start3A_788] : memref<5568xf32, #tpu.memory_space<vmem>> -> memref<400xf32, #tpu.memory_space<vmem>>
    %dma_start3A_790 = tpu.memref_slice %arg7[%add3A_787] : memref<168000xf32, #tpu.memory_space<hbm>> -> memref<400xf32, #tpu.memory_space<hbm>>
    %dma_start3A_791 = tpu.memref_slice %arg7[%add3A_787] : memref<168000xf32, #tpu.memory_space<hbm>> -> memref<400xf32, #tpu.memory_space<hbm>>
    %dma_start3A_792 = arith.constant 3200 : i32
    %dma_start3A_793 = tpu.memref_slice %arg10[%dma_start3A_792] : memref<5568xf32, #tpu.memory_space<vmem>> -> memref<400xf32, #tpu.memory_space<vmem>>
    tpu.enqueue_dma source(%dma_start3A_793 : memref<400xf32, #tpu.memory_space<vmem>>) target(%dma_start3A_791 : memref<400xf32, #tpu.memory_space<hbm>>) target_semaphore(%arg16 : memref<!tpu.dma_semaphore, #tpu.memory_space<semaphore_mem>>)
    %add3A_794 = arith.constant 151200 : i32
    %add3A_795 = arith.addi %add3A_794, %mul3A_10 : i32
    %dma_start3A_796 = arith.constant 3600 : i32
    %dma_start3A_797 = tpu.memref_slice %arg10[%dma_start3A_796] : memref<5568xf32, #tpu.memory_space<vmem>> -> memref<400xf32, #tpu.memory_space<vmem>>
    %dma_start3A_798 = tpu.memref_slice %arg7[%add3A_795] : memref<168000xf32, #tpu.memory_space<hbm>> -> memref<400xf32, #tpu.memory_space<hbm>>
    %dma_start3A_799 = tpu.memref_slice %arg7[%add3A_795] : memref<168000xf32, #tpu.memory_space<hbm>> -> memref<400xf32, #tpu.memory_space<hbm>>
    %dma_start3A_800 = arith.constant 3600 : i32
    %dma_start3A_801 = tpu.memref_slice %arg10[%dma_start3A_800] : memref<5568xf32, #tpu.memory_space<vmem>> -> memref<400xf32, #tpu.memory_space<vmem>>
    tpu.enqueue_dma source(%dma_start3A_801 : memref<400xf32, #tpu.memory_space<vmem>>) target(%dma_start3A_799 : memref<400xf32, #tpu.memory_space<hbm>>) target_semaphore(%arg16 : memref<!tpu.dma_semaphore, #tpu.memory_space<semaphore_mem>>)
    %dma_wait3A_802 = arith.constant 4000 : i32
    %dma_wait3A_803 = tpu.memref_slice %arg9[%dma_wait3A_802] : memref<5568xf32, #tpu.memory_space<vmem>> -> memref<56xf32, #tpu.memory_space<vmem>>
    %dma_wait3A_804 = tpu.memref_slice %arg3[%add3A_185] : memref<32000xf32, #tpu.memory_space<hbm>> -> memref<56xf32, #tpu.memory_space<hbm>>
    %dma_wait3A_805 = arith.constant 4000 : i32
    %dma_wait3A_806 = tpu.memref_slice %arg9[%dma_wait3A_805] : memref<5568xf32, #tpu.memory_space<vmem>> -> memref<56xf32, #tpu.memory_space<vmem>>
    %dma_wait3A_807 = tpu.memref_slice %arg3[%add3A_185] : memref<32000xf32, #tpu.memory_space<hbm>> -> memref<56xf32, #tpu.memory_space<hbm>>
    tpu.wait_dma2 semaphore(%arg13 : memref<!tpu.dma_semaphore, #tpu.memory_space<semaphore_mem>>) src(%dma_wait3A_807 : memref<56xf32, #tpu.memory_space<hbm>>) dst(%dma_wait3A_806 : memref<56xf32, #tpu.memory_space<vmem>>)
    %dma_wait3A_808 = arith.constant 4056 : i32
    %dma_wait3A_809 = tpu.memref_slice %arg9[%dma_wait3A_808] : memref<5568xf32, #tpu.memory_space<vmem>> -> memref<56xf32, #tpu.memory_space<vmem>>
    %dma_wait3A_810 = tpu.memref_slice %arg3[%add3A_193] : memref<32000xf32, #tpu.memory_space<hbm>> -> memref<56xf32, #tpu.memory_space<hbm>>
    %dma_wait3A_811 = arith.constant 4056 : i32
    %dma_wait3A_812 = tpu.memref_slice %arg9[%dma_wait3A_811] : memref<5568xf32, #tpu.memory_space<vmem>> -> memref<56xf32, #tpu.memory_space<vmem>>
    %dma_wait3A_813 = tpu.memref_slice %arg3[%add3A_193] : memref<32000xf32, #tpu.memory_space<hbm>> -> memref<56xf32, #tpu.memory_space<hbm>>
    tpu.wait_dma2 semaphore(%arg13 : memref<!tpu.dma_semaphore, #tpu.memory_space<semaphore_mem>>) src(%dma_wait3A_813 : memref<56xf32, #tpu.memory_space<hbm>>) dst(%dma_wait3A_812 : memref<56xf32, #tpu.memory_space<vmem>>)
    %dma_wait3A_814 = arith.constant 4112 : i32
    %dma_wait3A_815 = tpu.memref_slice %arg9[%dma_wait3A_814] : memref<5568xf32, #tpu.memory_space<vmem>> -> memref<56xf32, #tpu.memory_space<vmem>>
    %dma_wait3A_816 = tpu.memref_slice %arg3[%add3A_201] : memref<32000xf32, #tpu.memory_space<hbm>> -> memref<56xf32, #tpu.memory_space<hbm>>
    %dma_wait3A_817 = arith.constant 4112 : i32
    %dma_wait3A_818 = tpu.memref_slice %arg9[%dma_wait3A_817] : memref<5568xf32, #tpu.memory_space<vmem>> -> memref<56xf32, #tpu.memory_space<vmem>>
    %dma_wait3A_819 = tpu.memref_slice %arg3[%add3A_201] : memref<32000xf32, #tpu.memory_space<hbm>> -> memref<56xf32, #tpu.memory_space<hbm>>
    tpu.wait_dma2 semaphore(%arg13 : memref<!tpu.dma_semaphore, #tpu.memory_space<semaphore_mem>>) src(%dma_wait3A_819 : memref<56xf32, #tpu.memory_space<hbm>>) dst(%dma_wait3A_818 : memref<56xf32, #tpu.memory_space<vmem>>)
    %dma_wait3A_820 = arith.constant 4168 : i32
    %dma_wait3A_821 = tpu.memref_slice %arg9[%dma_wait3A_820] : memref<5568xf32, #tpu.memory_space<vmem>> -> memref<56xf32, #tpu.memory_space<vmem>>
    %dma_wait3A_822 = tpu.memref_slice %arg3[%add3A_209] : memref<32000xf32, #tpu.memory_space<hbm>> -> memref<56xf32, #tpu.memory_space<hbm>>
    %dma_wait3A_823 = arith.constant 4168 : i32
    %dma_wait3A_824 = tpu.memref_slice %arg9[%dma_wait3A_823] : memref<5568xf32, #tpu.memory_space<vmem>> -> memref<56xf32, #tpu.memory_space<vmem>>
    %dma_wait3A_825 = tpu.memref_slice %arg3[%add3A_209] : memref<32000xf32, #tpu.memory_space<hbm>> -> memref<56xf32, #tpu.memory_space<hbm>>
    tpu.wait_dma2 semaphore(%arg13 : memref<!tpu.dma_semaphore, #tpu.memory_space<semaphore_mem>>) src(%dma_wait3A_825 : memref<56xf32, #tpu.memory_space<hbm>>) dst(%dma_wait3A_824 : memref<56xf32, #tpu.memory_space<vmem>>)
    %dma_wait3A_826 = arith.constant 4224 : i32
    %dma_wait3A_827 = tpu.memref_slice %arg9[%dma_wait3A_826] : memref<5568xf32, #tpu.memory_space<vmem>> -> memref<56xf32, #tpu.memory_space<vmem>>
    %dma_wait3A_828 = tpu.memref_slice %arg3[%add3A_217] : memref<32000xf32, #tpu.memory_space<hbm>> -> memref<56xf32, #tpu.memory_space<hbm>>
    %dma_wait3A_829 = arith.constant 4224 : i32
    %dma_wait3A_830 = tpu.memref_slice %arg9[%dma_wait3A_829] : memref<5568xf32, #tpu.memory_space<vmem>> -> memref<56xf32, #tpu.memory_space<vmem>>
    %dma_wait3A_831 = tpu.memref_slice %arg3[%add3A_217] : memref<32000xf32, #tpu.memory_space<hbm>> -> memref<56xf32, #tpu.memory_space<hbm>>
    tpu.wait_dma2 semaphore(%arg13 : memref<!tpu.dma_semaphore, #tpu.memory_space<semaphore_mem>>) src(%dma_wait3A_831 : memref<56xf32, #tpu.memory_space<hbm>>) dst(%dma_wait3A_830 : memref<56xf32, #tpu.memory_space<vmem>>)
    %dma_wait3A_832 = arith.constant 4280 : i32
    %dma_wait3A_833 = tpu.memref_slice %arg9[%dma_wait3A_832] : memref<5568xf32, #tpu.memory_space<vmem>> -> memref<56xf32, #tpu.memory_space<vmem>>
    %dma_wait3A_834 = tpu.memref_slice %arg3[%add3A_225] : memref<32000xf32, #tpu.memory_space<hbm>> -> memref<56xf32, #tpu.memory_space<hbm>>
    %dma_wait3A_835 = arith.constant 4280 : i32
    %dma_wait3A_836 = tpu.memref_slice %arg9[%dma_wait3A_835] : memref<5568xf32, #tpu.memory_space<vmem>> -> memref<56xf32, #tpu.memory_space<vmem>>
    %dma_wait3A_837 = tpu.memref_slice %arg3[%add3A_225] : memref<32000xf32, #tpu.memory_space<hbm>> -> memref<56xf32, #tpu.memory_space<hbm>>
    tpu.wait_dma2 semaphore(%arg13 : memref<!tpu.dma_semaphore, #tpu.memory_space<semaphore_mem>>) src(%dma_wait3A_837 : memref<56xf32, #tpu.memory_space<hbm>>) dst(%dma_wait3A_836 : memref<56xf32, #tpu.memory_space<vmem>>)
    %dma_wait3A_838 = arith.constant 4336 : i32
    %dma_wait3A_839 = tpu.memref_slice %arg9[%dma_wait3A_838] : memref<5568xf32, #tpu.memory_space<vmem>> -> memref<56xf32, #tpu.memory_space<vmem>>
    %dma_wait3A_840 = tpu.memref_slice %arg3[%add3A_233] : memref<32000xf32, #tpu.memory_space<hbm>> -> memref<56xf32, #tpu.memory_space<hbm>>
    %dma_wait3A_841 = arith.constant 4336 : i32
    %dma_wait3A_842 = tpu.memref_slice %arg9[%dma_wait3A_841] : memref<5568xf32, #tpu.memory_space<vmem>> -> memref<56xf32, #tpu.memory_space<vmem>>
    %dma_wait3A_843 = tpu.memref_slice %arg3[%add3A_233] : memref<32000xf32, #tpu.memory_space<hbm>> -> memref<56xf32, #tpu.memory_space<hbm>>
    tpu.wait_dma2 semaphore(%arg13 : memref<!tpu.dma_semaphore, #tpu.memory_space<semaphore_mem>>) src(%dma_wait3A_843 : memref<56xf32, #tpu.memory_space<hbm>>) dst(%dma_wait3A_842 : memref<56xf32, #tpu.memory_space<vmem>>)
    %dma_wait3A_844 = arith.constant 4392 : i32
    %dma_wait3A_845 = tpu.memref_slice %arg9[%dma_wait3A_844] : memref<5568xf32, #tpu.memory_space<vmem>> -> memref<56xf32, #tpu.memory_space<vmem>>
    %dma_wait3A_846 = tpu.memref_slice %arg3[%add3A_241] : memref<32000xf32, #tpu.memory_space<hbm>> -> memref<56xf32, #tpu.memory_space<hbm>>
    %dma_wait3A_847 = arith.constant 4392 : i32
    %dma_wait3A_848 = tpu.memref_slice %arg9[%dma_wait3A_847] : memref<5568xf32, #tpu.memory_space<vmem>> -> memref<56xf32, #tpu.memory_space<vmem>>
    %dma_wait3A_849 = tpu.memref_slice %arg3[%add3A_241] : memref<32000xf32, #tpu.memory_space<hbm>> -> memref<56xf32, #tpu.memory_space<hbm>>
    tpu.wait_dma2 semaphore(%arg13 : memref<!tpu.dma_semaphore, #tpu.memory_space<semaphore_mem>>) src(%dma_wait3A_849 : memref<56xf32, #tpu.memory_space<hbm>>) dst(%dma_wait3A_848 : memref<56xf32, #tpu.memory_space<vmem>>)
    %dma_wait3A_850 = arith.constant 4448 : i32
    %dma_wait3A_851 = tpu.memref_slice %arg9[%dma_wait3A_850] : memref<5568xf32, #tpu.memory_space<vmem>> -> memref<56xf32, #tpu.memory_space<vmem>>
    %dma_wait3A_852 = tpu.memref_slice %arg3[%add3A_249] : memref<32000xf32, #tpu.memory_space<hbm>> -> memref<56xf32, #tpu.memory_space<hbm>>
    %dma_wait3A_853 = arith.constant 4448 : i32
    %dma_wait3A_854 = tpu.memref_slice %arg9[%dma_wait3A_853] : memref<5568xf32, #tpu.memory_space<vmem>> -> memref<56xf32, #tpu.memory_space<vmem>>
    %dma_wait3A_855 = tpu.memref_slice %arg3[%add3A_249] : memref<32000xf32, #tpu.memory_space<hbm>> -> memref<56xf32, #tpu.memory_space<hbm>>
    tpu.wait_dma2 semaphore(%arg13 : memref<!tpu.dma_semaphore, #tpu.memory_space<semaphore_mem>>) src(%dma_wait3A_855 : memref<56xf32, #tpu.memory_space<hbm>>) dst(%dma_wait3A_854 : memref<56xf32, #tpu.memory_space<vmem>>)
    %dma_wait3A_856 = arith.constant 4504 : i32
    %dma_wait3A_857 = tpu.memref_slice %arg9[%dma_wait3A_856] : memref<5568xf32, #tpu.memory_space<vmem>> -> memref<56xf32, #tpu.memory_space<vmem>>
    %dma_wait3A_858 = tpu.memref_slice %arg3[%add3A_257] : memref<32000xf32, #tpu.memory_space<hbm>> -> memref<56xf32, #tpu.memory_space<hbm>>
    %dma_wait3A_859 = arith.constant 4504 : i32
    %dma_wait3A_860 = tpu.memref_slice %arg9[%dma_wait3A_859] : memref<5568xf32, #tpu.memory_space<vmem>> -> memref<56xf32, #tpu.memory_space<vmem>>
    %dma_wait3A_861 = tpu.memref_slice %arg3[%add3A_257] : memref<32000xf32, #tpu.memory_space<hbm>> -> memref<56xf32, #tpu.memory_space<hbm>>
    tpu.wait_dma2 semaphore(%arg13 : memref<!tpu.dma_semaphore, #tpu.memory_space<semaphore_mem>>) src(%dma_wait3A_861 : memref<56xf32, #tpu.memory_space<hbm>>) dst(%dma_wait3A_860 : memref<56xf32, #tpu.memory_space<vmem>>)
    %dma_wait3A_862 = arith.constant 4560 : i32
    %dma_wait3A_863 = tpu.memref_slice %arg9[%dma_wait3A_862] : memref<5568xf32, #tpu.memory_space<vmem>> -> memref<56xf32, #tpu.memory_space<vmem>>
    %dma_wait3A_864 = tpu.memref_slice %arg3[%add3A_265] : memref<32000xf32, #tpu.memory_space<hbm>> -> memref<56xf32, #tpu.memory_space<hbm>>
    %dma_wait3A_865 = arith.constant 4560 : i32
    %dma_wait3A_866 = tpu.memref_slice %arg9[%dma_wait3A_865] : memref<5568xf32, #tpu.memory_space<vmem>> -> memref<56xf32, #tpu.memory_space<vmem>>
    %dma_wait3A_867 = tpu.memref_slice %arg3[%add3A_265] : memref<32000xf32, #tpu.memory_space<hbm>> -> memref<56xf32, #tpu.memory_space<hbm>>
    tpu.wait_dma2 semaphore(%arg13 : memref<!tpu.dma_semaphore, #tpu.memory_space<semaphore_mem>>) src(%dma_wait3A_867 : memref<56xf32, #tpu.memory_space<hbm>>) dst(%dma_wait3A_866 : memref<56xf32, #tpu.memory_space<vmem>>)
    %dma_wait3A_868 = arith.constant 4616 : i32
    %dma_wait3A_869 = tpu.memref_slice %arg9[%dma_wait3A_868] : memref<5568xf32, #tpu.memory_space<vmem>> -> memref<56xf32, #tpu.memory_space<vmem>>
    %dma_wait3A_870 = tpu.memref_slice %arg3[%add3A_273] : memref<32000xf32, #tpu.memory_space<hbm>> -> memref<56xf32, #tpu.memory_space<hbm>>
    %dma_wait3A_871 = arith.constant 4616 : i32
    %dma_wait3A_872 = tpu.memref_slice %arg9[%dma_wait3A_871] : memref<5568xf32, #tpu.memory_space<vmem>> -> memref<56xf32, #tpu.memory_space<vmem>>
    %dma_wait3A_873 = tpu.memref_slice %arg3[%add3A_273] : memref<32000xf32, #tpu.memory_space<hbm>> -> memref<56xf32, #tpu.memory_space<hbm>>
    tpu.wait_dma2 semaphore(%arg13 : memref<!tpu.dma_semaphore, #tpu.memory_space<semaphore_mem>>) src(%dma_wait3A_873 : memref<56xf32, #tpu.memory_space<hbm>>) dst(%dma_wait3A_872 : memref<56xf32, #tpu.memory_space<vmem>>)
    %dma_wait3A_874 = arith.constant 4672 : i32
    %dma_wait3A_875 = tpu.memref_slice %arg9[%dma_wait3A_874] : memref<5568xf32, #tpu.memory_space<vmem>> -> memref<56xf32, #tpu.memory_space<vmem>>
    %dma_wait3A_876 = tpu.memref_slice %arg3[%add3A_281] : memref<32000xf32, #tpu.memory_space<hbm>> -> memref<56xf32, #tpu.memory_space<hbm>>
    %dma_wait3A_877 = arith.constant 4672 : i32
    %dma_wait3A_878 = tpu.memref_slice %arg9[%dma_wait3A_877] : memref<5568xf32, #tpu.memory_space<vmem>> -> memref<56xf32, #tpu.memory_space<vmem>>
    %dma_wait3A_879 = tpu.memref_slice %arg3[%add3A_281] : memref<32000xf32, #tpu.memory_space<hbm>> -> memref<56xf32, #tpu.memory_space<hbm>>
    tpu.wait_dma2 semaphore(%arg13 : memref<!tpu.dma_semaphore, #tpu.memory_space<semaphore_mem>>) src(%dma_wait3A_879 : memref<56xf32, #tpu.memory_space<hbm>>) dst(%dma_wait3A_878 : memref<56xf32, #tpu.memory_space<vmem>>)
    %dma_wait3A_880 = arith.constant 4728 : i32
    %dma_wait3A_881 = tpu.memref_slice %arg9[%dma_wait3A_880] : memref<5568xf32, #tpu.memory_space<vmem>> -> memref<56xf32, #tpu.memory_space<vmem>>
    %dma_wait3A_882 = tpu.memref_slice %arg3[%add3A_289] : memref<32000xf32, #tpu.memory_space<hbm>> -> memref<56xf32, #tpu.memory_space<hbm>>
    %dma_wait3A_883 = arith.constant 4728 : i32
    %dma_wait3A_884 = tpu.memref_slice %arg9[%dma_wait3A_883] : memref<5568xf32, #tpu.memory_space<vmem>> -> memref<56xf32, #tpu.memory_space<vmem>>
    %dma_wait3A_885 = tpu.memref_slice %arg3[%add3A_289] : memref<32000xf32, #tpu.memory_space<hbm>> -> memref<56xf32, #tpu.memory_space<hbm>>
    tpu.wait_dma2 semaphore(%arg13 : memref<!tpu.dma_semaphore, #tpu.memory_space<semaphore_mem>>) src(%dma_wait3A_885 : memref<56xf32, #tpu.memory_space<hbm>>) dst(%dma_wait3A_884 : memref<56xf32, #tpu.memory_space<vmem>>)
    %dma_wait3A_886 = arith.constant 4784 : i32
    %dma_wait3A_887 = tpu.memref_slice %arg9[%dma_wait3A_886] : memref<5568xf32, #tpu.memory_space<vmem>> -> memref<56xf32, #tpu.memory_space<vmem>>
    %dma_wait3A_888 = tpu.memref_slice %arg3[%add3A_297] : memref<32000xf32, #tpu.memory_space<hbm>> -> memref<56xf32, #tpu.memory_space<hbm>>
    %dma_wait3A_889 = arith.constant 4784 : i32
    %dma_wait3A_890 = tpu.memref_slice %arg9[%dma_wait3A_889] : memref<5568xf32, #tpu.memory_space<vmem>> -> memref<56xf32, #tpu.memory_space<vmem>>
    %dma_wait3A_891 = tpu.memref_slice %arg3[%add3A_297] : memref<32000xf32, #tpu.memory_space<hbm>> -> memref<56xf32, #tpu.memory_space<hbm>>
    tpu.wait_dma2 semaphore(%arg13 : memref<!tpu.dma_semaphore, #tpu.memory_space<semaphore_mem>>) src(%dma_wait3A_891 : memref<56xf32, #tpu.memory_space<hbm>>) dst(%dma_wait3A_890 : memref<56xf32, #tpu.memory_space<vmem>>)
    %dma_wait3A_892 = arith.constant 4840 : i32
    %dma_wait3A_893 = tpu.memref_slice %arg9[%dma_wait3A_892] : memref<5568xf32, #tpu.memory_space<vmem>> -> memref<56xf32, #tpu.memory_space<vmem>>
    %dma_wait3A_894 = tpu.memref_slice %arg3[%add3A_305] : memref<32000xf32, #tpu.memory_space<hbm>> -> memref<56xf32, #tpu.memory_space<hbm>>
    %dma_wait3A_895 = arith.constant 4840 : i32
    %dma_wait3A_896 = tpu.memref_slice %arg9[%dma_wait3A_895] : memref<5568xf32, #tpu.memory_space<vmem>> -> memref<56xf32, #tpu.memory_space<vmem>>
    %dma_wait3A_897 = tpu.memref_slice %arg3[%add3A_305] : memref<32000xf32, #tpu.memory_space<hbm>> -> memref<56xf32, #tpu.memory_space<hbm>>
    tpu.wait_dma2 semaphore(%arg13 : memref<!tpu.dma_semaphore, #tpu.memory_space<semaphore_mem>>) src(%dma_wait3A_897 : memref<56xf32, #tpu.memory_space<hbm>>) dst(%dma_wait3A_896 : memref<56xf32, #tpu.memory_space<vmem>>)
    %dma_wait3A_898 = arith.constant 4896 : i32
    %dma_wait3A_899 = tpu.memref_slice %arg9[%dma_wait3A_898] : memref<5568xf32, #tpu.memory_space<vmem>> -> memref<56xf32, #tpu.memory_space<vmem>>
    %dma_wait3A_900 = tpu.memref_slice %arg3[%add3A_313] : memref<32000xf32, #tpu.memory_space<hbm>> -> memref<56xf32, #tpu.memory_space<hbm>>
    %dma_wait3A_901 = arith.constant 4896 : i32
    %dma_wait3A_902 = tpu.memref_slice %arg9[%dma_wait3A_901] : memref<5568xf32, #tpu.memory_space<vmem>> -> memref<56xf32, #tpu.memory_space<vmem>>
    %dma_wait3A_903 = tpu.memref_slice %arg3[%add3A_313] : memref<32000xf32, #tpu.memory_space<hbm>> -> memref<56xf32, #tpu.memory_space<hbm>>
    tpu.wait_dma2 semaphore(%arg13 : memref<!tpu.dma_semaphore, #tpu.memory_space<semaphore_mem>>) src(%dma_wait3A_903 : memref<56xf32, #tpu.memory_space<hbm>>) dst(%dma_wait3A_902 : memref<56xf32, #tpu.memory_space<vmem>>)
    %dma_wait3A_904 = arith.constant 4952 : i32
    %dma_wait3A_905 = tpu.memref_slice %arg9[%dma_wait3A_904] : memref<5568xf32, #tpu.memory_space<vmem>> -> memref<56xf32, #tpu.memory_space<vmem>>
    %dma_wait3A_906 = tpu.memref_slice %arg3[%add3A_321] : memref<32000xf32, #tpu.memory_space<hbm>> -> memref<56xf32, #tpu.memory_space<hbm>>
    %dma_wait3A_907 = arith.constant 4952 : i32
    %dma_wait3A_908 = tpu.memref_slice %arg9[%dma_wait3A_907] : memref<5568xf32, #tpu.memory_space<vmem>> -> memref<56xf32, #tpu.memory_space<vmem>>
    %dma_wait3A_909 = tpu.memref_slice %arg3[%add3A_321] : memref<32000xf32, #tpu.memory_space<hbm>> -> memref<56xf32, #tpu.memory_space<hbm>>
    tpu.wait_dma2 semaphore(%arg13 : memref<!tpu.dma_semaphore, #tpu.memory_space<semaphore_mem>>) src(%dma_wait3A_909 : memref<56xf32, #tpu.memory_space<hbm>>) dst(%dma_wait3A_908 : memref<56xf32, #tpu.memory_space<vmem>>)
    %dma_wait3A_910 = arith.constant 5008 : i32
    %dma_wait3A_911 = tpu.memref_slice %arg9[%dma_wait3A_910] : memref<5568xf32, #tpu.memory_space<vmem>> -> memref<56xf32, #tpu.memory_space<vmem>>
    %dma_wait3A_912 = tpu.memref_slice %arg3[%add3A_329] : memref<32000xf32, #tpu.memory_space<hbm>> -> memref<56xf32, #tpu.memory_space<hbm>>
    %dma_wait3A_913 = arith.constant 5008 : i32
    %dma_wait3A_914 = tpu.memref_slice %arg9[%dma_wait3A_913] : memref<5568xf32, #tpu.memory_space<vmem>> -> memref<56xf32, #tpu.memory_space<vmem>>
    %dma_wait3A_915 = tpu.memref_slice %arg3[%add3A_329] : memref<32000xf32, #tpu.memory_space<hbm>> -> memref<56xf32, #tpu.memory_space<hbm>>
    tpu.wait_dma2 semaphore(%arg13 : memref<!tpu.dma_semaphore, #tpu.memory_space<semaphore_mem>>) src(%dma_wait3A_915 : memref<56xf32, #tpu.memory_space<hbm>>) dst(%dma_wait3A_914 : memref<56xf32, #tpu.memory_space<vmem>>)
    %dma_wait3A_916 = arith.constant 5064 : i32
    %dma_wait3A_917 = tpu.memref_slice %arg9[%dma_wait3A_916] : memref<5568xf32, #tpu.memory_space<vmem>> -> memref<56xf32, #tpu.memory_space<vmem>>
    %dma_wait3A_918 = tpu.memref_slice %arg3[%add3A_337] : memref<32000xf32, #tpu.memory_space<hbm>> -> memref<56xf32, #tpu.memory_space<hbm>>
    %dma_wait3A_919 = arith.constant 5064 : i32
    %dma_wait3A_920 = tpu.memref_slice %arg9[%dma_wait3A_919] : memref<5568xf32, #tpu.memory_space<vmem>> -> memref<56xf32, #tpu.memory_space<vmem>>
    %dma_wait3A_921 = tpu.memref_slice %arg3[%add3A_337] : memref<32000xf32, #tpu.memory_space<hbm>> -> memref<56xf32, #tpu.memory_space<hbm>>
    tpu.wait_dma2 semaphore(%arg13 : memref<!tpu.dma_semaphore, #tpu.memory_space<semaphore_mem>>) src(%dma_wait3A_921 : memref<56xf32, #tpu.memory_space<hbm>>) dst(%dma_wait3A_920 : memref<56xf32, #tpu.memory_space<vmem>>)
    %and3A_922 = arith.constant 1 : i32
    %and3A_923 = vector.broadcast %and3A_922 : i32 to vector<16xi32>
    %and3A_924 = arith.andi %iota3A, %and3A_923 : vector<16xi32>
    %mul3A_925 = arith.constant 560 : i32
    %mul3A_926 = vector.broadcast %mul3A_925 : i32 to vector<16xi32>
    %mul3A_927 = arith.muli %and3A_924, %mul3A_926 : vector<16xi32>
    %shift_right_logical3A_928 = arith.constant 1 : i32
    %shift_right_logical3A_929 = vector.broadcast %shift_right_logical3A_928 : i32 to vector<16xi32>
    %shift_right_logical3A_930 = arith.shrui %iota3A, %shift_right_logical3A_929 : vector<16xi32>
    %add3A_931 = arith.addi %mul3A_927, %shift_right_logical3A_930 : vector<16xi32>
    %scan3A_932 = arith.constant 1.600000e+01 : f32
    %scan3A_933 = arith.constant 0 : i32
    %scan3A_934 = arith.constant 7 : i32
    %scan3A_935 = arith.addi %scan3A_933, %scan3A_934 : i32
    %scan3A_936 = arith.constant 1 : i32
    scf.for %scan3A_1533 = %scan3A_933 to %scan3A_935 step %scan3A_936  : i32 {
      %mul3A_1534 = arith.constant 16 : i32
      %mul3A_1535 = arith.muli %scan3A_1533, %mul3A_1534 : i32
      %add3A_1536 = arith.addi %mul3A_181, %mul3A_1535 : i32
      %add3A_1537 = vector.broadcast %add3A_1536 : i32 to vector<16xi32>
      %add3A_1538 = arith.addi %iota3A, %add3A_1537 : vector<16xi32>
      %shift_right_logical3A_1539 = arith.constant 1 : i32
      %shift_right_logical3A_1540 = vector.broadcast %shift_right_logical3A_1539 : i32 to vector<16xi32>
      %shift_right_logical3A_1541 = arith.shrui %add3A_1538, %shift_right_logical3A_1540 : vector<16xi32>
      %div3A = arith.constant 40 : i32
      %div3A_1542 = vector.broadcast %div3A : i32 to vector<16xi32>
      %div3A_1543 = arith.divsi %shift_right_logical3A_1541, %div3A_1542 : vector<16xi32>
      %mul3A_1544 = arith.constant 40 : i32
      %mul3A_1545 = vector.broadcast %mul3A_1544 : i32 to vector<16xi32>
      %mul3A_1546 = arith.muli %div3A_1543, %mul3A_1545 : vector<16xi32>
      %sub3A = arith.subi %shift_right_logical3A_1541, %mul3A_1546 : vector<16xi32>
      %mul3A_1547 = arith.constant 16 : i32
      %mul3A_1548 = vector.broadcast %mul3A_1547 : i32 to vector<16xi32>
      %mul3A_1549 = arith.muli %sub3A, %mul3A_1548 : vector<16xi32>
      %convert_element_type3A = arith.sitofp %mul3A_1549 : vector<16xi32> to vector<16xf32>
      %mul3A_1550 = arith.constant 16 : i32
      %mul3A_1551 = vector.broadcast %mul3A_1550 : i32 to vector<16xi32>
      %mul3A_1552 = arith.muli %div3A_1543, %mul3A_1551 : vector<16xi32>
      %convert_element_type3A_1553 = arith.sitofp %mul3A_1552 : vector<16xi32> to vector<16xf32>
      %mul3A_1554 = arith.constant 8 : i32
      %mul3A_1555 = arith.muli %scan3A_1533, %mul3A_1554 : i32
      %add3A_1556 = arith.constant 4000 : i32
      %add3A_1557 = arith.addi %add3A_1556, %mul3A_1555 : i32
      %mul3A_1558 = arith.constant 16 : i32
      %mul3A_1559 = arith.muli %scan3A_1533, %mul3A_1558 : i32
      %add3A_1560 = arith.constant 4000 : i32
      %add3A_1561 = arith.addi %add3A_1560, %mul3A_1559 : i32
      %add3A_1562 = arith.constant 0 : i32
      %add3A_1563 = arith.addi %add3A_1557, %add3A_1562 : i32
      %add3A_1564 = vector.broadcast %add3A_1563 : i32 to vector<16xi32>
      %add3A_1565 = arith.addi %add3A_931, %add3A_1564 : vector<16xi32>
      %gather3A = tpu.vector_load_idx %arg9[%add3A_1565] : memref<5568xf32, #tpu.memory_space<vmem>>[vector<16xi32>], vector<16xf32>,
      %mul3A_1566 = vector.broadcast %scan3A_932 : f32 to vector<16xf32>
      %mul3A_1567 = arith.mulf %gather3A, %mul3A_1566 : vector<16xf32>
      %add3A_1568 = arith.addf %mul3A_1567, %convert_element_type3A : vector<16xf32>
      %mul3A_1569 = arith.mulf %add3A_1568, %get3A_4 : vector<16xf32>
      %add3A_1570 = arith.constant 0 : i32
      %add3A_1571 = arith.addi %add3A_1570, %add3A_1561 : i32
      %swap3A = arith.index_cast %add3A_1571 : i32 to index
      %swap3A_1572 = tpu.vector_load %arg10[%swap3A] {strides = array<i32>} : memref<5568xf32, #tpu.memory_space<vmem>>, vector<16xf32>,
      tpu.vector_store %arg10[%swap3A], %mul3A_1569 {strides = array<i32>} : memref<5568xf32, #tpu.memory_space<vmem>>, vector<16xf32>,
      %add3A_1573 = arith.constant 56 : i32
      %add3A_1574 = arith.addi %add3A_1557, %add3A_1573 : i32
      %add3A_1575 = vector.broadcast %add3A_1574 : i32 to vector<16xi32>
      %add3A_1576 = arith.addi %add3A_931, %add3A_1575 : vector<16xi32>
      %gather3A_1577 = tpu.vector_load_idx %arg9[%add3A_1576] : memref<5568xf32, #tpu.memory_space<vmem>>[vector<16xi32>], vector<16xf32>,
      %mul3A_1578 = vector.broadcast %scan3A_932 : f32 to vector<16xf32>
      %mul3A_1579 = arith.mulf %gather3A_1577, %mul3A_1578 : vector<16xf32>
      %add3A_1580 = arith.addf %mul3A_1579, %convert_element_type3A_1553 : vector<16xf32>
      %mul3A_1581 = arith.mulf %add3A_1580, %get3A_6 : vector<16xf32>
      %add3A_1582 = arith.constant 112 : i32
      %add3A_1583 = arith.addi %add3A_1582, %add3A_1561 : i32
      %swap3A_1584 = arith.index_cast %add3A_1583 : i32 to index
      %swap3A_1585 = tpu.vector_load %arg10[%swap3A_1584] {strides = array<i32>} : memref<5568xf32, #tpu.memory_space<vmem>>, vector<16xf32>,
      tpu.vector_store %arg10[%swap3A_1584], %mul3A_1581 {strides = array<i32>} : memref<5568xf32, #tpu.memory_space<vmem>>, vector<16xf32>,
      %add3A_1586 = arith.constant 112 : i32
      %add3A_1587 = arith.addi %add3A_1557, %add3A_1586 : i32
      %add3A_1588 = vector.broadcast %add3A_1587 : i32 to vector<16xi32>
      %add3A_1589 = arith.addi %add3A_931, %add3A_1588 : vector<16xi32>
      %gather3A_1590 = tpu.vector_load_idx %arg9[%add3A_1589] : memref<5568xf32, #tpu.memory_space<vmem>>[vector<16xi32>], vector<16xf32>,
      %mul3A_1591 = vector.broadcast %scan3A_932 : f32 to vector<16xf32>
      %mul3A_1592 = arith.mulf %gather3A_1590, %mul3A_1591 : vector<16xf32>
      %add3A_1593 = arith.addf %mul3A_1592, %convert_element_type3A : vector<16xf32>
      %mul3A_1594 = arith.mulf %add3A_1593, %get3A_4 : vector<16xf32>
      %add3A_1595 = arith.constant 224 : i32
      %add3A_1596 = arith.addi %add3A_1595, %add3A_1561 : i32
      %swap3A_1597 = arith.index_cast %add3A_1596 : i32 to index
      %swap3A_1598 = tpu.vector_load %arg10[%swap3A_1597] {strides = array<i32>} : memref<5568xf32, #tpu.memory_space<vmem>>, vector<16xf32>,
      tpu.vector_store %arg10[%swap3A_1597], %mul3A_1594 {strides = array<i32>} : memref<5568xf32, #tpu.memory_space<vmem>>, vector<16xf32>,
      %add3A_1599 = arith.constant 168 : i32
      %add3A_1600 = arith.addi %add3A_1557, %add3A_1599 : i32
      %add3A_1601 = vector.broadcast %add3A_1600 : i32 to vector<16xi32>
      %add3A_1602 = arith.addi %add3A_931, %add3A_1601 : vector<16xi32>
      %gather3A_1603 = tpu.vector_load_idx %arg9[%add3A_1602] : memref<5568xf32, #tpu.memory_space<vmem>>[vector<16xi32>], vector<16xf32>,
      %mul3A_1604 = vector.broadcast %scan3A_932 : f32 to vector<16xf32>
      %mul3A_1605 = arith.mulf %gather3A_1603, %mul3A_1604 : vector<16xf32>
      %add3A_1606 = arith.addf %mul3A_1605, %convert_element_type3A_1553 : vector<16xf32>
      %mul3A_1607 = arith.mulf %add3A_1606, %get3A_6 : vector<16xf32>
      %add3A_1608 = arith.constant 336 : i32
      %add3A_1609 = arith.addi %add3A_1608, %add3A_1561 : i32
      %swap3A_1610 = arith.index_cast %add3A_1609 : i32 to index
      %swap3A_1611 = tpu.vector_load %arg10[%swap3A_1610] {strides = array<i32>} : memref<5568xf32, #tpu.memory_space<vmem>>, vector<16xf32>,
      tpu.vector_store %arg10[%swap3A_1610], %mul3A_1607 {strides = array<i32>} : memref<5568xf32, #tpu.memory_space<vmem>>, vector<16xf32>,
      %add3A_1612 = arith.constant 224 : i32
      %add3A_1613 = arith.addi %add3A_1557, %add3A_1612 : i32
      %add3A_1614 = vector.broadcast %add3A_1613 : i32 to vector<16xi32>
      %add3A_1615 = arith.addi %add3A_931, %add3A_1614 : vector<16xi32>
      %gather3A_1616 = tpu.vector_load_idx %arg9[%add3A_1615] : memref<5568xf32, #tpu.memory_space<vmem>>[vector<16xi32>], vector<16xf32>,
      %mul3A_1617 = vector.broadcast %scan3A_932 : f32 to vector<16xf32>
      %mul3A_1618 = arith.mulf %gather3A_1616, %mul3A_1617 : vector<16xf32>
      %add3A_1619 = arith.addf %mul3A_1618, %convert_element_type3A : vector<16xf32>
      %mul3A_1620 = arith.mulf %add3A_1619, %get3A_4 : vector<16xf32>
      %add3A_1621 = arith.constant 448 : i32
      %add3A_1622 = arith.addi %add3A_1621, %add3A_1561 : i32
      %swap3A_1623 = arith.index_cast %add3A_1622 : i32 to index
      %swap3A_1624 = tpu.vector_load %arg10[%swap3A_1623] {strides = array<i32>} : memref<5568xf32, #tpu.memory_space<vmem>>, vector<16xf32>,
      tpu.vector_store %arg10[%swap3A_1623], %mul3A_1620 {strides = array<i32>} : memref<5568xf32, #tpu.memory_space<vmem>>, vector<16xf32>,
      %add3A_1625 = arith.constant 280 : i32
      %add3A_1626 = arith.addi %add3A_1557, %add3A_1625 : i32
      %add3A_1627 = vector.broadcast %add3A_1626 : i32 to vector<16xi32>
      %add3A_1628 = arith.addi %add3A_931, %add3A_1627 : vector<16xi32>
      %gather3A_1629 = tpu.vector_load_idx %arg9[%add3A_1628] : memref<5568xf32, #tpu.memory_space<vmem>>[vector<16xi32>], vector<16xf32>,
      %mul3A_1630 = vector.broadcast %scan3A_932 : f32 to vector<16xf32>
      %mul3A_1631 = arith.mulf %gather3A_1629, %mul3A_1630 : vector<16xf32>
      %add3A_1632 = arith.addf %mul3A_1631, %convert_element_type3A_1553 : vector<16xf32>
      %mul3A_1633 = arith.mulf %add3A_1632, %get3A_6 : vector<16xf32>
      %add3A_1634 = arith.constant 560 : i32
      %add3A_1635 = arith.addi %add3A_1634, %add3A_1561 : i32
      %swap3A_1636 = arith.index_cast %add3A_1635 : i32 to index
      %swap3A_1637 = tpu.vector_load %arg10[%swap3A_1636] {strides = array<i32>} : memref<5568xf32, #tpu.memory_space<vmem>>, vector<16xf32>,
      tpu.vector_store %arg10[%swap3A_1636], %mul3A_1633 {strides = array<i32>} : memref<5568xf32, #tpu.memory_space<vmem>>, vector<16xf32>,
      %add3A_1638 = arith.constant 336 : i32
      %add3A_1639 = arith.addi %add3A_1557, %add3A_1638 : i32
      %add3A_1640 = vector.broadcast %add3A_1639 : i32 to vector<16xi32>
      %add3A_1641 = arith.addi %add3A_931, %add3A_1640 : vector<16xi32>
      %gather3A_1642 = tpu.vector_load_idx %arg9[%add3A_1641] : memref<5568xf32, #tpu.memory_space<vmem>>[vector<16xi32>], vector<16xf32>,
      %mul3A_1643 = vector.broadcast %scan3A_932 : f32 to vector<16xf32>
      %mul3A_1644 = arith.mulf %gather3A_1642, %mul3A_1643 : vector<16xf32>
      %add3A_1645 = arith.addf %mul3A_1644, %convert_element_type3A : vector<16xf32>
      %mul3A_1646 = arith.mulf %add3A_1645, %get3A_4 : vector<16xf32>
      %add3A_1647 = arith.constant 672 : i32
      %add3A_1648 = arith.addi %add3A_1647, %add3A_1561 : i32
      %swap3A_1649 = arith.index_cast %add3A_1648 : i32 to index
      %swap3A_1650 = tpu.vector_load %arg10[%swap3A_1649] {strides = array<i32>} : memref<5568xf32, #tpu.memory_space<vmem>>, vector<16xf32>,
      tpu.vector_store %arg10[%swap3A_1649], %mul3A_1646 {strides = array<i32>} : memref<5568xf32, #tpu.memory_space<vmem>>, vector<16xf32>,
      %add3A_1651 = arith.constant 392 : i32
      %add3A_1652 = arith.addi %add3A_1557, %add3A_1651 : i32
      %add3A_1653 = vector.broadcast %add3A_1652 : i32 to vector<16xi32>
      %add3A_1654 = arith.addi %add3A_931, %add3A_1653 : vector<16xi32>
      %gather3A_1655 = tpu.vector_load_idx %arg9[%add3A_1654] : memref<5568xf32, #tpu.memory_space<vmem>>[vector<16xi32>], vector<16xf32>,
      %mul3A_1656 = vector.broadcast %scan3A_932 : f32 to vector<16xf32>
      %mul3A_1657 = arith.mulf %gather3A_1655, %mul3A_1656 : vector<16xf32>
      %add3A_1658 = arith.addf %mul3A_1657, %convert_element_type3A_1553 : vector<16xf32>
      %mul3A_1659 = arith.mulf %add3A_1658, %get3A_6 : vector<16xf32>
      %add3A_1660 = arith.constant 784 : i32
      %add3A_1661 = arith.addi %add3A_1660, %add3A_1561 : i32
      %swap3A_1662 = arith.index_cast %add3A_1661 : i32 to index
      %swap3A_1663 = tpu.vector_load %arg10[%swap3A_1662] {strides = array<i32>} : memref<5568xf32, #tpu.memory_space<vmem>>, vector<16xf32>,
      tpu.vector_store %arg10[%swap3A_1662], %mul3A_1659 {strides = array<i32>} : memref<5568xf32, #tpu.memory_space<vmem>>, vector<16xf32>,
      %add3A_1664 = arith.constant 448 : i32
      %add3A_1665 = arith.addi %add3A_1557, %add3A_1664 : i32
      %add3A_1666 = vector.broadcast %add3A_1665 : i32 to vector<16xi32>
      %add3A_1667 = arith.addi %add3A_931, %add3A_1666 : vector<16xi32>
      %gather3A_1668 = tpu.vector_load_idx %arg9[%add3A_1667] : memref<5568xf32, #tpu.memory_space<vmem>>[vector<16xi32>], vector<16xf32>,
      %mul3A_1669 = vector.broadcast %scan3A_932 : f32 to vector<16xf32>
      %mul3A_1670 = arith.mulf %gather3A_1668, %mul3A_1669 : vector<16xf32>
      %add3A_1671 = arith.addf %mul3A_1670, %convert_element_type3A : vector<16xf32>
      %mul3A_1672 = arith.mulf %add3A_1671, %get3A_4 : vector<16xf32>
      %add3A_1673 = arith.constant 896 : i32
      %add3A_1674 = arith.addi %add3A_1673, %add3A_1561 : i32
      %swap3A_1675 = arith.index_cast %add3A_1674 : i32 to index
      %swap3A_1676 = tpu.vector_load %arg10[%swap3A_1675] {strides = array<i32>} : memref<5568xf32, #tpu.memory_space<vmem>>, vector<16xf32>,
      tpu.vector_store %arg10[%swap3A_1675], %mul3A_1672 {strides = array<i32>} : memref<5568xf32, #tpu.memory_space<vmem>>, vector<16xf32>,
      %add3A_1677 = arith.constant 504 : i32
      %add3A_1678 = arith.addi %add3A_1557, %add3A_1677 : i32
      %add3A_1679 = vector.broadcast %add3A_1678 : i32 to vector<16xi32>
      %add3A_1680 = arith.addi %add3A_931, %add3A_1679 : vector<16xi32>
      %gather3A_1681 = tpu.vector_load_idx %arg9[%add3A_1680] : memref<5568xf32, #tpu.memory_space<vmem>>[vector<16xi32>], vector<16xf32>,
      %mul3A_1682 = vector.broadcast %scan3A_932 : f32 to vector<16xf32>
      %mul3A_1683 = arith.mulf %gather3A_1681, %mul3A_1682 : vector<16xf32>
      %add3A_1684 = arith.addf %mul3A_1683, %convert_element_type3A_1553 : vector<16xf32>
      %mul3A_1685 = arith.mulf %add3A_1684, %get3A_6 : vector<16xf32>
      %add3A_1686 = arith.constant 1008 : i32
      %add3A_1687 = arith.addi %add3A_1686, %add3A_1561 : i32
      %swap3A_1688 = arith.index_cast %add3A_1687 : i32 to index
      %swap3A_1689 = tpu.vector_load %arg10[%swap3A_1688] {strides = array<i32>} : memref<5568xf32, #tpu.memory_space<vmem>>, vector<16xf32>,
      tpu.vector_store %arg10[%swap3A_1688], %mul3A_1685 {strides = array<i32>} : memref<5568xf32, #tpu.memory_space<vmem>>, vector<16xf32>,
    }
    %scan3A_937 = arith.constant 7 : i32
    %add3A_938 = arith.constant 12800 : i32
    %add3A_939 = arith.addi %add3A_938, %mul3A_181 : i32
    %dma_start3A_940 = arith.constant 4000 : i32
    %dma_start3A_941 = tpu.memref_slice %arg10[%dma_start3A_940] : memref<5568xf32, #tpu.memory_space<vmem>> -> memref<112xf32, #tpu.memory_space<vmem>>
    %dma_start3A_942 = tpu.memref_slice %arg7[%add3A_939] : memref<168000xf32, #tpu.memory_space<hbm>> -> memref<112xf32, #tpu.memory_space<hbm>>
    %dma_start3A_943 = tpu.memref_slice %arg7[%add3A_939] : memref<168000xf32, #tpu.memory_space<hbm>> -> memref<112xf32, #tpu.memory_space<hbm>>
    %dma_start3A_944 = arith.constant 4000 : i32
    %dma_start3A_945 = tpu.memref_slice %arg10[%dma_start3A_944] : memref<5568xf32, #tpu.memory_space<vmem>> -> memref<112xf32, #tpu.memory_space<vmem>>
    tpu.enqueue_dma source(%dma_start3A_945 : memref<112xf32, #tpu.memory_space<vmem>>) target(%dma_start3A_943 : memref<112xf32, #tpu.memory_space<hbm>>) target_semaphore(%arg16 : memref<!tpu.dma_semaphore, #tpu.memory_space<semaphore_mem>>)
    %add3A_946 = arith.constant 29600 : i32
    %add3A_947 = arith.addi %add3A_946, %mul3A_181 : i32
    %dma_start3A_948 = arith.constant 4112 : i32
    %dma_start3A_949 = tpu.memref_slice %arg10[%dma_start3A_948] : memref<5568xf32, #tpu.memory_space<vmem>> -> memref<112xf32, #tpu.memory_space<vmem>>
    %dma_start3A_950 = tpu.memref_slice %arg7[%add3A_947] : memref<168000xf32, #tpu.memory_space<hbm>> -> memref<112xf32, #tpu.memory_space<hbm>>
    %dma_start3A_951 = tpu.memref_slice %arg7[%add3A_947] : memref<168000xf32, #tpu.memory_space<hbm>> -> memref<112xf32, #tpu.memory_space<hbm>>
    %dma_start3A_952 = arith.constant 4112 : i32
    %dma_start3A_953 = tpu.memref_slice %arg10[%dma_start3A_952] : memref<5568xf32, #tpu.memory_space<vmem>> -> memref<112xf32, #tpu.memory_space<vmem>>
    tpu.enqueue_dma source(%dma_start3A_953 : memref<112xf32, #tpu.memory_space<vmem>>) target(%dma_start3A_951 : memref<112xf32, #tpu.memory_space<hbm>>) target_semaphore(%arg16 : memref<!tpu.dma_semaphore, #tpu.memory_space<semaphore_mem>>)
    %add3A_954 = arith.constant 46400 : i32
    %add3A_955 = arith.addi %add3A_954, %mul3A_181 : i32
    %dma_start3A_956 = arith.constant 4224 : i32
    %dma_start3A_957 = tpu.memref_slice %arg10[%dma_start3A_956] : memref<5568xf32, #tpu.memory_space<vmem>> -> memref<112xf32, #tpu.memory_space<vmem>>
    %dma_start3A_958 = tpu.memref_slice %arg7[%add3A_955] : memref<168000xf32, #tpu.memory_space<hbm>> -> memref<112xf32, #tpu.memory_space<hbm>>
    %dma_start3A_959 = tpu.memref_slice %arg7[%add3A_955] : memref<168000xf32, #tpu.memory_space<hbm>> -> memref<112xf32, #tpu.memory_space<hbm>>
    %dma_start3A_960 = arith.constant 4224 : i32
    %dma_start3A_961 = tpu.memref_slice %arg10[%dma_start3A_960] : memref<5568xf32, #tpu.memory_space<vmem>> -> memref<112xf32, #tpu.memory_space<vmem>>
    tpu.enqueue_dma source(%dma_start3A_961 : memref<112xf32, #tpu.memory_space<vmem>>) target(%dma_start3A_959 : memref<112xf32, #tpu.memory_space<hbm>>) target_semaphore(%arg16 : memref<!tpu.dma_semaphore, #tpu.memory_space<semaphore_mem>>)
    %add3A_962 = arith.constant 63200 : i32
    %add3A_963 = arith.addi %add3A_962, %mul3A_181 : i32
    %dma_start3A_964 = arith.constant 4336 : i32
    %dma_start3A_965 = tpu.memref_slice %arg10[%dma_start3A_964] : memref<5568xf32, #tpu.memory_space<vmem>> -> memref<112xf32, #tpu.memory_space<vmem>>
    %dma_start3A_966 = tpu.memref_slice %arg7[%add3A_963] : memref<168000xf32, #tpu.memory_space<hbm>> -> memref<112xf32, #tpu.memory_space<hbm>>
    %dma_start3A_967 = tpu.memref_slice %arg7[%add3A_963] : memref<168000xf32, #tpu.memory_space<hbm>> -> memref<112xf32, #tpu.memory_space<hbm>>
    %dma_start3A_968 = arith.constant 4336 : i32
    %dma_start3A_969 = tpu.memref_slice %arg10[%dma_start3A_968] : memref<5568xf32, #tpu.memory_space<vmem>> -> memref<112xf32, #tpu.memory_space<vmem>>
    tpu.enqueue_dma source(%dma_start3A_969 : memref<112xf32, #tpu.memory_space<vmem>>) target(%dma_start3A_967 : memref<112xf32, #tpu.memory_space<hbm>>) target_semaphore(%arg16 : memref<!tpu.dma_semaphore, #tpu.memory_space<semaphore_mem>>)
    %add3A_970 = arith.constant 80000 : i32
    %add3A_971 = arith.addi %add3A_970, %mul3A_181 : i32
    %dma_start3A_972 = arith.constant 4448 : i32
    %dma_start3A_973 = tpu.memref_slice %arg10[%dma_start3A_972] : memref<5568xf32, #tpu.memory_space<vmem>> -> memref<112xf32, #tpu.memory_space<vmem>>
    %dma_start3A_974 = tpu.memref_slice %arg7[%add3A_971] : memref<168000xf32, #tpu.memory_space<hbm>> -> memref<112xf32, #tpu.memory_space<hbm>>
    %dma_start3A_975 = tpu.memref_slice %arg7[%add3A_971] : memref<168000xf32, #tpu.memory_space<hbm>> -> memref<112xf32, #tpu.memory_space<hbm>>
    %dma_start3A_976 = arith.constant 4448 : i32
    %dma_start3A_977 = tpu.memref_slice %arg10[%dma_start3A_976] : memref<5568xf32, #tpu.memory_space<vmem>> -> memref<112xf32, #tpu.memory_space<vmem>>
    tpu.enqueue_dma source(%dma_start3A_977 : memref<112xf32, #tpu.memory_space<vmem>>) target(%dma_start3A_975 : memref<112xf32, #tpu.memory_space<hbm>>) target_semaphore(%arg16 : memref<!tpu.dma_semaphore, #tpu.memory_space<semaphore_mem>>)
    %add3A_978 = arith.constant 96800 : i32
    %add3A_979 = arith.addi %add3A_978, %mul3A_181 : i32
    %dma_start3A_980 = arith.constant 4560 : i32
    %dma_start3A_981 = tpu.memref_slice %arg10[%dma_start3A_980] : memref<5568xf32, #tpu.memory_space<vmem>> -> memref<112xf32, #tpu.memory_space<vmem>>
    %dma_start3A_982 = tpu.memref_slice %arg7[%add3A_979] : memref<168000xf32, #tpu.memory_space<hbm>> -> memref<112xf32, #tpu.memory_space<hbm>>
    %dma_start3A_983 = tpu.memref_slice %arg7[%add3A_979] : memref<168000xf32, #tpu.memory_space<hbm>> -> memref<112xf32, #tpu.memory_space<hbm>>
    %dma_start3A_984 = arith.constant 4560 : i32
    %dma_start3A_985 = tpu.memref_slice %arg10[%dma_start3A_984] : memref<5568xf32, #tpu.memory_space<vmem>> -> memref<112xf32, #tpu.memory_space<vmem>>
    tpu.enqueue_dma source(%dma_start3A_985 : memref<112xf32, #tpu.memory_space<vmem>>) target(%dma_start3A_983 : memref<112xf32, #tpu.memory_space<hbm>>) target_semaphore(%arg16 : memref<!tpu.dma_semaphore, #tpu.memory_space<semaphore_mem>>)
    %add3A_986 = arith.constant 113600 : i32
    %add3A_987 = arith.addi %add3A_986, %mul3A_181 : i32
    %dma_start3A_988 = arith.constant 4672 : i32
    %dma_start3A_989 = tpu.memref_slice %arg10[%dma_start3A_988] : memref<5568xf32, #tpu.memory_space<vmem>> -> memref<112xf32, #tpu.memory_space<vmem>>
    %dma_start3A_990 = tpu.memref_slice %arg7[%add3A_987] : memref<168000xf32, #tpu.memory_space<hbm>> -> memref<112xf32, #tpu.memory_space<hbm>>
    %dma_start3A_991 = tpu.memref_slice %arg7[%add3A_987] : memref<168000xf32, #tpu.memory_space<hbm>> -> memref<112xf32, #tpu.memory_space<hbm>>
    %dma_start3A_992 = arith.constant 4672 : i32
    %dma_start3A_993 = tpu.memref_slice %arg10[%dma_start3A_992] : memref<5568xf32, #tpu.memory_space<vmem>> -> memref<112xf32, #tpu.memory_space<vmem>>
    tpu.enqueue_dma source(%dma_start3A_993 : memref<112xf32, #tpu.memory_space<vmem>>) target(%dma_start3A_991 : memref<112xf32, #tpu.memory_space<hbm>>) target_semaphore(%arg16 : memref<!tpu.dma_semaphore, #tpu.memory_space<semaphore_mem>>)
    %add3A_994 = arith.constant 130400 : i32
    %add3A_995 = arith.addi %add3A_994, %mul3A_181 : i32
    %dma_start3A_996 = arith.constant 4784 : i32
    %dma_start3A_997 = tpu.memref_slice %arg10[%dma_start3A_996] : memref<5568xf32, #tpu.memory_space<vmem>> -> memref<112xf32, #tpu.memory_space<vmem>>
    %dma_start3A_998 = tpu.memref_slice %arg7[%add3A_995] : memref<168000xf32, #tpu.memory_space<hbm>> -> memref<112xf32, #tpu.memory_space<hbm>>
    %dma_start3A_999 = tpu.memref_slice %arg7[%add3A_995] : memref<168000xf32, #tpu.memory_space<hbm>> -> memref<112xf32, #tpu.memory_space<hbm>>
    %dma_start3A_1000 = arith.constant 4784 : i32
    %dma_start3A_1001 = tpu.memref_slice %arg10[%dma_start3A_1000] : memref<5568xf32, #tpu.memory_space<vmem>> -> memref<112xf32, #tpu.memory_space<vmem>>
    tpu.enqueue_dma source(%dma_start3A_1001 : memref<112xf32, #tpu.memory_space<vmem>>) target(%dma_start3A_999 : memref<112xf32, #tpu.memory_space<hbm>>) target_semaphore(%arg16 : memref<!tpu.dma_semaphore, #tpu.memory_space<semaphore_mem>>)
    %add3A_1002 = arith.constant 147200 : i32
    %add3A_1003 = arith.addi %add3A_1002, %mul3A_181 : i32
    %dma_start3A_1004 = arith.constant 4896 : i32
    %dma_start3A_1005 = tpu.memref_slice %arg10[%dma_start3A_1004] : memref<5568xf32, #tpu.memory_space<vmem>> -> memref<112xf32, #tpu.memory_space<vmem>>
    %dma_start3A_1006 = tpu.memref_slice %arg7[%add3A_1003] : memref<168000xf32, #tpu.memory_space<hbm>> -> memref<112xf32, #tpu.memory_space<hbm>>
    %dma_start3A_1007 = tpu.memref_slice %arg7[%add3A_1003] : memref<168000xf32, #tpu.memory_space<hbm>> -> memref<112xf32, #tpu.memory_space<hbm>>
    %dma_start3A_1008 = arith.constant 4896 : i32
    %dma_start3A_1009 = tpu.memref_slice %arg10[%dma_start3A_1008] : memref<5568xf32, #tpu.memory_space<vmem>> -> memref<112xf32, #tpu.memory_space<vmem>>
    tpu.enqueue_dma source(%dma_start3A_1009 : memref<112xf32, #tpu.memory_space<vmem>>) target(%dma_start3A_1007 : memref<112xf32, #tpu.memory_space<hbm>>) target_semaphore(%arg16 : memref<!tpu.dma_semaphore, #tpu.memory_space<semaphore_mem>>)
    %add3A_1010 = arith.constant 164000 : i32
    %add3A_1011 = arith.addi %add3A_1010, %mul3A_181 : i32
    %dma_start3A_1012 = arith.constant 5008 : i32
    %dma_start3A_1013 = tpu.memref_slice %arg10[%dma_start3A_1012] : memref<5568xf32, #tpu.memory_space<vmem>> -> memref<112xf32, #tpu.memory_space<vmem>>
    %dma_start3A_1014 = tpu.memref_slice %arg7[%add3A_1011] : memref<168000xf32, #tpu.memory_space<hbm>> -> memref<112xf32, #tpu.memory_space<hbm>>
    %dma_start3A_1015 = tpu.memref_slice %arg7[%add3A_1011] : memref<168000xf32, #tpu.memory_space<hbm>> -> memref<112xf32, #tpu.memory_space<hbm>>
    %dma_start3A_1016 = arith.constant 5008 : i32
    %dma_start3A_1017 = tpu.memref_slice %arg10[%dma_start3A_1016] : memref<5568xf32, #tpu.memory_space<vmem>> -> memref<112xf32, #tpu.memory_space<vmem>>
    tpu.enqueue_dma source(%dma_start3A_1017 : memref<112xf32, #tpu.memory_space<vmem>>) target(%dma_start3A_1015 : memref<112xf32, #tpu.memory_space<hbm>>) target_semaphore(%arg16 : memref<!tpu.dma_semaphore, #tpu.memory_space<semaphore_mem>>)
    %dma_wait3A_1018 = arith.constant 5120 : i32
    %dma_wait3A_1019 = tpu.memref_slice %arg9[%dma_wait3A_1018] : memref<5568xf32, #tpu.memory_space<vmem>> -> memref<16xf32, #tpu.memory_space<vmem>>
    %dma_wait3A_1020 = tpu.memref_slice %arg4[%add3A_356] : memref<8000xf32, #tpu.memory_space<hbm>> -> memref<16xf32, #tpu.memory_space<hbm>>
    %dma_wait3A_1021 = arith.constant 5120 : i32
    %dma_wait3A_1022 = tpu.memref_slice %arg9[%dma_wait3A_1021] : memref<5568xf32, #tpu.memory_space<vmem>> -> memref<16xf32, #tpu.memory_space<vmem>>
    %dma_wait3A_1023 = tpu.memref_slice %arg4[%add3A_356] : memref<8000xf32, #tpu.memory_space<hbm>> -> memref<16xf32, #tpu.memory_space<hbm>>
    tpu.wait_dma2 semaphore(%arg14 : memref<!tpu.dma_semaphore, #tpu.memory_space<semaphore_mem>>) src(%dma_wait3A_1023 : memref<16xf32, #tpu.memory_space<hbm>>) dst(%dma_wait3A_1022 : memref<16xf32, #tpu.memory_space<vmem>>)
    %dma_wait3A_1024 = arith.constant 5136 : i32
    %dma_wait3A_1025 = tpu.memref_slice %arg9[%dma_wait3A_1024] : memref<5568xf32, #tpu.memory_space<vmem>> -> memref<16xf32, #tpu.memory_space<vmem>>
    %dma_wait3A_1026 = tpu.memref_slice %arg4[%add3A_364] : memref<8000xf32, #tpu.memory_space<hbm>> -> memref<16xf32, #tpu.memory_space<hbm>>
    %dma_wait3A_1027 = arith.constant 5136 : i32
    %dma_wait3A_1028 = tpu.memref_slice %arg9[%dma_wait3A_1027] : memref<5568xf32, #tpu.memory_space<vmem>> -> memref<16xf32, #tpu.memory_space<vmem>>
    %dma_wait3A_1029 = tpu.memref_slice %arg4[%add3A_364] : memref<8000xf32, #tpu.memory_space<hbm>> -> memref<16xf32, #tpu.memory_space<hbm>>
    tpu.wait_dma2 semaphore(%arg14 : memref<!tpu.dma_semaphore, #tpu.memory_space<semaphore_mem>>) src(%dma_wait3A_1029 : memref<16xf32, #tpu.memory_space<hbm>>) dst(%dma_wait3A_1028 : memref<16xf32, #tpu.memory_space<vmem>>)
    %dma_wait3A_1030 = arith.constant 5152 : i32
    %dma_wait3A_1031 = tpu.memref_slice %arg9[%dma_wait3A_1030] : memref<5568xf32, #tpu.memory_space<vmem>> -> memref<16xf32, #tpu.memory_space<vmem>>
    %dma_wait3A_1032 = tpu.memref_slice %arg4[%add3A_372] : memref<8000xf32, #tpu.memory_space<hbm>> -> memref<16xf32, #tpu.memory_space<hbm>>
    %dma_wait3A_1033 = arith.constant 5152 : i32
    %dma_wait3A_1034 = tpu.memref_slice %arg9[%dma_wait3A_1033] : memref<5568xf32, #tpu.memory_space<vmem>> -> memref<16xf32, #tpu.memory_space<vmem>>
    %dma_wait3A_1035 = tpu.memref_slice %arg4[%add3A_372] : memref<8000xf32, #tpu.memory_space<hbm>> -> memref<16xf32, #tpu.memory_space<hbm>>
    tpu.wait_dma2 semaphore(%arg14 : memref<!tpu.dma_semaphore, #tpu.memory_space<semaphore_mem>>) src(%dma_wait3A_1035 : memref<16xf32, #tpu.memory_space<hbm>>) dst(%dma_wait3A_1034 : memref<16xf32, #tpu.memory_space<vmem>>)
    %dma_wait3A_1036 = arith.constant 5168 : i32
    %dma_wait3A_1037 = tpu.memref_slice %arg9[%dma_wait3A_1036] : memref<5568xf32, #tpu.memory_space<vmem>> -> memref<16xf32, #tpu.memory_space<vmem>>
    %dma_wait3A_1038 = tpu.memref_slice %arg4[%add3A_380] : memref<8000xf32, #tpu.memory_space<hbm>> -> memref<16xf32, #tpu.memory_space<hbm>>
    %dma_wait3A_1039 = arith.constant 5168 : i32
    %dma_wait3A_1040 = tpu.memref_slice %arg9[%dma_wait3A_1039] : memref<5568xf32, #tpu.memory_space<vmem>> -> memref<16xf32, #tpu.memory_space<vmem>>
    %dma_wait3A_1041 = tpu.memref_slice %arg4[%add3A_380] : memref<8000xf32, #tpu.memory_space<hbm>> -> memref<16xf32, #tpu.memory_space<hbm>>
    tpu.wait_dma2 semaphore(%arg14 : memref<!tpu.dma_semaphore, #tpu.memory_space<semaphore_mem>>) src(%dma_wait3A_1041 : memref<16xf32, #tpu.memory_space<hbm>>) dst(%dma_wait3A_1040 : memref<16xf32, #tpu.memory_space<vmem>>)
    %dma_wait3A_1042 = arith.constant 5184 : i32
    %dma_wait3A_1043 = tpu.memref_slice %arg9[%dma_wait3A_1042] : memref<5568xf32, #tpu.memory_space<vmem>> -> memref<16xf32, #tpu.memory_space<vmem>>
    %dma_wait3A_1044 = tpu.memref_slice %arg4[%add3A_388] : memref<8000xf32, #tpu.memory_space<hbm>> -> memref<16xf32, #tpu.memory_space<hbm>>
    %dma_wait3A_1045 = arith.constant 5184 : i32
    %dma_wait3A_1046 = tpu.memref_slice %arg9[%dma_wait3A_1045] : memref<5568xf32, #tpu.memory_space<vmem>> -> memref<16xf32, #tpu.memory_space<vmem>>
    %dma_wait3A_1047 = tpu.memref_slice %arg4[%add3A_388] : memref<8000xf32, #tpu.memory_space<hbm>> -> memref<16xf32, #tpu.memory_space<hbm>>
    tpu.wait_dma2 semaphore(%arg14 : memref<!tpu.dma_semaphore, #tpu.memory_space<semaphore_mem>>) src(%dma_wait3A_1047 : memref<16xf32, #tpu.memory_space<hbm>>) dst(%dma_wait3A_1046 : memref<16xf32, #tpu.memory_space<vmem>>)
    %dma_wait3A_1048 = arith.constant 5200 : i32
    %dma_wait3A_1049 = tpu.memref_slice %arg9[%dma_wait3A_1048] : memref<5568xf32, #tpu.memory_space<vmem>> -> memref<16xf32, #tpu.memory_space<vmem>>
    %dma_wait3A_1050 = tpu.memref_slice %arg4[%add3A_396] : memref<8000xf32, #tpu.memory_space<hbm>> -> memref<16xf32, #tpu.memory_space<hbm>>
    %dma_wait3A_1051 = arith.constant 5200 : i32
    %dma_wait3A_1052 = tpu.memref_slice %arg9[%dma_wait3A_1051] : memref<5568xf32, #tpu.memory_space<vmem>> -> memref<16xf32, #tpu.memory_space<vmem>>
    %dma_wait3A_1053 = tpu.memref_slice %arg4[%add3A_396] : memref<8000xf32, #tpu.memory_space<hbm>> -> memref<16xf32, #tpu.memory_space<hbm>>
    tpu.wait_dma2 semaphore(%arg14 : memref<!tpu.dma_semaphore, #tpu.memory_space<semaphore_mem>>) src(%dma_wait3A_1053 : memref<16xf32, #tpu.memory_space<hbm>>) dst(%dma_wait3A_1052 : memref<16xf32, #tpu.memory_space<vmem>>)
    %dma_wait3A_1054 = arith.constant 5216 : i32
    %dma_wait3A_1055 = tpu.memref_slice %arg9[%dma_wait3A_1054] : memref<5568xf32, #tpu.memory_space<vmem>> -> memref<16xf32, #tpu.memory_space<vmem>>
    %dma_wait3A_1056 = tpu.memref_slice %arg4[%add3A_404] : memref<8000xf32, #tpu.memory_space<hbm>> -> memref<16xf32, #tpu.memory_space<hbm>>
    %dma_wait3A_1057 = arith.constant 5216 : i32
    %dma_wait3A_1058 = tpu.memref_slice %arg9[%dma_wait3A_1057] : memref<5568xf32, #tpu.memory_space<vmem>> -> memref<16xf32, #tpu.memory_space<vmem>>
    %dma_wait3A_1059 = tpu.memref_slice %arg4[%add3A_404] : memref<8000xf32, #tpu.memory_space<hbm>> -> memref<16xf32, #tpu.memory_space<hbm>>
    tpu.wait_dma2 semaphore(%arg14 : memref<!tpu.dma_semaphore, #tpu.memory_space<semaphore_mem>>) src(%dma_wait3A_1059 : memref<16xf32, #tpu.memory_space<hbm>>) dst(%dma_wait3A_1058 : memref<16xf32, #tpu.memory_space<vmem>>)
    %dma_wait3A_1060 = arith.constant 5232 : i32
    %dma_wait3A_1061 = tpu.memref_slice %arg9[%dma_wait3A_1060] : memref<5568xf32, #tpu.memory_space<vmem>> -> memref<16xf32, #tpu.memory_space<vmem>>
    %dma_wait3A_1062 = tpu.memref_slice %arg4[%add3A_412] : memref<8000xf32, #tpu.memory_space<hbm>> -> memref<16xf32, #tpu.memory_space<hbm>>
    %dma_wait3A_1063 = arith.constant 5232 : i32
    %dma_wait3A_1064 = tpu.memref_slice %arg9[%dma_wait3A_1063] : memref<5568xf32, #tpu.memory_space<vmem>> -> memref<16xf32, #tpu.memory_space<vmem>>
    %dma_wait3A_1065 = tpu.memref_slice %arg4[%add3A_412] : memref<8000xf32, #tpu.memory_space<hbm>> -> memref<16xf32, #tpu.memory_space<hbm>>
    tpu.wait_dma2 semaphore(%arg14 : memref<!tpu.dma_semaphore, #tpu.memory_space<semaphore_mem>>) src(%dma_wait3A_1065 : memref<16xf32, #tpu.memory_space<hbm>>) dst(%dma_wait3A_1064 : memref<16xf32, #tpu.memory_space<vmem>>)
    %dma_wait3A_1066 = arith.constant 5248 : i32
    %dma_wait3A_1067 = tpu.memref_slice %arg9[%dma_wait3A_1066] : memref<5568xf32, #tpu.memory_space<vmem>> -> memref<16xf32, #tpu.memory_space<vmem>>
    %dma_wait3A_1068 = tpu.memref_slice %arg4[%add3A_420] : memref<8000xf32, #tpu.memory_space<hbm>> -> memref<16xf32, #tpu.memory_space<hbm>>
    %dma_wait3A_1069 = arith.constant 5248 : i32
    %dma_wait3A_1070 = tpu.memref_slice %arg9[%dma_wait3A_1069] : memref<5568xf32, #tpu.memory_space<vmem>> -> memref<16xf32, #tpu.memory_space<vmem>>
    %dma_wait3A_1071 = tpu.memref_slice %arg4[%add3A_420] : memref<8000xf32, #tpu.memory_space<hbm>> -> memref<16xf32, #tpu.memory_space<hbm>>
    tpu.wait_dma2 semaphore(%arg14 : memref<!tpu.dma_semaphore, #tpu.memory_space<semaphore_mem>>) src(%dma_wait3A_1071 : memref<16xf32, #tpu.memory_space<hbm>>) dst(%dma_wait3A_1070 : memref<16xf32, #tpu.memory_space<vmem>>)
    %dma_wait3A_1072 = arith.constant 5264 : i32
    %dma_wait3A_1073 = tpu.memref_slice %arg9[%dma_wait3A_1072] : memref<5568xf32, #tpu.memory_space<vmem>> -> memref<16xf32, #tpu.memory_space<vmem>>
    %dma_wait3A_1074 = tpu.memref_slice %arg4[%add3A_428] : memref<8000xf32, #tpu.memory_space<hbm>> -> memref<16xf32, #tpu.memory_space<hbm>>
    %dma_wait3A_1075 = arith.constant 5264 : i32
    %dma_wait3A_1076 = tpu.memref_slice %arg9[%dma_wait3A_1075] : memref<5568xf32, #tpu.memory_space<vmem>> -> memref<16xf32, #tpu.memory_space<vmem>>
    %dma_wait3A_1077 = tpu.memref_slice %arg4[%add3A_428] : memref<8000xf32, #tpu.memory_space<hbm>> -> memref<16xf32, #tpu.memory_space<hbm>>
    tpu.wait_dma2 semaphore(%arg14 : memref<!tpu.dma_semaphore, #tpu.memory_space<semaphore_mem>>) src(%dma_wait3A_1077 : memref<16xf32, #tpu.memory_space<hbm>>) dst(%dma_wait3A_1076 : memref<16xf32, #tpu.memory_space<vmem>>)
    %dma_wait3A_1078 = arith.constant 5280 : i32
    %dma_wait3A_1079 = tpu.memref_slice %arg9[%dma_wait3A_1078] : memref<5568xf32, #tpu.memory_space<vmem>> -> memref<16xf32, #tpu.memory_space<vmem>>
    %dma_wait3A_1080 = tpu.memref_slice %arg4[%add3A_436] : memref<8000xf32, #tpu.memory_space<hbm>> -> memref<16xf32, #tpu.memory_space<hbm>>
    %dma_wait3A_1081 = arith.constant 5280 : i32
    %dma_wait3A_1082 = tpu.memref_slice %arg9[%dma_wait3A_1081] : memref<5568xf32, #tpu.memory_space<vmem>> -> memref<16xf32, #tpu.memory_space<vmem>>
    %dma_wait3A_1083 = tpu.memref_slice %arg4[%add3A_436] : memref<8000xf32, #tpu.memory_space<hbm>> -> memref<16xf32, #tpu.memory_space<hbm>>
    tpu.wait_dma2 semaphore(%arg14 : memref<!tpu.dma_semaphore, #tpu.memory_space<semaphore_mem>>) src(%dma_wait3A_1083 : memref<16xf32, #tpu.memory_space<hbm>>) dst(%dma_wait3A_1082 : memref<16xf32, #tpu.memory_space<vmem>>)
    %dma_wait3A_1084 = arith.constant 5296 : i32
    %dma_wait3A_1085 = tpu.memref_slice %arg9[%dma_wait3A_1084] : memref<5568xf32, #tpu.memory_space<vmem>> -> memref<16xf32, #tpu.memory_space<vmem>>
    %dma_wait3A_1086 = tpu.memref_slice %arg4[%add3A_444] : memref<8000xf32, #tpu.memory_space<hbm>> -> memref<16xf32, #tpu.memory_space<hbm>>
    %dma_wait3A_1087 = arith.constant 5296 : i32
    %dma_wait3A_1088 = tpu.memref_slice %arg9[%dma_wait3A_1087] : memref<5568xf32, #tpu.memory_space<vmem>> -> memref<16xf32, #tpu.memory_space<vmem>>
    %dma_wait3A_1089 = tpu.memref_slice %arg4[%add3A_444] : memref<8000xf32, #tpu.memory_space<hbm>> -> memref<16xf32, #tpu.memory_space<hbm>>
    tpu.wait_dma2 semaphore(%arg14 : memref<!tpu.dma_semaphore, #tpu.memory_space<semaphore_mem>>) src(%dma_wait3A_1089 : memref<16xf32, #tpu.memory_space<hbm>>) dst(%dma_wait3A_1088 : memref<16xf32, #tpu.memory_space<vmem>>)
    %dma_wait3A_1090 = arith.constant 5312 : i32
    %dma_wait3A_1091 = tpu.memref_slice %arg9[%dma_wait3A_1090] : memref<5568xf32, #tpu.memory_space<vmem>> -> memref<16xf32, #tpu.memory_space<vmem>>
    %dma_wait3A_1092 = tpu.memref_slice %arg4[%add3A_452] : memref<8000xf32, #tpu.memory_space<hbm>> -> memref<16xf32, #tpu.memory_space<hbm>>
    %dma_wait3A_1093 = arith.constant 5312 : i32
    %dma_wait3A_1094 = tpu.memref_slice %arg9[%dma_wait3A_1093] : memref<5568xf32, #tpu.memory_space<vmem>> -> memref<16xf32, #tpu.memory_space<vmem>>
    %dma_wait3A_1095 = tpu.memref_slice %arg4[%add3A_452] : memref<8000xf32, #tpu.memory_space<hbm>> -> memref<16xf32, #tpu.memory_space<hbm>>
    tpu.wait_dma2 semaphore(%arg14 : memref<!tpu.dma_semaphore, #tpu.memory_space<semaphore_mem>>) src(%dma_wait3A_1095 : memref<16xf32, #tpu.memory_space<hbm>>) dst(%dma_wait3A_1094 : memref<16xf32, #tpu.memory_space<vmem>>)
    %dma_wait3A_1096 = arith.constant 5328 : i32
    %dma_wait3A_1097 = tpu.memref_slice %arg9[%dma_wait3A_1096] : memref<5568xf32, #tpu.memory_space<vmem>> -> memref<16xf32, #tpu.memory_space<vmem>>
    %dma_wait3A_1098 = tpu.memref_slice %arg4[%add3A_460] : memref<8000xf32, #tpu.memory_space<hbm>> -> memref<16xf32, #tpu.memory_space<hbm>>
    %dma_wait3A_1099 = arith.constant 5328 : i32
    %dma_wait3A_1100 = tpu.memref_slice %arg9[%dma_wait3A_1099] : memref<5568xf32, #tpu.memory_space<vmem>> -> memref<16xf32, #tpu.memory_space<vmem>>
    %dma_wait3A_1101 = tpu.memref_slice %arg4[%add3A_460] : memref<8000xf32, #tpu.memory_space<hbm>> -> memref<16xf32, #tpu.memory_space<hbm>>
    tpu.wait_dma2 semaphore(%arg14 : memref<!tpu.dma_semaphore, #tpu.memory_space<semaphore_mem>>) src(%dma_wait3A_1101 : memref<16xf32, #tpu.memory_space<hbm>>) dst(%dma_wait3A_1100 : memref<16xf32, #tpu.memory_space<vmem>>)
    %dma_wait3A_1102 = arith.constant 5344 : i32
    %dma_wait3A_1103 = tpu.memref_slice %arg9[%dma_wait3A_1102] : memref<5568xf32, #tpu.memory_space<vmem>> -> memref<16xf32, #tpu.memory_space<vmem>>
    %dma_wait3A_1104 = tpu.memref_slice %arg4[%add3A_468] : memref<8000xf32, #tpu.memory_space<hbm>> -> memref<16xf32, #tpu.memory_space<hbm>>
    %dma_wait3A_1105 = arith.constant 5344 : i32
    %dma_wait3A_1106 = tpu.memref_slice %arg9[%dma_wait3A_1105] : memref<5568xf32, #tpu.memory_space<vmem>> -> memref<16xf32, #tpu.memory_space<vmem>>
    %dma_wait3A_1107 = tpu.memref_slice %arg4[%add3A_468] : memref<8000xf32, #tpu.memory_space<hbm>> -> memref<16xf32, #tpu.memory_space<hbm>>
    tpu.wait_dma2 semaphore(%arg14 : memref<!tpu.dma_semaphore, #tpu.memory_space<semaphore_mem>>) src(%dma_wait3A_1107 : memref<16xf32, #tpu.memory_space<hbm>>) dst(%dma_wait3A_1106 : memref<16xf32, #tpu.memory_space<vmem>>)
    %dma_wait3A_1108 = arith.constant 5360 : i32
    %dma_wait3A_1109 = tpu.memref_slice %arg9[%dma_wait3A_1108] : memref<5568xf32, #tpu.memory_space<vmem>> -> memref<16xf32, #tpu.memory_space<vmem>>
    %dma_wait3A_1110 = tpu.memref_slice %arg4[%add3A_476] : memref<8000xf32, #tpu.memory_space<hbm>> -> memref<16xf32, #tpu.memory_space<hbm>>
    %dma_wait3A_1111 = arith.constant 5360 : i32
    %dma_wait3A_1112 = tpu.memref_slice %arg9[%dma_wait3A_1111] : memref<5568xf32, #tpu.memory_space<vmem>> -> memref<16xf32, #tpu.memory_space<vmem>>
    %dma_wait3A_1113 = tpu.memref_slice %arg4[%add3A_476] : memref<8000xf32, #tpu.memory_space<hbm>> -> memref<16xf32, #tpu.memory_space<hbm>>
    tpu.wait_dma2 semaphore(%arg14 : memref<!tpu.dma_semaphore, #tpu.memory_space<semaphore_mem>>) src(%dma_wait3A_1113 : memref<16xf32, #tpu.memory_space<hbm>>) dst(%dma_wait3A_1112 : memref<16xf32, #tpu.memory_space<vmem>>)
    %dma_wait3A_1114 = arith.constant 5376 : i32
    %dma_wait3A_1115 = tpu.memref_slice %arg9[%dma_wait3A_1114] : memref<5568xf32, #tpu.memory_space<vmem>> -> memref<16xf32, #tpu.memory_space<vmem>>
    %dma_wait3A_1116 = tpu.memref_slice %arg4[%add3A_484] : memref<8000xf32, #tpu.memory_space<hbm>> -> memref<16xf32, #tpu.memory_space<hbm>>
    %dma_wait3A_1117 = arith.constant 5376 : i32
    %dma_wait3A_1118 = tpu.memref_slice %arg9[%dma_wait3A_1117] : memref<5568xf32, #tpu.memory_space<vmem>> -> memref<16xf32, #tpu.memory_space<vmem>>
    %dma_wait3A_1119 = tpu.memref_slice %arg4[%add3A_484] : memref<8000xf32, #tpu.memory_space<hbm>> -> memref<16xf32, #tpu.memory_space<hbm>>
    tpu.wait_dma2 semaphore(%arg14 : memref<!tpu.dma_semaphore, #tpu.memory_space<semaphore_mem>>) src(%dma_wait3A_1119 : memref<16xf32, #tpu.memory_space<hbm>>) dst(%dma_wait3A_1118 : memref<16xf32, #tpu.memory_space<vmem>>)
    %dma_wait3A_1120 = arith.constant 5392 : i32
    %dma_wait3A_1121 = tpu.memref_slice %arg9[%dma_wait3A_1120] : memref<5568xf32, #tpu.memory_space<vmem>> -> memref<16xf32, #tpu.memory_space<vmem>>
    %dma_wait3A_1122 = tpu.memref_slice %arg4[%add3A_492] : memref<8000xf32, #tpu.memory_space<hbm>> -> memref<16xf32, #tpu.memory_space<hbm>>
    %dma_wait3A_1123 = arith.constant 5392 : i32
    %dma_wait3A_1124 = tpu.memref_slice %arg9[%dma_wait3A_1123] : memref<5568xf32, #tpu.memory_space<vmem>> -> memref<16xf32, #tpu.memory_space<vmem>>
    %dma_wait3A_1125 = tpu.memref_slice %arg4[%add3A_492] : memref<8000xf32, #tpu.memory_space<hbm>> -> memref<16xf32, #tpu.memory_space<hbm>>
    tpu.wait_dma2 semaphore(%arg14 : memref<!tpu.dma_semaphore, #tpu.memory_space<semaphore_mem>>) src(%dma_wait3A_1125 : memref<16xf32, #tpu.memory_space<hbm>>) dst(%dma_wait3A_1124 : memref<16xf32, #tpu.memory_space<vmem>>)
    %dma_wait3A_1126 = arith.constant 5408 : i32
    %dma_wait3A_1127 = tpu.memref_slice %arg9[%dma_wait3A_1126] : memref<5568xf32, #tpu.memory_space<vmem>> -> memref<16xf32, #tpu.memory_space<vmem>>
    %dma_wait3A_1128 = tpu.memref_slice %arg4[%add3A_500] : memref<8000xf32, #tpu.memory_space<hbm>> -> memref<16xf32, #tpu.memory_space<hbm>>
    %dma_wait3A_1129 = arith.constant 5408 : i32
    %dma_wait3A_1130 = tpu.memref_slice %arg9[%dma_wait3A_1129] : memref<5568xf32, #tpu.memory_space<vmem>> -> memref<16xf32, #tpu.memory_space<vmem>>
    %dma_wait3A_1131 = tpu.memref_slice %arg4[%add3A_500] : memref<8000xf32, #tpu.memory_space<hbm>> -> memref<16xf32, #tpu.memory_space<hbm>>
    tpu.wait_dma2 semaphore(%arg14 : memref<!tpu.dma_semaphore, #tpu.memory_space<semaphore_mem>>) src(%dma_wait3A_1131 : memref<16xf32, #tpu.memory_space<hbm>>) dst(%dma_wait3A_1130 : memref<16xf32, #tpu.memory_space<vmem>>)
    %dma_wait3A_1132 = arith.constant 5424 : i32
    %dma_wait3A_1133 = tpu.memref_slice %arg9[%dma_wait3A_1132] : memref<5568xf32, #tpu.memory_space<vmem>> -> memref<16xf32, #tpu.memory_space<vmem>>
    %dma_wait3A_1134 = tpu.memref_slice %arg4[%add3A_508] : memref<8000xf32, #tpu.memory_space<hbm>> -> memref<16xf32, #tpu.memory_space<hbm>>
    %dma_wait3A_1135 = arith.constant 5424 : i32
    %dma_wait3A_1136 = tpu.memref_slice %arg9[%dma_wait3A_1135] : memref<5568xf32, #tpu.memory_space<vmem>> -> memref<16xf32, #tpu.memory_space<vmem>>
    %dma_wait3A_1137 = tpu.memref_slice %arg4[%add3A_508] : memref<8000xf32, #tpu.memory_space<hbm>> -> memref<16xf32, #tpu.memory_space<hbm>>
    tpu.wait_dma2 semaphore(%arg14 : memref<!tpu.dma_semaphore, #tpu.memory_space<semaphore_mem>>) src(%dma_wait3A_1137 : memref<16xf32, #tpu.memory_space<hbm>>) dst(%dma_wait3A_1136 : memref<16xf32, #tpu.memory_space<vmem>>)
    %and3A_1138 = arith.constant 1 : i32
    %and3A_1139 = vector.broadcast %and3A_1138 : i32 to vector<16xi32>
    %and3A_1140 = arith.andi %iota3A, %and3A_1139 : vector<16xi32>
    %mul3A_1141 = arith.constant 160 : i32
    %mul3A_1142 = vector.broadcast %mul3A_1141 : i32 to vector<16xi32>
    %mul3A_1143 = arith.muli %and3A_1140, %mul3A_1142 : vector<16xi32>
    %shift_right_logical3A_1144 = arith.constant 1 : i32
    %shift_right_logical3A_1145 = vector.broadcast %shift_right_logical3A_1144 : i32 to vector<16xi32>
    %shift_right_logical3A_1146 = arith.shrui %iota3A, %shift_right_logical3A_1145 : vector<16xi32>
    %add3A_1147 = arith.addi %mul3A_1143, %shift_right_logical3A_1146 : vector<16xi32>
    %scan3A_1148 = arith.constant 3.200000e+01 : f32
    %scan3A_1149 = arith.constant 0 : i32
    %scan3A_1150 = arith.constant 2 : i32
    %scan3A_1151 = arith.addi %scan3A_1149, %scan3A_1150 : i32
    %scan3A_1152 = arith.constant 1 : i32
    scf.for %scan3A_1533 = %scan3A_1149 to %scan3A_1151 step %scan3A_1152  : i32 {
      %mul3A_1534 = arith.constant 16 : i32
      %mul3A_1535 = arith.muli %scan3A_1533, %mul3A_1534 : i32
      %add3A_1536 = arith.addi %mul3A_352, %mul3A_1535 : i32
      %add3A_1537 = vector.broadcast %add3A_1536 : i32 to vector<16xi32>
      %add3A_1538 = arith.addi %iota3A, %add3A_1537 : vector<16xi32>
      %shift_right_logical3A_1539 = arith.constant 1 : i32
      %shift_right_logical3A_1540 = vector.broadcast %shift_right_logical3A_1539 : i32 to vector<16xi32>
      %shift_right_logical3A_1541 = arith.shrui %add3A_1538, %shift_right_logical3A_1540 : vector<16xi32>
      %div3A = arith.constant 20 : i32
      %div3A_1542 = vector.broadcast %div3A : i32 to vector<16xi32>
      %div3A_1543 = arith.divsi %shift_right_logical3A_1541, %div3A_1542 : vector<16xi32>
      %mul3A_1544 = arith.constant 20 : i32
      %mul3A_1545 = vector.broadcast %mul3A_1544 : i32 to vector<16xi32>
      %mul3A_1546 = arith.muli %div3A_1543, %mul3A_1545 : vector<16xi32>
      %sub3A = arith.subi %shift_right_logical3A_1541, %mul3A_1546 : vector<16xi32>
      %mul3A_1547 = arith.constant 32 : i32
      %mul3A_1548 = vector.broadcast %mul3A_1547 : i32 to vector<16xi32>
      %mul3A_1549 = arith.muli %sub3A, %mul3A_1548 : vector<16xi32>
      %convert_element_type3A = arith.sitofp %mul3A_1549 : vector<16xi32> to vector<16xf32>
      %mul3A_1550 = arith.constant 32 : i32
      %mul3A_1551 = vector.broadcast %mul3A_1550 : i32 to vector<16xi32>
      %mul3A_1552 = arith.muli %div3A_1543, %mul3A_1551 : vector<16xi32>
      %convert_element_type3A_1553 = arith.sitofp %mul3A_1552 : vector<16xi32> to vector<16xf32>
      %mul3A_1554 = arith.constant 8 : i32
      %mul3A_1555 = arith.muli %scan3A_1533, %mul3A_1554 : i32
      %add3A_1556 = arith.constant 5120 : i32
      %add3A_1557 = arith.addi %add3A_1556, %mul3A_1555 : i32
      %mul3A_1558 = arith.constant 16 : i32
      %mul3A_1559 = arith.muli %scan3A_1533, %mul3A_1558 : i32
      %add3A_1560 = arith.constant 5120 : i32
      %add3A_1561 = arith.addi %add3A_1560, %mul3A_1559 : i32
      %add3A_1562 = arith.constant 0 : i32
      %add3A_1563 = arith.addi %add3A_1557, %add3A_1562 : i32
      %add3A_1564 = vector.broadcast %add3A_1563 : i32 to vector<16xi32>
      %add3A_1565 = arith.addi %add3A_1147, %add3A_1564 : vector<16xi32>
      %gather3A = tpu.vector_load_idx %arg9[%add3A_1565] : memref<5568xf32, #tpu.memory_space<vmem>>[vector<16xi32>], vector<16xf32>,
      %mul3A_1566 = vector.broadcast %scan3A_1148 : f32 to vector<16xf32>
      %mul3A_1567 = arith.mulf %gather3A, %mul3A_1566 : vector<16xf32>
      %add3A_1568 = arith.addf %mul3A_1567, %convert_element_type3A : vector<16xf32>
      %mul3A_1569 = arith.mulf %add3A_1568, %get3A_4 : vector<16xf32>
      %add3A_1570 = arith.constant 0 : i32
      %add3A_1571 = arith.addi %add3A_1570, %add3A_1561 : i32
      %swap3A = arith.index_cast %add3A_1571 : i32 to index
      %swap3A_1572 = tpu.vector_load %arg10[%swap3A] {strides = array<i32>} : memref<5568xf32, #tpu.memory_space<vmem>>, vector<16xf32>,
      tpu.vector_store %arg10[%swap3A], %mul3A_1569 {strides = array<i32>} : memref<5568xf32, #tpu.memory_space<vmem>>, vector<16xf32>,
      %add3A_1573 = arith.constant 16 : i32
      %add3A_1574 = arith.addi %add3A_1557, %add3A_1573 : i32
      %add3A_1575 = vector.broadcast %add3A_1574 : i32 to vector<16xi32>
      %add3A_1576 = arith.addi %add3A_1147, %add3A_1575 : vector<16xi32>
      %gather3A_1577 = tpu.vector_load_idx %arg9[%add3A_1576] : memref<5568xf32, #tpu.memory_space<vmem>>[vector<16xi32>], vector<16xf32>,
      %mul3A_1578 = vector.broadcast %scan3A_1148 : f32 to vector<16xf32>
      %mul3A_1579 = arith.mulf %gather3A_1577, %mul3A_1578 : vector<16xf32>
      %add3A_1580 = arith.addf %mul3A_1579, %convert_element_type3A_1553 : vector<16xf32>
      %mul3A_1581 = arith.mulf %add3A_1580, %get3A_6 : vector<16xf32>
      %add3A_1582 = arith.constant 32 : i32
      %add3A_1583 = arith.addi %add3A_1582, %add3A_1561 : i32
      %swap3A_1584 = arith.index_cast %add3A_1583 : i32 to index
      %swap3A_1585 = tpu.vector_load %arg10[%swap3A_1584] {strides = array<i32>} : memref<5568xf32, #tpu.memory_space<vmem>>, vector<16xf32>,
      tpu.vector_store %arg10[%swap3A_1584], %mul3A_1581 {strides = array<i32>} : memref<5568xf32, #tpu.memory_space<vmem>>, vector<16xf32>,
      %add3A_1586 = arith.constant 32 : i32
      %add3A_1587 = arith.addi %add3A_1557, %add3A_1586 : i32
      %add3A_1588 = vector.broadcast %add3A_1587 : i32 to vector<16xi32>
      %add3A_1589 = arith.addi %add3A_1147, %add3A_1588 : vector<16xi32>
      %gather3A_1590 = tpu.vector_load_idx %arg9[%add3A_1589] : memref<5568xf32, #tpu.memory_space<vmem>>[vector<16xi32>], vector<16xf32>,
      %mul3A_1591 = vector.broadcast %scan3A_1148 : f32 to vector<16xf32>
      %mul3A_1592 = arith.mulf %gather3A_1590, %mul3A_1591 : vector<16xf32>
      %add3A_1593 = arith.addf %mul3A_1592, %convert_element_type3A : vector<16xf32>
      %mul3A_1594 = arith.mulf %add3A_1593, %get3A_4 : vector<16xf32>
      %add3A_1595 = arith.constant 64 : i32
      %add3A_1596 = arith.addi %add3A_1595, %add3A_1561 : i32
      %swap3A_1597 = arith.index_cast %add3A_1596 : i32 to index
      %swap3A_1598 = tpu.vector_load %arg10[%swap3A_1597] {strides = array<i32>} : memref<5568xf32, #tpu.memory_space<vmem>>, vector<16xf32>,
      tpu.vector_store %arg10[%swap3A_1597], %mul3A_1594 {strides = array<i32>} : memref<5568xf32, #tpu.memory_space<vmem>>, vector<16xf32>,
      %add3A_1599 = arith.constant 48 : i32
      %add3A_1600 = arith.addi %add3A_1557, %add3A_1599 : i32
      %add3A_1601 = vector.broadcast %add3A_1600 : i32 to vector<16xi32>
      %add3A_1602 = arith.addi %add3A_1147, %add3A_1601 : vector<16xi32>
      %gather3A_1603 = tpu.vector_load_idx %arg9[%add3A_1602] : memref<5568xf32, #tpu.memory_space<vmem>>[vector<16xi32>], vector<16xf32>,
      %mul3A_1604 = vector.broadcast %scan3A_1148 : f32 to vector<16xf32>
      %mul3A_1605 = arith.mulf %gather3A_1603, %mul3A_1604 : vector<16xf32>
      %add3A_1606 = arith.addf %mul3A_1605, %convert_element_type3A_1553 : vector<16xf32>
      %mul3A_1607 = arith.mulf %add3A_1606, %get3A_6 : vector<16xf32>
      %add3A_1608 = arith.constant 96 : i32
      %add3A_1609 = arith.addi %add3A_1608, %add3A_1561 : i32
      %swap3A_1610 = arith.index_cast %add3A_1609 : i32 to index
      %swap3A_1611 = tpu.vector_load %arg10[%swap3A_1610] {strides = array<i32>} : memref<5568xf32, #tpu.memory_space<vmem>>, vector<16xf32>,
      tpu.vector_store %arg10[%swap3A_1610], %mul3A_1607 {strides = array<i32>} : memref<5568xf32, #tpu.memory_space<vmem>>, vector<16xf32>,
      %add3A_1612 = arith.constant 64 : i32
      %add3A_1613 = arith.addi %add3A_1557, %add3A_1612 : i32
      %add3A_1614 = vector.broadcast %add3A_1613 : i32 to vector<16xi32>
      %add3A_1615 = arith.addi %add3A_1147, %add3A_1614 : vector<16xi32>
      %gather3A_1616 = tpu.vector_load_idx %arg9[%add3A_1615] : memref<5568xf32, #tpu.memory_space<vmem>>[vector<16xi32>], vector<16xf32>,
      %mul3A_1617 = vector.broadcast %scan3A_1148 : f32 to vector<16xf32>
      %mul3A_1618 = arith.mulf %gather3A_1616, %mul3A_1617 : vector<16xf32>
      %add3A_1619 = arith.addf %mul3A_1618, %convert_element_type3A : vector<16xf32>
      %mul3A_1620 = arith.mulf %add3A_1619, %get3A_4 : vector<16xf32>
      %add3A_1621 = arith.constant 128 : i32
      %add3A_1622 = arith.addi %add3A_1621, %add3A_1561 : i32
      %swap3A_1623 = arith.index_cast %add3A_1622 : i32 to index
      %swap3A_1624 = tpu.vector_load %arg10[%swap3A_1623] {strides = array<i32>} : memref<5568xf32, #tpu.memory_space<vmem>>, vector<16xf32>,
      tpu.vector_store %arg10[%swap3A_1623], %mul3A_1620 {strides = array<i32>} : memref<5568xf32, #tpu.memory_space<vmem>>, vector<16xf32>,
      %add3A_1625 = arith.constant 80 : i32
      %add3A_1626 = arith.addi %add3A_1557, %add3A_1625 : i32
      %add3A_1627 = vector.broadcast %add3A_1626 : i32 to vector<16xi32>
      %add3A_1628 = arith.addi %add3A_1147, %add3A_1627 : vector<16xi32>
      %gather3A_1629 = tpu.vector_load_idx %arg9[%add3A_1628] : memref<5568xf32, #tpu.memory_space<vmem>>[vector<16xi32>], vector<16xf32>,
      %mul3A_1630 = vector.broadcast %scan3A_1148 : f32 to vector<16xf32>
      %mul3A_1631 = arith.mulf %gather3A_1629, %mul3A_1630 : vector<16xf32>
      %add3A_1632 = arith.addf %mul3A_1631, %convert_element_type3A_1553 : vector<16xf32>
      %mul3A_1633 = arith.mulf %add3A_1632, %get3A_6 : vector<16xf32>
      %add3A_1634 = arith.constant 160 : i32
      %add3A_1635 = arith.addi %add3A_1634, %add3A_1561 : i32
      %swap3A_1636 = arith.index_cast %add3A_1635 : i32 to index
      %swap3A_1637 = tpu.vector_load %arg10[%swap3A_1636] {strides = array<i32>} : memref<5568xf32, #tpu.memory_space<vmem>>, vector<16xf32>,
      tpu.vector_store %arg10[%swap3A_1636], %mul3A_1633 {strides = array<i32>} : memref<5568xf32, #tpu.memory_space<vmem>>, vector<16xf32>,
      %add3A_1638 = arith.constant 96 : i32
      %add3A_1639 = arith.addi %add3A_1557, %add3A_1638 : i32
      %add3A_1640 = vector.broadcast %add3A_1639 : i32 to vector<16xi32>
      %add3A_1641 = arith.addi %add3A_1147, %add3A_1640 : vector<16xi32>
      %gather3A_1642 = tpu.vector_load_idx %arg9[%add3A_1641] : memref<5568xf32, #tpu.memory_space<vmem>>[vector<16xi32>], vector<16xf32>,
      %mul3A_1643 = vector.broadcast %scan3A_1148 : f32 to vector<16xf32>
      %mul3A_1644 = arith.mulf %gather3A_1642, %mul3A_1643 : vector<16xf32>
      %add3A_1645 = arith.addf %mul3A_1644, %convert_element_type3A : vector<16xf32>
      %mul3A_1646 = arith.mulf %add3A_1645, %get3A_4 : vector<16xf32>
      %add3A_1647 = arith.constant 192 : i32
      %add3A_1648 = arith.addi %add3A_1647, %add3A_1561 : i32
      %swap3A_1649 = arith.index_cast %add3A_1648 : i32 to index
      %swap3A_1650 = tpu.vector_load %arg10[%swap3A_1649] {strides = array<i32>} : memref<5568xf32, #tpu.memory_space<vmem>>, vector<16xf32>,
      tpu.vector_store %arg10[%swap3A_1649], %mul3A_1646 {strides = array<i32>} : memref<5568xf32, #tpu.memory_space<vmem>>, vector<16xf32>,
      %add3A_1651 = arith.constant 112 : i32
      %add3A_1652 = arith.addi %add3A_1557, %add3A_1651 : i32
      %add3A_1653 = vector.broadcast %add3A_1652 : i32 to vector<16xi32>
      %add3A_1654 = arith.addi %add3A_1147, %add3A_1653 : vector<16xi32>
      %gather3A_1655 = tpu.vector_load_idx %arg9[%add3A_1654] : memref<5568xf32, #tpu.memory_space<vmem>>[vector<16xi32>], vector<16xf32>,
      %mul3A_1656 = vector.broadcast %scan3A_1148 : f32 to vector<16xf32>
      %mul3A_1657 = arith.mulf %gather3A_1655, %mul3A_1656 : vector<16xf32>
      %add3A_1658 = arith.addf %mul3A_1657, %convert_element_type3A_1553 : vector<16xf32>
      %mul3A_1659 = arith.mulf %add3A_1658, %get3A_6 : vector<16xf32>
      %add3A_1660 = arith.constant 224 : i32
      %add3A_1661 = arith.addi %add3A_1660, %add3A_1561 : i32
      %swap3A_1662 = arith.index_cast %add3A_1661 : i32 to index
      %swap3A_1663 = tpu.vector_load %arg10[%swap3A_1662] {strides = array<i32>} : memref<5568xf32, #tpu.memory_space<vmem>>, vector<16xf32>,
      tpu.vector_store %arg10[%swap3A_1662], %mul3A_1659 {strides = array<i32>} : memref<5568xf32, #tpu.memory_space<vmem>>, vector<16xf32>,
      %add3A_1664 = arith.constant 128 : i32
      %add3A_1665 = arith.addi %add3A_1557, %add3A_1664 : i32
      %add3A_1666 = vector.broadcast %add3A_1665 : i32 to vector<16xi32>
      %add3A_1667 = arith.addi %add3A_1147, %add3A_1666 : vector<16xi32>
      %gather3A_1668 = tpu.vector_load_idx %arg9[%add3A_1667] : memref<5568xf32, #tpu.memory_space<vmem>>[vector<16xi32>], vector<16xf32>,
      %mul3A_1669 = vector.broadcast %scan3A_1148 : f32 to vector<16xf32>
      %mul3A_1670 = arith.mulf %gather3A_1668, %mul3A_1669 : vector<16xf32>
      %add3A_1671 = arith.addf %mul3A_1670, %convert_element_type3A : vector<16xf32>
      %mul3A_1672 = arith.mulf %add3A_1671, %get3A_4 : vector<16xf32>
      %add3A_1673 = arith.constant 256 : i32
      %add3A_1674 = arith.addi %add3A_1673, %add3A_1561 : i32
      %swap3A_1675 = arith.index_cast %add3A_1674 : i32 to index
      %swap3A_1676 = tpu.vector_load %arg10[%swap3A_1675] {strides = array<i32>} : memref<5568xf32, #tpu.memory_space<vmem>>, vector<16xf32>,
      tpu.vector_store %arg10[%swap3A_1675], %mul3A_1672 {strides = array<i32>} : memref<5568xf32, #tpu.memory_space<vmem>>, vector<16xf32>,
      %add3A_1677 = arith.constant 144 : i32
      %add3A_1678 = arith.addi %add3A_1557, %add3A_1677 : i32
      %add3A_1679 = vector.broadcast %add3A_1678 : i32 to vector<16xi32>
      %add3A_1680 = arith.addi %add3A_1147, %add3A_1679 : vector<16xi32>
      %gather3A_1681 = tpu.vector_load_idx %arg9[%add3A_1680] : memref<5568xf32, #tpu.memory_space<vmem>>[vector<16xi32>], vector<16xf32>,
      %mul3A_1682 = vector.broadcast %scan3A_1148 : f32 to vector<16xf32>
      %mul3A_1683 = arith.mulf %gather3A_1681, %mul3A_1682 : vector<16xf32>
      %add3A_1684 = arith.addf %mul3A_1683, %convert_element_type3A_1553 : vector<16xf32>
      %mul3A_1685 = arith.mulf %add3A_1684, %get3A_6 : vector<16xf32>
      %add3A_1686 = arith.constant 288 : i32
      %add3A_1687 = arith.addi %add3A_1686, %add3A_1561 : i32
      %swap3A_1688 = arith.index_cast %add3A_1687 : i32 to index
      %swap3A_1689 = tpu.vector_load %arg10[%swap3A_1688] {strides = array<i32>} : memref<5568xf32, #tpu.memory_space<vmem>>, vector<16xf32>,
      tpu.vector_store %arg10[%swap3A_1688], %mul3A_1685 {strides = array<i32>} : memref<5568xf32, #tpu.memory_space<vmem>>, vector<16xf32>,
    }
    %scan3A_1153 = arith.constant 2 : i32
    %add3A_1154 = arith.constant 16000 : i32
    %add3A_1155 = arith.addi %add3A_1154, %mul3A_352 : i32
    %dma_start3A_1156 = arith.constant 5120 : i32
    %dma_start3A_1157 = tpu.memref_slice %arg10[%dma_start3A_1156] : memref<5568xf32, #tpu.memory_space<vmem>> -> memref<32xf32, #tpu.memory_space<vmem>>
    %dma_start3A_1158 = tpu.memref_slice %arg7[%add3A_1155] : memref<168000xf32, #tpu.memory_space<hbm>> -> memref<32xf32, #tpu.memory_space<hbm>>
    %dma_start3A_1159 = tpu.memref_slice %arg7[%add3A_1155] : memref<168000xf32, #tpu.memory_space<hbm>> -> memref<32xf32, #tpu.memory_space<hbm>>
    %dma_start3A_1160 = arith.constant 5120 : i32
    %dma_start3A_1161 = tpu.memref_slice %arg10[%dma_start3A_1160] : memref<5568xf32, #tpu.memory_space<vmem>> -> memref<32xf32, #tpu.memory_space<vmem>>
    tpu.enqueue_dma source(%dma_start3A_1161 : memref<32xf32, #tpu.memory_space<vmem>>) target(%dma_start3A_1159 : memref<32xf32, #tpu.memory_space<hbm>>) target_semaphore(%arg16 : memref<!tpu.dma_semaphore, #tpu.memory_space<semaphore_mem>>)
    %add3A_1162 = arith.constant 32800 : i32
    %add3A_1163 = arith.addi %add3A_1162, %mul3A_352 : i32
    %dma_start3A_1164 = arith.constant 5152 : i32
    %dma_start3A_1165 = tpu.memref_slice %arg10[%dma_start3A_1164] : memref<5568xf32, #tpu.memory_space<vmem>> -> memref<32xf32, #tpu.memory_space<vmem>>
    %dma_start3A_1166 = tpu.memref_slice %arg7[%add3A_1163] : memref<168000xf32, #tpu.memory_space<hbm>> -> memref<32xf32, #tpu.memory_space<hbm>>
    %dma_start3A_1167 = tpu.memref_slice %arg7[%add3A_1163] : memref<168000xf32, #tpu.memory_space<hbm>> -> memref<32xf32, #tpu.memory_space<hbm>>
    %dma_start3A_1168 = arith.constant 5152 : i32
    %dma_start3A_1169 = tpu.memref_slice %arg10[%dma_start3A_1168] : memref<5568xf32, #tpu.memory_space<vmem>> -> memref<32xf32, #tpu.memory_space<vmem>>
    tpu.enqueue_dma source(%dma_start3A_1169 : memref<32xf32, #tpu.memory_space<vmem>>) target(%dma_start3A_1167 : memref<32xf32, #tpu.memory_space<hbm>>) target_semaphore(%arg16 : memref<!tpu.dma_semaphore, #tpu.memory_space<semaphore_mem>>)
    %add3A_1170 = arith.constant 49600 : i32
    %add3A_1171 = arith.addi %add3A_1170, %mul3A_352 : i32
    %dma_start3A_1172 = arith.constant 5184 : i32
    %dma_start3A_1173 = tpu.memref_slice %arg10[%dma_start3A_1172] : memref<5568xf32, #tpu.memory_space<vmem>> -> memref<32xf32, #tpu.memory_space<vmem>>
    %dma_start3A_1174 = tpu.memref_slice %arg7[%add3A_1171] : memref<168000xf32, #tpu.memory_space<hbm>> -> memref<32xf32, #tpu.memory_space<hbm>>
    %dma_start3A_1175 = tpu.memref_slice %arg7[%add3A_1171] : memref<168000xf32, #tpu.memory_space<hbm>> -> memref<32xf32, #tpu.memory_space<hbm>>
    %dma_start3A_1176 = arith.constant 5184 : i32
    %dma_start3A_1177 = tpu.memref_slice %arg10[%dma_start3A_1176] : memref<5568xf32, #tpu.memory_space<vmem>> -> memref<32xf32, #tpu.memory_space<vmem>>
    tpu.enqueue_dma source(%dma_start3A_1177 : memref<32xf32, #tpu.memory_space<vmem>>) target(%dma_start3A_1175 : memref<32xf32, #tpu.memory_space<hbm>>) target_semaphore(%arg16 : memref<!tpu.dma_semaphore, #tpu.memory_space<semaphore_mem>>)
    %add3A_1178 = arith.constant 66400 : i32
    %add3A_1179 = arith.addi %add3A_1178, %mul3A_352 : i32
    %dma_start3A_1180 = arith.constant 5216 : i32
    %dma_start3A_1181 = tpu.memref_slice %arg10[%dma_start3A_1180] : memref<5568xf32, #tpu.memory_space<vmem>> -> memref<32xf32, #tpu.memory_space<vmem>>
    %dma_start3A_1182 = tpu.memref_slice %arg7[%add3A_1179] : memref<168000xf32, #tpu.memory_space<hbm>> -> memref<32xf32, #tpu.memory_space<hbm>>
    %dma_start3A_1183 = tpu.memref_slice %arg7[%add3A_1179] : memref<168000xf32, #tpu.memory_space<hbm>> -> memref<32xf32, #tpu.memory_space<hbm>>
    %dma_start3A_1184 = arith.constant 5216 : i32
    %dma_start3A_1185 = tpu.memref_slice %arg10[%dma_start3A_1184] : memref<5568xf32, #tpu.memory_space<vmem>> -> memref<32xf32, #tpu.memory_space<vmem>>
    tpu.enqueue_dma source(%dma_start3A_1185 : memref<32xf32, #tpu.memory_space<vmem>>) target(%dma_start3A_1183 : memref<32xf32, #tpu.memory_space<hbm>>) target_semaphore(%arg16 : memref<!tpu.dma_semaphore, #tpu.memory_space<semaphore_mem>>)
    %add3A_1186 = arith.constant 83200 : i32
    %add3A_1187 = arith.addi %add3A_1186, %mul3A_352 : i32
    %dma_start3A_1188 = arith.constant 5248 : i32
    %dma_start3A_1189 = tpu.memref_slice %arg10[%dma_start3A_1188] : memref<5568xf32, #tpu.memory_space<vmem>> -> memref<32xf32, #tpu.memory_space<vmem>>
    %dma_start3A_1190 = tpu.memref_slice %arg7[%add3A_1187] : memref<168000xf32, #tpu.memory_space<hbm>> -> memref<32xf32, #tpu.memory_space<hbm>>
    %dma_start3A_1191 = tpu.memref_slice %arg7[%add3A_1187] : memref<168000xf32, #tpu.memory_space<hbm>> -> memref<32xf32, #tpu.memory_space<hbm>>
    %dma_start3A_1192 = arith.constant 5248 : i32
    %dma_start3A_1193 = tpu.memref_slice %arg10[%dma_start3A_1192] : memref<5568xf32, #tpu.memory_space<vmem>> -> memref<32xf32, #tpu.memory_space<vmem>>
    tpu.enqueue_dma source(%dma_start3A_1193 : memref<32xf32, #tpu.memory_space<vmem>>) target(%dma_start3A_1191 : memref<32xf32, #tpu.memory_space<hbm>>) target_semaphore(%arg16 : memref<!tpu.dma_semaphore, #tpu.memory_space<semaphore_mem>>)
    %add3A_1194 = arith.constant 100000 : i32
    %add3A_1195 = arith.addi %add3A_1194, %mul3A_352 : i32
    %dma_start3A_1196 = arith.constant 5280 : i32
    %dma_start3A_1197 = tpu.memref_slice %arg10[%dma_start3A_1196] : memref<5568xf32, #tpu.memory_space<vmem>> -> memref<32xf32, #tpu.memory_space<vmem>>
    %dma_start3A_1198 = tpu.memref_slice %arg7[%add3A_1195] : memref<168000xf32, #tpu.memory_space<hbm>> -> memref<32xf32, #tpu.memory_space<hbm>>
    %dma_start3A_1199 = tpu.memref_slice %arg7[%add3A_1195] : memref<168000xf32, #tpu.memory_space<hbm>> -> memref<32xf32, #tpu.memory_space<hbm>>
    %dma_start3A_1200 = arith.constant 5280 : i32
    %dma_start3A_1201 = tpu.memref_slice %arg10[%dma_start3A_1200] : memref<5568xf32, #tpu.memory_space<vmem>> -> memref<32xf32, #tpu.memory_space<vmem>>
    tpu.enqueue_dma source(%dma_start3A_1201 : memref<32xf32, #tpu.memory_space<vmem>>) target(%dma_start3A_1199 : memref<32xf32, #tpu.memory_space<hbm>>) target_semaphore(%arg16 : memref<!tpu.dma_semaphore, #tpu.memory_space<semaphore_mem>>)
    %add3A_1202 = arith.constant 116800 : i32
    %add3A_1203 = arith.addi %add3A_1202, %mul3A_352 : i32
    %dma_start3A_1204 = arith.constant 5312 : i32
    %dma_start3A_1205 = tpu.memref_slice %arg10[%dma_start3A_1204] : memref<5568xf32, #tpu.memory_space<vmem>> -> memref<32xf32, #tpu.memory_space<vmem>>
    %dma_start3A_1206 = tpu.memref_slice %arg7[%add3A_1203] : memref<168000xf32, #tpu.memory_space<hbm>> -> memref<32xf32, #tpu.memory_space<hbm>>
    %dma_start3A_1207 = tpu.memref_slice %arg7[%add3A_1203] : memref<168000xf32, #tpu.memory_space<hbm>> -> memref<32xf32, #tpu.memory_space<hbm>>
    %dma_start3A_1208 = arith.constant 5312 : i32
    %dma_start3A_1209 = tpu.memref_slice %arg10[%dma_start3A_1208] : memref<5568xf32, #tpu.memory_space<vmem>> -> memref<32xf32, #tpu.memory_space<vmem>>
    tpu.enqueue_dma source(%dma_start3A_1209 : memref<32xf32, #tpu.memory_space<vmem>>) target(%dma_start3A_1207 : memref<32xf32, #tpu.memory_space<hbm>>) target_semaphore(%arg16 : memref<!tpu.dma_semaphore, #tpu.memory_space<semaphore_mem>>)
    %add3A_1210 = arith.constant 133600 : i32
    %add3A_1211 = arith.addi %add3A_1210, %mul3A_352 : i32
    %dma_start3A_1212 = arith.constant 5344 : i32
    %dma_start3A_1213 = tpu.memref_slice %arg10[%dma_start3A_1212] : memref<5568xf32, #tpu.memory_space<vmem>> -> memref<32xf32, #tpu.memory_space<vmem>>
    %dma_start3A_1214 = tpu.memref_slice %arg7[%add3A_1211] : memref<168000xf32, #tpu.memory_space<hbm>> -> memref<32xf32, #tpu.memory_space<hbm>>
    %dma_start3A_1215 = tpu.memref_slice %arg7[%add3A_1211] : memref<168000xf32, #tpu.memory_space<hbm>> -> memref<32xf32, #tpu.memory_space<hbm>>
    %dma_start3A_1216 = arith.constant 5344 : i32
    %dma_start3A_1217 = tpu.memref_slice %arg10[%dma_start3A_1216] : memref<5568xf32, #tpu.memory_space<vmem>> -> memref<32xf32, #tpu.memory_space<vmem>>
    tpu.enqueue_dma source(%dma_start3A_1217 : memref<32xf32, #tpu.memory_space<vmem>>) target(%dma_start3A_1215 : memref<32xf32, #tpu.memory_space<hbm>>) target_semaphore(%arg16 : memref<!tpu.dma_semaphore, #tpu.memory_space<semaphore_mem>>)
    %add3A_1218 = arith.constant 150400 : i32
    %add3A_1219 = arith.addi %add3A_1218, %mul3A_352 : i32
    %dma_start3A_1220 = arith.constant 5376 : i32
    %dma_start3A_1221 = tpu.memref_slice %arg10[%dma_start3A_1220] : memref<5568xf32, #tpu.memory_space<vmem>> -> memref<32xf32, #tpu.memory_space<vmem>>
    %dma_start3A_1222 = tpu.memref_slice %arg7[%add3A_1219] : memref<168000xf32, #tpu.memory_space<hbm>> -> memref<32xf32, #tpu.memory_space<hbm>>
    %dma_start3A_1223 = tpu.memref_slice %arg7[%add3A_1219] : memref<168000xf32, #tpu.memory_space<hbm>> -> memref<32xf32, #tpu.memory_space<hbm>>
    %dma_start3A_1224 = arith.constant 5376 : i32
    %dma_start3A_1225 = tpu.memref_slice %arg10[%dma_start3A_1224] : memref<5568xf32, #tpu.memory_space<vmem>> -> memref<32xf32, #tpu.memory_space<vmem>>
    tpu.enqueue_dma source(%dma_start3A_1225 : memref<32xf32, #tpu.memory_space<vmem>>) target(%dma_start3A_1223 : memref<32xf32, #tpu.memory_space<hbm>>) target_semaphore(%arg16 : memref<!tpu.dma_semaphore, #tpu.memory_space<semaphore_mem>>)
    %add3A_1226 = arith.constant 167200 : i32
    %add3A_1227 = arith.addi %add3A_1226, %mul3A_352 : i32
    %dma_start3A_1228 = arith.constant 5408 : i32
    %dma_start3A_1229 = tpu.memref_slice %arg10[%dma_start3A_1228] : memref<5568xf32, #tpu.memory_space<vmem>> -> memref<32xf32, #tpu.memory_space<vmem>>
    %dma_start3A_1230 = tpu.memref_slice %arg7[%add3A_1227] : memref<168000xf32, #tpu.memory_space<hbm>> -> memref<32xf32, #tpu.memory_space<hbm>>
    %dma_start3A_1231 = tpu.memref_slice %arg7[%add3A_1227] : memref<168000xf32, #tpu.memory_space<hbm>> -> memref<32xf32, #tpu.memory_space<hbm>>
    %dma_start3A_1232 = arith.constant 5408 : i32
    %dma_start3A_1233 = tpu.memref_slice %arg10[%dma_start3A_1232] : memref<5568xf32, #tpu.memory_space<vmem>> -> memref<32xf32, #tpu.memory_space<vmem>>
    tpu.enqueue_dma source(%dma_start3A_1233 : memref<32xf32, #tpu.memory_space<vmem>>) target(%dma_start3A_1231 : memref<32xf32, #tpu.memory_space<hbm>>) target_semaphore(%arg16 : memref<!tpu.dma_semaphore, #tpu.memory_space<semaphore_mem>>)
    %dma_wait3A_1234 = arith.constant 5440 : i32
    %dma_wait3A_1235 = tpu.memref_slice %arg9[%dma_wait3A_1234] : memref<5568xf32, #tpu.memory_space<vmem>> -> memref<16xf32, #tpu.memory_space<vmem>>
    %dma_wait3A_1236 = tpu.memref_slice %arg5[%add3A_527] : memref<3200xf32, #tpu.memory_space<hbm>> -> memref<16xf32, #tpu.memory_space<hbm>>
    %dma_wait3A_1237 = arith.constant 5440 : i32
    %dma_wait3A_1238 = tpu.memref_slice %arg9[%dma_wait3A_1237] : memref<5568xf32, #tpu.memory_space<vmem>> -> memref<16xf32, #tpu.memory_space<vmem>>
    %dma_wait3A_1239 = tpu.memref_slice %arg5[%add3A_527] : memref<3200xf32, #tpu.memory_space<hbm>> -> memref<16xf32, #tpu.memory_space<hbm>>
    tpu.wait_dma2 semaphore(%arg15 : memref<!tpu.dma_semaphore, #tpu.memory_space<semaphore_mem>>) src(%dma_wait3A_1239 : memref<16xf32, #tpu.memory_space<hbm>>) dst(%dma_wait3A_1238 : memref<16xf32, #tpu.memory_space<vmem>>)
    %dma_wait3A_1240 = arith.constant 5456 : i32
    %dma_wait3A_1241 = tpu.memref_slice %arg9[%dma_wait3A_1240] : memref<5568xf32, #tpu.memory_space<vmem>> -> memref<16xf32, #tpu.memory_space<vmem>>
    %dma_wait3A_1242 = tpu.memref_slice %arg5[%add3A_535] : memref<3200xf32, #tpu.memory_space<hbm>> -> memref<16xf32, #tpu.memory_space<hbm>>
    %dma_wait3A_1243 = arith.constant 5456 : i32
    %dma_wait3A_1244 = tpu.memref_slice %arg9[%dma_wait3A_1243] : memref<5568xf32, #tpu.memory_space<vmem>> -> memref<16xf32, #tpu.memory_space<vmem>>
    %dma_wait3A_1245 = tpu.memref_slice %arg5[%add3A_535] : memref<3200xf32, #tpu.memory_space<hbm>> -> memref<16xf32, #tpu.memory_space<hbm>>
    tpu.wait_dma2 semaphore(%arg15 : memref<!tpu.dma_semaphore, #tpu.memory_space<semaphore_mem>>) src(%dma_wait3A_1245 : memref<16xf32, #tpu.memory_space<hbm>>) dst(%dma_wait3A_1244 : memref<16xf32, #tpu.memory_space<vmem>>)
    %dma_wait3A_1246 = arith.constant 5472 : i32
    %dma_wait3A_1247 = tpu.memref_slice %arg9[%dma_wait3A_1246] : memref<5568xf32, #tpu.memory_space<vmem>> -> memref<16xf32, #tpu.memory_space<vmem>>
    %dma_wait3A_1248 = tpu.memref_slice %arg5[%add3A_543] : memref<3200xf32, #tpu.memory_space<hbm>> -> memref<16xf32, #tpu.memory_space<hbm>>
    %dma_wait3A_1249 = arith.constant 5472 : i32
    %dma_wait3A_1250 = tpu.memref_slice %arg9[%dma_wait3A_1249] : memref<5568xf32, #tpu.memory_space<vmem>> -> memref<16xf32, #tpu.memory_space<vmem>>
    %dma_wait3A_1251 = tpu.memref_slice %arg5[%add3A_543] : memref<3200xf32, #tpu.memory_space<hbm>> -> memref<16xf32, #tpu.memory_space<hbm>>
    tpu.wait_dma2 semaphore(%arg15 : memref<!tpu.dma_semaphore, #tpu.memory_space<semaphore_mem>>) src(%dma_wait3A_1251 : memref<16xf32, #tpu.memory_space<hbm>>) dst(%dma_wait3A_1250 : memref<16xf32, #tpu.memory_space<vmem>>)
    %dma_wait3A_1252 = arith.constant 5488 : i32
    %dma_wait3A_1253 = tpu.memref_slice %arg9[%dma_wait3A_1252] : memref<5568xf32, #tpu.memory_space<vmem>> -> memref<16xf32, #tpu.memory_space<vmem>>
    %dma_wait3A_1254 = tpu.memref_slice %arg5[%add3A_551] : memref<3200xf32, #tpu.memory_space<hbm>> -> memref<16xf32, #tpu.memory_space<hbm>>
    %dma_wait3A_1255 = arith.constant 5488 : i32
    %dma_wait3A_1256 = tpu.memref_slice %arg9[%dma_wait3A_1255] : memref<5568xf32, #tpu.memory_space<vmem>> -> memref<16xf32, #tpu.memory_space<vmem>>
    %dma_wait3A_1257 = tpu.memref_slice %arg5[%add3A_551] : memref<3200xf32, #tpu.memory_space<hbm>> -> memref<16xf32, #tpu.memory_space<hbm>>
    tpu.wait_dma2 semaphore(%arg15 : memref<!tpu.dma_semaphore, #tpu.memory_space<semaphore_mem>>) src(%dma_wait3A_1257 : memref<16xf32, #tpu.memory_space<hbm>>) dst(%dma_wait3A_1256 : memref<16xf32, #tpu.memory_space<vmem>>)
    %dma_wait3A_1258 = arith.constant 5504 : i32
    %dma_wait3A_1259 = tpu.memref_slice %arg9[%dma_wait3A_1258] : memref<5568xf32, #tpu.memory_space<vmem>> -> memref<16xf32, #tpu.memory_space<vmem>>
    %dma_wait3A_1260 = tpu.memref_slice %arg5[%add3A_559] : memref<3200xf32, #tpu.memory_space<hbm>> -> memref<16xf32, #tpu.memory_space<hbm>>
    %dma_wait3A_1261 = arith.constant 5504 : i32
    %dma_wait3A_1262 = tpu.memref_slice %arg9[%dma_wait3A_1261] : memref<5568xf32, #tpu.memory_space<vmem>> -> memref<16xf32, #tpu.memory_space<vmem>>
    %dma_wait3A_1263 = tpu.memref_slice %arg5[%add3A_559] : memref<3200xf32, #tpu.memory_space<hbm>> -> memref<16xf32, #tpu.memory_space<hbm>>
    tpu.wait_dma2 semaphore(%arg15 : memref<!tpu.dma_semaphore, #tpu.memory_space<semaphore_mem>>) src(%dma_wait3A_1263 : memref<16xf32, #tpu.memory_space<hbm>>) dst(%dma_wait3A_1262 : memref<16xf32, #tpu.memory_space<vmem>>)
    %dma_wait3A_1264 = arith.constant 5520 : i32
    %dma_wait3A_1265 = tpu.memref_slice %arg9[%dma_wait3A_1264] : memref<5568xf32, #tpu.memory_space<vmem>> -> memref<16xf32, #tpu.memory_space<vmem>>
    %dma_wait3A_1266 = tpu.memref_slice %arg5[%add3A_567] : memref<3200xf32, #tpu.memory_space<hbm>> -> memref<16xf32, #tpu.memory_space<hbm>>
    %dma_wait3A_1267 = arith.constant 5520 : i32
    %dma_wait3A_1268 = tpu.memref_slice %arg9[%dma_wait3A_1267] : memref<5568xf32, #tpu.memory_space<vmem>> -> memref<16xf32, #tpu.memory_space<vmem>>
    %dma_wait3A_1269 = tpu.memref_slice %arg5[%add3A_567] : memref<3200xf32, #tpu.memory_space<hbm>> -> memref<16xf32, #tpu.memory_space<hbm>>
    tpu.wait_dma2 semaphore(%arg15 : memref<!tpu.dma_semaphore, #tpu.memory_space<semaphore_mem>>) src(%dma_wait3A_1269 : memref<16xf32, #tpu.memory_space<hbm>>) dst(%dma_wait3A_1268 : memref<16xf32, #tpu.memory_space<vmem>>)
    %dma_wait3A_1270 = arith.constant 5536 : i32
    %dma_wait3A_1271 = tpu.memref_slice %arg9[%dma_wait3A_1270] : memref<5568xf32, #tpu.memory_space<vmem>> -> memref<16xf32, #tpu.memory_space<vmem>>
    %dma_wait3A_1272 = tpu.memref_slice %arg5[%add3A_575] : memref<3200xf32, #tpu.memory_space<hbm>> -> memref<16xf32, #tpu.memory_space<hbm>>
    %dma_wait3A_1273 = arith.constant 5536 : i32
    %dma_wait3A_1274 = tpu.memref_slice %arg9[%dma_wait3A_1273] : memref<5568xf32, #tpu.memory_space<vmem>> -> memref<16xf32, #tpu.memory_space<vmem>>
    %dma_wait3A_1275 = tpu.memref_slice %arg5[%add3A_575] : memref<3200xf32, #tpu.memory_space<hbm>> -> memref<16xf32, #tpu.memory_space<hbm>>
    tpu.wait_dma2 semaphore(%arg15 : memref<!tpu.dma_semaphore, #tpu.memory_space<semaphore_mem>>) src(%dma_wait3A_1275 : memref<16xf32, #tpu.memory_space<hbm>>) dst(%dma_wait3A_1274 : memref<16xf32, #tpu.memory_space<vmem>>)
    %dma_wait3A_1276 = arith.constant 5552 : i32
    %dma_wait3A_1277 = tpu.memref_slice %arg9[%dma_wait3A_1276] : memref<5568xf32, #tpu.memory_space<vmem>> -> memref<16xf32, #tpu.memory_space<vmem>>
    %dma_wait3A_1278 = tpu.memref_slice %arg5[%add3A_583] : memref<3200xf32, #tpu.memory_space<hbm>> -> memref<16xf32, #tpu.memory_space<hbm>>
    %dma_wait3A_1279 = arith.constant 5552 : i32
    %dma_wait3A_1280 = tpu.memref_slice %arg9[%dma_wait3A_1279] : memref<5568xf32, #tpu.memory_space<vmem>> -> memref<16xf32, #tpu.memory_space<vmem>>
    %dma_wait3A_1281 = tpu.memref_slice %arg5[%add3A_583] : memref<3200xf32, #tpu.memory_space<hbm>> -> memref<16xf32, #tpu.memory_space<hbm>>
    tpu.wait_dma2 semaphore(%arg15 : memref<!tpu.dma_semaphore, #tpu.memory_space<semaphore_mem>>) src(%dma_wait3A_1281 : memref<16xf32, #tpu.memory_space<hbm>>) dst(%dma_wait3A_1280 : memref<16xf32, #tpu.memory_space<vmem>>)
    %and3A_1282 = arith.constant 1 : i32
    %and3A_1283 = vector.broadcast %and3A_1282 : i32 to vector<16xi32>
    %and3A_1284 = arith.andi %iota3A, %and3A_1283 : vector<16xi32>
    %mul3A_1285 = arith.constant 64 : i32
    %mul3A_1286 = vector.broadcast %mul3A_1285 : i32 to vector<16xi32>
    %mul3A_1287 = arith.muli %and3A_1284, %mul3A_1286 : vector<16xi32>
    %shift_right_logical3A_1288 = arith.constant 1 : i32
    %shift_right_logical3A_1289 = vector.broadcast %shift_right_logical3A_1288 : i32 to vector<16xi32>
    %shift_right_logical3A_1290 = arith.shrui %iota3A, %shift_right_logical3A_1289 : vector<16xi32>
    %add3A_1291 = arith.addi %mul3A_1287, %shift_right_logical3A_1290 : vector<16xi32>
    %scan3A_1292 = arith.constant 0 : i32
    %scan3A_1293 = arith.constant 2 : i32
    %scan3A_1294 = arith.addi %scan3A_1292, %scan3A_1293 : i32
    %scan3A_1295 = arith.constant 1 : i32
    scf.for %scan3A_1533 = %scan3A_1292 to %scan3A_1294 step %scan3A_1295  : i32 {
      %mul3A_1534 = arith.constant 16 : i32
      %mul3A_1535 = arith.muli %scan3A_1533, %mul3A_1534 : i32
      %add3A_1536 = arith.addi %mul3A_523, %mul3A_1535 : i32
      %add3A_1537 = vector.broadcast %add3A_1536 : i32 to vector<16xi32>
      %add3A_1538 = arith.addi %iota3A, %add3A_1537 : vector<16xi32>
      %shift_right_logical3A_1539 = arith.constant 1 : i32
      %shift_right_logical3A_1540 = vector.broadcast %shift_right_logical3A_1539 : i32 to vector<16xi32>
      %shift_right_logical3A_1541 = arith.shrui %add3A_1538, %shift_right_logical3A_1540 : vector<16xi32>
      %div3A = arith.constant 20 : i32
      %div3A_1542 = vector.broadcast %div3A : i32 to vector<16xi32>
      %div3A_1543 = arith.divsi %shift_right_logical3A_1541, %div3A_1542 : vector<16xi32>
      %mul3A_1544 = arith.constant 20 : i32
      %mul3A_1545 = vector.broadcast %mul3A_1544 : i32 to vector<16xi32>
      %mul3A_1546 = arith.muli %div3A_1543, %mul3A_1545 : vector<16xi32>
      %sub3A = arith.subi %shift_right_logical3A_1541, %mul3A_1546 : vector<16xi32>
      %mul3A_1547 = arith.constant 32 : i32
      %mul3A_1548 = vector.broadcast %mul3A_1547 : i32 to vector<16xi32>
      %mul3A_1549 = arith.muli %sub3A, %mul3A_1548 : vector<16xi32>
      %convert_element_type3A = arith.sitofp %mul3A_1549 : vector<16xi32> to vector<16xf32>
      %mul3A_1550 = arith.constant 32 : i32
      %mul3A_1551 = vector.broadcast %mul3A_1550 : i32 to vector<16xi32>
      %mul3A_1552 = arith.muli %div3A_1543, %mul3A_1551 : vector<16xi32>
      %convert_element_type3A_1553 = arith.sitofp %mul3A_1552 : vector<16xi32> to vector<16xf32>
      %mul3A_1554 = arith.constant 8 : i32
      %mul3A_1555 = arith.muli %scan3A_1533, %mul3A_1554 : i32
      %add3A_1556 = arith.constant 5440 : i32
      %add3A_1557 = arith.addi %add3A_1556, %mul3A_1555 : i32
      %mul3A_1558 = arith.constant 16 : i32
      %mul3A_1559 = arith.muli %scan3A_1533, %mul3A_1558 : i32
      %add3A_1560 = arith.constant 5440 : i32
      %add3A_1561 = arith.addi %add3A_1560, %mul3A_1559 : i32
      %add3A_1562 = arith.constant 0 : i32
      %add3A_1563 = arith.addi %add3A_1557, %add3A_1562 : i32
      %add3A_1564 = vector.broadcast %add3A_1563 : i32 to vector<16xi32>
      %add3A_1565 = arith.addi %add3A_1291, %add3A_1564 : vector<16xi32>
      %gather3A = tpu.vector_load_idx %arg9[%add3A_1565] : memref<5568xf32, #tpu.memory_space<vmem>>[vector<16xi32>], vector<16xf32>,
      %mul3A_1566 = arith.constant -3.200000e+01 : f32
      %mul3A_1567 = vector.broadcast %mul3A_1566 : f32 to vector<16xf32>
      %mul3A_1568 = arith.mulf %gather3A, %mul3A_1567 : vector<16xf32>
      %add3A_1569 = arith.addf %convert_element_type3A, %mul3A_1568 : vector<16xf32>
      %mul3A_1570 = arith.mulf %add3A_1569, %get3A_4 : vector<16xf32>
      %add3A_1571 = arith.constant 0 : i32
      %add3A_1572 = arith.addi %add3A_1571, %add3A_1561 : i32
      %swap3A = arith.index_cast %add3A_1572 : i32 to index
      %swap3A_1573 = tpu.vector_load %arg10[%swap3A] {strides = array<i32>} : memref<5568xf32, #tpu.memory_space<vmem>>, vector<16xf32>,
      tpu.vector_store %arg10[%swap3A], %mul3A_1570 {strides = array<i32>} : memref<5568xf32, #tpu.memory_space<vmem>>, vector<16xf32>,
      %add3A_1574 = arith.constant 16 : i32
      %add3A_1575 = arith.addi %add3A_1557, %add3A_1574 : i32
      %add3A_1576 = vector.broadcast %add3A_1575 : i32 to vector<16xi32>
      %add3A_1577 = arith.addi %add3A_1291, %add3A_1576 : vector<16xi32>
      %gather3A_1578 = tpu.vector_load_idx %arg9[%add3A_1577] : memref<5568xf32, #tpu.memory_space<vmem>>[vector<16xi32>], vector<16xf32>,
      %mul3A_1579 = arith.constant -3.200000e+01 : f32
      %mul3A_1580 = vector.broadcast %mul3A_1579 : f32 to vector<16xf32>
      %mul3A_1581 = arith.mulf %gather3A_1578, %mul3A_1580 : vector<16xf32>
      %add3A_1582 = arith.addf %convert_element_type3A_1553, %mul3A_1581 : vector<16xf32>
      %mul3A_1583 = arith.mulf %add3A_1582, %get3A_6 : vector<16xf32>
      %add3A_1584 = arith.constant 32 : i32
      %add3A_1585 = arith.addi %add3A_1584, %add3A_1561 : i32
      %swap3A_1586 = arith.index_cast %add3A_1585 : i32 to index
      %swap3A_1587 = tpu.vector_load %arg10[%swap3A_1586] {strides = array<i32>} : memref<5568xf32, #tpu.memory_space<vmem>>, vector<16xf32>,
      tpu.vector_store %arg10[%swap3A_1586], %mul3A_1583 {strides = array<i32>} : memref<5568xf32, #tpu.memory_space<vmem>>, vector<16xf32>,
      %add3A_1588 = arith.constant 32 : i32
      %add3A_1589 = arith.addi %add3A_1557, %add3A_1588 : i32
      %add3A_1590 = vector.broadcast %add3A_1589 : i32 to vector<16xi32>
      %add3A_1591 = arith.addi %add3A_1291, %add3A_1590 : vector<16xi32>
      %gather3A_1592 = tpu.vector_load_idx %arg9[%add3A_1591] : memref<5568xf32, #tpu.memory_space<vmem>>[vector<16xi32>], vector<16xf32>,
      %mul3A_1593 = arith.constant 3.200000e+01 : f32
      %mul3A_1594 = vector.broadcast %mul3A_1593 : f32 to vector<16xf32>
      %mul3A_1595 = arith.mulf %gather3A_1592, %mul3A_1594 : vector<16xf32>
      %add3A_1596 = arith.addf %convert_element_type3A, %mul3A_1595 : vector<16xf32>
      %mul3A_1597 = arith.mulf %add3A_1596, %get3A_4 : vector<16xf32>
      %add3A_1598 = arith.constant 64 : i32
      %add3A_1599 = arith.addi %add3A_1598, %add3A_1561 : i32
      %swap3A_1600 = arith.index_cast %add3A_1599 : i32 to index
      %swap3A_1601 = tpu.vector_load %arg10[%swap3A_1600] {strides = array<i32>} : memref<5568xf32, #tpu.memory_space<vmem>>, vector<16xf32>,
      tpu.vector_store %arg10[%swap3A_1600], %mul3A_1597 {strides = array<i32>} : memref<5568xf32, #tpu.memory_space<vmem>>, vector<16xf32>,
      %add3A_1602 = arith.constant 48 : i32
      %add3A_1603 = arith.addi %add3A_1557, %add3A_1602 : i32
      %add3A_1604 = vector.broadcast %add3A_1603 : i32 to vector<16xi32>
      %add3A_1605 = arith.addi %add3A_1291, %add3A_1604 : vector<16xi32>
      %gather3A_1606 = tpu.vector_load_idx %arg9[%add3A_1605] : memref<5568xf32, #tpu.memory_space<vmem>>[vector<16xi32>], vector<16xf32>,
      %mul3A_1607 = arith.constant 3.200000e+01 : f32
      %mul3A_1608 = vector.broadcast %mul3A_1607 : f32 to vector<16xf32>
      %mul3A_1609 = arith.mulf %gather3A_1606, %mul3A_1608 : vector<16xf32>
      %add3A_1610 = arith.addf %convert_element_type3A_1553, %mul3A_1609 : vector<16xf32>
      %mul3A_1611 = arith.mulf %add3A_1610, %get3A_6 : vector<16xf32>
      %add3A_1612 = arith.constant 96 : i32
      %add3A_1613 = arith.addi %add3A_1612, %add3A_1561 : i32
      %swap3A_1614 = arith.index_cast %add3A_1613 : i32 to index
      %swap3A_1615 = tpu.vector_load %arg10[%swap3A_1614] {strides = array<i32>} : memref<5568xf32, #tpu.memory_space<vmem>>, vector<16xf32>,
      tpu.vector_store %arg10[%swap3A_1614], %mul3A_1611 {strides = array<i32>} : memref<5568xf32, #tpu.memory_space<vmem>>, vector<16xf32>,
    }
    %scan3A_1296 = arith.constant 2 : i32
    %add3A_1297 = arith.constant 0 : i32
    %add3A_1298 = arith.addi %add3A_1297, %mul3A_523 : i32
    %dma_start3A_1299 = arith.constant 5440 : i32
    %dma_start3A_1300 = tpu.memref_slice %arg10[%dma_start3A_1299] : memref<5568xf32, #tpu.memory_space<vmem>> -> memref<32xf32, #tpu.memory_space<vmem>>
    %dma_start3A_1301 = tpu.memref_slice %arg8[%add3A_1298] : memref<3200xf32, #tpu.memory_space<hbm>> -> memref<32xf32, #tpu.memory_space<hbm>>
    %dma_start3A_1302 = tpu.memref_slice %arg8[%add3A_1298] : memref<3200xf32, #tpu.memory_space<hbm>> -> memref<32xf32, #tpu.memory_space<hbm>>
    %dma_start3A_1303 = arith.constant 5440 : i32
    %dma_start3A_1304 = tpu.memref_slice %arg10[%dma_start3A_1303] : memref<5568xf32, #tpu.memory_space<vmem>> -> memref<32xf32, #tpu.memory_space<vmem>>
    tpu.enqueue_dma source(%dma_start3A_1304 : memref<32xf32, #tpu.memory_space<vmem>>) target(%dma_start3A_1302 : memref<32xf32, #tpu.memory_space<hbm>>) target_semaphore(%arg16 : memref<!tpu.dma_semaphore, #tpu.memory_space<semaphore_mem>>)
    %add3A_1305 = arith.constant 800 : i32
    %add3A_1306 = arith.addi %add3A_1305, %mul3A_523 : i32
    %dma_start3A_1307 = arith.constant 5472 : i32
    %dma_start3A_1308 = tpu.memref_slice %arg10[%dma_start3A_1307] : memref<5568xf32, #tpu.memory_space<vmem>> -> memref<32xf32, #tpu.memory_space<vmem>>
    %dma_start3A_1309 = tpu.memref_slice %arg8[%add3A_1306] : memref<3200xf32, #tpu.memory_space<hbm>> -> memref<32xf32, #tpu.memory_space<hbm>>
    %dma_start3A_1310 = tpu.memref_slice %arg8[%add3A_1306] : memref<3200xf32, #tpu.memory_space<hbm>> -> memref<32xf32, #tpu.memory_space<hbm>>
    %dma_start3A_1311 = arith.constant 5472 : i32
    %dma_start3A_1312 = tpu.memref_slice %arg10[%dma_start3A_1311] : memref<5568xf32, #tpu.memory_space<vmem>> -> memref<32xf32, #tpu.memory_space<vmem>>
    tpu.enqueue_dma source(%dma_start3A_1312 : memref<32xf32, #tpu.memory_space<vmem>>) target(%dma_start3A_1310 : memref<32xf32, #tpu.memory_space<hbm>>) target_semaphore(%arg16 : memref<!tpu.dma_semaphore, #tpu.memory_space<semaphore_mem>>)
    %add3A_1313 = arith.constant 1600 : i32
    %add3A_1314 = arith.addi %add3A_1313, %mul3A_523 : i32
    %dma_start3A_1315 = arith.constant 5504 : i32
    %dma_start3A_1316 = tpu.memref_slice %arg10[%dma_start3A_1315] : memref<5568xf32, #tpu.memory_space<vmem>> -> memref<32xf32, #tpu.memory_space<vmem>>
    %dma_start3A_1317 = tpu.memref_slice %arg8[%add3A_1314] : memref<3200xf32, #tpu.memory_space<hbm>> -> memref<32xf32, #tpu.memory_space<hbm>>
    %dma_start3A_1318 = tpu.memref_slice %arg8[%add3A_1314] : memref<3200xf32, #tpu.memory_space<hbm>> -> memref<32xf32, #tpu.memory_space<hbm>>
    %dma_start3A_1319 = arith.constant 5504 : i32
    %dma_start3A_1320 = tpu.memref_slice %arg10[%dma_start3A_1319] : memref<5568xf32, #tpu.memory_space<vmem>> -> memref<32xf32, #tpu.memory_space<vmem>>
    tpu.enqueue_dma source(%dma_start3A_1320 : memref<32xf32, #tpu.memory_space<vmem>>) target(%dma_start3A_1318 : memref<32xf32, #tpu.memory_space<hbm>>) target_semaphore(%arg16 : memref<!tpu.dma_semaphore, #tpu.memory_space<semaphore_mem>>)
    %add3A_1321 = arith.constant 2400 : i32
    %add3A_1322 = arith.addi %add3A_1321, %mul3A_523 : i32
    %dma_start3A_1323 = arith.constant 5536 : i32
    %dma_start3A_1324 = tpu.memref_slice %arg10[%dma_start3A_1323] : memref<5568xf32, #tpu.memory_space<vmem>> -> memref<32xf32, #tpu.memory_space<vmem>>
    %dma_start3A_1325 = tpu.memref_slice %arg8[%add3A_1322] : memref<3200xf32, #tpu.memory_space<hbm>> -> memref<32xf32, #tpu.memory_space<hbm>>
    %dma_start3A_1326 = tpu.memref_slice %arg8[%add3A_1322] : memref<3200xf32, #tpu.memory_space<hbm>> -> memref<32xf32, #tpu.memory_space<hbm>>
    %dma_start3A_1327 = arith.constant 5536 : i32
    %dma_start3A_1328 = tpu.memref_slice %arg10[%dma_start3A_1327] : memref<5568xf32, #tpu.memory_space<vmem>> -> memref<32xf32, #tpu.memory_space<vmem>>
    tpu.enqueue_dma source(%dma_start3A_1328 : memref<32xf32, #tpu.memory_space<vmem>>) target(%dma_start3A_1326 : memref<32xf32, #tpu.memory_space<hbm>>) target_semaphore(%arg16 : memref<!tpu.dma_semaphore, #tpu.memory_space<semaphore_mem>>)
    %dma_wait3A_1329 = arith.constant 0 : i32
    %dma_wait3A_1330 = tpu.memref_slice %arg10[%dma_wait3A_1329] : memref<5568xf32, #tpu.memory_space<vmem>> -> memref<400xf32, #tpu.memory_space<vmem>>
    %dma_wait3A_1331 = tpu.memref_slice %arg7[%add3A_723] : memref<168000xf32, #tpu.memory_space<hbm>> -> memref<400xf32, #tpu.memory_space<hbm>>
    %dma_wait3A_1332 = tpu.memref_slice %arg7[%add3A_723] : memref<168000xf32, #tpu.memory_space<hbm>> -> memref<400xf32, #tpu.memory_space<hbm>>
    %dma_wait3A_1333 = arith.constant 0 : i32
    %dma_wait3A_1334 = tpu.memref_slice %arg10[%dma_wait3A_1333] : memref<5568xf32, #tpu.memory_space<vmem>> -> memref<400xf32, #tpu.memory_space<vmem>>
    tpu.wait_dma2 semaphore(%arg16 : memref<!tpu.dma_semaphore, #tpu.memory_space<semaphore_mem>>) src(%dma_wait3A_1334 : memref<400xf32, #tpu.memory_space<vmem>>) dst(%dma_wait3A_1332 : memref<400xf32, #tpu.memory_space<hbm>>)
    %dma_wait3A_1335 = arith.constant 400 : i32
    %dma_wait3A_1336 = tpu.memref_slice %arg10[%dma_wait3A_1335] : memref<5568xf32, #tpu.memory_space<vmem>> -> memref<400xf32, #tpu.memory_space<vmem>>
    %dma_wait3A_1337 = tpu.memref_slice %arg7[%add3A_731] : memref<168000xf32, #tpu.memory_space<hbm>> -> memref<400xf32, #tpu.memory_space<hbm>>
    %dma_wait3A_1338 = tpu.memref_slice %arg7[%add3A_731] : memref<168000xf32, #tpu.memory_space<hbm>> -> memref<400xf32, #tpu.memory_space<hbm>>
    %dma_wait3A_1339 = arith.constant 400 : i32
    %dma_wait3A_1340 = tpu.memref_slice %arg10[%dma_wait3A_1339] : memref<5568xf32, #tpu.memory_space<vmem>> -> memref<400xf32, #tpu.memory_space<vmem>>
    tpu.wait_dma2 semaphore(%arg16 : memref<!tpu.dma_semaphore, #tpu.memory_space<semaphore_mem>>) src(%dma_wait3A_1340 : memref<400xf32, #tpu.memory_space<vmem>>) dst(%dma_wait3A_1338 : memref<400xf32, #tpu.memory_space<hbm>>)
    %dma_wait3A_1341 = arith.constant 800 : i32
    %dma_wait3A_1342 = tpu.memref_slice %arg10[%dma_wait3A_1341] : memref<5568xf32, #tpu.memory_space<vmem>> -> memref<400xf32, #tpu.memory_space<vmem>>
    %dma_wait3A_1343 = tpu.memref_slice %arg7[%add3A_739] : memref<168000xf32, #tpu.memory_space<hbm>> -> memref<400xf32, #tpu.memory_space<hbm>>
    %dma_wait3A_1344 = tpu.memref_slice %arg7[%add3A_739] : memref<168000xf32, #tpu.memory_space<hbm>> -> memref<400xf32, #tpu.memory_space<hbm>>
    %dma_wait3A_1345 = arith.constant 800 : i32
    %dma_wait3A_1346 = tpu.memref_slice %arg10[%dma_wait3A_1345] : memref<5568xf32, #tpu.memory_space<vmem>> -> memref<400xf32, #tpu.memory_space<vmem>>
    tpu.wait_dma2 semaphore(%arg16 : memref<!tpu.dma_semaphore, #tpu.memory_space<semaphore_mem>>) src(%dma_wait3A_1346 : memref<400xf32, #tpu.memory_space<vmem>>) dst(%dma_wait3A_1344 : memref<400xf32, #tpu.memory_space<hbm>>)
    %dma_wait3A_1347 = arith.constant 1200 : i32
    %dma_wait3A_1348 = tpu.memref_slice %arg10[%dma_wait3A_1347] : memref<5568xf32, #tpu.memory_space<vmem>> -> memref<400xf32, #tpu.memory_space<vmem>>
    %dma_wait3A_1349 = tpu.memref_slice %arg7[%add3A_747] : memref<168000xf32, #tpu.memory_space<hbm>> -> memref<400xf32, #tpu.memory_space<hbm>>
    %dma_wait3A_1350 = tpu.memref_slice %arg7[%add3A_747] : memref<168000xf32, #tpu.memory_space<hbm>> -> memref<400xf32, #tpu.memory_space<hbm>>
    %dma_wait3A_1351 = arith.constant 1200 : i32
    %dma_wait3A_1352 = tpu.memref_slice %arg10[%dma_wait3A_1351] : memref<5568xf32, #tpu.memory_space<vmem>> -> memref<400xf32, #tpu.memory_space<vmem>>
    tpu.wait_dma2 semaphore(%arg16 : memref<!tpu.dma_semaphore, #tpu.memory_space<semaphore_mem>>) src(%dma_wait3A_1352 : memref<400xf32, #tpu.memory_space<vmem>>) dst(%dma_wait3A_1350 : memref<400xf32, #tpu.memory_space<hbm>>)
    %dma_wait3A_1353 = arith.constant 1600 : i32
    %dma_wait3A_1354 = tpu.memref_slice %arg10[%dma_wait3A_1353] : memref<5568xf32, #tpu.memory_space<vmem>> -> memref<400xf32, #tpu.memory_space<vmem>>
    %dma_wait3A_1355 = tpu.memref_slice %arg7[%add3A_755] : memref<168000xf32, #tpu.memory_space<hbm>> -> memref<400xf32, #tpu.memory_space<hbm>>
    %dma_wait3A_1356 = tpu.memref_slice %arg7[%add3A_755] : memref<168000xf32, #tpu.memory_space<hbm>> -> memref<400xf32, #tpu.memory_space<hbm>>
    %dma_wait3A_1357 = arith.constant 1600 : i32
    %dma_wait3A_1358 = tpu.memref_slice %arg10[%dma_wait3A_1357] : memref<5568xf32, #tpu.memory_space<vmem>> -> memref<400xf32, #tpu.memory_space<vmem>>
    tpu.wait_dma2 semaphore(%arg16 : memref<!tpu.dma_semaphore, #tpu.memory_space<semaphore_mem>>) src(%dma_wait3A_1358 : memref<400xf32, #tpu.memory_space<vmem>>) dst(%dma_wait3A_1356 : memref<400xf32, #tpu.memory_space<hbm>>)
    %dma_wait3A_1359 = arith.constant 2000 : i32
    %dma_wait3A_1360 = tpu.memref_slice %arg10[%dma_wait3A_1359] : memref<5568xf32, #tpu.memory_space<vmem>> -> memref<400xf32, #tpu.memory_space<vmem>>
    %dma_wait3A_1361 = tpu.memref_slice %arg7[%add3A_763] : memref<168000xf32, #tpu.memory_space<hbm>> -> memref<400xf32, #tpu.memory_space<hbm>>
    %dma_wait3A_1362 = tpu.memref_slice %arg7[%add3A_763] : memref<168000xf32, #tpu.memory_space<hbm>> -> memref<400xf32, #tpu.memory_space<hbm>>
    %dma_wait3A_1363 = arith.constant 2000 : i32
    %dma_wait3A_1364 = tpu.memref_slice %arg10[%dma_wait3A_1363] : memref<5568xf32, #tpu.memory_space<vmem>> -> memref<400xf32, #tpu.memory_space<vmem>>
    tpu.wait_dma2 semaphore(%arg16 : memref<!tpu.dma_semaphore, #tpu.memory_space<semaphore_mem>>) src(%dma_wait3A_1364 : memref<400xf32, #tpu.memory_space<vmem>>) dst(%dma_wait3A_1362 : memref<400xf32, #tpu.memory_space<hbm>>)
    %dma_wait3A_1365 = arith.constant 2400 : i32
    %dma_wait3A_1366 = tpu.memref_slice %arg10[%dma_wait3A_1365] : memref<5568xf32, #tpu.memory_space<vmem>> -> memref<400xf32, #tpu.memory_space<vmem>>
    %dma_wait3A_1367 = tpu.memref_slice %arg7[%add3A_771] : memref<168000xf32, #tpu.memory_space<hbm>> -> memref<400xf32, #tpu.memory_space<hbm>>
    %dma_wait3A_1368 = tpu.memref_slice %arg7[%add3A_771] : memref<168000xf32, #tpu.memory_space<hbm>> -> memref<400xf32, #tpu.memory_space<hbm>>
    %dma_wait3A_1369 = arith.constant 2400 : i32
    %dma_wait3A_1370 = tpu.memref_slice %arg10[%dma_wait3A_1369] : memref<5568xf32, #tpu.memory_space<vmem>> -> memref<400xf32, #tpu.memory_space<vmem>>
    tpu.wait_dma2 semaphore(%arg16 : memref<!tpu.dma_semaphore, #tpu.memory_space<semaphore_mem>>) src(%dma_wait3A_1370 : memref<400xf32, #tpu.memory_space<vmem>>) dst(%dma_wait3A_1368 : memref<400xf32, #tpu.memory_space<hbm>>)
    %dma_wait3A_1371 = arith.constant 2800 : i32
    %dma_wait3A_1372 = tpu.memref_slice %arg10[%dma_wait3A_1371] : memref<5568xf32, #tpu.memory_space<vmem>> -> memref<400xf32, #tpu.memory_space<vmem>>
    %dma_wait3A_1373 = tpu.memref_slice %arg7[%add3A_779] : memref<168000xf32, #tpu.memory_space<hbm>> -> memref<400xf32, #tpu.memory_space<hbm>>
    %dma_wait3A_1374 = tpu.memref_slice %arg7[%add3A_779] : memref<168000xf32, #tpu.memory_space<hbm>> -> memref<400xf32, #tpu.memory_space<hbm>>
    %dma_wait3A_1375 = arith.constant 2800 : i32
    %dma_wait3A_1376 = tpu.memref_slice %arg10[%dma_wait3A_1375] : memref<5568xf32, #tpu.memory_space<vmem>> -> memref<400xf32, #tpu.memory_space<vmem>>
    tpu.wait_dma2 semaphore(%arg16 : memref<!tpu.dma_semaphore, #tpu.memory_space<semaphore_mem>>) src(%dma_wait3A_1376 : memref<400xf32, #tpu.memory_space<vmem>>) dst(%dma_wait3A_1374 : memref<400xf32, #tpu.memory_space<hbm>>)
    %dma_wait3A_1377 = arith.constant 3200 : i32
    %dma_wait3A_1378 = tpu.memref_slice %arg10[%dma_wait3A_1377] : memref<5568xf32, #tpu.memory_space<vmem>> -> memref<400xf32, #tpu.memory_space<vmem>>
    %dma_wait3A_1379 = tpu.memref_slice %arg7[%add3A_787] : memref<168000xf32, #tpu.memory_space<hbm>> -> memref<400xf32, #tpu.memory_space<hbm>>
    %dma_wait3A_1380 = tpu.memref_slice %arg7[%add3A_787] : memref<168000xf32, #tpu.memory_space<hbm>> -> memref<400xf32, #tpu.memory_space<hbm>>
    %dma_wait3A_1381 = arith.constant 3200 : i32
    %dma_wait3A_1382 = tpu.memref_slice %arg10[%dma_wait3A_1381] : memref<5568xf32, #tpu.memory_space<vmem>> -> memref<400xf32, #tpu.memory_space<vmem>>
    tpu.wait_dma2 semaphore(%arg16 : memref<!tpu.dma_semaphore, #tpu.memory_space<semaphore_mem>>) src(%dma_wait3A_1382 : memref<400xf32, #tpu.memory_space<vmem>>) dst(%dma_wait3A_1380 : memref<400xf32, #tpu.memory_space<hbm>>)
    %dma_wait3A_1383 = arith.constant 3600 : i32
    %dma_wait3A_1384 = tpu.memref_slice %arg10[%dma_wait3A_1383] : memref<5568xf32, #tpu.memory_space<vmem>> -> memref<400xf32, #tpu.memory_space<vmem>>
    %dma_wait3A_1385 = tpu.memref_slice %arg7[%add3A_795] : memref<168000xf32, #tpu.memory_space<hbm>> -> memref<400xf32, #tpu.memory_space<hbm>>
    %dma_wait3A_1386 = tpu.memref_slice %arg7[%add3A_795] : memref<168000xf32, #tpu.memory_space<hbm>> -> memref<400xf32, #tpu.memory_space<hbm>>
    %dma_wait3A_1387 = arith.constant 3600 : i32
    %dma_wait3A_1388 = tpu.memref_slice %arg10[%dma_wait3A_1387] : memref<5568xf32, #tpu.memory_space<vmem>> -> memref<400xf32, #tpu.memory_space<vmem>>
    tpu.wait_dma2 semaphore(%arg16 : memref<!tpu.dma_semaphore, #tpu.memory_space<semaphore_mem>>) src(%dma_wait3A_1388 : memref<400xf32, #tpu.memory_space<vmem>>) dst(%dma_wait3A_1386 : memref<400xf32, #tpu.memory_space<hbm>>)
    %dma_wait3A_1389 = arith.constant 4000 : i32
    %dma_wait3A_1390 = tpu.memref_slice %arg10[%dma_wait3A_1389] : memref<5568xf32, #tpu.memory_space<vmem>> -> memref<112xf32, #tpu.memory_space<vmem>>
    %dma_wait3A_1391 = tpu.memref_slice %arg7[%add3A_939] : memref<168000xf32, #tpu.memory_space<hbm>> -> memref<112xf32, #tpu.memory_space<hbm>>
    %dma_wait3A_1392 = tpu.memref_slice %arg7[%add3A_939] : memref<168000xf32, #tpu.memory_space<hbm>> -> memref<112xf32, #tpu.memory_space<hbm>>
    %dma_wait3A_1393 = arith.constant 4000 : i32
    %dma_wait3A_1394 = tpu.memref_slice %arg10[%dma_wait3A_1393] : memref<5568xf32, #tpu.memory_space<vmem>> -> memref<112xf32, #tpu.memory_space<vmem>>
    tpu.wait_dma2 semaphore(%arg16 : memref<!tpu.dma_semaphore, #tpu.memory_space<semaphore_mem>>) src(%dma_wait3A_1394 : memref<112xf32, #tpu.memory_space<vmem>>) dst(%dma_wait3A_1392 : memref<112xf32, #tpu.memory_space<hbm>>)
    %dma_wait3A_1395 = arith.constant 4112 : i32
    %dma_wait3A_1396 = tpu.memref_slice %arg10[%dma_wait3A_1395] : memref<5568xf32, #tpu.memory_space<vmem>> -> memref<112xf32, #tpu.memory_space<vmem>>
    %dma_wait3A_1397 = tpu.memref_slice %arg7[%add3A_947] : memref<168000xf32, #tpu.memory_space<hbm>> -> memref<112xf32, #tpu.memory_space<hbm>>
    %dma_wait3A_1398 = tpu.memref_slice %arg7[%add3A_947] : memref<168000xf32, #tpu.memory_space<hbm>> -> memref<112xf32, #tpu.memory_space<hbm>>
    %dma_wait3A_1399 = arith.constant 4112 : i32
    %dma_wait3A_1400 = tpu.memref_slice %arg10[%dma_wait3A_1399] : memref<5568xf32, #tpu.memory_space<vmem>> -> memref<112xf32, #tpu.memory_space<vmem>>
    tpu.wait_dma2 semaphore(%arg16 : memref<!tpu.dma_semaphore, #tpu.memory_space<semaphore_mem>>) src(%dma_wait3A_1400 : memref<112xf32, #tpu.memory_space<vmem>>) dst(%dma_wait3A_1398 : memref<112xf32, #tpu.memory_space<hbm>>)
    %dma_wait3A_1401 = arith.constant 4224 : i32
    %dma_wait3A_1402 = tpu.memref_slice %arg10[%dma_wait3A_1401] : memref<5568xf32, #tpu.memory_space<vmem>> -> memref<112xf32, #tpu.memory_space<vmem>>
    %dma_wait3A_1403 = tpu.memref_slice %arg7[%add3A_955] : memref<168000xf32, #tpu.memory_space<hbm>> -> memref<112xf32, #tpu.memory_space<hbm>>
    %dma_wait3A_1404 = tpu.memref_slice %arg7[%add3A_955] : memref<168000xf32, #tpu.memory_space<hbm>> -> memref<112xf32, #tpu.memory_space<hbm>>
    %dma_wait3A_1405 = arith.constant 4224 : i32
    %dma_wait3A_1406 = tpu.memref_slice %arg10[%dma_wait3A_1405] : memref<5568xf32, #tpu.memory_space<vmem>> -> memref<112xf32, #tpu.memory_space<vmem>>
    tpu.wait_dma2 semaphore(%arg16 : memref<!tpu.dma_semaphore, #tpu.memory_space<semaphore_mem>>) src(%dma_wait3A_1406 : memref<112xf32, #tpu.memory_space<vmem>>) dst(%dma_wait3A_1404 : memref<112xf32, #tpu.memory_space<hbm>>)
    %dma_wait3A_1407 = arith.constant 4336 : i32
    %dma_wait3A_1408 = tpu.memref_slice %arg10[%dma_wait3A_1407] : memref<5568xf32, #tpu.memory_space<vmem>> -> memref<112xf32, #tpu.memory_space<vmem>>
    %dma_wait3A_1409 = tpu.memref_slice %arg7[%add3A_963] : memref<168000xf32, #tpu.memory_space<hbm>> -> memref<112xf32, #tpu.memory_space<hbm>>
    %dma_wait3A_1410 = tpu.memref_slice %arg7[%add3A_963] : memref<168000xf32, #tpu.memory_space<hbm>> -> memref<112xf32, #tpu.memory_space<hbm>>
    %dma_wait3A_1411 = arith.constant 4336 : i32
    %dma_wait3A_1412 = tpu.memref_slice %arg10[%dma_wait3A_1411] : memref<5568xf32, #tpu.memory_space<vmem>> -> memref<112xf32, #tpu.memory_space<vmem>>
    tpu.wait_dma2 semaphore(%arg16 : memref<!tpu.dma_semaphore, #tpu.memory_space<semaphore_mem>>) src(%dma_wait3A_1412 : memref<112xf32, #tpu.memory_space<vmem>>) dst(%dma_wait3A_1410 : memref<112xf32, #tpu.memory_space<hbm>>)
    %dma_wait3A_1413 = arith.constant 4448 : i32
    %dma_wait3A_1414 = tpu.memref_slice %arg10[%dma_wait3A_1413] : memref<5568xf32, #tpu.memory_space<vmem>> -> memref<112xf32, #tpu.memory_space<vmem>>
    %dma_wait3A_1415 = tpu.memref_slice %arg7[%add3A_971] : memref<168000xf32, #tpu.memory_space<hbm>> -> memref<112xf32, #tpu.memory_space<hbm>>
    %dma_wait3A_1416 = tpu.memref_slice %arg7[%add3A_971] : memref<168000xf32, #tpu.memory_space<hbm>> -> memref<112xf32, #tpu.memory_space<hbm>>
    %dma_wait3A_1417 = arith.constant 4448 : i32
    %dma_wait3A_1418 = tpu.memref_slice %arg10[%dma_wait3A_1417] : memref<5568xf32, #tpu.memory_space<vmem>> -> memref<112xf32, #tpu.memory_space<vmem>>
    tpu.wait_dma2 semaphore(%arg16 : memref<!tpu.dma_semaphore, #tpu.memory_space<semaphore_mem>>) src(%dma_wait3A_1418 : memref<112xf32, #tpu.memory_space<vmem>>) dst(%dma_wait3A_1416 : memref<112xf32, #tpu.memory_space<hbm>>)
    %dma_wait3A_1419 = arith.constant 4560 : i32
    %dma_wait3A_1420 = tpu.memref_slice %arg10[%dma_wait3A_1419] : memref<5568xf32, #tpu.memory_space<vmem>> -> memref<112xf32, #tpu.memory_space<vmem>>
    %dma_wait3A_1421 = tpu.memref_slice %arg7[%add3A_979] : memref<168000xf32, #tpu.memory_space<hbm>> -> memref<112xf32, #tpu.memory_space<hbm>>
    %dma_wait3A_1422 = tpu.memref_slice %arg7[%add3A_979] : memref<168000xf32, #tpu.memory_space<hbm>> -> memref<112xf32, #tpu.memory_space<hbm>>
    %dma_wait3A_1423 = arith.constant 4560 : i32
    %dma_wait3A_1424 = tpu.memref_slice %arg10[%dma_wait3A_1423] : memref<5568xf32, #tpu.memory_space<vmem>> -> memref<112xf32, #tpu.memory_space<vmem>>
    tpu.wait_dma2 semaphore(%arg16 : memref<!tpu.dma_semaphore, #tpu.memory_space<semaphore_mem>>) src(%dma_wait3A_1424 : memref<112xf32, #tpu.memory_space<vmem>>) dst(%dma_wait3A_1422 : memref<112xf32, #tpu.memory_space<hbm>>)
    %dma_wait3A_1425 = arith.constant 4672 : i32
    %dma_wait3A_1426 = tpu.memref_slice %arg10[%dma_wait3A_1425] : memref<5568xf32, #tpu.memory_space<vmem>> -> memref<112xf32, #tpu.memory_space<vmem>>
    %dma_wait3A_1427 = tpu.memref_slice %arg7[%add3A_987] : memref<168000xf32, #tpu.memory_space<hbm>> -> memref<112xf32, #tpu.memory_space<hbm>>
    %dma_wait3A_1428 = tpu.memref_slice %arg7[%add3A_987] : memref<168000xf32, #tpu.memory_space<hbm>> -> memref<112xf32, #tpu.memory_space<hbm>>
    %dma_wait3A_1429 = arith.constant 4672 : i32
    %dma_wait3A_1430 = tpu.memref_slice %arg10[%dma_wait3A_1429] : memref<5568xf32, #tpu.memory_space<vmem>> -> memref<112xf32, #tpu.memory_space<vmem>>
    tpu.wait_dma2 semaphore(%arg16 : memref<!tpu.dma_semaphore, #tpu.memory_space<semaphore_mem>>) src(%dma_wait3A_1430 : memref<112xf32, #tpu.memory_space<vmem>>) dst(%dma_wait3A_1428 : memref<112xf32, #tpu.memory_space<hbm>>)
    %dma_wait3A_1431 = arith.constant 4784 : i32
    %dma_wait3A_1432 = tpu.memref_slice %arg10[%dma_wait3A_1431] : memref<5568xf32, #tpu.memory_space<vmem>> -> memref<112xf32, #tpu.memory_space<vmem>>
    %dma_wait3A_1433 = tpu.memref_slice %arg7[%add3A_995] : memref<168000xf32, #tpu.memory_space<hbm>> -> memref<112xf32, #tpu.memory_space<hbm>>
    %dma_wait3A_1434 = tpu.memref_slice %arg7[%add3A_995] : memref<168000xf32, #tpu.memory_space<hbm>> -> memref<112xf32, #tpu.memory_space<hbm>>
    %dma_wait3A_1435 = arith.constant 4784 : i32
    %dma_wait3A_1436 = tpu.memref_slice %arg10[%dma_wait3A_1435] : memref<5568xf32, #tpu.memory_space<vmem>> -> memref<112xf32, #tpu.memory_space<vmem>>
    tpu.wait_dma2 semaphore(%arg16 : memref<!tpu.dma_semaphore, #tpu.memory_space<semaphore_mem>>) src(%dma_wait3A_1436 : memref<112xf32, #tpu.memory_space<vmem>>) dst(%dma_wait3A_1434 : memref<112xf32, #tpu.memory_space<hbm>>)
    %dma_wait3A_1437 = arith.constant 4896 : i32
    %dma_wait3A_1438 = tpu.memref_slice %arg10[%dma_wait3A_1437] : memref<5568xf32, #tpu.memory_space<vmem>> -> memref<112xf32, #tpu.memory_space<vmem>>
    %dma_wait3A_1439 = tpu.memref_slice %arg7[%add3A_1003] : memref<168000xf32, #tpu.memory_space<hbm>> -> memref<112xf32, #tpu.memory_space<hbm>>
    %dma_wait3A_1440 = tpu.memref_slice %arg7[%add3A_1003] : memref<168000xf32, #tpu.memory_space<hbm>> -> memref<112xf32, #tpu.memory_space<hbm>>
    %dma_wait3A_1441 = arith.constant 4896 : i32
    %dma_wait3A_1442 = tpu.memref_slice %arg10[%dma_wait3A_1441] : memref<5568xf32, #tpu.memory_space<vmem>> -> memref<112xf32, #tpu.memory_space<vmem>>
    tpu.wait_dma2 semaphore(%arg16 : memref<!tpu.dma_semaphore, #tpu.memory_space<semaphore_mem>>) src(%dma_wait3A_1442 : memref<112xf32, #tpu.memory_space<vmem>>) dst(%dma_wait3A_1440 : memref<112xf32, #tpu.memory_space<hbm>>)
    %dma_wait3A_1443 = arith.constant 5008 : i32
    %dma_wait3A_1444 = tpu.memref_slice %arg10[%dma_wait3A_1443] : memref<5568xf32, #tpu.memory_space<vmem>> -> memref<112xf32, #tpu.memory_space<vmem>>
    %dma_wait3A_1445 = tpu.memref_slice %arg7[%add3A_1011] : memref<168000xf32, #tpu.memory_space<hbm>> -> memref<112xf32, #tpu.memory_space<hbm>>
    %dma_wait3A_1446 = tpu.memref_slice %arg7[%add3A_1011] : memref<168000xf32, #tpu.memory_space<hbm>> -> memref<112xf32, #tpu.memory_space<hbm>>
    %dma_wait3A_1447 = arith.constant 5008 : i32
    %dma_wait3A_1448 = tpu.memref_slice %arg10[%dma_wait3A_1447] : memref<5568xf32, #tpu.memory_space<vmem>> -> memref<112xf32, #tpu.memory_space<vmem>>
    tpu.wait_dma2 semaphore(%arg16 : memref<!tpu.dma_semaphore, #tpu.memory_space<semaphore_mem>>) src(%dma_wait3A_1448 : memref<112xf32, #tpu.memory_space<vmem>>) dst(%dma_wait3A_1446 : memref<112xf32, #tpu.memory_space<hbm>>)
    %dma_wait3A_1449 = arith.constant 5120 : i32
    %dma_wait3A_1450 = tpu.memref_slice %arg10[%dma_wait3A_1449] : memref<5568xf32, #tpu.memory_space<vmem>> -> memref<32xf32, #tpu.memory_space<vmem>>
    %dma_wait3A_1451 = tpu.memref_slice %arg7[%add3A_1155] : memref<168000xf32, #tpu.memory_space<hbm>> -> memref<32xf32, #tpu.memory_space<hbm>>
    %dma_wait3A_1452 = tpu.memref_slice %arg7[%add3A_1155] : memref<168000xf32, #tpu.memory_space<hbm>> -> memref<32xf32, #tpu.memory_space<hbm>>
    %dma_wait3A_1453 = arith.constant 5120 : i32
    %dma_wait3A_1454 = tpu.memref_slice %arg10[%dma_wait3A_1453] : memref<5568xf32, #tpu.memory_space<vmem>> -> memref<32xf32, #tpu.memory_space<vmem>>
    tpu.wait_dma2 semaphore(%arg16 : memref<!tpu.dma_semaphore, #tpu.memory_space<semaphore_mem>>) src(%dma_wait3A_1454 : memref<32xf32, #tpu.memory_space<vmem>>) dst(%dma_wait3A_1452 : memref<32xf32, #tpu.memory_space<hbm>>)
    %dma_wait3A_1455 = arith.constant 5152 : i32
    %dma_wait3A_1456 = tpu.memref_slice %arg10[%dma_wait3A_1455] : memref<5568xf32, #tpu.memory_space<vmem>> -> memref<32xf32, #tpu.memory_space<vmem>>
    %dma_wait3A_1457 = tpu.memref_slice %arg7[%add3A_1163] : memref<168000xf32, #tpu.memory_space<hbm>> -> memref<32xf32, #tpu.memory_space<hbm>>
    %dma_wait3A_1458 = tpu.memref_slice %arg7[%add3A_1163] : memref<168000xf32, #tpu.memory_space<hbm>> -> memref<32xf32, #tpu.memory_space<hbm>>
    %dma_wait3A_1459 = arith.constant 5152 : i32
    %dma_wait3A_1460 = tpu.memref_slice %arg10[%dma_wait3A_1459] : memref<5568xf32, #tpu.memory_space<vmem>> -> memref<32xf32, #tpu.memory_space<vmem>>
    tpu.wait_dma2 semaphore(%arg16 : memref<!tpu.dma_semaphore, #tpu.memory_space<semaphore_mem>>) src(%dma_wait3A_1460 : memref<32xf32, #tpu.memory_space<vmem>>) dst(%dma_wait3A_1458 : memref<32xf32, #tpu.memory_space<hbm>>)
    %dma_wait3A_1461 = arith.constant 5184 : i32
    %dma_wait3A_1462 = tpu.memref_slice %arg10[%dma_wait3A_1461] : memref<5568xf32, #tpu.memory_space<vmem>> -> memref<32xf32, #tpu.memory_space<vmem>>
    %dma_wait3A_1463 = tpu.memref_slice %arg7[%add3A_1171] : memref<168000xf32, #tpu.memory_space<hbm>> -> memref<32xf32, #tpu.memory_space<hbm>>
    %dma_wait3A_1464 = tpu.memref_slice %arg7[%add3A_1171] : memref<168000xf32, #tpu.memory_space<hbm>> -> memref<32xf32, #tpu.memory_space<hbm>>
    %dma_wait3A_1465 = arith.constant 5184 : i32
    %dma_wait3A_1466 = tpu.memref_slice %arg10[%dma_wait3A_1465] : memref<5568xf32, #tpu.memory_space<vmem>> -> memref<32xf32, #tpu.memory_space<vmem>>
    tpu.wait_dma2 semaphore(%arg16 : memref<!tpu.dma_semaphore, #tpu.memory_space<semaphore_mem>>) src(%dma_wait3A_1466 : memref<32xf32, #tpu.memory_space<vmem>>) dst(%dma_wait3A_1464 : memref<32xf32, #tpu.memory_space<hbm>>)
    %dma_wait3A_1467 = arith.constant 5216 : i32
    %dma_wait3A_1468 = tpu.memref_slice %arg10[%dma_wait3A_1467] : memref<5568xf32, #tpu.memory_space<vmem>> -> memref<32xf32, #tpu.memory_space<vmem>>
    %dma_wait3A_1469 = tpu.memref_slice %arg7[%add3A_1179] : memref<168000xf32, #tpu.memory_space<hbm>> -> memref<32xf32, #tpu.memory_space<hbm>>
    %dma_wait3A_1470 = tpu.memref_slice %arg7[%add3A_1179] : memref<168000xf32, #tpu.memory_space<hbm>> -> memref<32xf32, #tpu.memory_space<hbm>>
    %dma_wait3A_1471 = arith.constant 5216 : i32
    %dma_wait3A_1472 = tpu.memref_slice %arg10[%dma_wait3A_1471] : memref<5568xf32, #tpu.memory_space<vmem>> -> memref<32xf32, #tpu.memory_space<vmem>>
    tpu.wait_dma2 semaphore(%arg16 : memref<!tpu.dma_semaphore, #tpu.memory_space<semaphore_mem>>) src(%dma_wait3A_1472 : memref<32xf32, #tpu.memory_space<vmem>>) dst(%dma_wait3A_1470 : memref<32xf32, #tpu.memory_space<hbm>>)
    %dma_wait3A_1473 = arith.constant 5248 : i32
    %dma_wait3A_1474 = tpu.memref_slice %arg10[%dma_wait3A_1473] : memref<5568xf32, #tpu.memory_space<vmem>> -> memref<32xf32, #tpu.memory_space<vmem>>
    %dma_wait3A_1475 = tpu.memref_slice %arg7[%add3A_1187] : memref<168000xf32, #tpu.memory_space<hbm>> -> memref<32xf32, #tpu.memory_space<hbm>>
    %dma_wait3A_1476 = tpu.memref_slice %arg7[%add3A_1187] : memref<168000xf32, #tpu.memory_space<hbm>> -> memref<32xf32, #tpu.memory_space<hbm>>
    %dma_wait3A_1477 = arith.constant 5248 : i32
    %dma_wait3A_1478 = tpu.memref_slice %arg10[%dma_wait3A_1477] : memref<5568xf32, #tpu.memory_space<vmem>> -> memref<32xf32, #tpu.memory_space<vmem>>
    tpu.wait_dma2 semaphore(%arg16 : memref<!tpu.dma_semaphore, #tpu.memory_space<semaphore_mem>>) src(%dma_wait3A_1478 : memref<32xf32, #tpu.memory_space<vmem>>) dst(%dma_wait3A_1476 : memref<32xf32, #tpu.memory_space<hbm>>)
    %dma_wait3A_1479 = arith.constant 5280 : i32
    %dma_wait3A_1480 = tpu.memref_slice %arg10[%dma_wait3A_1479] : memref<5568xf32, #tpu.memory_space<vmem>> -> memref<32xf32, #tpu.memory_space<vmem>>
    %dma_wait3A_1481 = tpu.memref_slice %arg7[%add3A_1195] : memref<168000xf32, #tpu.memory_space<hbm>> -> memref<32xf32, #tpu.memory_space<hbm>>
    %dma_wait3A_1482 = tpu.memref_slice %arg7[%add3A_1195] : memref<168000xf32, #tpu.memory_space<hbm>> -> memref<32xf32, #tpu.memory_space<hbm>>
    %dma_wait3A_1483 = arith.constant 5280 : i32
    %dma_wait3A_1484 = tpu.memref_slice %arg10[%dma_wait3A_1483] : memref<5568xf32, #tpu.memory_space<vmem>> -> memref<32xf32, #tpu.memory_space<vmem>>
    tpu.wait_dma2 semaphore(%arg16 : memref<!tpu.dma_semaphore, #tpu.memory_space<semaphore_mem>>) src(%dma_wait3A_1484 : memref<32xf32, #tpu.memory_space<vmem>>) dst(%dma_wait3A_1482 : memref<32xf32, #tpu.memory_space<hbm>>)
    %dma_wait3A_1485 = arith.constant 5312 : i32
    %dma_wait3A_1486 = tpu.memref_slice %arg10[%dma_wait3A_1485] : memref<5568xf32, #tpu.memory_space<vmem>> -> memref<32xf32, #tpu.memory_space<vmem>>
    %dma_wait3A_1487 = tpu.memref_slice %arg7[%add3A_1203] : memref<168000xf32, #tpu.memory_space<hbm>> -> memref<32xf32, #tpu.memory_space<hbm>>
    %dma_wait3A_1488 = tpu.memref_slice %arg7[%add3A_1203] : memref<168000xf32, #tpu.memory_space<hbm>> -> memref<32xf32, #tpu.memory_space<hbm>>
    %dma_wait3A_1489 = arith.constant 5312 : i32
    %dma_wait3A_1490 = tpu.memref_slice %arg10[%dma_wait3A_1489] : memref<5568xf32, #tpu.memory_space<vmem>> -> memref<32xf32, #tpu.memory_space<vmem>>
    tpu.wait_dma2 semaphore(%arg16 : memref<!tpu.dma_semaphore, #tpu.memory_space<semaphore_mem>>) src(%dma_wait3A_1490 : memref<32xf32, #tpu.memory_space<vmem>>) dst(%dma_wait3A_1488 : memref<32xf32, #tpu.memory_space<hbm>>)
    %dma_wait3A_1491 = arith.constant 5344 : i32
    %dma_wait3A_1492 = tpu.memref_slice %arg10[%dma_wait3A_1491] : memref<5568xf32, #tpu.memory_space<vmem>> -> memref<32xf32, #tpu.memory_space<vmem>>
    %dma_wait3A_1493 = tpu.memref_slice %arg7[%add3A_1211] : memref<168000xf32, #tpu.memory_space<hbm>> -> memref<32xf32, #tpu.memory_space<hbm>>
    %dma_wait3A_1494 = tpu.memref_slice %arg7[%add3A_1211] : memref<168000xf32, #tpu.memory_space<hbm>> -> memref<32xf32, #tpu.memory_space<hbm>>
    %dma_wait3A_1495 = arith.constant 5344 : i32
    %dma_wait3A_1496 = tpu.memref_slice %arg10[%dma_wait3A_1495] : memref<5568xf32, #tpu.memory_space<vmem>> -> memref<32xf32, #tpu.memory_space<vmem>>
    tpu.wait_dma2 semaphore(%arg16 : memref<!tpu.dma_semaphore, #tpu.memory_space<semaphore_mem>>) src(%dma_wait3A_1496 : memref<32xf32, #tpu.memory_space<vmem>>) dst(%dma_wait3A_1494 : memref<32xf32, #tpu.memory_space<hbm>>)
    %dma_wait3A_1497 = arith.constant 5376 : i32
    %dma_wait3A_1498 = tpu.memref_slice %arg10[%dma_wait3A_1497] : memref<5568xf32, #tpu.memory_space<vmem>> -> memref<32xf32, #tpu.memory_space<vmem>>
    %dma_wait3A_1499 = tpu.memref_slice %arg7[%add3A_1219] : memref<168000xf32, #tpu.memory_space<hbm>> -> memref<32xf32, #tpu.memory_space<hbm>>
    %dma_wait3A_1500 = tpu.memref_slice %arg7[%add3A_1219] : memref<168000xf32, #tpu.memory_space<hbm>> -> memref<32xf32, #tpu.memory_space<hbm>>
    %dma_wait3A_1501 = arith.constant 5376 : i32
    %dma_wait3A_1502 = tpu.memref_slice %arg10[%dma_wait3A_1501] : memref<5568xf32, #tpu.memory_space<vmem>> -> memref<32xf32, #tpu.memory_space<vmem>>
    tpu.wait_dma2 semaphore(%arg16 : memref<!tpu.dma_semaphore, #tpu.memory_space<semaphore_mem>>) src(%dma_wait3A_1502 : memref<32xf32, #tpu.memory_space<vmem>>) dst(%dma_wait3A_1500 : memref<32xf32, #tpu.memory_space<hbm>>)
    %dma_wait3A_1503 = arith.constant 5408 : i32
    %dma_wait3A_1504 = tpu.memref_slice %arg10[%dma_wait3A_1503] : memref<5568xf32, #tpu.memory_space<vmem>> -> memref<32xf32, #tpu.memory_space<vmem>>
    %dma_wait3A_1505 = tpu.memref_slice %arg7[%add3A_1227] : memref<168000xf32, #tpu.memory_space<hbm>> -> memref<32xf32, #tpu.memory_space<hbm>>
    %dma_wait3A_1506 = tpu.memref_slice %arg7[%add3A_1227] : memref<168000xf32, #tpu.memory_space<hbm>> -> memref<32xf32, #tpu.memory_space<hbm>>
    %dma_wait3A_1507 = arith.constant 5408 : i32
    %dma_wait3A_1508 = tpu.memref_slice %arg10[%dma_wait3A_1507] : memref<5568xf32, #tpu.memory_space<vmem>> -> memref<32xf32, #tpu.memory_space<vmem>>
    tpu.wait_dma2 semaphore(%arg16 : memref<!tpu.dma_semaphore, #tpu.memory_space<semaphore_mem>>) src(%dma_wait3A_1508 : memref<32xf32, #tpu.memory_space<vmem>>) dst(%dma_wait3A_1506 : memref<32xf32, #tpu.memory_space<hbm>>)
    %dma_wait3A_1509 = arith.constant 5440 : i32
    %dma_wait3A_1510 = tpu.memref_slice %arg10[%dma_wait3A_1509] : memref<5568xf32, #tpu.memory_space<vmem>> -> memref<32xf32, #tpu.memory_space<vmem>>
    %dma_wait3A_1511 = tpu.memref_slice %arg8[%add3A_1298] : memref<3200xf32, #tpu.memory_space<hbm>> -> memref<32xf32, #tpu.memory_space<hbm>>
    %dma_wait3A_1512 = tpu.memref_slice %arg8[%add3A_1298] : memref<3200xf32, #tpu.memory_space<hbm>> -> memref<32xf32, #tpu.memory_space<hbm>>
    %dma_wait3A_1513 = arith.constant 5440 : i32
    %dma_wait3A_1514 = tpu.memref_slice %arg10[%dma_wait3A_1513] : memref<5568xf32, #tpu.memory_space<vmem>> -> memref<32xf32, #tpu.memory_space<vmem>>
    tpu.wait_dma2 semaphore(%arg16 : memref<!tpu.dma_semaphore, #tpu.memory_space<semaphore_mem>>) src(%dma_wait3A_1514 : memref<32xf32, #tpu.memory_space<vmem>>) dst(%dma_wait3A_1512 : memref<32xf32, #tpu.memory_space<hbm>>)
    %dma_wait3A_1515 = arith.constant 5472 : i32
    %dma_wait3A_1516 = tpu.memref_slice %arg10[%dma_wait3A_1515] : memref<5568xf32, #tpu.memory_space<vmem>> -> memref<32xf32, #tpu.memory_space<vmem>>
    %dma_wait3A_1517 = tpu.memref_slice %arg8[%add3A_1306] : memref<3200xf32, #tpu.memory_space<hbm>> -> memref<32xf32, #tpu.memory_space<hbm>>
    %dma_wait3A_1518 = tpu.memref_slice %arg8[%add3A_1306] : memref<3200xf32, #tpu.memory_space<hbm>> -> memref<32xf32, #tpu.memory_space<hbm>>
    %dma_wait3A_1519 = arith.constant 5472 : i32
    %dma_wait3A_1520 = tpu.memref_slice %arg10[%dma_wait3A_1519] : memref<5568xf32, #tpu.memory_space<vmem>> -> memref<32xf32, #tpu.memory_space<vmem>>
    tpu.wait_dma2 semaphore(%arg16 : memref<!tpu.dma_semaphore, #tpu.memory_space<semaphore_mem>>) src(%dma_wait3A_1520 : memref<32xf32, #tpu.memory_space<vmem>>) dst(%dma_wait3A_1518 : memref<32xf32, #tpu.memory_space<hbm>>)
    %dma_wait3A_1521 = arith.constant 5504 : i32
    %dma_wait3A_1522 = tpu.memref_slice %arg10[%dma_wait3A_1521] : memref<5568xf32, #tpu.memory_space<vmem>> -> memref<32xf32, #tpu.memory_space<vmem>>
    %dma_wait3A_1523 = tpu.memref_slice %arg8[%add3A_1314] : memref<3200xf32, #tpu.memory_space<hbm>> -> memref<32xf32, #tpu.memory_space<hbm>>
    %dma_wait3A_1524 = tpu.memref_slice %arg8[%add3A_1314] : memref<3200xf32, #tpu.memory_space<hbm>> -> memref<32xf32, #tpu.memory_space<hbm>>
    %dma_wait3A_1525 = arith.constant 5504 : i32
    %dma_wait3A_1526 = tpu.memref_slice %arg10[%dma_wait3A_1525] : memref<5568xf32, #tpu.memory_space<vmem>> -> memref<32xf32, #tpu.memory_space<vmem>>
    tpu.wait_dma2 semaphore(%arg16 : memref<!tpu.dma_semaphore, #tpu.memory_space<semaphore_mem>>) src(%dma_wait3A_1526 : memref<32xf32, #tpu.memory_space<vmem>>) dst(%dma_wait3A_1524 : memref<32xf32, #tpu.memory_space<hbm>>)
    %dma_wait3A_1527 = arith.constant 5536 : i32
    %dma_wait3A_1528 = tpu.memref_slice %arg10[%dma_wait3A_1527] : memref<5568xf32, #tpu.memory_space<vmem>> -> memref<32xf32, #tpu.memory_space<vmem>>
    %dma_wait3A_1529 = tpu.memref_slice %arg8[%add3A_1322] : memref<3200xf32, #tpu.memory_space<hbm>> -> memref<32xf32, #tpu.memory_space<hbm>>
    %dma_wait3A_1530 = tpu.memref_slice %arg8[%add3A_1322] : memref<3200xf32, #tpu.memory_space<hbm>> -> memref<32xf32, #tpu.memory_space<hbm>>
    %dma_wait3A_1531 = arith.constant 5536 : i32
    %dma_wait3A_1532 = tpu.memref_slice %arg10[%dma_wait3A_1531] : memref<5568xf32, #tpu.memory_space<vmem>> -> memref<32xf32, #tpu.memory_space<vmem>>
    tpu.wait_dma2 semaphore(%arg16 : memref<!tpu.dma_semaphore, #tpu.memory_space<semaphore_mem>>) src(%dma_wait3A_1532 : memref<32xf32, #tpu.memory_space<vmem>>) dst(%dma_wait3A_1530 : memref<32xf32, #tpu.memory_space<hbm>>)
    return
  }
}

</mosaic_0001>

<sc_bundles>
// kernel: _sc_call.3.cloned.1.call-start
scs
__scs_entry_jumppad:
0x0: {  	(pc) =	sbr.rel $0x88, $3  }
0x1: {  	(tag) =	ssettag $0x0;
	lr =	simm.s32 $0x1  }
0x2: {  	[smem:$0x3F9C] =	sst lr;
	_ =	strace $0xD0000000  }
0x3: {  	_ = 	snop  }
0x4: {  	_ = 	snop  }
0x5: {  	_ = 	snop  }
0x6: {  	_ = 	snop  }
0x7: {  	_ = 	snop  }
__scs_overlays_trampoline_lowered:
0x8: {  	[smem:$0x3FAB] =	sst s0  }
0x9: {  	[smem:$0x3FAC] =	sst s1  }
0xa: {  	[smem:$0x3FAD] =	sst s2  }
0xb: {  	[smem:$0x3FAE] =	sst s3  }
0xc: {  	[smem:$0x3FAF] =	sst s4  }
0xd: {  	[smem:$0x3FB0] =	sst s5  }
0xe: {  	[smem:$0x3FB1] =	sst s6  }
0xf: {  	[smem:$0x3FB2] =	sst s7  }
0x10: {  	[smem:$0x3FB3] =	sst s8  }
0x11: {  	[smem:$0x3FB4] =	sst s9;
	s0 =	simm.s32 @!p0 $0x0  }
0x12: {  	s1 =	sld [smem:$0x3F9A];
	s0 =	simm.s32 @p0 $0x1  }
0x13: {  	[smem:$0x3FB5] =	sst s0;
	s0 =	simm.s32 @!p1 $0x0  }
0x14: {  	s2 =	sld [smem:$0x3F99];
	s0 =	simm.s32 @p1 $0x1  }
0x15: {  	[smem:$0x3FB6] =	sst s0;
	s0 =	simm.s32 @!p2 $0x0  }
0x16: {  	s3 =	sld [smem:$0x3FDB];
	s0 =	simm.s32 @p2 $0x1  }
0x17: {  	s4 =	simm.s32 $0x1BF5;
	[smem:$0x3FB8] =	sst s0  }
0x18: {  	s0 =	sld [smem:$0x3F9B];
	_ =	swait.ge [sflag:s4], $0x0  }
0x19: {  	s7 =	sld [smem:$0x3F9C]  }
0x1a: {  	s8 =	sadd.s32 $0xFFFFE003, lr  }
0x1b: {  	s9 =	sadd.s32 $0xFFFFFEF7, lr;
	s5 =	simm.s32 $0xFFFFFFFF;
	p2 =	slt.u32 s8, $0xFFFFF086  }
0x1c: {  	p1 =	slt.u32 s9, $0xF7A;
	s5 =	simm.s32 @!p2 $0x0  }
0x1d: {  	s5 =	simm.s32 @p1 $0x1;
	p0 =	seq.s32 s7, s2  }
0x1e: {  	s7 =	smul.u32 @!p0 $0xF7A, s2;
	p2 =	seq.s32 @!p0 s5, $0x0  }
0x1f: {  	s9 =	smul.u32 $0xF7A, s1;
	s8 =	simm.s32 @!p0 $0x1BF5;
	p2 =	por !p2, p0  }
0x20: {  	[sflag:s8] =	ssyncset.s32 @!p0 $0xFFFFF086;
	s6 =	sadd.s32 @!p0 s3, s7;
	s7 =	simm.s32 @!p0 $0x108  }
0x21: {  	s3 =	sadd.s32 s3, s9;
	s6 =	sadd.s32 @!p0 $0x88, s6;
	s7 =	simm.s32 @p2 $0x1082  }
0x22: {  	[simem:s7], [sflag:s8] =	dma.local @!p0 [hbm:s6], $0xF7A  }
0x23: {  	s9 =	sor.u32 $0xD0000000, s2;
	s6 =	simm.s32 $0x108;
	_ =	swait.ge @!p0 [sflag:s8], $0x0  }
0x24: {  	s3 =	sadd.s32 $0x88, s3;
	s6 =	simm.s32 @!p1 $0x1082;
	[sflag:s4] =	ssyncset.s32 $0xFFFFF086  }
0x25: {  	[simem:s6], [sflag:s4] =	dma.local [hbm:s3], $0xF7A  }
0x26: {  	[smem:$0x3F9C] =	sst s1;
	(tag) =	ssettag s2;
	_ =	strace s9  }
0x27: {  	s1 =	sld [smem:$0x3FAC]  }
0x28: {  	s2 =	sld [smem:$0x3FAD]  }
0x29: {  	s4 =	sld [smem:$0x3FAF]  }
0x2a: {  	p0 =	seq.s32 s5, $0x0;
	s5 =	sld [smem:$0x3FB0]  }
0x2b: {  	s6 =	sld [smem:$0x3FB1]  }
0x2c: {  	s7 =	sld [smem:$0x3FB2]  }
0x2d: {  	s3 =	simm.s32 $0x108;
	s8 =	sld [smem:$0x3FB3]  }
0x2e: {  	s3 =	simm.s32 @!p0 $0x1082;
	s9 =	sld [smem:$0x3FB4]  }
0x2f: {  	lr =	sadd.s32 s0, s3;
	s0 =	sld [smem:$0x3FAB]  }
0x30: {  	s3 =	sld [smem:$0x3FAE]  }
0x31: {  	[smem:$0x3FB7] =	sst s10  }
0x32: {  	s10 =	sld [smem:$0x3FB5];
	_ =	sdelay $0x3  }
0x33: {  	p0 =	seq.s32 s10, $0x1;
	s10 =	sld [smem:$0x3FB7];
	_ =	sdelay $0x3  }
0x34: {  	[smem:$0x3FB7] =	sst s10  }
0x35: {  	s10 =	sld [smem:$0x3FB6];
	_ =	sdelay $0x3  }
0x36: {  	p1 =	seq.s32 s10, $0x1;
	s10 =	sld [smem:$0x3FB7];
	_ =	sdelay $0x3  }
0x37: {  	[smem:$0x3FB7] =	sst s10  }
0x38: {  	s10 =	sld [smem:$0x3FB8]  }
0x39: {  	_ = 	snop;
	(pc) =	sbr.ind lr, $3  }
0x3a: {  	_ = 	snop  }
0x3b: {  	_ = 	snop  }
0x3c: {  	p2 =	seq.s32 s10, $0x1;
	s10 =	sld [smem:$0x3FB7]  }
0x3d: {  	_ =	shalt  }
0x3e: {  	_ =	shalt  }
0x3f: {  	_ =	shalt  }
0x40: {  	_ =	shalt  }
0x41: {  	_ =	shalt  }
0x42: {  	_ =	shalt  }
0x43: {  	_ =	shalt  }
0x44: {  	_ =	shalt  }
0x45: {  	_ =	shalt  }
0x46: {  	_ =	shalt  }
0x47: {  	_ =	shalt  }
0x48: {  	_ =	shalt  }
0x49: {  	_ =	shalt  }
0x4a: {  	_ =	shalt  }
0x4b: {  	_ =	shalt  }
0x4c: {  	_ =	shalt  }
0x4d: {  	_ =	shalt  }
0x4e: {  	_ =	shalt  }
0x4f: {  	_ =	shalt  }
0x50: {  	_ =	shalt  }
0x51: {  	_ =	shalt  }
0x52: {  	_ =	shalt  }
0x53: {  	_ =	shalt  }
0x54: {  	_ =	shalt  }
0x55: {  	_ =	shalt  }
0x56: {  	_ =	shalt  }
0x57: {  	_ =	shalt  }
0x58: {  	_ =	shalt  }
0x59: {  	_ =	shalt  }
0x5a: {  	_ =	shalt  }
0x5b: {  	_ =	shalt  }
0x5c: {  	_ =	shalt  }
0x5d: {  	_ =	shalt  }
0x5e: {  	_ =	shalt  }
0x5f: {  	_ =	shalt  }
0x60: {  	_ =	shalt  }
0x61: {  	_ =	shalt  }
0x62: {  	_ =	shalt  }
0x63: {  	_ =	shalt  }
0x64: {  	_ =	shalt  }
0x65: {  	_ =	shalt  }
0x66: {  	_ =	shalt  }
0x67: {  	_ =	shalt  }
0x68: {  	_ =	shalt  }
0x69: {  	_ =	shalt  }
0x6a: {  	_ =	shalt  }
0x6b: {  	_ =	shalt  }
0x6c: {  	_ =	shalt  }
0x6d: {  	_ =	shalt  }
0x6e: {  	_ =	shalt  }
0x6f: {  	_ =	shalt  }
0x70: {  	_ =	shalt  }
0x71: {  	_ =	shalt  }
0x72: {  	_ =	shalt  }
0x73: {  	_ =	shalt  }
0x74: {  	_ =	shalt  }
0x75: {  	_ =	shalt  }
0x76: {  	_ =	shalt  }
0x77: {  	_ =	shalt  }
0x78: {  	_ =	shalt  }
0x79: {  	_ =	shalt  }
0x7a: {  	_ =	shalt  }
0x7b: {  	_ =	shalt  }
0x7c: {  	_ =	shalt  }
0x7d: {  	_ =	shalt  }
0x7e: {  	_ =	shalt  }
0x7f: {  	_ =	shalt  }
0x80: {  	_ =	shalt  }
0x81: {  	_ =	shalt  }
0x82: {  	_ =	shalt  }
0x83: {  	_ =	shalt  }
0x84: {  	_ =	shalt  }
0x85: {  	_ =	shalt  }
0x86: {  	_ =	shalt  }
0x87: {  	_ =	shalt  }
.Lfunc_end0:
.L_simem_size_0:
called_computation_lowered:
.L_overlay_start_0:
0x88: {  	s2 =	sld [smem:$0x3FD9]  }
0x89: {  	s3 =	sld [smem:$0x3FFE];
	_ =	sdelay $0x1  }
0x8a: {  	s1 =	srdreg.scid  }
0x8b: {  	s0 =	sand.u32 $0x1, s1  }
0x8c: {  	s15 =	sshll.u32 s0, $0xA;
	s2 =	sadd.s32 s3, s2  }
0x8d: {  	s2 =	sadd.s32 s2, s15  }
0x8e: {  	[smem:$0x3FC3] =	sst s2  }
0x8f: {  	_ = 	snop  }
0x90: {  	s2 =	sld [smem:$0x3FC9]  }
0x91: {  	s16 =	sld [smem:$0x3FC8]  }
0x92: {  	s4 =	sld [smem:$0x3FD0]  }
0x93: {  	s5 =	sld [smem:$0x3FC7]  }
0x94: {  	s6 =	sld [smem:$0x3FC6]  }
0x95: {  	s8 =	simm.s32 $0xA;
	s9 =	simm.s32 $0x10;
	s7 =	sld [smem:$0x3FC5]  }
0x96: {  	[smem:s9], [sflag:s8] =	dma.local [hbm:s4], $0x1  }
0x97: {  	_ =	swait.eq [sflag:s8], $0x1  }
0x98: {  	[sflag:s8] =	ssyncset.done $0x0  }
0x99: {  	s17 =	sld [smem:$0x10];
	[sflag:s8] =	ssyncadd.s32 $0xFFFFFFFF  }
0x9a: {  	s18 =	sld [smem:$0x11];
	(tm) =	ssettm $0x1  }
0x9b: {  	s19 =	sld [smem:$0x3FFB];
	_ =	sdelay $0x3  }
0x9c: {  	_ =	strace s19  }
0x9d: {  	s9 =	sld [smem:$0x3FFC];
	_ =	sdelay $0x3  }
0x9e: {  	_ =	strace s9  }
0x9f: {  	s9 =	sld [smem:$0x3FFD];
	_ =	sdelay $0x3  }
0xa0: {  	_ =	strace s9  }
0xa1: {  	_ =	strace $0x8FFFFFFF  }
0xa2: {  	s20 =	sld [smem:$0x3FDB];
	_ =	sdelay $0x1  }
0xa3: {  	s10 =	simm.s32 $_scs_section_size  }
0xa4: {  	s11 =	simm.s32 $_size__tile_overlayer_lowered;
	s12 =	simm.s32 $_tile_overlayer_lowered  }
0xa5: {  	s23 =	simm.s32 $0x1BFF;
	s22 =	sshll.u32 s12, $0x1;
	s9 =	sadd.s32 s10, s20  }
0xa6: {  	s13 =	simm.s32 $0x0;
	s21 =	sshll.u32 s11, $0x1;
	s11 =	sadd.s32 s22, s9  }
0xa7: {  	[timem:s13], [sflag:s23] =	dma.local [hbm:s11], s21  }
0xa8: {  	_ =	swait.ge [sflag:s23], s21  }
0xa9: {  	s10 =	ssub.s32 $0x0, s21;
	[sflag:s23] =	ssyncset.done $0x0  }
0xaa: {  	[sflag:s23] =	ssyncadd.s32 s10;
	_ =	sdelay $0x1  }
0xab: {  	s24 =	simm.s32 $0x1B8B  }
0xac: {  	_ =	swait.ge [sflag:s24], $0x1  }
0xad: {  	[sflag:s24] =	ssyncset.done $0x0  }
0xae: {  	s25 =	simm.s32 $0x1B8E;
	[sflag:s24] =	ssyncadd.s32 $0xFFFFFFFF  }
0xaf: {  	s26 =	simm.s32 $execute0_lowered;
	[smem:$0x3FD2] =	sst s25  }
0xb0: {  	s10 =	sshll.u32 s26, $0x1;
	_ =	strace $0x80000046;
	[dreg:$0x1] =	wrdreg $0xFFFFFFFF  }
0xb1: {  	s28 =	simm.s32 $_size_execute0_lowered;
	s9 =	sadd.s32 s9, s10;
	[dreg:$0x0] =	wrdreg $0x0  }
0xb2: {  	s10 =	sshll.u32 s28, $0x1;
	[dreg:$0x2] =	wrdreg s9  }
0xb3: {  	[dreg:$0x3] =	wrdreg s10  }
0xb4: {  	[dreg:$0x4] =	wrdreg $0xC0  }
0xb5: {  	_ =	task [dreg:s13], $0x5FFFF  }
0xb6: {  	[dreg:$0x1] =	wrdreg $0xFFFFFFFF  }
0xb7: {  	[dreg:$0x0] =	wrdreg $0x60  }
0xb8: {  	[dreg:$0x2] =	wrdreg s2  }
0xb9: {  	[dreg:$0x3] =	wrdreg s16  }
0xba: {  	[dreg:$0x4] =	wrdreg s5  }
0xbb: {  	[dreg:$0x5] =	wrdreg s6  }
0xbc: {  	[dreg:$0x6] =	wrdreg s7  }
0xbd: {  	[dreg:$0x7] =	wrdreg s17  }
0xbe: {  	[dreg:$0x8] =	wrdreg s18  }
0xbf: {  	[dreg:$0x9] =	wrdreg $0x9  }
0xc0: {  	_ =	task.clear_ibuf [dreg:s13], $0xAFFFF;
	_ =	strace $0x90000046  }
0xc1: {  	s29 =	simm.s32 $0x9;
	_ =	strace $0x80000048  }
0xc2: {  	_ =	swait.ge [sflag:s29], $0x1  }
0xc3: {  	[sflag:s29] =	ssyncadd.s32 $0xFFFFFFFF  }
0xc4: {  	_ =	strace $0x90000048  }
0xc5: {  	_ =	sfence  }
0xc6: {  	s30 =	sld [smem:$0x0];
	_ =	sdelay $0x2  }
0xc7: {  	s31 =	sshll.u32 s1, $0xD;
	s1 =	sshrl.u32 s1, $0x2  }
0xc8: {  	s3 =	sand.u32 $0x4000, s31;
	s1 =	sadd.s32 s1, s30  }
0xc9: {  	s0 =	sor.u32 s3, s0;
	s1 =	sshll.u32 s1, $0x11  }
0xca: {  	s0 =	sor.u32 s1, s0  }
0xcb: {  	s0 =	sadd.s32 $0x8F2B, s0  }
0xcc: {  	[sflag:s0] =	ssyncadd.remote.s32 $0x1  }
0xcd: {  	_ =	sfence.sel $0xFFFF  }
0xce: {  	[dreg:$0x0] =	wrdreg $0xFFFFFFFF;
	(pc) =	sbr.abs _section_cstart, $3  }
0xcf: {  	[dreg:$0x1] =	wrdreg $0xFFFFFFFF  }
0xd0: {  	_ =	task.clear_ibuf [dreg:s13], $0x2FFFF;
	_ =	strace $0x9FFFFFFF  }
0xd1: {  	(tm) =	ssettm $0x7FFFFFFF  }
tec
execute0_lowered:
.L_overlay_start_1:
0x0: {  	(tag) =	ssettag $0x1  }
0x1: {  	s2 =	rddreg [dreg:$0x0]  }
0x2: {  	s3 =	rddreg [dreg:$0x1]  }
0x3: {  	s0 =	srdreg.scid;
	s19 =	stileid.u32  }
0x4: {  	s5 =	rddreg [dreg:$0x2];
	s6 =	sand.u32 $0x1, s0;
	s20 =	sshll.u32 s19, $0x1  }
0x5: {  	s7 =	rddreg [dreg:$0x3];
	s8 =	sor.u32 s6, s20  }
0x6: {  	s1 =	simm.s32 $0x0;
	s4 =	ssub.s32 $0x2, s6;
	s9 =	smul.u32 $0xC8, s8  }
0x7: {  	[smem:$0x7FF] =	sst s1;
	s21 =	sshrl.u32 s4, $0x1;
	s22 =	smul.u32 $0x6, s8  }
0x8: {  	s10 =	smul.u32 $0x190, s8;
	s11 =	smin.u32 s8, $0x8;
	s12 =	smin.u32 s8, $0x12  }
0x9: {  	s0 =	ssub.s32 s4, s21;
	s8 =	sadd.s32 s8, s12;
	s9 =	sshrl.u32 s9, $0x3  }
0xa: {  	s4 =	sadd.s32 s11, s22;
	s8 =	smin.u32 s8, $0x30;
	s2 =	sadd.s32 s2, s9  }
0xb: {  	s9 =	smin.u32 s4, $0xC1;
	s23 =	sadd.s32 $0x32, s8;
	s21 =	sadd.s32 s7, s8  }
0xc: {  	s24 =	sadd.s32 $0x64, s8;
	s13 =	sadd.s32 s5, s23;
	[dreg:$0x16] =	wrdreg s21  }
0xd: {  	s14 =	sadd.s32 $0x96, s8;
	s15 =	sadd.s32 s5, s24;
	[dreg:$0x8] =	wrdreg s13  }
0xe: {  	s26 =	sadd.s32 $0xC8, s8;
	s25 =	sadd.s32 s5, s14;
	[dreg:$0x9] =	wrdreg s15  }
0xf: {  	s28 =	sadd.s32 $0xFA, s8;
	s16 =	sadd.s32 s5, s26;
	[dreg:$0xa] =	wrdreg s25  }
0x10: {  	s17 =	sadd.s32 $0x12C, s8;
	s18 =	sadd.s32 s5, s28;
	[dreg:$0xb] =	wrdreg s16  }
0x11: {  	s30 =	sadd.s32 $0x15E, s8;
	s29 =	sadd.s32 s5, s17;
	[dreg:$0xc] =	wrdreg s18  }
0x12: {  	s4 =	sadd.s32 s5, s8;
	s5 =	sadd.s32 s5, s30;
	[dreg:$0xd] =	wrdreg s29  }
0x13: {  	s12 =	sadd.s32 s7, s23;
	[dreg:$0xe] =	wrdreg s5  }
0x14: {  	s14 =	sadd.s32 s7, s14;
	[dreg:$0xf] =	wrdreg s12  }
0x15: {  	s17 =	sadd.s32 s7, s17;
	[dreg:$0x11] =	wrdreg s14  }
0x16: {  	s20 =	sadd.s32 s7, s30;
	[dreg:$0x14] =	wrdreg s17  }
0x17: {  	[dreg:$0x15] =	wrdreg s20  }
0x18: {  	s13 =	sadd.s32 s7, s24;
	s24 =	rddreg [dreg:$0x5]  }
0x19: {  	s15 =	sadd.s32 s7, s26;
	s26 =	rddreg [dreg:$0x6]  }
0x1a: {  	s23 =	sshll.u32 s9, $0x1;
	s21 =	sshll.u32 s8, $0x4;
	[dreg:$0x10] =	wrdreg s13  }
0x1b: {  	s8 =	sshll.u32 s8, $0x1;
	s16 =	sadd.s32 s7, s28;
	[dreg:$0x12] =	wrdreg s15  }
0x1c: {  	[dreg:$0x13] =	wrdreg s16;
	s5 =	sadd.s32 s24, s23;
	s8 =	sadd.s32 s26, s8  }
0x1d: {  	[dreg:$0x17] =	wrdreg s8;
	s14 =	sadd.s32 $0x640, s5  }
0x1e: {  	s15 =	sadd.s32 $0xE74, s5;
	_ =	strace $0x80000047;
	[dreg:$0x18] =	wrdreg s14  }
0x1f: {  	s22 =	sshrl.u32 s10, $0x3;
	s16 =	sadd.s32 $0x16A8, s5;
	[dreg:$0x19] =	wrdreg s15  }
0x20: {  	s3 =	sadd.s32 s3, s9;
	s17 =	sadd.s32 $0x1EDC, s5;
	[dreg:$0x1a] =	wrdreg s16  }
0x21: {  	s30 =	smul.u32 $0x320, s19;
	s18 =	sadd.s32 $0x2710, s5;
	[dreg:$0x1b] =	wrdreg s17  }
0x22: {  	s29 =	smul.u32 $0xC, s19;
	s19 =	sadd.s32 $0x2F44, s5;
	[dreg:$0x1c] =	wrdreg s18  }
0x23: {  	s20 =	sadd.s32 s24, s22;
	s22 =	sadd.s32 $0x3778, s5;
	[dreg:$0x1d] =	wrdreg s19  }
0x24: {  	s28 =	sshrl.u32 s21, $0x3;
	s23 =	sadd.s32 $0x3FAC, s5;
	[dreg:$0x1e] =	wrdreg s22  }
0x25: {  	s9 =	sadd.s32 s24, s28;
	s24 =	sadd.s32 $0x47E0, s5;
	[dreg:$0x1f] =	wrdreg s23  }
0x26: {  	s5 =	sadd.s32 $0x5014, s5;
	[smem:$0x7BD] =	sst s24  }
0x27: {  	s10 =	sadd.s32 s26, s28;
	s26 =	sadd.s32 $0x7D0, s9;
	[smem:$0x7BE] =	sst s5  }
0x28: {  	s25 =	smul.u32 $0x190, s6;
	s28 =	sadd.s32 $0x1004, s9;
	[smem:$0x7BF] =	sst s26  }
0x29: {  	s11 =	sadd.s32 s29, s11;
	s29 =	sadd.s32 $0x1838, s9;
	[smem:$0x7C0] =	sst s28  }
0x2a: {  	s25 =	sadd.s32 s25, s30;
	s30 =	sadd.s32 $0x206C, s9;
	[smem:$0x7C1] =	sst s29  }
0x2b: {  	s7 =	sadd.s32 $0x28A0, s9;
	[smem:$0x7C2] =	sst s30  }
0x2c: {  	s8 =	sadd.s32 $0x30D4, s9;
	[smem:$0x7C3] =	sst s7  }
0x2d: {  	s12 =	sadd.s32 $0x413C, s9;
	[smem:$0x7C4] =	sst s8  }
0x2e: {  	s6 =	smul.u32 $0x6, s6;
	s13 =	sadd.s32 $0x4970, s9;
	[smem:$0x7C6] =	sst s12  }
0x2f: {  	s0 =	smax.u32 s0, $0x1;
	[smem:$0x7C7] =	sst s13  }
0x30: {  	s6 =	sadd.s32 s6, s11;
	s11 =	sadd.s32 $0x3908, s9;
	[smem:$0x7CC] =	sst s0  }
0x31: {  	s14 =	sadd.s32 $0x51A4, s9;
	[smem:$0x7C5] =	sst s11  }
0x32: {  	s16 =	sadd.s32 $0x64, s10;
	[smem:$0x7C8] =	sst s14  }
0x33: {  	s17 =	sadd.s32 $0xC8, s10;
	[smem:$0x7C9] =	sst s16  }
0x34: {  	s18 =	sadd.s32 $0x12C, s10;
	[smem:$0x7CA] =	sst s17  }
0x35: {  	s19 =	sadd.s32 $0x320, s2;
	[smem:$0x7CB] =	sst s18  }
0x36: {  	s22 =	sadd.s32 $0x640, s2;
	[smem:$0x7CD] =	sst s19  }
0x37: {  	s23 =	sadd.s32 $0x960, s2;
	[smem:$0x7CE] =	sst s22  }
0x38: {  	s24 =	sadd.s32 $0xC80, s2;
	[smem:$0x7CF] =	sst s23  }
0x39: {  	s28 =	sadd.s32 $0xFA0, s2;
	[smem:$0x7D0] =	sst s24  }
0x3a: {  	s29 =	sadd.s32 $0x12C0, s2;
	[smem:$0x7D1] =	sst s28  }
0x3b: {  	s30 =	sadd.s32 $0x15E0, s2;
	[smem:$0x7D2] =	sst s29  }
0x3c: {  	s5 =	sadd.s32 $0x1900, s2;
	[smem:$0x7D3] =	sst s30  }
0x3d: {  	s7 =	sadd.s32 $0x1F40, s2;
	[smem:$0x7D4] =	sst s5  }
0x3e: {  	s8 =	sadd.s32 $0x2260, s2;
	[smem:$0x7D6] =	sst s7  }
0x3f: {  	s9 =	sadd.s32 $0x2580, s2;
	[smem:$0x7D7] =	sst s8  }
0x40: {  	s10 =	sadd.s32 $0x28A0, s2;
	[smem:$0x7D8] =	sst s9  }
0x41: {  	s12 =	sadd.s32 $0x2EE0, s2;
	[smem:$0x7D9] =	sst s10  }
0x42: {  	s13 =	sadd.s32 $0x3200, s2;
	[smem:$0x7DB] =	sst s12  }
0x43: {  	s15 =	smin.u32 s6, $0xC1;
	s6 =	sadd.s32 $0x1C20, s2;
	[smem:$0x7DC] =	sst s13  }
0x44: {  	s11 =	sadd.s32 $0x2BC0, s2;
	[smem:$0x7D5] =	sst s6  }
0x45: {  	s14 =	sadd.s32 $0x3520, s2;
	[smem:$0x7DA] =	sst s11  }
0x46: {  	s16 =	sadd.s32 $0x3B60, s2;
	[smem:$0x7DD] =	sst s14  }
0x47: {  	s17 =	sadd.s32 $0xC8, s3;
	[smem:$0x7DF] =	sst s16  }
0x48: {  	s18 =	sadd.s32 $0x190, s3;
	[smem:$0x7E0] =	sst s17  }
0x49: {  	s19 =	sadd.s32 $0x258, s3;
	[smem:$0x7E1] =	sst s18  }
0x4a: {  	s22 =	sadd.s32 $0x320, s3;
	[smem:$0x7E2] =	sst s19  }
0x4b: {  	s23 =	sadd.s32 $0x3E8, s3;
	[smem:$0x7E3] =	sst s22  }
0x4c: {  	s24 =	sadd.s32 $0x4B0, s3;
	[smem:$0x7E4] =	sst s23  }
0x4d: {  	s28 =	sadd.s32 $0x578, s3;
	[smem:$0x7E5] =	sst s24  }
0x4e: {  	s29 =	sadd.s32 $0x640, s3;
	[smem:$0x7E6] =	sst s28  }
0x4f: {  	s30 =	sadd.s32 $0x708, s3;
	[smem:$0x7E7] =	sst s29  }
0x50: {  	s5 =	sadd.s32 $0x7D0, s3;
	[smem:$0x7E8] =	sst s30  }
0x51: {  	v0 =	vimm.s32 $0x7D7;
	vm5 =	vcmask $0x300;
	vm2 =	vcmask $0x704;
	s7 =	sadd.s32 $0x960, s3;
	[smem:$0x7E9] =	sst s5  }
0x52: {  	vm1 =	vcmask $0xB08;
	vm0 =	vcmask $0xF0C;
	vm6 =	vcmask $0x1310;
	s8 =	sadd.s32 $0xA28, s3;
	[smem:$0x7EB] =	sst s7  }
0x53: {  	vm7 =	vcmask $0x1714;
	vm8 =	vcmask $0x1B18;
	vm3 =	vcmask $0x1F1C;
	s9 =	sadd.s32 $0xAF0, s3;
	[smem:$0x7EC] =	sst s8  }
0x54: {  	v2 =	vimm.s32 $0x237;
	vm4 =	vcmask $0x2320;
	vm9 =	vcmask $0x2724;
	s10 =	sadd.s32 $0xBB8, s3;
	[smem:$0x7ED] =	sst s9  }
0x55: {  	vm10 =	vcmask $0x2B28;
	vm11 =	vcmask $0x2F2C;
	v3 =	vimm.s32 $0xA505A404;
	s12 =	sadd.s32 $0xD48, s3;
	[smem:$0x7EE] =	sst s10  }
0x56: {  	vm12 =	vcmask $0x3330;
	v4 =	vimm.s32 $0xA707A606;
	v5 =	vimm.s32 $0xA101A000;
	s13 =	sadd.s32 $0xE10, s3;
	[smem:$0x7F0] =	sst s12  }
0x57: {  	v6 =	vimm.s32 $0xA303A202;
	vm13 =	vcmask $0x1F10;
	vm14 =	vcmask $0x3734;
	s26 =	sshll.u32 s15, $0x4;
	s15 =	sadd.s32 $0x3840, s2;
	[smem:$0x7F1] =	sst s13  }
0x58: {  	vm15 =	vcmask $0x3B38;
	v0 =	vsel vm5, $0x0, v0;
	v2 =	vsel vm5, $0x0, v2;
	s6 =	sadd.s32 $0x898, s3;
	[smem:$0x7DE] =	sst s15  }
0x59: {  	v3 =	vunpack.c.0.s8.s32 v3;
	v4 =	vunpack.c.0.s8.s32 v4;
	v5 =	vunpack.c.0.s8.s32 v5;
	s11 =	sadd.s32 $0xC80, s3;
	[smem:$0x7EA] =	sst s6  }
0x5a: {  	v6 =	vunpack.c.0.s8.s32 v6;
	v0 =	vsel vm2, $0x7D0, v0;
	v2 =	vsel vm2, $0x230, v2;
	s14 =	sadd.s32 $0xED8, s3;
	[smem:$0x7EF] =	sst s11  }
0x5b: {  	v0 =	vsel vm1, $0x1, v0;
	v3 =	vsel vm13, v4, v3;
	v4 =	vimm.s32 $0x45054404;
	s16 =	sadd.s32 $0x1C2, s4;
	[smem:$0x7F2] =	sst s14  }
0x5c: {  	v2 =	vsel vm1, $0x1, v2;
	v5 =	vsel vm13, v6, v5;
	v6 =	vimm.s32 $0x47074606;
	s31 =	sadd.s32 $0x3B6, s4;
	s17 =	sadd.s32 $0x1F4, s4;
	[smem:$0x7F4] =	sst s16  }
0x5d: {  	v0 =	vsel vm0, $0x7D1, v0;
	v2 =	vsel vm0, $0x231, v2;
	v4 =	vunpack.c.0.s8.s32 v4;
	s0 =	sadd.s32 $0x1068, s20;
	s18 =	sadd.s32 $0x226, s4;
	[smem:$0x7F5] =	sst s17  }
0x5e: {  	v6 =	vunpack.c.0.s8.s32 v6;
	v1 =	vsel vm6, $0x2, v0;
	v2 =	vsel vm6, $0x2, v2;
	s19 =	sadd.s32 $0x258, s4;
	s22 =	sadd.s32 $0x28A, s4;
	[smem:$0x7F6] =	sst s18  }
0x5f: {  	v3 =	vcombine.low v5, v3;
	v1 =	vsel vm7, $0x7D2, v1;
	v2 =	vsel vm7, $0x232, v2;
	s23 =	sadd.s32 $0x2BC, s4;
	s24 =	sadd.s32 $0x2EE, s4;
	[smem:$0x7F7] =	sst s19  }
0x60: {  	v5 =	vimm.s32 $0x41014000;
	v1 =	vsel vm8, $0x3, v1;
	v2 =	vsel vm8, $0x3, v2;
	s28 =	sadd.s32 $0x320, s4;
	s29 =	sadd.s32 $0x352, s4;
	[smem:$0x7F8] =	sst s22  }
0x61: {  	v0 =	vlaneseq.u32;
	v1 =	vsel vm3, $0x7D3, v1;
	v2 =	vsel vm3, $0x233, v2;
	s30 =	sadd.s32 $0x384, s4;
	s5 =	sadd.s32 $0x20D0, s20;
	[smem:$0x7F9] =	sst s23  }
0x62: {  	v5 =	vunpack.c.0.s8.s32 v5;
	v1 =	vsel vm4, $0x4, v1;
	v2 =	vsel vm4, $0x4, v2;
	s7 =	sadd.s32 $0x3138, s20;
	s8 =	sadd.s32 $0x396C, s20;
	[smem:$0x7FA] =	sst s24  }
0x63: {  	v4 =	vsel vm13, v6, v4;
	v1 =	vsel vm9, $0x7D4, v1;
	v2 =	vsel vm9, $0x234, v2;
	s9 =	sadd.s32 $0x41A0, s20;
	s10 =	sadd.s32 $0x49D4, s20;
	[smem:$0x7FB] =	sst s28  }
0x64: {  	v6 =	vimm.s32 $0x43034202;
	v1 =	vsel vm10, $0x5, v1;
	v2 =	vsel vm10, $0x5, v2;
	s12 =	simm.s32 $0x1;
	s13 =	simm.s32 $0x1DD0;
	[smem:$0x7FC] =	sst s29  }
0x65: {  	v6 =	vunpack.c.0.s8.s32 v6;
	v1 =	vsel vm11, $0x7D5, v1;
	v2 =	vsel vm11, $0x235, v2;
	s15 =	sadd.s32 $0x190, s4;
	[smem:$0x7FD] =	sst s30;
	s23 =	sadd.s32 $0x834, s20  }
0x66: {  	v3 =	vand.u32 $0xFF, v3;
	v1 =	vsel vm12, $0x6, v1;
	v2 =	vsel vm12, $0x6, v2;
	s24 =	sadd.s32 $0x189C, s20;
	s6 =	sadd.s32 $0x2904, s20;
	s11 =	simm.s32 $0x6  }
0x67: {  	v5 =	vsel vm13, v6, v5;
	s14 =	simm.s32 $0x2;
	v1 =	vsel vm14, $0x7D6, v1;
	s16 =	simm.s32 $0x4;
	v2 =	vsel vm14, $0x236, v2;
	s17 =	simm.s32 $0x5  }
0x68: {  	v4 =	vcombine.low v5, v4;
	s18 =	simm.s32 $0x0;
	[smem:$0x7F3] =	sst s15;
	s15 =	simm.s32 $0x3;
	v1 =	vsel vm15, $0x7, v1;
	v2 =	vsel vm15, $0x7, v2  }
.LBB2_1:
0x69: {  	s19 =	rddreg [dreg:$0x4];
	s22 =	simm.s32 $0x2C00  }
0x6a: {  	[tilespmem:s22], [sflag:$0x6] =	stream.linear.gather [hbm4b:s19+s1], $0x80, $0x38;
	[tilespmem:$0x2C80] =	vst v63  }
0x6b: {  	_ =	swait.ge [sflag:s11], $0x80  }
0x6c: {  	[sflag:s11] =	ssyncset.done $0x0  }
0x6d: {  	[sflag:s11] =	ssyncadd.s32 $0xFFFFFF80  }
0x6e: {  	s22 =	sld [smem:$0x7CD];
	v5 =	vld [tilespmem:$0x2C00]  }
0x6f: {  	v6 =	vld [tilespmem:$0x2C10];
	[tilespmem:s1], [sflag:$0x1] =	stream.linear.gather [hbm4b:s2+s1], $0xC8, $0x38  }
0x70: {  	s30 =	simm.s32 $0xC8  }
0x71: {  	[tilespmem:s30], [sflag:$0x1] =	stream.linear.gather [hbm4b:s22+s1], $0xC8, $0x38;
	[tilespmem:$0x2C80] =	vst v63  }
0x72: {  	s22 =	sld [smem:$0x7CE];
	_ =	sdelay $0x1  }
0x73: {  	s30 =	simm.s32 $0x190  }
0x74: {  	[tilespmem:s30], [sflag:$0x1] =	stream.linear.gather [hbm4b:s22+s1], $0xC8, $0x38;
	[tilespmem:$0x2C80] =	vst v63  }
0x75: {  	s22 =	sld [smem:$0x7CF];
	_ =	sdelay $0x1  }
0x76: {  	s30 =	simm.s32 $0x258  }
0x77: {  	[tilespmem:s30], [sflag:$0x1] =	stream.linear.gather [hbm4b:s22+s1], $0xC8, $0x38;
	[tilespmem:$0x2C80] =	vst v63  }
0x78: {  	s22 =	sld [smem:$0x7D0];
	_ =	sdelay $0x1  }
0x79: {  	s30 =	simm.s32 $0x320  }
0x7a: {  	[tilespmem:s30], [sflag:$0x1] =	stream.linear.gather [hbm4b:s22+s1], $0xC8, $0x38;
	[tilespmem:$0x2C80] =	vst v63  }
0x7b: {  	s22 =	sld [smem:$0x7D1];
	_ =	sdelay $0x1  }
0x7c: {  	s30 =	simm.s32 $0x3E8  }
0x7d: {  	[tilespmem:s30], [sflag:$0x1] =	stream.linear.gather [hbm4b:s22+s1], $0xC8, $0x38;
	[tilespmem:$0x2C80] =	vst v63  }
0x7e: {  	s22 =	sld [smem:$0x7D2];
	_ =	sdelay $0x1  }
0x7f: {  	s30 =	simm.s32 $0x4B0  }
0x80: {  	[tilespmem:s30], [sflag:$0x1] =	stream.linear.gather [hbm4b:s22+s1], $0xC8, $0x38;
	[tilespmem:$0x2C80] =	vst v63  }
0x81: {  	s22 =	sld [smem:$0x7D3];
	_ =	sdelay $0x1  }
0x82: {  	s30 =	simm.s32 $0x578  }
0x83: {  	[tilespmem:s30], [sflag:$0x1] =	stream.linear.gather [hbm4b:s22+s1], $0xC8, $0x38;
	[tilespmem:$0x2C80] =	vst v63  }
0x84: {  	s22 =	sld [smem:$0x7D4];
	_ =	sdelay $0x1  }
0x85: {  	s30 =	simm.s32 $0x640  }
0x86: {  	[tilespmem:s30], [sflag:$0x1] =	stream.linear.gather [hbm4b:s22+s1], $0xC8, $0x38;
	[tilespmem:$0x2C80] =	vst v63  }
0x87: {  	s22 =	sld [smem:$0x7D5];
	_ =	sdelay $0x1  }
0x88: {  	s30 =	simm.s32 $0x708  }
0x89: {  	[tilespmem:s30], [sflag:$0x1] =	stream.linear.gather [hbm4b:s22+s1], $0xC8, $0x38;
	[tilespmem:$0x2C80] =	vst v63  }
0x8a: {  	s22 =	sld [smem:$0x7D6];
	_ =	sdelay $0x1  }
0x8b: {  	s30 =	simm.s32 $0x7D0  }
0x8c: {  	[tilespmem:s30], [sflag:$0x1] =	stream.linear.gather [hbm4b:s22+s1], $0xC8, $0x38;
	[tilespmem:$0x2C80] =	vst v63  }
0x8d: {  	s22 =	sld [smem:$0x7D7];
	_ =	sdelay $0x1  }
0x8e: {  	s30 =	simm.s32 $0x898  }
0x8f: {  	[tilespmem:s30], [sflag:$0x1] =	stream.linear.gather [hbm4b:s22+s1], $0xC8, $0x38;
	[tilespmem:$0x2C80] =	vst v63  }
0x90: {  	s22 =	sld [smem:$0x7D8];
	_ =	sdelay $0x1  }
0x91: {  	s30 =	simm.s32 $0x960  }
0x92: {  	[tilespmem:s30], [sflag:$0x1] =	stream.linear.gather [hbm4b:s22+s1], $0xC8, $0x38;
	[tilespmem:$0x2C80] =	vst v63  }
0x93: {  	s22 =	sld [smem:$0x7D9];
	_ =	sdelay $0x1  }
0x94: {  	s30 =	simm.s32 $0xA28  }
0x95: {  	[tilespmem:s30], [sflag:$0x1] =	stream.linear.gather [hbm4b:s22+s1], $0xC8, $0x38;
	[tilespmem:$0x2C80] =	vst v63  }
0x96: {  	s22 =	sld [smem:$0x7DA];
	_ =	sdelay $0x1  }
0x97: {  	s30 =	simm.s32 $0xAF0  }
0x98: {  	[tilespmem:s30], [sflag:$0x1] =	stream.linear.gather [hbm4b:s22+s1], $0xC8, $0x38;
	[tilespmem:$0x2C80] =	vst v63  }
0x99: {  	s22 =	sld [smem:$0x7DB];
	_ =	sdelay $0x1  }
0x9a: {  	s30 =	simm.s32 $0xBB8  }
0x9b: {  	[tilespmem:s30], [sflag:$0x1] =	stream.linear.gather [hbm4b:s22+s1], $0xC8, $0x38;
	[tilespmem:$0x2C80] =	vst v63  }
0x9c: {  	s22 =	sld [smem:$0x7DC];
	_ =	sdelay $0x1  }
0x9d: {  	s30 =	simm.s32 $0xC80  }
0x9e: {  	[tilespmem:s30], [sflag:$0x1] =	stream.linear.gather [hbm4b:s22+s1], $0xC8, $0x38;
	[tilespmem:$0x2C80] =	vst v63  }
0x9f: {  	s22 =	sld [smem:$0x7DD];
	_ =	sdelay $0x1  }
0xa0: {  	s30 =	simm.s32 $0xD48  }
0xa1: {  	[tilespmem:s30], [sflag:$0x1] =	stream.linear.gather [hbm4b:s22+s1], $0xC8, $0x38;
	[tilespmem:$0x2C80] =	vst v63  }
0xa2: {  	s22 =	sld [smem:$0x7DE];
	_ =	sdelay $0x1  }
0xa3: {  	s30 =	simm.s32 $0xE10  }
0xa4: {  	[tilespmem:s30], [sflag:$0x1] =	stream.linear.gather [hbm4b:s22+s1], $0xC8, $0x38;
	[tilespmem:$0x2C80] =	vst v63  }
0xa5: {  	s22 =	sld [smem:$0x7DF];
	_ =	sdelay $0x1  }
0xa6: {  	s30 =	simm.s32 $0xED8  }
0xa7: {  	[tilespmem:s30], [sflag:$0x1] =	stream.linear.gather [hbm4b:s22+s1], $0xC8, $0x38;
	[tilespmem:$0x2C80] =	vst v63  }
0xa8: {  	s30 =	simm.s32 $0xFA0;
	s22 =	sld [smem:$0x7E0]  }
0xa9: {  	[tilespmem:s30], [sflag:$0x2] =	stream.linear.gather [hbm4b:s3+s1], $0x38, $0x38;
	[tilespmem:$0x2C80] =	vst v63  }
0xaa: {  	s30 =	simm.s32 $0xFD8  }
0xab: {  	[tilespmem:s30], [sflag:$0x2] =	stream.linear.gather [hbm4b:s22+s1], $0x38, $0x38;
	[tilespmem:$0x2C80] =	vst v63  }
0xac: {  	s22 =	sld [smem:$0x7E1];
	_ =	sdelay $0x1  }
0xad: {  	s30 =	simm.s32 $0x1010  }
0xae: {  	[tilespmem:s30], [sflag:$0x2] =	stream.linear.gather [hbm4b:s22+s1], $0x38, $0x38;
	[tilespmem:$0x2C80] =	vst v63  }
0xaf: {  	s22 =	sld [smem:$0x7E2];
	_ =	sdelay $0x1  }
0xb0: {  	s30 =	simm.s32 $0x1048  }
0xb1: {  	[tilespmem:s30], [sflag:$0x2] =	stream.linear.gather [hbm4b:s22+s1], $0x38, $0x38;
	[tilespmem:$0x2C80] =	vst v63  }
0xb2: {  	s22 =	sld [smem:$0x7E3];
	_ =	sdelay $0x1  }
0xb3: {  	s30 =	simm.s32 $0x1080  }
0xb4: {  	[tilespmem:s30], [sflag:$0x2] =	stream.linear.gather [hbm4b:s22+s1], $0x38, $0x38;
	[tilespmem:$0x2C80] =	vst v63  }
0xb5: {  	s22 =	sld [smem:$0x7E4];
	_ =	sdelay $0x1  }
0xb6: {  	s30 =	simm.s32 $0x10B8  }
0xb7: {  	[tilespmem:s30], [sflag:$0x2] =	stream.linear.gather [hbm4b:s22+s1], $0x38, $0x38;
	[tilespmem:$0x2C80] =	vst v63  }
0xb8: {  	s22 =	sld [smem:$0x7E5];
	_ =	sdelay $0x1  }
0xb9: {  	s30 =	simm.s32 $0x10F0  }
0xba: {  	[tilespmem:s30], [sflag:$0x2] =	stream.linear.gather [hbm4b:s22+s1], $0x38, $0x38;
	[tilespmem:$0x2C80] =	vst v63  }
0xbb: {  	s22 =	sld [smem:$0x7E6];
	_ =	sdelay $0x1  }
0xbc: {  	s30 =	simm.s32 $0x1128  }
0xbd: {  	[tilespmem:s30], [sflag:$0x2] =	stream.linear.gather [hbm4b:s22+s1], $0x38, $0x38;
	[tilespmem:$0x2C80] =	vst v63  }
0xbe: {  	s22 =	sld [smem:$0x7E7];
	_ =	sdelay $0x1  }
0xbf: {  	s30 =	simm.s32 $0x1160  }
0xc0: {  	[tilespmem:s30], [sflag:$0x2] =	stream.linear.gather [hbm4b:s22+s1], $0x38, $0x38;
	[tilespmem:$0x2C80] =	vst v63  }
0xc1: {  	s22 =	sld [smem:$0x7E8];
	_ =	sdelay $0x1  }
0xc2: {  	s30 =	simm.s32 $0x1198  }
0xc3: {  	[tilespmem:s30], [sflag:$0x2] =	stream.linear.gather [hbm4b:s22+s1], $0x38, $0x38;
	[tilespmem:$0x2C80] =	vst v63  }
0xc4: {  	s22 =	sld [smem:$0x7E9];
	_ =	sdelay $0x1  }
0xc5: {  	s30 =	simm.s32 $0x11D0  }
0xc6: {  	[tilespmem:s30], [sflag:$0x2] =	stream.linear.gather [hbm4b:s22+s1], $0x38, $0x38;
	[tilespmem:$0x2C80] =	vst v63  }
0xc7: {  	s22 =	sld [smem:$0x7EA];
	_ =	sdelay $0x1  }
0xc8: {  	s30 =	simm.s32 $0x1208  }
0xc9: {  	[tilespmem:s30], [sflag:$0x2] =	stream.linear.gather [hbm4b:s22+s1], $0x38, $0x38;
	[tilespmem:$0x2C80] =	vst v63  }
0xca: {  	s22 =	sld [smem:$0x7EB];
	_ =	sdelay $0x1  }
0xcb: {  	s30 =	simm.s32 $0x1240  }
0xcc: {  	[tilespmem:s30], [sflag:$0x2] =	stream.linear.gather [hbm4b:s22+s1], $0x38, $0x38;
	[tilespmem:$0x2C80] =	vst v63  }
0xcd: {  	s22 =	sld [smem:$0x7EC];
	_ =	sdelay $0x1  }
0xce: {  	s30 =	simm.s32 $0x1278  }
0xcf: {  	[tilespmem:s30], [sflag:$0x2] =	stream.linear.gather [hbm4b:s22+s1], $0x38, $0x38;
	[tilespmem:$0x2C80] =	vst v63  }
0xd0: {  	s22 =	sld [smem:$0x7ED];
	_ =	sdelay $0x1  }
0xd1: {  	s30 =	simm.s32 $0x12B0  }
0xd2: {  	[tilespmem:s30], [sflag:$0x2] =	stream.linear.gather [hbm4b:s22+s1], $0x38, $0x38;
	[tilespmem:$0x2C80] =	vst v63  }
0xd3: {  	s22 =	sld [smem:$0x7EE];
	_ =	sdelay $0x1  }
0xd4: {  	s30 =	simm.s32 $0x12E8  }
0xd5: {  	[tilespmem:s30], [sflag:$0x2] =	stream.linear.gather [hbm4b:s22+s1], $0x38, $0x38;
	[tilespmem:$0x2C80] =	vst v63  }
0xd6: {  	s22 =	sld [smem:$0x7EF];
	_ =	sdelay $0x1  }
0xd7: {  	s30 =	simm.s32 $0x1320  }
0xd8: {  	[tilespmem:s30], [sflag:$0x2] =	stream.linear.gather [hbm4b:s22+s1], $0x38, $0x38;
	[tilespmem:$0x2C80] =	vst v63  }
0xd9: {  	s22 =	sld [smem:$0x7F0];
	_ =	sdelay $0x1  }
0xda: {  	s30 =	simm.s32 $0x1358  }
0xdb: {  	[tilespmem:s30], [sflag:$0x2] =	stream.linear.gather [hbm4b:s22+s1], $0x38, $0x38;
	[tilespmem:$0x2C80] =	vst v63  }
0xdc: {  	s22 =	sld [smem:$0x7F1];
	_ =	sdelay $0x1  }
0xdd: {  	s30 =	simm.s32 $0x1390  }
0xde: {  	[tilespmem:s30], [sflag:$0x2] =	stream.linear.gather [hbm4b:s22+s1], $0x38, $0x38;
	[tilespmem:$0x2C80] =	vst v63  }
0xdf: {  	s22 =	sld [smem:$0x7F2];
	_ =	sdelay $0x1  }
0xe0: {  	s30 =	simm.s32 $0x13C8  }
0xe1: {  	[tilespmem:s30], [sflag:$0x2] =	stream.linear.gather [hbm4b:s22+s1], $0x38, $0x38;
	[tilespmem:$0x2C80] =	vst v63  }
0xe2: {  	s30 =	simm.s32 $0x1400  }
0xe3: {  	[tilespmem:s30], [sflag:$0x3] =	stream.linear.gather [hbm4b:s4+s1], $0x10, $0x38;
	[tilespmem:$0x2C80] =	vst v63  }
0xe4: {  	s22 =	rddreg [dreg:$0x8];
	s30 =	simm.s32 $0x1410  }
0xe5: {  	[tilespmem:s30], [sflag:$0x3] =	stream.linear.gather [hbm4b:s22+s1], $0x10, $0x38;
	[tilespmem:$0x2C80] =	vst v63  }
0xe6: {  	s22 =	rddreg [dreg:$0x9];
	s30 =	simm.s32 $0x1420  }
0xe7: {  	[tilespmem:s30], [sflag:$0x3] =	stream.linear.gather [hbm4b:s22+s1], $0x10, $0x38;
	[tilespmem:$0x2C80] =	vst v63  }
0xe8: {  	s22 =	rddreg [dreg:$0xa];
	s30 =	simm.s32 $0x1430  }
0xe9: {  	[tilespmem:s30], [sflag:$0x3] =	stream.linear.gather [hbm4b:s22+s1], $0x10, $0x38;
	[tilespmem:$0x2C80] =	vst v63  }
0xea: {  	s22 =	rddreg [dreg:$0xb];
	s30 =	simm.s32 $0x1440  }
0xeb: {  	[tilespmem:s30], [sflag:$0x3] =	stream.linear.gather [hbm4b:s22+s1], $0x10, $0x38;
	[tilespmem:$0x2C80] =	vst v63  }
0xec: {  	s22 =	rddreg [dreg:$0xc];
	s30 =	simm.s32 $0x1450  }
0xed: {  	[tilespmem:s30], [sflag:$0x3] =	stream.linear.gather [hbm4b:s22+s1], $0x10, $0x38;
	[tilespmem:$0x2C80] =	vst v63  }
0xee: {  	s22 =	rddreg [dreg:$0xd];
	s30 =	simm.s32 $0x1460  }
0xef: {  	[tilespmem:s30], [sflag:$0x3] =	stream.linear.gather [hbm4b:s22+s1], $0x10, $0x38;
	[tilespmem:$0x2C80] =	vst v63  }
0xf0: {  	s22 =	rddreg [dreg:$0xe];
	s30 =	simm.s32 $0x1470  }
0xf1: {  	[tilespmem:s30], [sflag:$0x3] =	stream.linear.gather [hbm4b:s22+s1], $0x10, $0x38;
	[tilespmem:$0x2C80] =	vst v63  }
0xf2: {  	s22 =	sld [smem:$0x7F3];
	_ =	sdelay $0x1  }
0xf3: {  	s30 =	simm.s32 $0x1480  }
0xf4: {  	[tilespmem:s30], [sflag:$0x3] =	stream.linear.gather [hbm4b:s22+s1], $0x10, $0x38;
	[tilespmem:$0x2C80] =	vst v63  }
0xf5: {  	s22 =	sld [smem:$0x7F4];
	_ =	sdelay $0x1  }
0xf6: {  	s30 =	simm.s32 $0x1490  }
0xf7: {  	[tilespmem:s30], [sflag:$0x3] =	stream.linear.gather [hbm4b:s22+s1], $0x10, $0x38;
	[tilespmem:$0x2C80] =	vst v63  }
0xf8: {  	s22 =	sld [smem:$0x7F5];
	_ =	sdelay $0x1  }
0xf9: {  	s30 =	simm.s32 $0x14A0  }
0xfa: {  	[tilespmem:s30], [sflag:$0x3] =	stream.linear.gather [hbm4b:s22+s1], $0x10, $0x38;
	[tilespmem:$0x2C80] =	vst v63  }
0xfb: {  	s22 =	sld [smem:$0x7F6];
	_ =	sdelay $0x1  }
0xfc: {  	s30 =	simm.s32 $0x14B0  }
0xfd: {  	[tilespmem:s30], [sflag:$0x3] =	stream.linear.gather [hbm4b:s22+s1], $0x10, $0x38;
	[tilespmem:$0x2C80] =	vst v63  }
0xfe: {  	s22 =	sld [smem:$0x7F7];
	_ =	sdelay $0x1  }
0xff: {  	s30 =	simm.s32 $0x14C0  }
0x100: {  	[tilespmem:s30], [sflag:$0x3] =	stream.linear.gather [hbm4b:s22+s1], $0x10, $0x38;
	[tilespmem:$0x2C80] =	vst v63  }
0x101: {  	s22 =	sld [smem:$0x7F8];
	_ =	sdelay $0x1  }
0x102: {  	s30 =	simm.s32 $0x14D0  }
0x103: {  	[tilespmem:s30], [sflag:$0x3] =	stream.linear.gather [hbm4b:s22+s1], $0x10, $0x38;
	[tilespmem:$0x2C80] =	vst v63  }
0x104: {  	s22 =	sld [smem:$0x7F9];
	_ =	sdelay $0x1  }
0x105: {  	s30 =	simm.s32 $0x14E0  }
0x106: {  	[tilespmem:s30], [sflag:$0x3] =	stream.linear.gather [hbm4b:s22+s1], $0x10, $0x38;
	[tilespmem:$0x2C80] =	vst v63  }
0x107: {  	s22 =	sld [smem:$0x7FA];
	_ =	sdelay $0x1  }
0x108: {  	s30 =	simm.s32 $0x14F0  }
0x109: {  	[tilespmem:s30], [sflag:$0x3] =	stream.linear.gather [hbm4b:s22+s1], $0x10, $0x38;
	[tilespmem:$0x2C80] =	vst v63  }
0x10a: {  	s22 =	sld [smem:$0x7FB];
	_ =	sdelay $0x1  }
0x10b: {  	s30 =	simm.s32 $0x1500  }
0x10c: {  	[tilespmem:s30], [sflag:$0x3] =	stream.linear.gather [hbm4b:s22+s1], $0x10, $0x38;
	[tilespmem:$0x2C80] =	vst v63  }
0x10d: {  	s22 =	sld [smem:$0x7FC];
	_ =	sdelay $0x1  }
0x10e: {  	s30 =	simm.s32 $0x1510  }
0x10f: {  	[tilespmem:s30], [sflag:$0x3] =	stream.linear.gather [hbm4b:s22+s1], $0x10, $0x38;
	[tilespmem:$0x2C80] =	vst v63  }
0x110: {  	s22 =	sld [smem:$0x7FD];
	_ =	sdelay $0x1  }
0x111: {  	s30 =	simm.s32 $0x1520  }
0x112: {  	[tilespmem:s30], [sflag:$0x3] =	stream.linear.gather [hbm4b:s22+s1], $0x10, $0x38;
	[tilespmem:$0x2C80] =	vst v63  }
0x113: {  	s30 =	simm.s32 $0x1530  }
0x114: {  	[tilespmem:s30], [sflag:$0x3] =	stream.linear.gather [hbm4b:s31+s1], $0x10, $0x38;
	[tilespmem:$0x2C80] =	vst v63  }
0x115: {  	s22 =	rddreg [dreg:$0x16];
	s30 =	simm.s32 $0x1540  }
0x116: {  	[tilespmem:s30], [sflag:$0x4] =	stream.linear.gather [hbm4b:s22+s1], $0x10, $0x38;
	[tilespmem:$0x2C80] =	vst v63  }
0x117: {  	s22 =	rddreg [dreg:$0xf];
	s30 =	simm.s32 $0x1550  }
0x118: {  	[tilespmem:s30], [sflag:$0x4] =	stream.linear.gather [hbm4b:s22+s1], $0x10, $0x38;
	[tilespmem:$0x2C80] =	vst v63  }
0x119: {  	s22 =	rddreg [dreg:$0x10];
	s30 =	simm.s32 $0x1560  }
0x11a: {  	[tilespmem:s30], [sflag:$0x4] =	stream.linear.gather [hbm4b:s22+s1], $0x10, $0x38;
	[tilespmem:$0x2C80] =	vst v63  }
0x11b: {  	s22 =	rddreg [dreg:$0x11];
	s30 =	simm.s32 $0x1570  }
0x11c: {  	[tilespmem:s30], [sflag:$0x4] =	stream.linear.gather [hbm4b:s22+s1], $0x10, $0x38;
	[tilespmem:$0x2C80] =	vst v63  }
0x11d: {  	s22 =	rddreg [dreg:$0x12];
	s30 =	simm.s32 $0x1580  }
0x11e: {  	[tilespmem:s30], [sflag:$0x4] =	stream.linear.gather [hbm4b:s22+s1], $0x10, $0x38;
	[tilespmem:$0x2C80] =	vst v63  }
0x11f: {  	s22 =	rddreg [dreg:$0x13];
	s30 =	simm.s32 $0x1590  }
0x120: {  	[tilespmem:s30], [sflag:$0x4] =	stream.linear.gather [hbm4b:s22+s1], $0x10, $0x38;
	[tilespmem:$0x2C80] =	vst v63  }
0x121: {  	s22 =	rddreg [dreg:$0x14];
	s30 =	simm.s32 $0x15A0  }
0x122: {  	[tilespmem:s30], [sflag:$0x4] =	stream.linear.gather [hbm4b:s22+s1], $0x10, $0x38;
	[tilespmem:$0x2C80] =	vst v63  }
0x123: {  	s22 =	rddreg [dreg:$0x15];
	s30 =	simm.s32 $0x15B0  }
0x124: {  	[tilespmem:s30], [sflag:$0x4] =	stream.linear.gather [hbm4b:s22+s1], $0x10, $0x38;
	[tilespmem:$0x2C80] =	vst v63  }
0x125: {  	_ =	swait.ge [sflag:s12], $0xC8  }
0x126: {  	[sflag:s12] =	ssyncset.done $0x0  }
0x127: {  	[sflag:s12] =	ssyncadd.s32 $0xFFFFFF38  }
0x128: {  	_ =	swait.ge [sflag:s12], $0xC8  }
0x129: {  	[sflag:s12] =	ssyncset.done $0x0  }
0x12a: {  	[sflag:s12] =	ssyncadd.s32 $0xFFFFFF38  }
0x12b: {  	_ =	swait.ge [sflag:s12], $0xC8  }
0x12c: {  	[sflag:s12] =	ssyncset.done $0x0  }
0x12d: {  	[sflag:s12] =	ssyncadd.s32 $0xFFFFFF38  }
0x12e: {  	_ =	swait.ge [sflag:s12], $0xC8  }
0x12f: {  	[sflag:s12] =	ssyncset.done $0x0  }
0x130: {  	[sflag:s12] =	ssyncadd.s32 $0xFFFFFF38  }
0x131: {  	_ =	swait.ge [sflag:s12], $0xC8  }
0x132: {  	[sflag:s12] =	ssyncset.done $0x0  }
0x133: {  	[sflag:s12] =	ssyncadd.s32 $0xFFFFFF38  }
0x134: {  	_ =	swait.ge [sflag:s12], $0xC8  }
0x135: {  	[sflag:s12] =	ssyncset.done $0x0  }
0x136: {  	[sflag:s12] =	ssyncadd.s32 $0xFFFFFF38  }
0x137: {  	_ =	swait.ge [sflag:s12], $0xC8  }
0x138: {  	[sflag:s12] =	ssyncset.done $0x0  }
0x139: {  	[sflag:s12] =	ssyncadd.s32 $0xFFFFFF38  }
0x13a: {  	_ =	swait.ge [sflag:s12], $0xC8  }
0x13b: {  	[sflag:s12] =	ssyncset.done $0x0  }
0x13c: {  	[sflag:s12] =	ssyncadd.s32 $0xFFFFFF38  }
0x13d: {  	_ =	swait.ge [sflag:s12], $0xC8  }
0x13e: {  	[sflag:s12] =	ssyncset.done $0x0  }
0x13f: {  	[sflag:s12] =	ssyncadd.s32 $0xFFFFFF38  }
0x140: {  	_ =	swait.ge [sflag:s12], $0xC8  }
0x141: {  	[sflag:s12] =	ssyncset.done $0x0  }
0x142: {  	[sflag:s12] =	ssyncadd.s32 $0xFFFFFF38  }
0x143: {  	_ =	swait.ge [sflag:s12], $0xC8  }
0x144: {  	[sflag:s12] =	ssyncset.done $0x0  }
0x145: {  	[sflag:s12] =	ssyncadd.s32 $0xFFFFFF38  }
0x146: {  	_ =	swait.ge [sflag:s12], $0xC8  }
0x147: {  	[sflag:s12] =	ssyncset.done $0x0  }
0x148: {  	[sflag:s12] =	ssyncadd.s32 $0xFFFFFF38  }
0x149: {  	_ =	swait.ge [sflag:s12], $0xC8  }
0x14a: {  	[sflag:s12] =	ssyncset.done $0x0  }
0x14b: {  	[sflag:s12] =	ssyncadd.s32 $0xFFFFFF38  }
0x14c: {  	_ =	swait.ge [sflag:s12], $0xC8  }
0x14d: {  	[sflag:s12] =	ssyncset.done $0x0  }
0x14e: {  	[sflag:s12] =	ssyncadd.s32 $0xFFFFFF38  }
0x14f: {  	_ =	swait.ge [sflag:s12], $0xC8  }
0x150: {  	[sflag:s12] =	ssyncset.done $0x0  }
0x151: {  	[sflag:s12] =	ssyncadd.s32 $0xFFFFFF38  }
0x152: {  	_ =	swait.ge [sflag:s12], $0xC8  }
0x153: {  	[sflag:s12] =	ssyncset.done $0x0  }
0x154: {  	[sflag:s12] =	ssyncadd.s32 $0xFFFFFF38  }
0x155: {  	_ =	swait.ge [sflag:s12], $0xC8  }
0x156: {  	[sflag:s12] =	ssyncset.done $0x0  }
0x157: {  	[sflag:s12] =	ssyncadd.s32 $0xFFFFFF38  }
0x158: {  	_ =	swait.ge [sflag:s12], $0xC8  }
0x159: {  	[sflag:s12] =	ssyncset.done $0x0  }
0x15a: {  	[sflag:s12] =	ssyncadd.s32 $0xFFFFFF38  }
0x15b: {  	_ =	swait.ge [sflag:s12], $0xC8  }
0x15c: {  	v7 =	vadd.s32 s1, v1;
	[sflag:s12] =	ssyncset.done $0x0  }
0x15d: {  	s30 =	sadd.s32 $0x0, s25;
	[sflag:s12] =	ssyncadd.s32 $0xFFFFFF38  }
0x15e: {  	v8 =	vmov s30;
	_ =	swait.ge [sflag:s12], $0xC8  }
0x15f: {  	v8 =	vmulhi.u32 $0xCCCCCCCD, v8;
	[sflag:s12] =	ssyncset.done $0x0  }
0x160: {  	[sflag:s12] =	ssyncadd.s32 $0xFFFFFF38  }
0x161: {  	v8 =	vshrl.u32 v8, $0x7;
	v7 =	vld.idx.msk [tilespmem:v7+s1+$0x0], $0xffff  }
0x162: {  	v9 =	vor.u32 s30, v0;
	v10 =	vmul.u32 $0x1FFFFFB0, v8  }
0x163: {  	v9 =	vshrl.u32 v9, $0x1  }
0x164: {  	v9 =	vadd.s32 v9, v10  }
0x165: {  	v9 =	vshll.u32 v9, $0x3  }
0x166: {  	v9 =	vcvt.s32.f32 v9;
	v7 =	vmul.f32 $8.000000000e+00, v7  }
0x167: {  	s22 =	simm.s32 $0xC8  }
0x168: {  	v10 =	vadd.s32 s22, v1;
	v7 =	vadd.f32 v9, v7;
	_ =	sdelay $0x1  }
0x169: {  	v7 =	vmul.f32 v7, v5;
	_ =	sdelay $0x1  }
0x16a: {  	[tilespmem:s13+$0xFFFFF830] =	vst v7  }
0x16b: {  	v7 =	vld.idx.msk [tilespmem:v10+s1+$0x0], $0xffff;
	_ =	sdelay $0x3  }
0x16c: {  	v8 =	vshll.u32 v8, $0x3  }
0x16d: {  	v8 =	vcvt.s32.f32 v8;
	v7 =	vmul.f32 $8.000000000e+00, v7  }
0x16e: {  	s30 =	simm.s32 $0x190  }
0x16f: {  	v10 =	vadd.s32 s30, v1;
	v7 =	vadd.f32 v8, v7;
	_ =	sdelay $0x1  }
0x170: {  	v7 =	vmul.f32 v7, v6;
	_ =	sdelay $0x1  }
0x171: {  	[tilespmem:s13+$0xFFFFF9C0] =	vst v7  }
0x172: {  	v7 =	vld.idx.msk [tilespmem:v10+s1+$0x0], $0xffff;
	_ =	sdelay $0x4  }
0x173: {  	v7 =	vmul.f32 $8.000000000e+00, v7  }
0x174: {  	s22 =	simm.s32 $0x258  }
0x175: {  	v10 =	vadd.s32 s22, v1;
	v7 =	vadd.f32 v9, v7;
	_ =	sdelay $0x1  }
0x176: {  	v7 =	vmul.f32 v7, v5;
	_ =	sdelay $0x1  }
0x177: {  	[tilespmem:s13+$0xFFFFFB50] =	vst v7  }
0x178: {  	v7 =	vld.idx.msk [tilespmem:v10+s1+$0x0], $0xffff;
	_ =	sdelay $0x4  }
0x179: {  	v7 =	vmul.f32 $8.000000000e+00, v7  }
0x17a: {  	s30 =	simm.s32 $0x320  }
0x17b: {  	v10 =	vadd.s32 s30, v1;
	v7 =	vadd.f32 v8, v7;
	_ =	sdelay $0x1  }
0x17c: {  	v7 =	vmul.f32 v7, v6;
	_ =	sdelay $0x1  }
0x17d: {  	[tilespmem:s13+$0xFFFFFCE0] =	vst v7  }
0x17e: {  	v7 =	vld.idx.msk [tilespmem:v10+s1+$0x0], $0xffff;
	_ =	sdelay $0x4  }
0x17f: {  	v7 =	vmul.f32 $8.000000000e+00, v7  }
0x180: {  	s22 =	simm.s32 $0x3E8  }
0x181: {  	v10 =	vadd.s32 s22, v1;
	v7 =	vadd.f32 v9, v7;
	_ =	sdelay $0x1  }
0x182: {  	v7 =	vmul.f32 v7, v5;
	_ =	sdelay $0x1  }
0x183: {  	[tilespmem:s13+$0xFFFFFE70] =	vst v7  }
0x184: {  	v7 =	vld.idx.msk [tilespmem:v10+s1+$0x0], $0xffff;
	_ =	sdelay $0x4  }
0x185: {  	v7 =	vmul.f32 $8.000000000e+00, v7  }
0x186: {  	s30 =	simm.s32 $0x4B0  }
0x187: {  	v10 =	vadd.s32 s30, v1;
	v7 =	vadd.f32 v8, v7;
	_ =	sdelay $0x1  }
0x188: {  	v7 =	vmul.f32 v7, v6;
	_ =	sdelay $0x1  }
0x189: {  	[tilespmem:s13+$0x0] =	vst v7  }
0x18a: {  	v7 =	vld.idx.msk [tilespmem:v10+s1+$0x0], $0xffff;
	_ =	sdelay $0x4  }
0x18b: {  	v7 =	vmul.f32 $8.000000000e+00, v7  }
0x18c: {  	s22 =	simm.s32 $0x578  }
0x18d: {  	v10 =	vadd.s32 s22, v1;
	v7 =	vadd.f32 v9, v7;
	_ =	sdelay $0x1  }
0x18e: {  	v7 =	vmul.f32 v7, v5;
	_ =	sdelay $0x1  }
0x18f: {  	[tilespmem:s13+$0x190] =	vst v7  }
0x190: {  	v7 =	vld.idx.msk [tilespmem:v10+s1+$0x0], $0xffff;
	_ =	sdelay $0x4  }
0x191: {  	v7 =	vmul.f32 $8.000000000e+00, v7  }
0x192: {  	s30 =	simm.s32 $0x640  }
0x193: {  	v10 =	vadd.s32 s30, v1;
	v7 =	vadd.f32 v8, v7;
	_ =	sdelay $0x1  }
0x194: {  	v7 =	vmul.f32 v7, v6;
	_ =	sdelay $0x1  }
0x195: {  	[tilespmem:s13+$0x320] =	vst v7  }
0x196: {  	v7 =	vld.idx.msk [tilespmem:v10+s1+$0x0], $0xffff;
	_ =	sdelay $0x4  }
0x197: {  	v7 =	vmul.f32 $8.000000000e+00, v7  }
0x198: {  	s22 =	simm.s32 $0x708  }
0x199: {  	v7 =	vadd.f32 v9, v7;
	v9 =	vadd.s32 s22, v1;
	_ =	sdelay $0x1  }
0x19a: {  	v7 =	vmul.f32 v7, v5  }
0x19b: {  	s30 =	sand.u32 $0x1F0, s1  }
0x19c: {  	[tilespmem:s30+$0x2280] =	vst v7  }
0x19d: {  	v7 =	vld.idx.msk [tilespmem:v9+s1+$0x0], $0xffff;
	_ =	sdelay $0x4  }
0x19e: {  	v9 =	vmul.f32 $8.000000000e+00, v7  }
0x19f: {  	s19 =	simm.s32 $0x8  }
0x1a0: {  	s28 =	simm.s32 $0x10;
	s29 =	simm.s32 $0x0;
	s22 =	simm.s32 $0x1DD0;
	v7 =	vadd.s32 s19, v1;
	v8 =	vadd.f32 v8, v9  }
.LBB2_2:
0x1a1: {  	p0 =	sne.s32 s28, $0xC0;
	s29 =	sadd.s32 $0x10, s29  }
0x1a2: {  	s30 =	sadd.s32 s29, s25;
	v8 =	vmul.f32 v8, v6  }
0x1a3: {  	v9 =	vmov s30  }
0x1a4: {  	v9 =	vmulhi.u32 $0xCCCCCCCD, v9;
	[tilespmem:s22+$0x640] =	vst v8  }
0x1a5: {  	v8 =	vld.idx.msk [tilespmem:v7+s1+$0x0], $0xffff  }
0x1a6: {  	v9 =	vshrl.u32 v9, $0x7  }
0x1a7: {  	v7 =	vor.u32 s30, v0;
	v10 =	vmul.u32 $0x1FFFFFB0, v9  }
0x1a8: {  	v7 =	vshrl.u32 v7, $0x1  }
0x1a9: {  	v7 =	vadd.s32 v7, v10  }
0x1aa: {  	v7 =	vshll.u32 v7, $0x3  }
0x1ab: {  	v8 =	vmul.f32 $8.000000000e+00, v8;
	v7 =	vcvt.s32.f32 v7  }
0x1ac: {  	s30 =	sadd.s32 $0xC8, s19  }
0x1ad: {  	v10 =	vadd.s32 s30, v1;
	v8 =	vadd.f32 v7, v8;
	_ =	sdelay $0x1  }
0x1ae: {  	v8 =	vmul.f32 v8, v5  }
0x1af: {  	s22 =	sadd.s32 $0x10, s22  }
0x1b0: {  	[tilespmem:s22+$0xFFFFF830] =	vst v8  }
0x1b1: {  	v10 =	vld.idx.msk [tilespmem:v10+s1+$0x0], $0xffff;
	_ =	sdelay $0x4  }
0x1b2: {  	v8 =	vshll.u32 v9, $0x3  }
0x1b3: {  	v8 =	vcvt.s32.f32 v8;
	v9 =	vmul.f32 $8.000000000e+00, v10  }
0x1b4: {  	s30 =	sadd.s32 $0x190, s19  }
0x1b5: {  	v10 =	vadd.s32 s30, v1;
	v9 =	vadd.f32 v8, v9;
	_ =	sdelay $0x1  }
0x1b6: {  	v9 =	vmul.f32 v9, v6;
	_ =	sdelay $0x1  }
0x1b7: {  	[tilespmem:s22+$0xFFFFF9C0] =	vst v9  }
0x1b8: {  	v9 =	vld.idx.msk [tilespmem:v10+s1+$0x0], $0xffff;
	_ =	sdelay $0x5  }
0x1b9: {  	v9 =	vmul.f32 $8.000000000e+00, v9  }
0x1ba: {  	s30 =	sadd.s32 $0x258, s19  }
0x1bb: {  	v10 =	vadd.s32 s30, v1;
	v9 =	vadd.f32 v7, v9;
	_ =	sdelay $0x1  }
0x1bc: {  	v9 =	vmul.f32 v9, v5;
	_ =	sdelay $0x1  }
0x1bd: {  	[tilespmem:s22+$0xFFFFFB50] =	vst v9  }
0x1be: {  	v9 =	vld.idx.msk [tilespmem:v10+s1+$0x0], $0xffff;
	_ =	sdelay $0x5  }
0x1bf: {  	v9 =	vmul.f32 $8.000000000e+00, v9  }
0x1c0: {  	s30 =	sadd.s32 $0x320, s19  }
0x1c1: {  	v10 =	vadd.s32 s30, v1;
	v9 =	vadd.f32 v8, v9;
	_ =	sdelay $0x1  }
0x1c2: {  	v9 =	vmul.f32 v9, v6;
	_ =	sdelay $0x1  }
0x1c3: {  	[tilespmem:s22+$0xFFFFFCE0] =	vst v9  }
0x1c4: {  	v9 =	vld.idx.msk [tilespmem:v10+s1+$0x0], $0xffff;
	_ =	sdelay $0x5  }
0x1c5: {  	v9 =	vmul.f32 $8.000000000e+00, v9  }
0x1c6: {  	s30 =	sadd.s32 $0x3E8, s19  }
0x1c7: {  	v10 =	vadd.s32 s30, v1;
	v9 =	vadd.f32 v7, v9;
	_ =	sdelay $0x1  }
0x1c8: {  	v9 =	vmul.f32 v9, v5;
	_ =	sdelay $0x1  }
0x1c9: {  	[tilespmem:s22+$0xFFFFFE70] =	vst v9  }
0x1ca: {  	v9 =	vld.idx.msk [tilespmem:v10+s1+$0x0], $0xffff;
	_ =	sdelay $0x5  }
0x1cb: {  	v9 =	vmul.f32 $8.000000000e+00, v9  }
0x1cc: {  	s30 =	sadd.s32 $0x4B0, s19  }
0x1cd: {  	v10 =	vadd.s32 s30, v1;
	v9 =	vadd.f32 v8, v9;
	_ =	sdelay $0x1  }
0x1ce: {  	v9 =	vmul.f32 v9, v6;
	_ =	sdelay $0x1  }
0x1cf: {  	[tilespmem:s22+$0x0] =	vst v9  }
0x1d0: {  	v9 =	vld.idx.msk [tilespmem:v10+s1+$0x0], $0xffff;
	_ =	sdelay $0x5  }
0x1d1: {  	v9 =	vmul.f32 $8.000000000e+00, v9  }
0x1d2: {  	s30 =	sadd.s32 $0x578, s19  }
0x1d3: {  	v10 =	vadd.s32 s30, v1;
	v9 =	vadd.f32 v7, v9;
	_ =	sdelay $0x1  }
0x1d4: {  	v9 =	vmul.f32 v9, v5;
	_ =	sdelay $0x1  }
0x1d5: {  	[tilespmem:s22+$0x190] =	vst v9  }
0x1d6: {  	v9 =	vld.idx.msk [tilespmem:v10+s1+$0x0], $0xffff;
	_ =	sdelay $0x5  }
0x1d7: {  	v9 =	vmul.f32 $8.000000000e+00, v9  }
0x1d8: {  	s30 =	sadd.s32 $0x640, s19  }
0x1d9: {  	v10 =	vadd.s32 s30, v1;
	v9 =	vadd.f32 v8, v9;
	_ =	sdelay $0x1  }
0x1da: {  	v9 =	vmul.f32 v9, v6;
	_ =	sdelay $0x1  }
0x1db: {  	[tilespmem:s22+$0x320] =	vst v9  }
0x1dc: {  	v9 =	vld.idx.msk [tilespmem:v10+s1+$0x0], $0xffff;
	_ =	sdelay $0x5  }
0x1dd: {  	v9 =	vmul.f32 $8.000000000e+00, v9  }
0x1de: {  	s30 =	sadd.s32 $0x708, s19;
	s19 =	smov.u32 s28  }
0x1df: {  	v7 =	vadd.f32 v7, v9;
	v9 =	vadd.s32 s30, v1;
	_ =	sdelay $0x1  }
0x1e0: {  	v7 =	vmul.f32 v7, v5  }
0x1e1: {  	s30 =	sand.u32 $0x1F0, s29  }
0x1e2: {  	[tilespmem:s30+$0x2280] =	vst v7  }
0x1e3: {  	v7 =	vld.idx.msk [tilespmem:v9+s1+$0x0], $0xffff;
	_ =	sdelay $0x3  }
.Ltmp0:
0x1e4: {  	(pc) =	sbr.rel @p0 .LBB2_2-.Ltmp0, $3  }
0x1e5: {  	_ = 	snop  }
0x1e6: {  	v9 =	vmul.f32 $8.000000000e+00, v7;
	_ =	sdelay $0x1  }
0x1e7: {  	s28 =	sadd.s32 $0x8, s28;
	v7 =	vadd.s32 s19, v1;
	v8 =	vadd.f32 v8, v9  }
0x1e8: {  	s28 =	sadd.s32 $0x10, s29  }
0x1e9: {  	s29 =	sadd.s32 s28, s25  }
0x1ea: {  	v8 =	vmul.f32 v8, v6;
	v9 =	vmov s29  }
0x1eb: {  	v9 =	vmulhi.u32 $0xCCCCCCCD, v9  }
0x1ec: {  	[tilespmem:s22+$0x640] =	vst v8  }
0x1ed: {  	v7 =	vld.idx.msk [tilespmem:v7+s1+$0x0], $0xffff;
	v8 =	vshrl.u32 v9, $0x7  }
0x1ee: {  	v9 =	vor.u32 s29, v0;
	v10 =	vmul.u32 $0x1FFFFFB0, v8  }
0x1ef: {  	v9 =	vshrl.u32 v9, $0x1  }
0x1f0: {  	v9 =	vadd.s32 v9, v10  }
0x1f1: {  	v9 =	vshll.u32 v9, $0x3  }
0x1f2: {  	v7 =	vmul.f32 $8.000000000e+00, v7;
	v9 =	vcvt.s32.f32 v9  }
0x1f3: {  	s29 =	sadd.s32 $0xC8, s19  }
0x1f4: {  	v10 =	vadd.s32 s29, v1;
	v7 =	vadd.f32 v9, v7;
	_ =	sdelay $0x1  }
0x1f5: {  	v7 =	vmul.f32 v7, v5  }
0x1f6: {  	s22 =	sadd.s32 $0x10, s22  }
0x1f7: {  	[tilespmem:s22+$0xFFFFF830] =	vst v7  }
0x1f8: {  	v7 =	vld.idx.msk [tilespmem:v10+s1+$0x0], $0xffff;
	_ =	sdelay $0x3  }
0x1f9: {  	v8 =	vshll.u32 v8, $0x3  }
0x1fa: {  	v8 =	vcvt.s32.f32 v8;
	v7 =	vmul.f32 $8.000000000e+00, v7  }
0x1fb: {  	s29 =	sadd.s32 $0x190, s19  }
0x1fc: {  	v10 =	vadd.s32 s29, v1;
	v7 =	vadd.f32 v8, v7;
	_ =	sdelay $0x1  }
0x1fd: {  	v7 =	vmul.f32 v7, v6;
	_ =	sdelay $0x1  }
0x1fe: {  	[tilespmem:s22+$0xFFFFF9C0] =	vst v7  }
0x1ff: {  	v7 =	vld.idx.msk [tilespmem:v10+s1+$0x0], $0xffff;
	_ =	sdelay $0x4  }
0x200: {  	v7 =	vmul.f32 $8.000000000e+00, v7  }
0x201: {  	s29 =	sadd.s32 $0x258, s19  }
0x202: {  	v10 =	vadd.s32 s29, v1;
	v7 =	vadd.f32 v9, v7;
	_ =	sdelay $0x1  }
0x203: {  	v7 =	vmul.f32 v7, v5;
	_ =	sdelay $0x1  }
0x204: {  	[tilespmem:s22+$0xFFFFFB50] =	vst v7  }
0x205: {  	v7 =	vld.idx.msk [tilespmem:v10+s1+$0x0], $0xffff;
	_ =	sdelay $0x4  }
0x206: {  	v7 =	vmul.f32 $8.000000000e+00, v7  }
0x207: {  	s29 =	sadd.s32 $0x320, s19  }
0x208: {  	v10 =	vadd.s32 s29, v1;
	v7 =	vadd.f32 v8, v7;
	_ =	sdelay $0x1  }
0x209: {  	v7 =	vmul.f32 v7, v6;
	_ =	sdelay $0x1  }
0x20a: {  	[tilespmem:s22+$0xFFFFFCE0] =	vst v7  }
0x20b: {  	v7 =	vld.idx.msk [tilespmem:v10+s1+$0x0], $0xffff;
	_ =	sdelay $0x4  }
0x20c: {  	v7 =	vmul.f32 $8.000000000e+00, v7  }
0x20d: {  	s29 =	sadd.s32 $0x3E8, s19  }
0x20e: {  	v10 =	vadd.s32 s29, v1;
	v7 =	vadd.f32 v9, v7;
	_ =	sdelay $0x1  }
0x20f: {  	v7 =	vmul.f32 v7, v5;
	_ =	sdelay $0x1  }
0x210: {  	[tilespmem:s22+$0xFFFFFE70] =	vst v7  }
0x211: {  	v7 =	vld.idx.msk [tilespmem:v10+s1+$0x0], $0xffff;
	_ =	sdelay $0x4  }
0x212: {  	v7 =	vmul.f32 $8.000000000e+00, v7  }
0x213: {  	s29 =	sadd.s32 $0x4B0, s19  }
0x214: {  	v10 =	vadd.s32 s29, v1;
	v7 =	vadd.f32 v8, v7;
	_ =	sdelay $0x1  }
0x215: {  	v7 =	vmul.f32 v7, v6;
	_ =	sdelay $0x1  }
0x216: {  	[tilespmem:s22+$0x0] =	vst v7  }
0x217: {  	v7 =	vld.idx.msk [tilespmem:v10+s1+$0x0], $0xffff;
	_ =	sdelay $0x4  }
0x218: {  	v7 =	vmul.f32 $8.000000000e+00, v7  }
0x219: {  	s29 =	sadd.s32 $0x578, s19  }
0x21a: {  	v10 =	vadd.s32 s29, v1;
	v7 =	vadd.f32 v9, v7;
	_ =	sdelay $0x1  }
0x21b: {  	v7 =	vmul.f32 v7, v5;
	_ =	sdelay $0x1  }
0x21c: {  	[tilespmem:s22+$0x190] =	vst v7  }
0x21d: {  	v7 =	vld.idx.msk [tilespmem:v10+s1+$0x0], $0xffff;
	_ =	sdelay $0x4  }
0x21e: {  	v7 =	vmul.f32 $8.000000000e+00, v7  }
0x21f: {  	s29 =	sadd.s32 $0x640, s19  }
0x220: {  	v10 =	vadd.s32 s29, v1;
	v7 =	vadd.f32 v8, v7;
	_ =	sdelay $0x1  }
0x221: {  	v7 =	vmul.f32 v7, v6;
	_ =	sdelay $0x1  }
0x222: {  	[tilespmem:s22+$0x320] =	vst v7  }
0x223: {  	v7 =	vld.idx.msk [tilespmem:v10+s1+$0x0], $0xffff;
	_ =	sdelay $0x4  }
0x224: {  	v7 =	vmul.f32 $8.000000000e+00, v7  }
0x225: {  	s30 =	sadd.s32 $0x708, s19  }
0x226: {  	v7 =	vadd.f32 v9, v7;
	v9 =	vadd.s32 s30, v1;
	_ =	sdelay $0x1  }
0x227: {  	v7 =	vmul.f32 v7, v5  }
0x228: {  	s30 =	sand.u32 $0x1F0, s28  }
0x229: {  	[tilespmem:s30+$0x2280] =	vst v7  }
0x22a: {  	v7 =	vld.idx.msk [tilespmem:v9+s1+$0x0], $0xffff;
	_ =	sdelay $0x4  }
0x22b: {  	v7 =	vmul.f32 $8.000000000e+00, v7;
	_ =	sdelay $0x1  }
0x22c: {  	v7 =	vadd.f32 v8, v7;
	_ =	sdelay $0x1  }
0x22d: {  	v7 =	vmul.f32 v7, v6;
	_ =	sdelay $0x1  }
0x22e: {  	[tilespmem:s22+$0x640] =	vst v7;
	s22 =	simm.s32 $0x1600  }
0x22f: {  	[hbm4b:s20+s1] =	stream.linear.scatter [tilespmem:s22], [sflag:$0x5], $0x190, $0x38;
	[tilespmem:$0x2C80] =	vst v63  }
0x230: {  	s30 =	simm.s32 $0x1790  }
0x231: {  	[hbm4b:s23+s1] =	stream.linear.scatter [tilespmem:s30], [sflag:$0x5], $0x190, $0x38;
	[tilespmem:$0x2C80] =	vst v63  }
0x232: {  	s22 =	simm.s32 $0x1920  }
0x233: {  	[hbm4b:s0+s1] =	stream.linear.scatter [tilespmem:s22], [sflag:$0x5], $0x190, $0x38;
	[tilespmem:$0x2C80] =	vst v63  }
0x234: {  	s30 =	simm.s32 $0x1AB0  }
0x235: {  	[hbm4b:s24+s1] =	stream.linear.scatter [tilespmem:s30], [sflag:$0x5], $0x190, $0x38;
	[tilespmem:$0x2C80] =	vst v63  }
0x236: {  	s22 =	simm.s32 $0x1C40  }
0x237: {  	[hbm4b:s5+s1] =	stream.linear.scatter [tilespmem:s22], [sflag:$0x5], $0x190, $0x38;
	[tilespmem:$0x2C80] =	vst v63  }
0x238: {  	_ = 	snop  }
0x239: {  	[hbm4b:s6+s1] =	stream.linear.scatter [tilespmem:s13], [sflag:$0x5], $0x190, $0x38;
	[tilespmem:$0x2C80] =	vst v63  }
0x23a: {  	s30 =	simm.s32 $0x1F60  }
0x23b: {  	[hbm4b:s7+s1] =	stream.linear.scatter [tilespmem:s30], [sflag:$0x5], $0x190, $0x38;
	[tilespmem:$0x2C80] =	vst v63  }
0x23c: {  	s22 =	simm.s32 $0x20F0  }
0x23d: {  	[hbm4b:s8+s1] =	stream.linear.scatter [tilespmem:s22], [sflag:$0x5], $0x190, $0x38;
	[tilespmem:$0x2C80] =	vst v63  }
0x23e: {  	s30 =	simm.s32 $0x2280  }
0x23f: {  	[hbm4b:s9+s1] =	stream.linear.scatter [tilespmem:s30], [sflag:$0x5], $0x190, $0x38;
	[tilespmem:$0x2C80] =	vst v63  }
0x240: {  	s22 =	simm.s32 $0x2410  }
0x241: {  	[hbm4b:s10+s1] =	stream.linear.scatter [tilespmem:s22], [sflag:$0x5], $0x190, $0x38;
	[tilespmem:$0x2C80] =	vst v63  }
0x242: {  	_ =	swait.ge [sflag:s14], $0x38  }
0x243: {  	[sflag:s14] =	ssyncset.done $0x0  }
0x244: {  	[sflag:s14] =	ssyncadd.s32 $0xFFFFFFC8  }
0x245: {  	_ =	swait.ge [sflag:s14], $0x38  }
0x246: {  	[sflag:s14] =	ssyncset.done $0x0  }
0x247: {  	[sflag:s14] =	ssyncadd.s32 $0xFFFFFFC8  }
0x248: {  	_ =	swait.ge [sflag:s14], $0x38  }
0x249: {  	[sflag:s14] =	ssyncset.done $0x0  }
0x24a: {  	[sflag:s14] =	ssyncadd.s32 $0xFFFFFFC8  }
0x24b: {  	_ =	swait.ge [sflag:s14], $0x38  }
0x24c: {  	[sflag:s14] =	ssyncset.done $0x0  }
0x24d: {  	[sflag:s14] =	ssyncadd.s32 $0xFFFFFFC8  }
0x24e: {  	_ =	swait.ge [sflag:s14], $0x38  }
0x24f: {  	[sflag:s14] =	ssyncset.done $0x0  }
0x250: {  	[sflag:s14] =	ssyncadd.s32 $0xFFFFFFC8  }
0x251: {  	_ =	swait.ge [sflag:s14], $0x38  }
0x252: {  	[sflag:s14] =	ssyncset.done $0x0  }
0x253: {  	[sflag:s14] =	ssyncadd.s32 $0xFFFFFFC8  }
0x254: {  	_ =	swait.ge [sflag:s14], $0x38  }
0x255: {  	[sflag:s14] =	ssyncset.done $0x0  }
0x256: {  	[sflag:s14] =	ssyncadd.s32 $0xFFFFFFC8  }
0x257: {  	_ =	swait.ge [sflag:s14], $0x38  }
0x258: {  	[sflag:s14] =	ssyncset.done $0x0  }
0x259: {  	[sflag:s14] =	ssyncadd.s32 $0xFFFFFFC8  }
0x25a: {  	_ =	swait.ge [sflag:s14], $0x38  }
0x25b: {  	[sflag:s14] =	ssyncset.done $0x0  }
0x25c: {  	[sflag:s14] =	ssyncadd.s32 $0xFFFFFFC8  }
0x25d: {  	_ =	swait.ge [sflag:s14], $0x38  }
0x25e: {  	[sflag:s14] =	ssyncset.done $0x0  }
0x25f: {  	[sflag:s14] =	ssyncadd.s32 $0xFFFFFFC8  }
0x260: {  	_ =	swait.ge [sflag:s14], $0x38  }
0x261: {  	[sflag:s14] =	ssyncset.done $0x0  }
0x262: {  	[sflag:s14] =	ssyncadd.s32 $0xFFFFFFC8  }
0x263: {  	_ =	swait.ge [sflag:s14], $0x38  }
0x264: {  	[sflag:s14] =	ssyncset.done $0x0  }
0x265: {  	[sflag:s14] =	ssyncadd.s32 $0xFFFFFFC8  }
0x266: {  	_ =	swait.ge [sflag:s14], $0x38  }
0x267: {  	[sflag:s14] =	ssyncset.done $0x0  }
0x268: {  	[sflag:s14] =	ssyncadd.s32 $0xFFFFFFC8  }
0x269: {  	_ =	swait.ge [sflag:s14], $0x38  }
0x26a: {  	[sflag:s14] =	ssyncset.done $0x0  }
0x26b: {  	[sflag:s14] =	ssyncadd.s32 $0xFFFFFFC8  }
0x26c: {  	_ =	swait.ge [sflag:s14], $0x38  }
0x26d: {  	[sflag:s14] =	ssyncset.done $0x0  }
0x26e: {  	[sflag:s14] =	ssyncadd.s32 $0xFFFFFFC8  }
0x26f: {  	_ =	swait.ge [sflag:s14], $0x38  }
0x270: {  	[sflag:s14] =	ssyncset.done $0x0  }
0x271: {  	[sflag:s14] =	ssyncadd.s32 $0xFFFFFFC8  }
0x272: {  	_ =	swait.ge [sflag:s14], $0x38  }
0x273: {  	[sflag:s14] =	ssyncset.done $0x0  }
0x274: {  	[sflag:s14] =	ssyncadd.s32 $0xFFFFFFC8  }
0x275: {  	_ =	swait.ge [sflag:s14], $0x38  }
0x276: {  	[sflag:s14] =	ssyncset.done $0x0  }
0x277: {  	[sflag:s14] =	ssyncadd.s32 $0xFFFFFFC8  }
0x278: {  	s30 =	simm.s32 $0xFA0;
	_ =	swait.ge [sflag:s14], $0x38  }
0x279: {  	v7 =	vadd.s32 s30, v2;
	[sflag:s14] =	ssyncset.done $0x0  }
0x27a: {  	[sflag:s14] =	ssyncadd.s32 $0xFFFFFFC8  }
0x27b: {  	v8 =	vmov s26;
	_ =	swait.ge [sflag:s14], $0x38  }
0x27c: {  	v8 =	vmulhi.u32 $0xCCCCCCCD, v8;
	[sflag:s14] =	ssyncset.done $0x0  }
0x27d: {  	[sflag:s14] =	ssyncadd.s32 $0xFFFFFFC8  }
0x27e: {  	v8 =	vshrl.u32 v8, $0x6;
	v7 =	vld.idx.msk [tilespmem:v7+s1+$0x0], $0xffff  }
0x27f: {  	v9 =	vor.u32 s26, v0;
	v10 =	vmul.u32 $0xFFFFFD8, v8  }
0x280: {  	v9 =	vshrl.u32 v9, $0x1  }
0x281: {  	v9 =	vadd.s32 v9, v10  }
0x282: {  	v9 =	vshll.u32 v9, $0x4  }
0x283: {  	v9 =	vcvt.s32.f32 v9;
	v7 =	vmul.f32 $1.600000000e+01, v7  }
0x284: {  	s22 =	simm.s32 $0xFD8  }
0x285: {  	v10 =	vadd.s32 s22, v2;
	v7 =	vadd.f32 v9, v7;
	_ =	sdelay $0x1  }
0x286: {  	v7 =	vmul.f32 v7, v5  }
0x287: {  	s19 =	simm.s32 $0x25A0  }
0x288: {  	[tilespmem:s19+$0x0] =	vst v7  }
0x289: {  	v7 =	vld.idx.msk [tilespmem:v10+s1+$0x0], $0xffff;
	_ =	sdelay $0x3  }
0x28a: {  	v8 =	vshll.u32 v8, $0x4  }
0x28b: {  	v8 =	vcvt.s32.f32 v8;
	v7 =	vmul.f32 $1.600000000e+01, v7  }
0x28c: {  	s30 =	simm.s32 $0x1010  }
0x28d: {  	v10 =	vadd.s32 s30, v2;
	v7 =	vadd.f32 v8, v7;
	_ =	sdelay $0x1  }
0x28e: {  	v7 =	vmul.f32 v7, v6;
	_ =	sdelay $0x1  }
0x28f: {  	[tilespmem:s19+$0x70] =	vst v7  }
0x290: {  	v7 =	vld.idx.msk [tilespmem:v10+s1+$0x0], $0xffff;
	_ =	sdelay $0x4  }
0x291: {  	v7 =	vmul.f32 $1.600000000e+01, v7  }
0x292: {  	s30 =	simm.s32 $0x1048  }
0x293: {  	v10 =	vadd.s32 s30, v2;
	v7 =	vadd.f32 v9, v7;
	_ =	sdelay $0x1  }
0x294: {  	v7 =	vmul.f32 v7, v5;
	_ =	sdelay $0x1  }
0x295: {  	[tilespmem:s19+$0xE0] =	vst v7  }
0x296: {  	v7 =	vld.idx.msk [tilespmem:v10+s1+$0x0], $0xffff;
	_ =	sdelay $0x4  }
0x297: {  	v7 =	vmul.f32 $1.600000000e+01, v7  }
0x298: {  	s30 =	simm.s32 $0x1080  }
0x299: {  	v10 =	vadd.s32 s30, v2;
	v7 =	vadd.f32 v8, v7;
	_ =	sdelay $0x1  }
0x29a: {  	v7 =	vmul.f32 v7, v6;
	_ =	sdelay $0x1  }
0x29b: {  	[tilespmem:s19+$0x150] =	vst v7  }
0x29c: {  	v7 =	vld.idx.msk [tilespmem:v10+s1+$0x0], $0xffff;
	_ =	sdelay $0x4  }
0x29d: {  	v7 =	vmul.f32 $1.600000000e+01, v7  }
0x29e: {  	s30 =	simm.s32 $0x10B8  }
0x29f: {  	v10 =	vadd.s32 s30, v2;
	v7 =	vadd.f32 v9, v7;
	_ =	sdelay $0x1  }
0x2a0: {  	v7 =	vmul.f32 v7, v5;
	_ =	sdelay $0x1  }
0x2a1: {  	[tilespmem:s19+$0x1C0] =	vst v7  }
0x2a2: {  	v7 =	vld.idx.msk [tilespmem:v10+s1+$0x0], $0xffff;
	_ =	sdelay $0x4  }
0x2a3: {  	v7 =	vmul.f32 $1.600000000e+01, v7  }
0x2a4: {  	s30 =	simm.s32 $0x10F0  }
0x2a5: {  	v10 =	vadd.s32 s30, v2;
	v7 =	vadd.f32 v8, v7;
	_ =	sdelay $0x1  }
0x2a6: {  	v7 =	vmul.f32 v7, v6;
	_ =	sdelay $0x1  }
0x2a7: {  	[tilespmem:s19+$0x230] =	vst v7  }
0x2a8: {  	v7 =	vld.idx.msk [tilespmem:v10+s1+$0x0], $0xffff;
	_ =	sdelay $0x4  }
0x2a9: {  	v7 =	vmul.f32 $1.600000000e+01, v7  }
0x2aa: {  	s30 =	simm.s32 $0x1128  }
0x2ab: {  	v10 =	vadd.s32 s30, v2;
	v7 =	vadd.f32 v9, v7;
	_ =	sdelay $0x1  }
0x2ac: {  	v7 =	vmul.f32 v7, v5;
	_ =	sdelay $0x1  }
0x2ad: {  	[tilespmem:s19+$0x2A0] =	vst v7  }
0x2ae: {  	v7 =	vld.idx.msk [tilespmem:v10+s1+$0x0], $0xffff;
	_ =	sdelay $0x4  }
0x2af: {  	v7 =	vmul.f32 $1.600000000e+01, v7  }
0x2b0: {  	s30 =	simm.s32 $0x1160  }
0x2b1: {  	v10 =	vadd.s32 s30, v2;
	v7 =	vadd.f32 v8, v7;
	_ =	sdelay $0x1  }
0x2b2: {  	v7 =	vmul.f32 v7, v6;
	_ =	sdelay $0x1  }
0x2b3: {  	[tilespmem:s19+$0x310] =	vst v7  }
0x2b4: {  	v7 =	vld.idx.msk [tilespmem:v10+s1+$0x0], $0xffff;
	_ =	sdelay $0x4  }
0x2b5: {  	v7 =	vmul.f32 $1.600000000e+01, v7  }
0x2b6: {  	s30 =	simm.s32 $0x1198  }
0x2b7: {  	v7 =	vadd.f32 v9, v7;
	v9 =	vadd.s32 s30, v2;
	_ =	sdelay $0x1  }
0x2b8: {  	v7 =	vmul.f32 v7, v5;
	_ =	sdelay $0x1  }
0x2b9: {  	[tilespmem:s19+$0x380] =	vst v7  }
0x2ba: {  	v7 =	vld.idx.msk [tilespmem:v9+s1+$0x0], $0xffff;
	_ =	sdelay $0x4  }
0x2bb: {  	v9 =	vmul.f32 $1.600000000e+01, v7  }
0x2bc: {  	s22 =	simm.s32 $0xFA8  }
0x2bd: {  	s29 =	smov.u32 s26;
	s28 =	simm.s32 $0xFB0;
	v7 =	vadd.s32 s22, v2;
	v8 =	vadd.f32 v8, v9  }
.LBB2_4:
0x2be: {  	p0 =	sne.s32 s28, $0xFD0  }
0x2bf: {  	s29 =	sadd.s32 $0x10, s29;
	v8 =	vmul.f32 v8, v6  }
0x2c0: {  	v9 =	vmov s29  }
0x2c1: {  	v9 =	vmulhi.u32 $0xCCCCCCCD, v9;
	[tilespmem:s19+$0x3F0] =	vst v8  }
0x2c2: {  	v8 =	vld.idx.msk [tilespmem:v7+s1+$0x0], $0xffff  }
0x2c3: {  	v9 =	vshrl.u32 v9, $0x6  }
0x2c4: {  	v7 =	vor.u32 s29, v0;
	v10 =	vmul.u32 $0xFFFFFD8, v9  }
0x2c5: {  	v7 =	vshrl.u32 v7, $0x1  }
0x2c6: {  	v7 =	vadd.s32 v7, v10  }
0x2c7: {  	v7 =	vshll.u32 v7, $0x4  }
0x2c8: {  	v7 =	vcvt.s32.f32 v7;
	v8 =	vmul.f32 $1.600000000e+01, v8  }
0x2c9: {  	s30 =	sadd.s32 $0x38, s22  }
0x2ca: {  	v10 =	vadd.s32 s30, v2;
	v8 =	vadd.f32 v7, v8;
	_ =	sdelay $0x1  }
0x2cb: {  	v8 =	vmul.f32 v8, v5  }
0x2cc: {  	s19 =	sadd.s32 $0x10, s19  }
0x2cd: {  	[tilespmem:s19+$0x0] =	vst v8  }
0x2ce: {  	v10 =	vld.idx.msk [tilespmem:v10+s1+$0x0], $0xffff;
	_ =	sdelay $0x4  }
0x2cf: {  	v8 =	vshll.u32 v9, $0x4  }
0x2d0: {  	v8 =	vcvt.s32.f32 v8;
	v9 =	vmul.f32 $1.600000000e+01, v10  }
0x2d1: {  	s30 =	sadd.s32 $0x70, s22  }
0x2d2: {  	v10 =	vadd.s32 s30, v2;
	v9 =	vadd.f32 v8, v9;
	_ =	sdelay $0x1  }
0x2d3: {  	v9 =	vmul.f32 v9, v6;
	_ =	sdelay $0x1  }
0x2d4: {  	[tilespmem:s19+$0x70] =	vst v9  }
0x2d5: {  	v9 =	vld.idx.msk [tilespmem:v10+s1+$0x0], $0xffff;
	_ =	sdelay $0x5  }
0x2d6: {  	v9 =	vmul.f32 $1.600000000e+01, v9  }
0x2d7: {  	s30 =	sadd.s32 $0xA8, s22  }
0x2d8: {  	v10 =	vadd.s32 s30, v2;
	v9 =	vadd.f32 v7, v9;
	_ =	sdelay $0x1  }
0x2d9: {  	v9 =	vmul.f32 v9, v5;
	_ =	sdelay $0x1  }
0x2da: {  	[tilespmem:s19+$0xE0] =	vst v9  }
0x2db: {  	v9 =	vld.idx.msk [tilespmem:v10+s1+$0x0], $0xffff;
	_ =	sdelay $0x5  }
0x2dc: {  	v9 =	vmul.f32 $1.600000000e+01, v9  }
0x2dd: {  	s30 =	sadd.s32 $0xE0, s22  }
0x2de: {  	v10 =	vadd.s32 s30, v2;
	v9 =	vadd.f32 v8, v9;
	_ =	sdelay $0x1  }
0x2df: {  	v9 =	vmul.f32 v9, v6;
	_ =	sdelay $0x1  }
0x2e0: {  	[tilespmem:s19+$0x150] =	vst v9  }
0x2e1: {  	v9 =	vld.idx.msk [tilespmem:v10+s1+$0x0], $0xffff;
	_ =	sdelay $0x5  }
0x2e2: {  	v9 =	vmul.f32 $1.600000000e+01, v9  }
0x2e3: {  	s30 =	sadd.s32 $0x118, s22  }
0x2e4: {  	v10 =	vadd.s32 s30, v2;
	v9 =	vadd.f32 v7, v9;
	_ =	sdelay $0x1  }
0x2e5: {  	v9 =	vmul.f32 v9, v5;
	_ =	sdelay $0x1  }
0x2e6: {  	[tilespmem:s19+$0x1C0] =	vst v9  }
0x2e7: {  	v9 =	vld.idx.msk [tilespmem:v10+s1+$0x0], $0xffff;
	_ =	sdelay $0x5  }
0x2e8: {  	v9 =	vmul.f32 $1.600000000e+01, v9  }
0x2e9: {  	s30 =	sadd.s32 $0x150, s22  }
0x2ea: {  	v10 =	vadd.s32 s30, v2;
	v9 =	vadd.f32 v8, v9;
	_ =	sdelay $0x1  }
0x2eb: {  	v9 =	vmul.f32 v9, v6;
	_ =	sdelay $0x1  }
0x2ec: {  	[tilespmem:s19+$0x230] =	vst v9  }
0x2ed: {  	v9 =	vld.idx.msk [tilespmem:v10+s1+$0x0], $0xffff;
	_ =	sdelay $0x5  }
0x2ee: {  	v9 =	vmul.f32 $1.600000000e+01, v9  }
0x2ef: {  	s30 =	sadd.s32 $0x188, s22  }
0x2f0: {  	v10 =	vadd.s32 s30, v2;
	v9 =	vadd.f32 v7, v9;
	_ =	sdelay $0x1  }
0x2f1: {  	v9 =	vmul.f32 v9, v5;
	_ =	sdelay $0x1  }
0x2f2: {  	[tilespmem:s19+$0x2A0] =	vst v9  }
0x2f3: {  	v9 =	vld.idx.msk [tilespmem:v10+s1+$0x0], $0xffff;
	_ =	sdelay $0x5  }
0x2f4: {  	v9 =	vmul.f32 $1.600000000e+01, v9  }
0x2f5: {  	s30 =	sadd.s32 $0x1C0, s22  }
0x2f6: {  	v10 =	vadd.s32 s30, v2;
	v9 =	vadd.f32 v8, v9;
	_ =	sdelay $0x1  }
0x2f7: {  	v9 =	vmul.f32 v9, v6;
	_ =	sdelay $0x1  }
0x2f8: {  	[tilespmem:s19+$0x310] =	vst v9  }
0x2f9: {  	v9 =	vld.idx.msk [tilespmem:v10+s1+$0x0], $0xffff;
	_ =	sdelay $0x5  }
0x2fa: {  	v9 =	vmul.f32 $1.600000000e+01, v9  }
0x2fb: {  	s30 =	sadd.s32 $0x1F8, s22;
	s22 =	smov.u32 s28  }
0x2fc: {  	v7 =	vadd.f32 v7, v9;
	v9 =	vadd.s32 s30, v2;
	_ =	sdelay $0x1  }
0x2fd: {  	v7 =	vmul.f32 v7, v5;
	_ =	sdelay $0x1  }
0x2fe: {  	[tilespmem:s19+$0x380] =	vst v7  }
0x2ff: {  	v7 =	vld.idx.msk [tilespmem:v9+s1+$0x0], $0xffff;
	_ =	sdelay $0x3  }
.Ltmp1:
0x300: {  	(pc) =	sbr.rel @p0 .LBB2_4-.Ltmp1, $3  }
0x301: {  	_ = 	snop  }
0x302: {  	v9 =	vmul.f32 $1.600000000e+01, v7;
	_ =	sdelay $0x1  }
0x303: {  	s28 =	sadd.s32 $0x8, s28;
	v7 =	vadd.s32 s22, v2;
	v8 =	vadd.f32 v8, v9  }
0x304: {  	s28 =	sadd.s32 $0x10, s29  }
0x305: {  	v8 =	vmul.f32 v8, v6;
	v9 =	vmov s28  }
0x306: {  	v9 =	vmulhi.u32 $0xCCCCCCCD, v9  }
0x307: {  	[tilespmem:s19+$0x3F0] =	vst v8  }
0x308: {  	v7 =	vld.idx.msk [tilespmem:v7+s1+$0x0], $0xffff;
	v8 =	vshrl.u32 v9, $0x6  }
0x309: {  	v54 =	vor.u32 s28, v0;
	v10 =	vmul.u32 $0xFFFFFD8, v8  }
0x30a: {  	v9 =	vshrl.u32 v54, $0x1  }
0x30b: {  	v9 =	vadd.s32 v9, v10  }
0x30c: {  	v9 =	vshll.u32 v9, $0x4  }
0x30d: {  	v9 =	vcvt.s32.f32 v9;
	v7 =	vmul.f32 $1.600000000e+01, v7  }
0x30e: {  	s29 =	sadd.s32 $0x38, s22  }
0x30f: {  	v55 =	vadd.s32 s29, v2;
	v7 =	vadd.f32 v9, v7;
	_ =	sdelay $0x1  }
0x310: {  	v7 =	vmul.f32 v7, v5  }
0x311: {  	s19 =	sadd.s32 $0x10, s19  }
0x312: {  	[tilespmem:s19+$0x0] =	vst v7  }
0x313: {  	v7 =	vld.idx.msk [tilespmem:v55+s1+$0x0], $0xffff;
	_ =	sdelay $0x3  }
0x314: {  	v8 =	vshll.u32 v8, $0x4  }
0x315: {  	v8 =	vcvt.s32.f32 v8;
	v7 =	vmul.f32 $1.600000000e+01, v7  }
0x316: {  	s30 =	sadd.s32 $0x70, s22  }
0x317: {  	v56 =	vadd.s32 s30, v2;
	v7 =	vadd.f32 v8, v7;
	_ =	sdelay $0x1  }
0x318: {  	v7 =	vmul.f32 v7, v6;
	_ =	sdelay $0x1  }
0x319: {  	[tilespmem:s19+$0x70] =	vst v7  }
0x31a: {  	v7 =	vld.idx.msk [tilespmem:v56+s1+$0x0], $0xffff;
	_ =	sdelay $0x4  }
0x31b: {  	v7 =	vmul.f32 $1.600000000e+01, v7  }
0x31c: {  	s29 =	sadd.s32 $0xA8, s22  }
0x31d: {  	v57 =	vadd.s32 s29, v2;
	v7 =	vadd.f32 v9, v7;
	_ =	sdelay $0x1  }
0x31e: {  	v7 =	vmul.f32 v7, v5;
	_ =	sdelay $0x1  }
0x31f: {  	[tilespmem:s19+$0xE0] =	vst v7  }
0x320: {  	v7 =	vld.idx.msk [tilespmem:v57+s1+$0x0], $0xffff;
	_ =	sdelay $0x4  }
0x321: {  	v7 =	vmul.f32 $1.600000000e+01, v7  }
0x322: {  	s30 =	sadd.s32 $0xE0, s22  }
0x323: {  	v58 =	vadd.s32 s30, v2;
	v7 =	vadd.f32 v8, v7;
	_ =	sdelay $0x1  }
0x324: {  	v7 =	vmul.f32 v7, v6;
	_ =	sdelay $0x1  }
0x325: {  	[tilespmem:s19+$0x150] =	vst v7  }
0x326: {  	v7 =	vld.idx.msk [tilespmem:v58+s1+$0x0], $0xffff;
	_ =	sdelay $0x4  }
0x327: {  	v7 =	vmul.f32 $1.600000000e+01, v7  }
0x328: {  	s29 =	sadd.s32 $0x118, s22  }
0x329: {  	v59 =	vadd.s32 s29, v2;
	v7 =	vadd.f32 v9, v7;
	_ =	sdelay $0x1  }
0x32a: {  	v7 =	vmul.f32 v7, v5;
	_ =	sdelay $0x1  }
0x32b: {  	[tilespmem:s19+$0x1C0] =	vst v7  }
0x32c: {  	v7 =	vld.idx.msk [tilespmem:v59+s1+$0x0], $0xffff;
	_ =	sdelay $0x4  }
0x32d: {  	v7 =	vmul.f32 $1.600000000e+01, v7  }
0x32e: {  	s30 =	sadd.s32 $0x150, s22  }
0x32f: {  	v60 =	vadd.s32 s30, v2;
	v7 =	vadd.f32 v8, v7;
	_ =	sdelay $0x1  }
0x330: {  	v7 =	vmul.f32 v7, v6;
	_ =	sdelay $0x1  }
0x331: {  	[tilespmem:s19+$0x230] =	vst v7  }
0x332: {  	v7 =	vld.idx.msk [tilespmem:v60+s1+$0x0], $0xffff;
	_ =	sdelay $0x4  }
0x333: {  	v7 =	vmul.f32 $1.600000000e+01, v7  }
0x334: {  	s29 =	sadd.s32 $0x188, s22  }
0x335: {  	v61 =	vadd.s32 s29, v2;
	v7 =	vadd.f32 v9, v7;
	_ =	sdelay $0x1  }
0x336: {  	v7 =	vmul.f32 v7, v5;
	_ =	sdelay $0x1  }
0x337: {  	[tilespmem:s19+$0x2A0] =	vst v7  }
0x338: {  	v7 =	vld.idx.msk [tilespmem:v61+s1+$0x0], $0xffff;
	_ =	sdelay $0x4  }
0x339: {  	v7 =	vmul.f32 $1.600000000e+01, v7  }
0x33a: {  	s30 =	sadd.s32 $0x1C0, s22  }
0x33b: {  	v62 =	vadd.s32 s30, v2;
	v7 =	vadd.f32 v8, v7;
	_ =	sdelay $0x1  }
0x33c: {  	v7 =	vmul.f32 v7, v6;
	_ =	sdelay $0x1  }
0x33d: {  	[tilespmem:s19+$0x310] =	vst v7  }
0x33e: {  	v7 =	vld.idx.msk [tilespmem:v62+s1+$0x0], $0xffff;
	_ =	sdelay $0x4  }
0x33f: {  	v7 =	vmul.f32 $1.600000000e+01, v7  }
0x340: {  	s28 =	sadd.s32 $0x1F8, s22  }
0x341: {  	v63 =	vadd.s32 s28, v2;
	v7 =	vadd.f32 v9, v7;
	_ =	sdelay $0x1  }
0x342: {  	v7 =	vmul.f32 v7, v5;
	_ =	sdelay $0x1  }
0x343: {  	[tilespmem:s19+$0x380] =	vst v7  }
0x344: {  	v7 =	vld.idx.msk [tilespmem:v63+s1+$0x0], $0xffff;
	_ =	sdelay $0x4  }
0x345: {  	v7 =	vmul.f32 $1.600000000e+01, v7;
	_ =	sdelay $0x1  }
0x346: {  	v7 =	vadd.f32 v8, v7;
	_ =	sdelay $0x1  }
0x347: {  	v7 =	vmul.f32 v7, v6;
	_ =	sdelay $0x1  }
0x348: {  	s29 =	rddreg [dreg:$0x18];
	s30 =	simm.s32 $0x25A0;
	[tilespmem:s19+$0x3F0] =	vst v7;
	s19 =	simm.s32 $0x0  }
0x349: {  	[hbm4b:s29+s19] =	stream.linear.scatter [tilespmem:s30], [sflag:$0x5], $0x70, $0x38;
	[tilespmem:$0x2C80] =	vst v63  }
0x34a: {  	s29 =	rddreg [dreg:$0x19];
	s30 =	simm.s32 $0x2610  }
0x34b: {  	[hbm4b:s29+s19] =	stream.linear.scatter [tilespmem:s30], [sflag:$0x5], $0x70, $0x38;
	[tilespmem:$0x2C80] =	vst v63  }
0x34c: {  	s29 =	rddreg [dreg:$0x1a];
	s30 =	simm.s32 $0x2680  }
0x34d: {  	[hbm4b:s29+s19] =	stream.linear.scatter [tilespmem:s30], [sflag:$0x5], $0x70, $0x38;
	[tilespmem:$0x2C80] =	vst v63  }
0x34e: {  	s29 =	rddreg [dreg:$0x1b];
	s30 =	simm.s32 $0x26F0  }
0x34f: {  	[hbm4b:s29+s19] =	stream.linear.scatter [tilespmem:s30], [sflag:$0x5], $0x70, $0x38;
	[tilespmem:$0x2C80] =	vst v63  }
0x350: {  	s29 =	rddreg [dreg:$0x1c];
	s30 =	simm.s32 $0x2760  }
0x351: {  	[hbm4b:s29+s19] =	stream.linear.scatter [tilespmem:s30], [sflag:$0x5], $0x70, $0x38;
	[tilespmem:$0x2C80] =	vst v63  }
0x352: {  	s29 =	rddreg [dreg:$0x1d];
	s30 =	simm.s32 $0x27D0  }
0x353: {  	[hbm4b:s29+s19] =	stream.linear.scatter [tilespmem:s30], [sflag:$0x5], $0x70, $0x38;
	[tilespmem:$0x2C80] =	vst v63  }
0x354: {  	s29 =	rddreg [dreg:$0x1e];
	s30 =	simm.s32 $0x2840  }
0x355: {  	[hbm4b:s29+s19] =	stream.linear.scatter [tilespmem:s30], [sflag:$0x5], $0x70, $0x38;
	[tilespmem:$0x2C80] =	vst v63  }
0x356: {  	s29 =	rddreg [dreg:$0x1f];
	s30 =	simm.s32 $0x28B0  }
0x357: {  	[hbm4b:s29+s19] =	stream.linear.scatter [tilespmem:s30], [sflag:$0x5], $0x70, $0x38;
	[tilespmem:$0x2C80] =	vst v63  }
0x358: {  	s29 =	sld [smem:$0x7BD];
	_ =	sdelay $0x1  }
0x359: {  	s30 =	simm.s32 $0x2920  }
0x35a: {  	[hbm4b:s29+s19] =	stream.linear.scatter [tilespmem:s30], [sflag:$0x5], $0x70, $0x38;
	[tilespmem:$0x2C80] =	vst v63  }
0x35b: {  	s29 =	sld [smem:$0x7BE];
	_ =	sdelay $0x1  }
0x35c: {  	s30 =	simm.s32 $0x2990  }
0x35d: {  	[hbm4b:s29+s19] =	stream.linear.scatter [tilespmem:s30], [sflag:$0x5], $0x70, $0x38;
	[tilespmem:$0x2C80] =	vst v63  }
0x35e: {  	_ =	swait.ge [sflag:s15], $0x10  }
0x35f: {  	[sflag:s15] =	ssyncset.done $0x0  }
0x360: {  	[sflag:s15] =	ssyncadd.s32 $0xFFFFFFF0  }
0x361: {  	_ =	swait.ge [sflag:s15], $0x10  }
0x362: {  	[sflag:s15] =	ssyncset.done $0x0  }
0x363: {  	[sflag:s15] =	ssyncadd.s32 $0xFFFFFFF0  }
0x364: {  	_ =	swait.ge [sflag:s15], $0x10  }
0x365: {  	[sflag:s15] =	ssyncset.done $0x0  }
0x366: {  	[sflag:s15] =	ssyncadd.s32 $0xFFFFFFF0  }
0x367: {  	_ =	swait.ge [sflag:s15], $0x10  }
0x368: {  	[sflag:s15] =	ssyncset.done $0x0  }
0x369: {  	[sflag:s15] =	ssyncadd.s32 $0xFFFFFFF0  }
0x36a: {  	_ =	swait.ge [sflag:s15], $0x10  }
0x36b: {  	[sflag:s15] =	ssyncset.done $0x0  }
0x36c: {  	[sflag:s15] =	ssyncadd.s32 $0xFFFFFFF0  }
0x36d: {  	_ =	swait.ge [sflag:s15], $0x10  }
0x36e: {  	[sflag:s15] =	ssyncset.done $0x0  }
0x36f: {  	[sflag:s15] =	ssyncadd.s32 $0xFFFFFFF0  }
0x370: {  	_ =	swait.ge [sflag:s15], $0x10  }
0x371: {  	[sflag:s15] =	ssyncset.done $0x0  }
0x372: {  	[sflag:s15] =	ssyncadd.s32 $0xFFFFFFF0  }
0x373: {  	_ =	swait.ge [sflag:s15], $0x10  }
0x374: {  	[sflag:s15] =	ssyncset.done $0x0  }
0x375: {  	[sflag:s15] =	ssyncadd.s32 $0xFFFFFFF0  }
0x376: {  	_ =	swait.ge [sflag:s15], $0x10  }
0x377: {  	[sflag:s15] =	ssyncset.done $0x0  }
0x378: {  	[sflag:s15] =	ssyncadd.s32 $0xFFFFFFF0  }
0x379: {  	_ =	swait.ge [sflag:s15], $0x10  }
0x37a: {  	[sflag:s15] =	ssyncset.done $0x0  }
0x37b: {  	[sflag:s15] =	ssyncadd.s32 $0xFFFFFFF0  }
0x37c: {  	_ =	swait.ge [sflag:s15], $0x10  }
0x37d: {  	[sflag:s15] =	ssyncset.done $0x0  }
0x37e: {  	[sflag:s15] =	ssyncadd.s32 $0xFFFFFFF0  }
0x37f: {  	_ =	swait.ge [sflag:s15], $0x10  }
0x380: {  	[sflag:s15] =	ssyncset.done $0x0  }
0x381: {  	[sflag:s15] =	ssyncadd.s32 $0xFFFFFFF0  }
0x382: {  	_ =	swait.ge [sflag:s15], $0x10  }
0x383: {  	[sflag:s15] =	ssyncset.done $0x0  }
0x384: {  	[sflag:s15] =	ssyncadd.s32 $0xFFFFFFF0  }
0x385: {  	_ =	swait.ge [sflag:s15], $0x10  }
0x386: {  	[sflag:s15] =	ssyncset.done $0x0  }
0x387: {  	[sflag:s15] =	ssyncadd.s32 $0xFFFFFFF0  }
0x388: {  	_ =	swait.ge [sflag:s15], $0x10  }
0x389: {  	[sflag:s15] =	ssyncset.done $0x0  }
0x38a: {  	[sflag:s15] =	ssyncadd.s32 $0xFFFFFFF0  }
0x38b: {  	_ =	swait.ge [sflag:s15], $0x10  }
0x38c: {  	[sflag:s15] =	ssyncset.done $0x0  }
0x38d: {  	[sflag:s15] =	ssyncadd.s32 $0xFFFFFFF0  }
0x38e: {  	_ =	swait.ge [sflag:s15], $0x10  }
0x38f: {  	[sflag:s15] =	ssyncset.done $0x0  }
0x390: {  	[sflag:s15] =	ssyncadd.s32 $0xFFFFFFF0  }
0x391: {  	_ =	swait.ge [sflag:s15], $0x10  }
0x392: {  	[sflag:s15] =	ssyncset.done $0x0  }
0x393: {  	[sflag:s15] =	ssyncadd.s32 $0xFFFFFFF0  }
0x394: {  	_ =	swait.ge [sflag:s15], $0x10  }
0x395: {  	[sflag:s15] =	ssyncset.done $0x0  }
0x396: {  	[sflag:s15] =	ssyncadd.s32 $0xFFFFFFF0  }
0x397: {  	_ =	swait.ge [sflag:s15], $0x10  }
0x398: {  	[sflag:s15] =	ssyncset.done $0x0  }
0x399: {  	p0 =	por $0x1, $0x1;
	[sflag:s15] =	ssyncadd.s32 $0xFFFFFFF0  }
.LBB2_6:
0x39a: {  	s22 =	sshll.u32 s19, $0x3  }
0x39b: {  	s28 =	sor.u32 $0x1400, s22  }
0x39c: {  	s19 =	sshll.u32 s19, $0x4;
	v7 =	vor.u32 s28, v3  }
0x39d: {  	s30 =	sadd.s32 s21, s19  }
0x39e: {  	v8 =	vor.u32 s30, v0  }
0x39f: {  	v9 =	vmulhi.u32 $0x66666667, v8;
	_ =	sdelay $0x1  }
0x3a0: {  	v9 =	vshrl.u32 v9, $0x4;
	v7 =	vld.idx.msk [tilespmem:v7+s1+$0x0], $0xffff  }
0x3a1: {  	v10 =	vmul.u32 $0x7FFFFEC, v9  }
0x3a2: {  	v8 =	vshrl.u32 v8, $0x1  }
0x3a3: {  	v8 =	vadd.s32 v8, v10  }
0x3a4: {  	v8 =	vshll.u32 v8, $0x5  }
0x3a5: {  	v8 =	vcvt.s32.f32 v8;
	v7 =	vmul.f32 $3.200000000e+01, v7  }
0x3a6: {  	s29 =	sor.u32 $0x1410, s22  }
0x3a7: {  	v56 =	vor.u32 s29, v3;
	v7 =	vadd.f32 v8, v7;
	_ =	sdelay $0x1  }
0x3a8: {  	v7 =	vmul.f32 v7, v5;
	_ =	sdelay $0x1  }
0x3a9: {  	[tilespmem:s19+$0x2A00] =	vst v7  }
0x3aa: {  	v7 =	vld.idx.msk [tilespmem:v56+s1+$0x0], $0xffff;
	_ =	sdelay $0x3  }
0x3ab: {  	v9 =	vshll.u32 v9, $0x5  }
0x3ac: {  	v9 =	vcvt.s32.f32 v9;
	v7 =	vmul.f32 $3.200000000e+01, v7  }
0x3ad: {  	s30 =	sor.u32 $0x1420, s22  }
0x3ae: {  	v57 =	vadd.s32 s30, v3;
	v7 =	vadd.f32 v9, v7;
	_ =	sdelay $0x1  }
0x3af: {  	v7 =	vmul.f32 v7, v6;
	_ =	sdelay $0x1  }
0x3b0: {  	[tilespmem:s19+$0x2A20] =	vst v7  }
0x3b1: {  	v7 =	vld.idx.msk [tilespmem:v57+s1+$0x0], $0xffff;
	_ =	sdelay $0x4  }
0x3b2: {  	v7 =	vmul.f32 $3.200000000e+01, v7  }
0x3b3: {  	s29 =	sor.u32 $0x1430, s22  }
0x3b4: {  	v58 =	vadd.s32 s29, v3;
	v7 =	vadd.f32 v8, v7;
	_ =	sdelay $0x1  }
0x3b5: {  	v7 =	vmul.f32 v7, v5;
	_ =	sdelay $0x1  }
0x3b6: {  	[tilespmem:s19+$0x2A40] =	vst v7  }
0x3b7: {  	v7 =	vld.idx.msk [tilespmem:v58+s1+$0x0], $0xffff;
	_ =	sdelay $0x4  }
0x3b8: {  	v7 =	vmul.f32 $3.200000000e+01, v7  }
0x3b9: {  	s30 =	sor.u32 $0x1440, s22  }
0x3ba: {  	v59 =	vor.u32 s30, v3;
	v7 =	vadd.f32 v9, v7;
	_ =	sdelay $0x1  }
0x3bb: {  	v7 =	vmul.f32 v7, v6;
	_ =	sdelay $0x1  }
0x3bc: {  	[tilespmem:s19+$0x2A60] =	vst v7  }
0x3bd: {  	v7 =	vld.idx.msk [tilespmem:v59+s1+$0x0], $0xffff;
	_ =	sdelay $0x4  }
0x3be: {  	v7 =	vmul.f32 $3.200000000e+01, v7  }
0x3bf: {  	s29 =	sor.u32 $0x1450, s22  }
0x3c0: {  	v60 =	vor.u32 s29, v3;
	v7 =	vadd.f32 v8, v7;
	_ =	sdelay $0x1  }
0x3c1: {  	v7 =	vmul.f32 v7, v5;
	_ =	sdelay $0x1  }
0x3c2: {  	[tilespmem:s19+$0x2A80] =	vst v7  }
0x3c3: {  	v7 =	vld.idx.msk [tilespmem:v60+s1+$0x0], $0xffff;
	_ =	sdelay $0x4  }
0x3c4: {  	v7 =	vmul.f32 $3.200000000e+01, v7  }
0x3c5: {  	s30 =	sor.u32 $0x1460, s22  }
0x3c6: {  	v61 =	vadd.s32 s30, v3;
	v7 =	vadd.f32 v9, v7;
	_ =	sdelay $0x1  }
0x3c7: {  	v7 =	vmul.f32 v7, v6;
	_ =	sdelay $0x1  }
0x3c8: {  	[tilespmem:s19+$0x2AA0] =	vst v7  }
0x3c9: {  	v7 =	vld.idx.msk [tilespmem:v61+s1+$0x0], $0xffff;
	_ =	sdelay $0x4  }
0x3ca: {  	v7 =	vmul.f32 $3.200000000e+01, v7  }
0x3cb: {  	s29 =	sor.u32 $0x1470, s22  }
0x3cc: {  	v62 =	vadd.s32 s29, v3;
	v7 =	vadd.f32 v8, v7;
	_ =	sdelay $0x1  }
0x3cd: {  	v7 =	vmul.f32 v7, v5;
	_ =	sdelay $0x1  }
0x3ce: {  	[tilespmem:s19+$0x2AC0] =	vst v7  }
0x3cf: {  	v7 =	vld.idx.msk [tilespmem:v62+s1+$0x0], $0xffff;
	_ =	sdelay $0x4  }
0x3d0: {  	v7 =	vmul.f32 $3.200000000e+01, v7  }
0x3d1: {  	s30 =	sor.u32 $0x1480, s22  }
0x3d2: {  	v63 =	vadd.s32 s30, v3;
	v7 =	vadd.f32 v9, v7;
	_ =	sdelay $0x1  }
0x3d3: {  	v7 =	vmul.f32 v7, v6;
	_ =	sdelay $0x1  }
0x3d4: {  	[tilespmem:s19+$0x2AE0] =	vst v7  }
0x3d5: {  	v7 =	vld.idx.msk [tilespmem:v63+s1+$0x0], $0xffff;
	_ =	sdelay $0x4  }
0x3d6: {  	v7 =	vmul.f32 $3.200000000e+01, v7  }
0x3d7: {  	s22 =	sor.u32 $0x1490, s22  }
0x3d8: {  	v7 =	vadd.f32 v8, v7;
	v8 =	vadd.s32 s22, v3;
	_ =	sdelay $0x1  }
0x3d9: {  	v7 =	vmul.f32 v7, v5;
	_ =	sdelay $0x1  }
0x3da: {  	[tilespmem:s19+$0x2B00] =	vst v7  }
0x3db: {  	v7 =	vld.idx.msk [tilespmem:v8+s1+$0x0], $0xffff;
	_ =	sdelay $0x4  }
0x3dc: {  	v7 =	vmul.f32 $3.200000000e+01, v7  }
0x3dd: {  	p1 =	por p0, p0  }
.Ltmp2:
0x3de: {  	v7 =	vadd.f32 v9, v7;
	(pc) =	sbr.rel @p1 .LBB2_6-.Ltmp2, $3  }
0x3df: {  	_ = 	snop  }
0x3e0: {  	v7 =	vmul.f32 v7, v6;
	_ =	sdelay $0x1  }
0x3e1: {  	p0 =	por $0x0, $0x0;
	[tilespmem:s19+$0x2B20] =	vst v7;
	s19 =	simm.s32 $0x1  }
0x3e2: {  	s22 =	sld [smem:$0x7BF];
	_ =	sdelay $0x1  }
0x3e3: {  	s19 =	simm.s32 $0x0;
	s28 =	simm.s32 $0x2A00;
	s29 =	sld [smem:$0x7C0]  }
0x3e4: {  	[hbm4b:s22+s19] =	stream.linear.scatter [tilespmem:s28], [sflag:$0x5], $0x20, $0x38;
	[tilespmem:$0x2C80] =	vst v63  }
0x3e5: {  	s30 =	simm.s32 $0x2A20  }
0x3e6: {  	[hbm4b:s29+s19] =	stream.linear.scatter [tilespmem:s30], [sflag:$0x5], $0x20, $0x38;
	[tilespmem:$0x2C80] =	vst v63  }
0x3e7: {  	s29 =	sld [smem:$0x7C1];
	_ =	sdelay $0x1  }
0x3e8: {  	s30 =	simm.s32 $0x2A40  }
0x3e9: {  	[hbm4b:s29+s19] =	stream.linear.scatter [tilespmem:s30], [sflag:$0x5], $0x20, $0x38;
	[tilespmem:$0x2C80] =	vst v63  }
0x3ea: {  	s29 =	sld [smem:$0x7C2];
	_ =	sdelay $0x1  }
0x3eb: {  	s30 =	simm.s32 $0x2A60  }
0x3ec: {  	[hbm4b:s29+s19] =	stream.linear.scatter [tilespmem:s30], [sflag:$0x5], $0x20, $0x38;
	[tilespmem:$0x2C80] =	vst v63  }
0x3ed: {  	s29 =	sld [smem:$0x7C3];
	_ =	sdelay $0x1  }
0x3ee: {  	s30 =	simm.s32 $0x2A80  }
0x3ef: {  	[hbm4b:s29+s19] =	stream.linear.scatter [tilespmem:s30], [sflag:$0x5], $0x20, $0x38;
	[tilespmem:$0x2C80] =	vst v63  }
0x3f0: {  	s29 =	sld [smem:$0x7C4];
	_ =	sdelay $0x1  }
0x3f1: {  	s30 =	simm.s32 $0x2AA0  }
0x3f2: {  	[hbm4b:s29+s19] =	stream.linear.scatter [tilespmem:s30], [sflag:$0x5], $0x20, $0x38;
	[tilespmem:$0x2C80] =	vst v63  }
0x3f3: {  	s29 =	sld [smem:$0x7C5];
	_ =	sdelay $0x1  }
0x3f4: {  	s30 =	simm.s32 $0x2AC0  }
0x3f5: {  	[hbm4b:s29+s19] =	stream.linear.scatter [tilespmem:s30], [sflag:$0x5], $0x20, $0x38;
	[tilespmem:$0x2C80] =	vst v63  }
0x3f6: {  	s29 =	sld [smem:$0x7C6];
	_ =	sdelay $0x1  }
0x3f7: {  	s30 =	simm.s32 $0x2AE0  }
0x3f8: {  	[hbm4b:s29+s19] =	stream.linear.scatter [tilespmem:s30], [sflag:$0x5], $0x20, $0x38;
	[tilespmem:$0x2C80] =	vst v63  }
0x3f9: {  	s29 =	sld [smem:$0x7C7];
	_ =	sdelay $0x1  }
0x3fa: {  	s30 =	simm.s32 $0x2B00  }
0x3fb: {  	[hbm4b:s29+s19] =	stream.linear.scatter [tilespmem:s30], [sflag:$0x5], $0x20, $0x38;
	[tilespmem:$0x2C80] =	vst v63  }
0x3fc: {  	s29 =	sld [smem:$0x7C8];
	_ =	sdelay $0x1  }
0x3fd: {  	s30 =	simm.s32 $0x2B20  }
0x3fe: {  	[hbm4b:s29+s19] =	stream.linear.scatter [tilespmem:s30], [sflag:$0x5], $0x20, $0x38;
	[tilespmem:$0x2C80] =	vst v63  }
0x3ff: {  	_ =	swait.ge [sflag:s16], $0x10  }
0x400: {  	[sflag:s16] =	ssyncset.done $0x0  }
0x401: {  	[sflag:s16] =	ssyncadd.s32 $0xFFFFFFF0  }
0x402: {  	_ =	swait.ge [sflag:s16], $0x10  }
0x403: {  	[sflag:s16] =	ssyncset.done $0x0  }
0x404: {  	[sflag:s16] =	ssyncadd.s32 $0xFFFFFFF0  }
0x405: {  	_ =	swait.ge [sflag:s16], $0x10  }
0x406: {  	[sflag:s16] =	ssyncset.done $0x0  }
0x407: {  	[sflag:s16] =	ssyncadd.s32 $0xFFFFFFF0  }
0x408: {  	_ =	swait.ge [sflag:s16], $0x10  }
0x409: {  	[sflag:s16] =	ssyncset.done $0x0  }
0x40a: {  	[sflag:s16] =	ssyncadd.s32 $0xFFFFFFF0  }
0x40b: {  	_ =	swait.ge [sflag:s16], $0x10  }
0x40c: {  	[sflag:s16] =	ssyncset.done $0x0  }
0x40d: {  	[sflag:s16] =	ssyncadd.s32 $0xFFFFFFF0  }
0x40e: {  	_ =	swait.ge [sflag:s16], $0x10  }
0x40f: {  	[sflag:s16] =	ssyncset.done $0x0  }
0x410: {  	[sflag:s16] =	ssyncadd.s32 $0xFFFFFFF0  }
0x411: {  	_ =	swait.ge [sflag:s16], $0x10  }
0x412: {  	[sflag:s16] =	ssyncset.done $0x0  }
0x413: {  	[sflag:s16] =	ssyncadd.s32 $0xFFFFFFF0  }
0x414: {  	_ =	swait.ge [sflag:s16], $0x10  }
0x415: {  	[sflag:s16] =	ssyncset.done $0x0  }
0x416: {  	p0 =	por $0x1, $0x1;
	[sflag:s16] =	ssyncadd.s32 $0xFFFFFFF0  }
.LBB2_8:
0x417: {  	s22 =	sshll.u32 s19, $0x3  }
0x418: {  	s28 =	sor.u32 $0x1540, s22  }
0x419: {  	s19 =	sshll.u32 s19, $0x4;
	v7 =	vadd.s32 s28, v4  }
0x41a: {  	s30 =	sadd.s32 s21, s19  }
0x41b: {  	v8 =	vor.u32 s30, v0  }
0x41c: {  	v9 =	vmulhi.u32 $0x66666667, v8;
	_ =	sdelay $0x1  }
0x41d: {  	v9 =	vshrl.u32 v9, $0x4;
	v7 =	vld.idx.msk [tilespmem:v7+s1+$0x0], $0xffff  }
0x41e: {  	v10 =	vmul.u32 $0x7FFFFEC, v9  }
0x41f: {  	v8 =	vshrl.u32 v8, $0x1  }
0x420: {  	v8 =	vadd.s32 v8, v10  }
0x421: {  	v8 =	vshll.u32 v8, $0x5  }
0x422: {  	v8 =	vcvt.s32.f32 v8;
	v7 =	vmul.f32 $3.200000000e+01, v7  }
0x423: {  	s29 =	sor.u32 $0x1550, s22  }
0x424: {  	v62 =	vadd.s32 s29, v4;
	v7 =	vsub.f32 v8, v7;
	_ =	sdelay $0x1  }
0x425: {  	v7 =	vmul.f32 v7, v5;
	_ =	sdelay $0x1  }
0x426: {  	[tilespmem:s19+$0x2B40] =	vst v7  }
0x427: {  	v7 =	vld.idx.msk [tilespmem:v62+s1+$0x0], $0xffff;
	_ =	sdelay $0x3  }
0x428: {  	v9 =	vshll.u32 v9, $0x5  }
0x429: {  	v9 =	vcvt.s32.f32 v9;
	v7 =	vmul.f32 $3.200000000e+01, v7  }
0x42a: {  	s30 =	sor.u32 $0x1560, s22  }
0x42b: {  	v63 =	vadd.s32 s30, v4;
	v7 =	vsub.f32 v9, v7;
	_ =	sdelay $0x1  }
0x42c: {  	v7 =	vmul.f32 v7, v6;
	_ =	sdelay $0x1  }
0x42d: {  	[tilespmem:s19+$0x2B60] =	vst v7  }
0x42e: {  	v7 =	vld.idx.msk [tilespmem:v63+s1+$0x0], $0xffff;
	_ =	sdelay $0x4  }
0x42f: {  	v7 =	vmul.f32 $3.200000000e+01, v7  }
0x430: {  	s22 =	sor.u32 $0x1570, s22  }
0x431: {  	v7 =	vadd.f32 v8, v7;
	v8 =	vadd.s32 s22, v4;
	_ =	sdelay $0x1  }
0x432: {  	v7 =	vmul.f32 v7, v5;
	_ =	sdelay $0x1  }
0x433: {  	[tilespmem:s19+$0x2B80] =	vst v7  }
0x434: {  	v7 =	vld.idx.msk [tilespmem:v8+s1+$0x0], $0xffff;
	_ =	sdelay $0x4  }
0x435: {  	v7 =	vmul.f32 $3.200000000e+01, v7  }
0x436: {  	p1 =	por p0, p0  }
.Ltmp3:
0x437: {  	v7 =	vadd.f32 v9, v7;
	(pc) =	sbr.rel @p1 .LBB2_8-.Ltmp3, $3  }
0x438: {  	_ = 	snop  }
0x439: {  	v7 =	vmul.f32 v7, v6;
	_ =	sdelay $0x1  }
0x43a: {  	p0 =	por $0x0, $0x0;
	[tilespmem:s19+$0x2BA0] =	vst v7;
	s19 =	simm.s32 $0x1  }
0x43b: {  	s19 =	rddreg [dreg:$0x17];
	s22 =	simm.s32 $0x2B40  }
0x43c: {  	[hbm4b:s19+s1] =	stream.linear.scatter [tilespmem:s22], [sflag:$0x5], $0x20, $0x38;
	[tilespmem:$0x2C80] =	vst v63  }
0x43d: {  	s22 =	sld [smem:$0x7C9];
	_ =	sdelay $0x1  }
0x43e: {  	s28 =	simm.s32 $0x2B60;
	s29 =	sld [smem:$0x7CA]  }
0x43f: {  	[hbm4b:s22+s1] =	stream.linear.scatter [tilespmem:s28], [sflag:$0x5], $0x20, $0x38;
	[tilespmem:$0x2C80] =	vst v63  }
0x440: {  	s30 =	simm.s32 $0x2B80;
	s28 =	sld [smem:$0x7CB]  }
0x441: {  	[hbm4b:s29+s1] =	stream.linear.scatter [tilespmem:s30], [sflag:$0x5], $0x20, $0x38;
	[tilespmem:$0x2C80] =	vst v63  }
0x442: {  	s29 =	simm.s32 $0x2BA0  }
0x443: {  	[hbm4b:s28+s1] =	stream.linear.scatter [tilespmem:s29], [sflag:$0x5], $0x20, $0x38;
	[tilespmem:$0x2C80] =	vst v63  }
0x444: {  	_ =	swait.ge [sflag:s17], $0x190  }
0x445: {  	[sflag:s17] =	ssyncset.done $0x0  }
0x446: {  	[sflag:s17] =	ssyncadd.s32 $0xFFFFFE70  }
0x447: {  	_ =	swait.ge [sflag:s17], $0x190  }
0x448: {  	[sflag:s17] =	ssyncset.done $0x0  }
0x449: {  	[sflag:s17] =	ssyncadd.s32 $0xFFFFFE70  }
0x44a: {  	_ =	swait.ge [sflag:s17], $0x190  }
0x44b: {  	[sflag:s17] =	ssyncset.done $0x0  }
0x44c: {  	[sflag:s17] =	ssyncadd.s32 $0xFFFFFE70  }
0x44d: {  	_ =	swait.ge [sflag:s17], $0x190  }
0x44e: {  	[sflag:s17] =	ssyncset.done $0x0  }
0x44f: {  	[sflag:s17] =	ssyncadd.s32 $0xFFFFFE70  }
0x450: {  	_ =	swait.ge [sflag:s17], $0x190  }
0x451: {  	[sflag:s17] =	ssyncset.done $0x0  }
0x452: {  	[sflag:s17] =	ssyncadd.s32 $0xFFFFFE70  }
0x453: {  	_ =	swait.ge [sflag:s17], $0x190  }
0x454: {  	[sflag:s17] =	ssyncset.done $0x0  }
0x455: {  	[sflag:s17] =	ssyncadd.s32 $0xFFFFFE70  }
0x456: {  	_ =	swait.ge [sflag:s17], $0x190  }
0x457: {  	[sflag:s17] =	ssyncset.done $0x0  }
0x458: {  	[sflag:s17] =	ssyncadd.s32 $0xFFFFFE70  }
0x459: {  	_ =	swait.ge [sflag:s17], $0x190  }
0x45a: {  	[sflag:s17] =	ssyncset.done $0x0  }
0x45b: {  	[sflag:s17] =	ssyncadd.s32 $0xFFFFFE70  }
0x45c: {  	_ =	swait.ge [sflag:s17], $0x190  }
0x45d: {  	[sflag:s17] =	ssyncset.done $0x0  }
0x45e: {  	[sflag:s17] =	ssyncadd.s32 $0xFFFFFE70  }
0x45f: {  	_ =	swait.ge [sflag:s17], $0x190  }
0x460: {  	[sflag:s17] =	ssyncset.done $0x0  }
0x461: {  	[sflag:s17] =	ssyncadd.s32 $0xFFFFFE70  }
0x462: {  	_ =	swait.ge [sflag:s17], $0x70  }
0x463: {  	[sflag:s17] =	ssyncset.done $0x0  }
0x464: {  	[sflag:s17] =	ssyncadd.s32 $0xFFFFFF90  }
0x465: {  	_ =	swait.ge [sflag:s17], $0x70  }
0x466: {  	[sflag:s17] =	ssyncset.done $0x0  }
0x467: {  	[sflag:s17] =	ssyncadd.s32 $0xFFFFFF90  }
0x468: {  	_ =	swait.ge [sflag:s17], $0x70  }
0x469: {  	[sflag:s17] =	ssyncset.done $0x0  }
0x46a: {  	[sflag:s17] =	ssyncadd.s32 $0xFFFFFF90  }
0x46b: {  	_ =	swait.ge [sflag:s17], $0x70  }
0x46c: {  	[sflag:s17] =	ssyncset.done $0x0  }
0x46d: {  	[sflag:s17] =	ssyncadd.s32 $0xFFFFFF90  }
0x46e: {  	_ =	swait.ge [sflag:s17], $0x70  }
0x46f: {  	[sflag:s17] =	ssyncset.done $0x0  }
0x470: {  	[sflag:s17] =	ssyncadd.s32 $0xFFFFFF90  }
0x471: {  	_ =	swait.ge [sflag:s17], $0x70  }
0x472: {  	[sflag:s17] =	ssyncset.done $0x0  }
0x473: {  	[sflag:s17] =	ssyncadd.s32 $0xFFFFFF90  }
0x474: {  	_ =	swait.ge [sflag:s17], $0x70  }
0x475: {  	[sflag:s17] =	ssyncset.done $0x0  }
0x476: {  	[sflag:s17] =	ssyncadd.s32 $0xFFFFFF90  }
0x477: {  	_ =	swait.ge [sflag:s17], $0x70  }
0x478: {  	[sflag:s17] =	ssyncset.done $0x0  }
0x479: {  	[sflag:s17] =	ssyncadd.s32 $0xFFFFFF90  }
0x47a: {  	_ =	swait.ge [sflag:s17], $0x70  }
0x47b: {  	[sflag:s17] =	ssyncset.done $0x0  }
0x47c: {  	[sflag:s17] =	ssyncadd.s32 $0xFFFFFF90  }
0x47d: {  	_ =	swait.ge [sflag:s17], $0x70  }
0x47e: {  	[sflag:s17] =	ssyncset.done $0x0  }
0x47f: {  	[sflag:s17] =	ssyncadd.s32 $0xFFFFFF90  }
0x480: {  	_ =	swait.ge [sflag:s17], $0x20  }
0x481: {  	[sflag:s17] =	ssyncset.done $0x0  }
0x482: {  	[sflag:s17] =	ssyncadd.s32 $0xFFFFFFE0  }
0x483: {  	_ =	swait.ge [sflag:s17], $0x20  }
0x484: {  	[sflag:s17] =	ssyncset.done $0x0  }
0x485: {  	[sflag:s17] =	ssyncadd.s32 $0xFFFFFFE0  }
0x486: {  	_ =	swait.ge [sflag:s17], $0x20  }
0x487: {  	[sflag:s17] =	ssyncset.done $0x0  }
0x488: {  	[sflag:s17] =	ssyncadd.s32 $0xFFFFFFE0  }
0x489: {  	_ =	swait.ge [sflag:s17], $0x20  }
0x48a: {  	[sflag:s17] =	ssyncset.done $0x0  }
0x48b: {  	[sflag:s17] =	ssyncadd.s32 $0xFFFFFFE0  }
0x48c: {  	_ =	swait.ge [sflag:s17], $0x20  }
0x48d: {  	[sflag:s17] =	ssyncset.done $0x0  }
0x48e: {  	[sflag:s17] =	ssyncadd.s32 $0xFFFFFFE0  }
0x48f: {  	_ =	swait.ge [sflag:s17], $0x20  }
0x490: {  	[sflag:s17] =	ssyncset.done $0x0  }
0x491: {  	[sflag:s17] =	ssyncadd.s32 $0xFFFFFFE0  }
0x492: {  	_ =	swait.ge [sflag:s17], $0x20  }
0x493: {  	[sflag:s17] =	ssyncset.done $0x0  }
0x494: {  	[sflag:s17] =	ssyncadd.s32 $0xFFFFFFE0  }
0x495: {  	_ =	swait.ge [sflag:s17], $0x20  }
0x496: {  	[sflag:s17] =	ssyncset.done $0x0  }
0x497: {  	[sflag:s17] =	ssyncadd.s32 $0xFFFFFFE0  }
0x498: {  	_ =	swait.ge [sflag:s17], $0x20  }
0x499: {  	[sflag:s17] =	ssyncset.done $0x0  }
0x49a: {  	[sflag:s17] =	ssyncadd.s32 $0xFFFFFFE0  }
0x49b: {  	_ =	swait.ge [sflag:s17], $0x20  }
0x49c: {  	[sflag:s17] =	ssyncset.done $0x0  }
0x49d: {  	[sflag:s17] =	ssyncadd.s32 $0xFFFFFFE0  }
0x49e: {  	_ =	swait.ge [sflag:s17], $0x20  }
0x49f: {  	[sflag:s17] =	ssyncset.done $0x0  }
0x4a0: {  	[sflag:s17] =	ssyncadd.s32 $0xFFFFFFE0  }
0x4a1: {  	_ =	swait.ge [sflag:s17], $0x20  }
0x4a2: {  	[sflag:s17] =	ssyncset.done $0x0  }
0x4a3: {  	[sflag:s17] =	ssyncadd.s32 $0xFFFFFFE0  }
0x4a4: {  	_ =	swait.ge [sflag:s17], $0x20  }
0x4a5: {  	[sflag:s17] =	ssyncset.done $0x0  }
0x4a6: {  	[sflag:s17] =	ssyncadd.s32 $0xFFFFFFE0  }
0x4a7: {  	_ =	swait.ge [sflag:s17], $0x20  }
0x4a8: {  	s30 =	sld [smem:$0x7CC];
	_ =	sdelay $0x1  }
0x4a9: {  	s18 =	sadd.s32 $0x1, s18  }
0x4aa: {  	p0 =	sne.s32 s18, s30  }
.Ltmp4:
0x4ab: {  	_ = 	snop;
	(pc) =	sbr.rel @p0 .LBB2_1-.Ltmp4, $3  }
0x4ac: {  	_ =	sdelay $0x1  }
0x4ad: {  	[sflag:s17] =	ssyncset.done $0x0  }
0x4ae: {  	[sflag:s17] =	ssyncadd.s32 $0xFFFFFFE0  }
0x4af: {  	_ =	sfence.sel $0x180000  }
0x4b0: {  	[bflag:$0x0] =	sbarrier.arrive $0xFFFF  }
0x4b1: {  	_ =	strace $0x90000047  }
0x4b2: {  	s0 =	stileid.u32;
	[bflag:$0x2] =	sbarrier.arrive $0xFFFF  }
0x4b3: {  	p0 =	sne.s32 s0, $0x0;
	s0 =	rddreg [dreg:$0x7]  }
0x4b4: {  	s0 =	sadd.s32 @!p0 $0x100000, s0  }
0x4b5: {  	[sflag:s0] =	ssyncadd.tile.s32 @!p0 $0x1;
	_ =	shalt  }
.Lfunc_end2:
_tile_overlayer_lowered:
.L_overlay_start_2:
0x4b6: {  	(tag) =	ssettag $0x2  }
0x4b7: {  	s0 =	rddreg [dreg:$0x0];
	s2 =	stileid.u32  }
0x4b8: {  	s1 =	rddreg [dreg:$0x1];
	p0 =	sne.s32 s2, $0x0  }
0x4b9: {  	s3 =	rddreg [dreg:$0x2];
	[bflag:$0x3] =	sbarrier.arrive $0xFFFF;
	s2 =	simm.s32 @!p0 $0x1C06  }
0x4ba: {  	[timem:s3], [sflag:s2] =	dma.local @!p0 [hbm:s0], s1  }
0x4bb: {  	s0 =	simm.s32 @!p0 $0x6  }
0x4bc: {  	_ =	swait.ge @!p0 [sflag:s0], s1  }
0x4bd: {  	s1 =	ssub.s32 @!p0 $0x0, s1;
	[sflag:s0] =	ssyncset.done @!p0 $0x0  }
0x4be: {  	[sflag:s0] =	ssyncadd.s32 @!p0 s1  }
0x4bf: {  	[bflag:$0x3] =	sbarrier.arrive $0xFFFF  }
0x4c0: {  	_ =	shalt  }

</sc_bundles>
